<compile_context>
chip_gen: v7x
topology: tpu7x:2x2x1
jax: 0.10.2.dev20260603
libtpu: 0.0.44.dev20260713+nightly
codegen_flags: <defaults>
</compile_context>

<pallas_src>
import functools

import jax
import jax.numpy as jnp
from jax import lax
from jax.experimental import pallas as pl
from jax.experimental.pallas import tpu as pltpu
from jax.experimental.pallas import tpu_sc as plsc

_NUM_EVENTS = 8
_MAX_TIME = 512
_EPS = 1e-8
_LANES = 16
_NC, _NS = 2, 16
_NW = _NC * _NS
_CH = 32


def _build_sc(batch):
    spw = batch // _NW
    nch = spw // _CH
    mesh = plsc.VectorSubcoreMesh(core_axis_name="c", subcore_axis_name="s")

    @functools.partial(
        pl.kernel,
        mesh=mesh,
        compiler_params=pltpu.CompilerParams(
            needs_layout_passes=False, use_tc_tiling_on_sc=True),
        out_type=jax.ShapeDtypeStruct((batch,), jnp.float32),
        scratch_types=[
            pltpu.VMEM((_NUM_EVENTS * _CH, 128), jnp.float32),
            pltpu.VMEM((_NUM_EVENTS * _CH, 128), jnp.float32),
            pltpu.VMEM((spw,), jnp.int32),
            pltpu.VMEM((spw,), jnp.int32),
            pltpu.VMEM((spw,), jnp.float32),
            pltpu.SemaphoreType.DMA,
        ],
    )
    def sc_kernel(raw_hbm, ev_hbm, tm_hbm, w_hbm,
                  buf_a, buf_b, ev_v, tm_v, w_v, sem):
        wid = lax.axis_index("s") * _NC + lax.axis_index("c")
        base = wid * spw
        pltpu.sync_copy(ev_hbm.at[pl.ds(base, spw)], ev_v)
        pltpu.sync_copy(tm_hbm.at[pl.ds(base, spw)], tm_v)

        lane = lax.iota(jnp.int32, _LANES)

        def src(c, e):
            return raw_hbm.at[
                pl.ds(pl.multiple_of(base + c * _CH, _CH), _CH),
                pl.ds(e * _MAX_TIME, 128)]

        def fire(c, buf):
            for e in range(_NUM_EVENTS):
                pltpu.async_copy(src(c, e), buf.at[pl.ds(e * _CH, _CH)], sem)

        def drain(c, buf):
            for e in range(_NUM_EVENTS):
                pltpu.make_async_copy(
                    src(c, e), buf.at[pl.ds(e * _CH, _CH)], sem).wait()

        def reduce_chunk(c, buf):
            for g in range(_CH // _LANES):
                j0 = g * _LANES
                ev = ev_v[pl.ds(c * _CH + j0, _LANES)]
                tm = tm_v[pl.ds(c * _CH + j0, _LANES)]
                urow = jnp.maximum(ev - 1, 0) * _CH + j0 + lane
                u = plsc.load_gather(buf, [urow, tm])
                cc = jnp.zeros((_LANES,), jnp.float32)
                for i in range(_LANES):
                    rs = buf[j0 + i, : _LANES]
                    for e in range(1, _NUM_EVENTS):
                        rs = rs + buf[e * _CH + j0 + i, : _LANES]
                    pref = plsc.cumsum(rs)
                    cc = jnp.where(
                        lane == i,
                        pref.at[tm].get(mode="promise_in_bounds"), cc)
                w = jnp.where(ev > 0, u, jnp.float32(1.0) - cc)
                w_v[pl.ds(c * _CH + j0, _LANES)] = w

        fire(0, buf_a)

        def pair_body(k, carry):
            c0 = 2 * k
            drain(c0, buf_a)
            fire(c0 + 1, buf_b)
            reduce_chunk(c0, buf_a)
            drain(c0 + 1, buf_b)

            @pl.when(c0 + 2 < nch)
            def _():
                fire(c0 + 2, buf_a)

            reduce_chunk(c0 + 1, buf_b)
            return carry

        lax.fori_loop(0, nch // 2, pair_body, 0)
        pltpu.sync_copy(w_v, w_hbm.at[pl.ds(base, spw)])

    return sc_kernel


def _tc_loss_body(w_ref, o_ref):
    v = w_ref[...] + jnp.float32(_EPS)
    t = jnp.where(v < jnp.float32(0.0), jnp.float32(0.0), jnp.log(v))
    o_ref[0, 0] = -jnp.sum(t)


def kernel(outputs, labels):
    batch = outputs.shape[0]
    lab = labels.astype(jnp.int32)
    ev = lab[:, 0, 0]
    tm = lab[:, 0, 1]
    w = _build_sc(batch)(outputs, ev, tm)
    out = pl.pallas_call(
        _tc_loss_body,
        out_shape=jax.ShapeDtypeStruct((1, 1), jnp.float32),
        out_specs=pl.BlockSpec(memory_space=pltpu.SMEM),
    )(w.reshape(batch // 128, 128))
    return out[0, 0]

# --- scband reference (transcript-rebuilt; emitter-appended) ---
"""Pipeline reference for scband-survival-log-likelihood-loss-18064632446990 (READ-ONLY COPY).

The authoritative reference and input builder live on the scoring server;
editing this copy changes nothing except your own understanding.
"""

import jax, jax.numpy as jnp
import numpy as np

NUM_EVENTS = 8
MAX_TIME = 512
EPS = 1e-08
BATCH = 16384


def setup_inputs(seed: int = 0) -> dict:
    key = jax.random.key(seed)
    k1, k2 = jax.random.split(key)
    outputs = jax.random.uniform(k1, (BATCH, NUM_EVENTS * MAX_TIME), dtype=jnp.float32)
    labels = jax.random.randint(k2, (BATCH, 1, 2), 0, 8, dtype=jnp.int64)
    return {"outputs": outputs, "labels": labels}


def _uncensored_mask(labels, batch_dim):
    ev = labels[:, 0, 0]
    tm = labels[:, 0, 1]
    mask = jnp.zeros((batch_dim, NUM_EVENTS, MAX_TIME), dtype=jnp.float32)
    mask = mask.at[jnp.arange(batch_dim), jnp.maximum(ev - 1, 0), tm].set(1.0)
    censored = (ev == 0)
    mask = mask.at[:, 0, :].set(jnp.where(censored[:, None], 0.0, mask[:, 0, :]))
    return mask


def _censored_mask(labels, batch_dim):
    ev = labels[:, 0, 0]
    tm = labels[:, 0, 1]
    mask = jnp.zeros((batch_dim, MAX_TIME), dtype=jnp.float32)
    mask = mask.at[jnp.arange(batch_dim), tm].set(1.0)
    mask = jnp.where((ev != 0)[:, None], 0.0, mask)
    return mask


def reference(outputs, labels):
    outputs = outputs.reshape(-1, NUM_EVENTS, MAX_TIME)
    batch_dim = outputs.shape[0]
    uncensored_mask = _uncensored_mask(labels, batch_dim)
    censored_mask = _censored_mask(labels, batch_dim)
    CIF = jnp.cumsum(outputs, axis=-1)
    censored_values = 1.0 - jnp.sum(CIF, axis=1)
    uncensored_map = jnp.sign(labels[:, :, 0]).astype(outputs.dtype)
    tmp1 = jnp.nansum(jnp.sum(uncensored_mask * outputs, axis=2), axis=1, keepdims=True)
    tmp1 = jnp.log(tmp1 + EPS) * uncensored_map
    tmp2 = jnp.nansum(censored_mask * censored_values, axis=1, keepdims=True)
    tmp2 = jnp.log(tmp2 + EPS) * (1.0 - uncensored_map)
    L1 = tmp1 + tmp2
    loss = -jnp.nansum(L1)
    return loss

if __name__ == "__main__":
    import jax
    _d = setup_inputs()
    print(jax.jit(kernel)(*tuple(_d.values())))

</pallas_src>

<mosaic_0001>
#map = affine_map<(d0, d1) -> (0, 0)>
#map1 = affine_map<(d0, d1) -> (0)>
module attributes {stable_mosaic.version = 14 : i64} {
  func.func @sc_kernel(%arg0: i32, %arg1: i32, %arg2: memref<16384x4096xf32, #tpu.memory_space<hbm>>, %arg3: memref<16384xi32, #tpu.memory_space<hbm>>, %arg4: memref<16384xi32, #tpu.memory_space<hbm>>, %arg5: memref<16384xf32, #tpu.memory_space<hbm>>, %arg6: memref<256x128xf32, #tpu.memory_space<vmem>>, %arg7: memref<256x128xf32, #tpu.memory_space<vmem>>, %arg8: memref<512xi32, #tpu.memory_space<vmem>>, %arg9: memref<512xi32, #tpu.memory_space<vmem>>, %arg10: memref<512xf32, #tpu.memory_space<vmem>>, %arg11: memref<!tpu.dma_semaphore, #tpu.memory_space<semaphore_mem>>) attributes {dimension_semantics = [#tpu.dimension_semantics<core_parallel>, #tpu.dimension_semantics<subcore_parallel>], iteration_bounds = array<i64: 2, 16>, scalar_prefetch = 0 : i64, scratch_operands = 6 : i64, tpu.core_type = #tpu.core_type<sc_vector_subcore>, window_params = [{transform_indices = #map}, {transform_indices = #map1}, {transform_indices = #map1}, {transform_indices = #map1}]} {
    %mul3A = arith.constant 2 : i32
    %mul3A_0 = arith.muli %arg1, %mul3A : i32
    %add3A = arith.addi %mul3A_0, %arg0 : i32
    %mul3A_1 = arith.constant 512 : i32
    %mul3A_2 = arith.muli %add3A, %mul3A_1 : i32
    "tpu.region"() ({
      %run_scoped3A = tpu.sem_alloc : memref<!tpu.dma_semaphore, #tpu.memory_space<semaphore_mem>>
      %dma_start3A_110 = tpu.memref_slice %arg3[%mul3A_2] : memref<16384xi32, #tpu.memory_space<hbm>> -> memref<512xi32, #tpu.memory_space<hbm>>
      %dma_start3A_111 = tpu.memref_slice %arg3[%mul3A_2] : memref<16384xi32, #tpu.memory_space<hbm>> -> memref<512xi32, #tpu.memory_space<hbm>>
      tpu.enqueue_dma source(%dma_start3A_111 : memref<512xi32, #tpu.memory_space<hbm>>) target(%arg8 : memref<512xi32, #tpu.memory_space<vmem>>) target_semaphore(%run_scoped3A : memref<!tpu.dma_semaphore, #tpu.memory_space<semaphore_mem>>)
      %dma_wait3A = tpu.memref_slice %arg3[%mul3A_2] : memref<16384xi32, #tpu.memory_space<hbm>> -> memref<512xi32, #tpu.memory_space<hbm>>
      %dma_wait3A_112 = tpu.memref_slice %arg3[%mul3A_2] : memref<16384xi32, #tpu.memory_space<hbm>> -> memref<512xi32, #tpu.memory_space<hbm>>
      tpu.wait_dma2 semaphore(%run_scoped3A : memref<!tpu.dma_semaphore, #tpu.memory_space<semaphore_mem>>) src(%dma_wait3A_112 : memref<512xi32, #tpu.memory_space<hbm>>) dst(%arg8 : memref<512xi32, #tpu.memory_space<vmem>>)
      tpu.yield
    }) : () -> ()
    "tpu.region"() ({
      %run_scoped3A = tpu.sem_alloc : memref<!tpu.dma_semaphore, #tpu.memory_space<semaphore_mem>>
      %dma_start3A_110 = tpu.memref_slice %arg4[%mul3A_2] : memref<16384xi32, #tpu.memory_space<hbm>> -> memref<512xi32, #tpu.memory_space<hbm>>
      %dma_start3A_111 = tpu.memref_slice %arg4[%mul3A_2] : memref<16384xi32, #tpu.memory_space<hbm>> -> memref<512xi32, #tpu.memory_space<hbm>>
      tpu.enqueue_dma source(%dma_start3A_111 : memref<512xi32, #tpu.memory_space<hbm>>) target(%arg9 : memref<512xi32, #tpu.memory_space<vmem>>) target_semaphore(%run_scoped3A : memref<!tpu.dma_semaphore, #tpu.memory_space<semaphore_mem>>)
      %dma_wait3A = tpu.memref_slice %arg4[%mul3A_2] : memref<16384xi32, #tpu.memory_space<hbm>> -> memref<512xi32, #tpu.memory_space<hbm>>
      %dma_wait3A_112 = tpu.memref_slice %arg4[%mul3A_2] : memref<16384xi32, #tpu.memory_space<hbm>> -> memref<512xi32, #tpu.memory_space<hbm>>
      tpu.wait_dma2 semaphore(%run_scoped3A : memref<!tpu.dma_semaphore, #tpu.memory_space<semaphore_mem>>) src(%dma_wait3A_112 : memref<512xi32, #tpu.memory_space<hbm>>) dst(%arg9 : memref<512xi32, #tpu.memory_space<vmem>>)
      tpu.yield
    }) : () -> ()
    %iota3A = tpu.iota {dimensions = array<i32: 0>} : vector<16xi32>
    %add3A_3 = arith.constant 0 : i32
    %add3A_4 = arith.addi %mul3A_2, %add3A_3 : i32
    %multiple_of3A = tpu.assume_multiple %add3A_4, 32 : i32
    %dma_start3A = arith.constant 0 : i32
    %dma_start3A_5 = arith.constant 0 : i32
    %dma_start3A_6 = tpu.memref_slice %arg6[%dma_start3A, %dma_start3A_5] : memref<256x128xf32, #tpu.memory_space<vmem>> -> memref<32x128xf32, #tpu.memory_space<vmem>>
    %dma_start3A_7 = arith.constant 0 : i32
    %dma_start3A_8 = tpu.memref_slice %arg2[%multiple_of3A, %dma_start3A_7] : memref<16384x4096xf32, #tpu.memory_space<hbm>> -> memref<32x128xf32, #tpu.memory_space<hbm>>
    %dma_start3A_9 = arith.constant 0 : i32
    %dma_start3A_10 = arith.constant 0 : i32
    %dma_start3A_11 = tpu.memref_slice %arg6[%dma_start3A_9, %dma_start3A_10] : memref<256x128xf32, #tpu.memory_space<vmem>> -> memref<32x128xf32, #tpu.memory_space<vmem>>
    %dma_start3A_12 = arith.constant 0 : i32
    %dma_start3A_13 = tpu.memref_slice %arg2[%multiple_of3A, %dma_start3A_12] : memref<16384x4096xf32, #tpu.memory_space<hbm>> -> memref<32x128xf32, #tpu.memory_space<hbm>>
    tpu.enqueue_dma source(%dma_start3A_13 : memref<32x128xf32, #tpu.memory_space<hbm>>) target(%dma_start3A_11 : memref<32x128xf32, #tpu.memory_space<vmem>>) target_semaphore(%arg11 : memref<!tpu.dma_semaphore, #tpu.memory_space<semaphore_mem>>)
    %add3A_14 = arith.constant 0 : i32
    %add3A_15 = arith.addi %mul3A_2, %add3A_14 : i32
    %multiple_of3A_16 = tpu.assume_multiple %add3A_15, 32 : i32
    %dma_start3A_17 = arith.constant 32 : i32
    %dma_start3A_18 = arith.constant 0 : i32
    %dma_start3A_19 = tpu.memref_slice %arg6[%dma_start3A_17, %dma_start3A_18] : memref<256x128xf32, #tpu.memory_space<vmem>> -> memref<32x128xf32, #tpu.memory_space<vmem>>
    %dma_start3A_20 = arith.constant 512 : i32
    %dma_start3A_21 = tpu.memref_slice %arg2[%multiple_of3A_16, %dma_start3A_20] : memref<16384x4096xf32, #tpu.memory_space<hbm>> -> memref<32x128xf32, #tpu.memory_space<hbm>>
    %dma_start3A_22 = arith.constant 32 : i32
    %dma_start3A_23 = arith.constant 0 : i32
    %dma_start3A_24 = tpu.memref_slice %arg6[%dma_start3A_22, %dma_start3A_23] : memref<256x128xf32, #tpu.memory_space<vmem>> -> memref<32x128xf32, #tpu.memory_space<vmem>>
    %dma_start3A_25 = arith.constant 512 : i32
    %dma_start3A_26 = tpu.memref_slice %arg2[%multiple_of3A_16, %dma_start3A_25] : memref<16384x4096xf32, #tpu.memory_space<hbm>> -> memref<32x128xf32, #tpu.memory_space<hbm>>
    tpu.enqueue_dma source(%dma_start3A_26 : memref<32x128xf32, #tpu.memory_space<hbm>>) target(%dma_start3A_24 : memref<32x128xf32, #tpu.memory_space<vmem>>) target_semaphore(%arg11 : memref<!tpu.dma_semaphore, #tpu.memory_space<semaphore_mem>>)
    %add3A_27 = arith.constant 0 : i32
    %add3A_28 = arith.addi %mul3A_2, %add3A_27 : i32
    %multiple_of3A_29 = tpu.assume_multiple %add3A_28, 32 : i32
    %dma_start3A_30 = arith.constant 64 : i32
    %dma_start3A_31 = arith.constant 0 : i32
    %dma_start3A_32 = tpu.memref_slice %arg6[%dma_start3A_30, %dma_start3A_31] : memref<256x128xf32, #tpu.memory_space<vmem>> -> memref<32x128xf32, #tpu.memory_space<vmem>>
    %dma_start3A_33 = arith.constant 1024 : i32
    %dma_start3A_34 = tpu.memref_slice %arg2[%multiple_of3A_29, %dma_start3A_33] : memref<16384x4096xf32, #tpu.memory_space<hbm>> -> memref<32x128xf32, #tpu.memory_space<hbm>>
    %dma_start3A_35 = arith.constant 64 : i32
    %dma_start3A_36 = arith.constant 0 : i32
    %dma_start3A_37 = tpu.memref_slice %arg6[%dma_start3A_35, %dma_start3A_36] : memref<256x128xf32, #tpu.memory_space<vmem>> -> memref<32x128xf32, #tpu.memory_space<vmem>>
    %dma_start3A_38 = arith.constant 1024 : i32
    %dma_start3A_39 = tpu.memref_slice %arg2[%multiple_of3A_29, %dma_start3A_38] : memref<16384x4096xf32, #tpu.memory_space<hbm>> -> memref<32x128xf32, #tpu.memory_space<hbm>>
    tpu.enqueue_dma source(%dma_start3A_39 : memref<32x128xf32, #tpu.memory_space<hbm>>) target(%dma_start3A_37 : memref<32x128xf32, #tpu.memory_space<vmem>>) target_semaphore(%arg11 : memref<!tpu.dma_semaphore, #tpu.memory_space<semaphore_mem>>)
    %add3A_40 = arith.constant 0 : i32
    %add3A_41 = arith.addi %mul3A_2, %add3A_40 : i32
    %multiple_of3A_42 = tpu.assume_multiple %add3A_41, 32 : i32
    %dma_start3A_43 = arith.constant 96 : i32
    %dma_start3A_44 = arith.constant 0 : i32
    %dma_start3A_45 = tpu.memref_slice %arg6[%dma_start3A_43, %dma_start3A_44] : memref<256x128xf32, #tpu.memory_space<vmem>> -> memref<32x128xf32, #tpu.memory_space<vmem>>
    %dma_start3A_46 = arith.constant 1536 : i32
    %dma_start3A_47 = tpu.memref_slice %arg2[%multiple_of3A_42, %dma_start3A_46] : memref<16384x4096xf32, #tpu.memory_space<hbm>> -> memref<32x128xf32, #tpu.memory_space<hbm>>
    %dma_start3A_48 = arith.constant 96 : i32
    %dma_start3A_49 = arith.constant 0 : i32
    %dma_start3A_50 = tpu.memref_slice %arg6[%dma_start3A_48, %dma_start3A_49] : memref<256x128xf32, #tpu.memory_space<vmem>> -> memref<32x128xf32, #tpu.memory_space<vmem>>
    %dma_start3A_51 = arith.constant 1536 : i32
    %dma_start3A_52 = tpu.memref_slice %arg2[%multiple_of3A_42, %dma_start3A_51] : memref<16384x4096xf32, #tpu.memory_space<hbm>> -> memref<32x128xf32, #tpu.memory_space<hbm>>
    tpu.enqueue_dma source(%dma_start3A_52 : memref<32x128xf32, #tpu.memory_space<hbm>>) target(%dma_start3A_50 : memref<32x128xf32, #tpu.memory_space<vmem>>) target_semaphore(%arg11 : memref<!tpu.dma_semaphore, #tpu.memory_space<semaphore_mem>>)
    %add3A_53 = arith.constant 0 : i32
    %add3A_54 = arith.addi %mul3A_2, %add3A_53 : i32
    %multiple_of3A_55 = tpu.assume_multiple %add3A_54, 32 : i32
    %dma_start3A_56 = arith.constant 128 : i32
    %dma_start3A_57 = arith.constant 0 : i32
    %dma_start3A_58 = tpu.memref_slice %arg6[%dma_start3A_56, %dma_start3A_57] : memref<256x128xf32, #tpu.memory_space<vmem>> -> memref<32x128xf32, #tpu.memory_space<vmem>>
    %dma_start3A_59 = arith.constant 2048 : i32
    %dma_start3A_60 = tpu.memref_slice %arg2[%multiple_of3A_55, %dma_start3A_59] : memref<16384x4096xf32, #tpu.memory_space<hbm>> -> memref<32x128xf32, #tpu.memory_space<hbm>>
    %dma_start3A_61 = arith.constant 128 : i32
    %dma_start3A_62 = arith.constant 0 : i32
    %dma_start3A_63 = tpu.memref_slice %arg6[%dma_start3A_61, %dma_start3A_62] : memref<256x128xf32, #tpu.memory_space<vmem>> -> memref<32x128xf32, #tpu.memory_space<vmem>>
    %dma_start3A_64 = arith.constant 2048 : i32
    %dma_start3A_65 = tpu.memref_slice %arg2[%multiple_of3A_55, %dma_start3A_64] : memref<16384x4096xf32, #tpu.memory_space<hbm>> -> memref<32x128xf32, #tpu.memory_space<hbm>>
    tpu.enqueue_dma source(%dma_start3A_65 : memref<32x128xf32, #tpu.memory_space<hbm>>) target(%dma_start3A_63 : memref<32x128xf32, #tpu.memory_space<vmem>>) target_semaphore(%arg11 : memref<!tpu.dma_semaphore, #tpu.memory_space<semaphore_mem>>)
    %add3A_66 = arith.constant 0 : i32
    %add3A_67 = arith.addi %mul3A_2, %add3A_66 : i32
    %multiple_of3A_68 = tpu.assume_multiple %add3A_67, 32 : i32
    %dma_start3A_69 = arith.constant 160 : i32
    %dma_start3A_70 = arith.constant 0 : i32
    %dma_start3A_71 = tpu.memref_slice %arg6[%dma_start3A_69, %dma_start3A_70] : memref<256x128xf32, #tpu.memory_space<vmem>> -> memref<32x128xf32, #tpu.memory_space<vmem>>
    %dma_start3A_72 = arith.constant 2560 : i32
    %dma_start3A_73 = tpu.memref_slice %arg2[%multiple_of3A_68, %dma_start3A_72] : memref<16384x4096xf32, #tpu.memory_space<hbm>> -> memref<32x128xf32, #tpu.memory_space<hbm>>
    %dma_start3A_74 = arith.constant 160 : i32
    %dma_start3A_75 = arith.constant 0 : i32
    %dma_start3A_76 = tpu.memref_slice %arg6[%dma_start3A_74, %dma_start3A_75] : memref<256x128xf32, #tpu.memory_space<vmem>> -> memref<32x128xf32, #tpu.memory_space<vmem>>
    %dma_start3A_77 = arith.constant 2560 : i32
    %dma_start3A_78 = tpu.memref_slice %arg2[%multiple_of3A_68, %dma_start3A_77] : memref<16384x4096xf32, #tpu.memory_space<hbm>> -> memref<32x128xf32, #tpu.memory_space<hbm>>
    tpu.enqueue_dma source(%dma_start3A_78 : memref<32x128xf32, #tpu.memory_space<hbm>>) target(%dma_start3A_76 : memref<32x128xf32, #tpu.memory_space<vmem>>) target_semaphore(%arg11 : memref<!tpu.dma_semaphore, #tpu.memory_space<semaphore_mem>>)
    %add3A_79 = arith.constant 0 : i32
    %add3A_80 = arith.addi %mul3A_2, %add3A_79 : i32
    %multiple_of3A_81 = tpu.assume_multiple %add3A_80, 32 : i32
    %dma_start3A_82 = arith.constant 192 : i32
    %dma_start3A_83 = arith.constant 0 : i32
    %dma_start3A_84 = tpu.memref_slice %arg6[%dma_start3A_82, %dma_start3A_83] : memref<256x128xf32, #tpu.memory_space<vmem>> -> memref<32x128xf32, #tpu.memory_space<vmem>>
    %dma_start3A_85 = arith.constant 3072 : i32
    %dma_start3A_86 = tpu.memref_slice %arg2[%multiple_of3A_81, %dma_start3A_85] : memref<16384x4096xf32, #tpu.memory_space<hbm>> -> memref<32x128xf32, #tpu.memory_space<hbm>>
    %dma_start3A_87 = arith.constant 192 : i32
    %dma_start3A_88 = arith.constant 0 : i32
    %dma_start3A_89 = tpu.memref_slice %arg6[%dma_start3A_87, %dma_start3A_88] : memref<256x128xf32, #tpu.memory_space<vmem>> -> memref<32x128xf32, #tpu.memory_space<vmem>>
    %dma_start3A_90 = arith.constant 3072 : i32
    %dma_start3A_91 = tpu.memref_slice %arg2[%multiple_of3A_81, %dma_start3A_90] : memref<16384x4096xf32, #tpu.memory_space<hbm>> -> memref<32x128xf32, #tpu.memory_space<hbm>>
    tpu.enqueue_dma source(%dma_start3A_91 : memref<32x128xf32, #tpu.memory_space<hbm>>) target(%dma_start3A_89 : memref<32x128xf32, #tpu.memory_space<vmem>>) target_semaphore(%arg11 : memref<!tpu.dma_semaphore, #tpu.memory_space<semaphore_mem>>)
    %add3A_92 = arith.constant 0 : i32
    %add3A_93 = arith.addi %mul3A_2, %add3A_92 : i32
    %multiple_of3A_94 = tpu.assume_multiple %add3A_93, 32 : i32
    %dma_start3A_95 = arith.constant 224 : i32
    %dma_start3A_96 = arith.constant 0 : i32
    %dma_start3A_97 = tpu.memref_slice %arg6[%dma_start3A_95, %dma_start3A_96] : memref<256x128xf32, #tpu.memory_space<vmem>> -> memref<32x128xf32, #tpu.memory_space<vmem>>
    %dma_start3A_98 = arith.constant 3584 : i32
    %dma_start3A_99 = tpu.memref_slice %arg2[%multiple_of3A_94, %dma_start3A_98] : memref<16384x4096xf32, #tpu.memory_space<hbm>> -> memref<32x128xf32, #tpu.memory_space<hbm>>
    %dma_start3A_100 = arith.constant 224 : i32
    %dma_start3A_101 = arith.constant 0 : i32
    %dma_start3A_102 = tpu.memref_slice %arg6[%dma_start3A_100, %dma_start3A_101] : memref<256x128xf32, #tpu.memory_space<vmem>> -> memref<32x128xf32, #tpu.memory_space<vmem>>
    %dma_start3A_103 = arith.constant 3584 : i32
    %dma_start3A_104 = tpu.memref_slice %arg2[%multiple_of3A_94, %dma_start3A_103] : memref<16384x4096xf32, #tpu.memory_space<hbm>> -> memref<32x128xf32, #tpu.memory_space<hbm>>
    tpu.enqueue_dma source(%dma_start3A_104 : memref<32x128xf32, #tpu.memory_space<hbm>>) target(%dma_start3A_102 : memref<32x128xf32, #tpu.memory_space<vmem>>) target_semaphore(%arg11 : memref<!tpu.dma_semaphore, #tpu.memory_space<semaphore_mem>>)
    %scan3A = arith.constant 0 : i32
    %scan3A_105 = arith.constant 0 : i32
    %scan3A_106 = arith.constant 8 : i32
    %scan3A_107 = arith.addi %scan3A_105, %scan3A_106 : i32
    %scan3A_108 = arith.constant 1 : i32
    scf.for %scan3A_110 = %scan3A_105 to %scan3A_107 step %scan3A_108  : i32 {
      %mul3A_111 = arith.constant 2 : i32
      %mul3A_112 = arith.muli %mul3A_111, %scan3A_110 : i32
      %mul3A_113 = arith.constant 32 : i32
      %mul3A_114 = arith.muli %mul3A_112, %mul3A_113 : i32
      %add3A_115 = arith.addi %mul3A_2, %mul3A_114 : i32
      %multiple_of3A_116 = tpu.assume_multiple %add3A_115, 32 : i32
      %dma_wait3A = arith.constant 0 : i32
      %dma_wait3A_117 = arith.constant 0 : i32
      %dma_wait3A_118 = tpu.memref_slice %arg6[%dma_wait3A, %dma_wait3A_117] : memref<256x128xf32, #tpu.memory_space<vmem>> -> memref<32x128xf32, #tpu.memory_space<vmem>>
      %dma_wait3A_119 = arith.constant 0 : i32
      %dma_wait3A_120 = tpu.memref_slice %arg2[%multiple_of3A_116, %dma_wait3A_119] : memref<16384x4096xf32, #tpu.memory_space<hbm>> -> memref<32x128xf32, #tpu.memory_space<hbm>>
      %dma_wait3A_121 = arith.constant 0 : i32
      %dma_wait3A_122 = arith.constant 0 : i32
      %dma_wait3A_123 = tpu.memref_slice %arg6[%dma_wait3A_121, %dma_wait3A_122] : memref<256x128xf32, #tpu.memory_space<vmem>> -> memref<32x128xf32, #tpu.memory_space<vmem>>
      %dma_wait3A_124 = arith.constant 0 : i32
      %dma_wait3A_125 = tpu.memref_slice %arg2[%multiple_of3A_116, %dma_wait3A_124] : memref<16384x4096xf32, #tpu.memory_space<hbm>> -> memref<32x128xf32, #tpu.memory_space<hbm>>
      tpu.wait_dma2 semaphore(%arg11 : memref<!tpu.dma_semaphore, #tpu.memory_space<semaphore_mem>>) src(%dma_wait3A_125 : memref<32x128xf32, #tpu.memory_space<hbm>>) dst(%dma_wait3A_123 : memref<32x128xf32, #tpu.memory_space<vmem>>)
      %mul3A_126 = arith.constant 32 : i32
      %mul3A_127 = arith.muli %mul3A_112, %mul3A_126 : i32
      %add3A_128 = arith.addi %mul3A_2, %mul3A_127 : i32
      %multiple_of3A_129 = tpu.assume_multiple %add3A_128, 32 : i32
      %dma_wait3A_130 = arith.constant 32 : i32
      %dma_wait3A_131 = arith.constant 0 : i32
      %dma_wait3A_132 = tpu.memref_slice %arg6[%dma_wait3A_130, %dma_wait3A_131] : memref<256x128xf32, #tpu.memory_space<vmem>> -> memref<32x128xf32, #tpu.memory_space<vmem>>
      %dma_wait3A_133 = arith.constant 512 : i32
      %dma_wait3A_134 = tpu.memref_slice %arg2[%multiple_of3A_129, %dma_wait3A_133] : memref<16384x4096xf32, #tpu.memory_space<hbm>> -> memref<32x128xf32, #tpu.memory_space<hbm>>
      %dma_wait3A_135 = arith.constant 32 : i32
      %dma_wait3A_136 = arith.constant 0 : i32
      %dma_wait3A_137 = tpu.memref_slice %arg6[%dma_wait3A_135, %dma_wait3A_136] : memref<256x128xf32, #tpu.memory_space<vmem>> -> memref<32x128xf32, #tpu.memory_space<vmem>>
      %dma_wait3A_138 = arith.constant 512 : i32
      %dma_wait3A_139 = tpu.memref_slice %arg2[%multiple_of3A_129, %dma_wait3A_138] : memref<16384x4096xf32, #tpu.memory_space<hbm>> -> memref<32x128xf32, #tpu.memory_space<hbm>>
      tpu.wait_dma2 semaphore(%arg11 : memref<!tpu.dma_semaphore, #tpu.memory_space<semaphore_mem>>) src(%dma_wait3A_139 : memref<32x128xf32, #tpu.memory_space<hbm>>) dst(%dma_wait3A_137 : memref<32x128xf32, #tpu.memory_space<vmem>>)
      %mul3A_140 = arith.constant 32 : i32
      %mul3A_141 = arith.muli %mul3A_112, %mul3A_140 : i32
      %add3A_142 = arith.addi %mul3A_2, %mul3A_141 : i32
      %multiple_of3A_143 = tpu.assume_multiple %add3A_142, 32 : i32
      %dma_wait3A_144 = arith.constant 64 : i32
      %dma_wait3A_145 = arith.constant 0 : i32
      %dma_wait3A_146 = tpu.memref_slice %arg6[%dma_wait3A_144, %dma_wait3A_145] : memref<256x128xf32, #tpu.memory_space<vmem>> -> memref<32x128xf32, #tpu.memory_space<vmem>>
      %dma_wait3A_147 = arith.constant 1024 : i32
      %dma_wait3A_148 = tpu.memref_slice %arg2[%multiple_of3A_143, %dma_wait3A_147] : memref<16384x4096xf32, #tpu.memory_space<hbm>> -> memref<32x128xf32, #tpu.memory_space<hbm>>
      %dma_wait3A_149 = arith.constant 64 : i32
      %dma_wait3A_150 = arith.constant 0 : i32
      %dma_wait3A_151 = tpu.memref_slice %arg6[%dma_wait3A_149, %dma_wait3A_150] : memref<256x128xf32, #tpu.memory_space<vmem>> -> memref<32x128xf32, #tpu.memory_space<vmem>>
      %dma_wait3A_152 = arith.constant 1024 : i32
      %dma_wait3A_153 = tpu.memref_slice %arg2[%multiple_of3A_143, %dma_wait3A_152] : memref<16384x4096xf32, #tpu.memory_space<hbm>> -> memref<32x128xf32, #tpu.memory_space<hbm>>
      tpu.wait_dma2 semaphore(%arg11 : memref<!tpu.dma_semaphore, #tpu.memory_space<semaphore_mem>>) src(%dma_wait3A_153 : memref<32x128xf32, #tpu.memory_space<hbm>>) dst(%dma_wait3A_151 : memref<32x128xf32, #tpu.memory_space<vmem>>)
      %mul3A_154 = arith.constant 32 : i32
      %mul3A_155 = arith.muli %mul3A_112, %mul3A_154 : i32
      %add3A_156 = arith.addi %mul3A_2, %mul3A_155 : i32
      %multiple_of3A_157 = tpu.assume_multiple %add3A_156, 32 : i32
      %dma_wait3A_158 = arith.constant 96 : i32
      %dma_wait3A_159 = arith.constant 0 : i32
      %dma_wait3A_160 = tpu.memref_slice %arg6[%dma_wait3A_158, %dma_wait3A_159] : memref<256x128xf32, #tpu.memory_space<vmem>> -> memref<32x128xf32, #tpu.memory_space<vmem>>
      %dma_wait3A_161 = arith.constant 1536 : i32
      %dma_wait3A_162 = tpu.memref_slice %arg2[%multiple_of3A_157, %dma_wait3A_161] : memref<16384x4096xf32, #tpu.memory_space<hbm>> -> memref<32x128xf32, #tpu.memory_space<hbm>>
      %dma_wait3A_163 = arith.constant 96 : i32
      %dma_wait3A_164 = arith.constant 0 : i32
      %dma_wait3A_165 = tpu.memref_slice %arg6[%dma_wait3A_163, %dma_wait3A_164] : memref<256x128xf32, #tpu.memory_space<vmem>> -> memref<32x128xf32, #tpu.memory_space<vmem>>
      %dma_wait3A_166 = arith.constant 1536 : i32
      %dma_wait3A_167 = tpu.memref_slice %arg2[%multiple_of3A_157, %dma_wait3A_166] : memref<16384x4096xf32, #tpu.memory_space<hbm>> -> memref<32x128xf32, #tpu.memory_space<hbm>>
      tpu.wait_dma2 semaphore(%arg11 : memref<!tpu.dma_semaphore, #tpu.memory_space<semaphore_mem>>) src(%dma_wait3A_167 : memref<32x128xf32, #tpu.memory_space<hbm>>) dst(%dma_wait3A_165 : memref<32x128xf32, #tpu.memory_space<vmem>>)
      %mul3A_168 = arith.constant 32 : i32
      %mul3A_169 = arith.muli %mul3A_112, %mul3A_168 : i32
      %add3A_170 = arith.addi %mul3A_2, %mul3A_169 : i32
      %multiple_of3A_171 = tpu.assume_multiple %add3A_170, 32 : i32
      %dma_wait3A_172 = arith.constant 128 : i32
      %dma_wait3A_173 = arith.constant 0 : i32
      %dma_wait3A_174 = tpu.memref_slice %arg6[%dma_wait3A_172, %dma_wait3A_173] : memref<256x128xf32, #tpu.memory_space<vmem>> -> memref<32x128xf32, #tpu.memory_space<vmem>>
      %dma_wait3A_175 = arith.constant 2048 : i32
      %dma_wait3A_176 = tpu.memref_slice %arg2[%multiple_of3A_171, %dma_wait3A_175] : memref<16384x4096xf32, #tpu.memory_space<hbm>> -> memref<32x128xf32, #tpu.memory_space<hbm>>
      %dma_wait3A_177 = arith.constant 128 : i32
      %dma_wait3A_178 = arith.constant 0 : i32
      %dma_wait3A_179 = tpu.memref_slice %arg6[%dma_wait3A_177, %dma_wait3A_178] : memref<256x128xf32, #tpu.memory_space<vmem>> -> memref<32x128xf32, #tpu.memory_space<vmem>>
      %dma_wait3A_180 = arith.constant 2048 : i32
      %dma_wait3A_181 = tpu.memref_slice %arg2[%multiple_of3A_171, %dma_wait3A_180] : memref<16384x4096xf32, #tpu.memory_space<hbm>> -> memref<32x128xf32, #tpu.memory_space<hbm>>
      tpu.wait_dma2 semaphore(%arg11 : memref<!tpu.dma_semaphore, #tpu.memory_space<semaphore_mem>>) src(%dma_wait3A_181 : memref<32x128xf32, #tpu.memory_space<hbm>>) dst(%dma_wait3A_179 : memref<32x128xf32, #tpu.memory_space<vmem>>)
      %mul3A_182 = arith.constant 32 : i32
      %mul3A_183 = arith.muli %mul3A_112, %mul3A_182 : i32
      %add3A_184 = arith.addi %mul3A_2, %mul3A_183 : i32
      %multiple_of3A_185 = tpu.assume_multiple %add3A_184, 32 : i32
      %dma_wait3A_186 = arith.constant 160 : i32
      %dma_wait3A_187 = arith.constant 0 : i32
      %dma_wait3A_188 = tpu.memref_slice %arg6[%dma_wait3A_186, %dma_wait3A_187] : memref<256x128xf32, #tpu.memory_space<vmem>> -> memref<32x128xf32, #tpu.memory_space<vmem>>
      %dma_wait3A_189 = arith.constant 2560 : i32
      %dma_wait3A_190 = tpu.memref_slice %arg2[%multiple_of3A_185, %dma_wait3A_189] : memref<16384x4096xf32, #tpu.memory_space<hbm>> -> memref<32x128xf32, #tpu.memory_space<hbm>>
      %dma_wait3A_191 = arith.constant 160 : i32
      %dma_wait3A_192 = arith.constant 0 : i32
      %dma_wait3A_193 = tpu.memref_slice %arg6[%dma_wait3A_191, %dma_wait3A_192] : memref<256x128xf32, #tpu.memory_space<vmem>> -> memref<32x128xf32, #tpu.memory_space<vmem>>
      %dma_wait3A_194 = arith.constant 2560 : i32
      %dma_wait3A_195 = tpu.memref_slice %arg2[%multiple_of3A_185, %dma_wait3A_194] : memref<16384x4096xf32, #tpu.memory_space<hbm>> -> memref<32x128xf32, #tpu.memory_space<hbm>>
      tpu.wait_dma2 semaphore(%arg11 : memref<!tpu.dma_semaphore, #tpu.memory_space<semaphore_mem>>) src(%dma_wait3A_195 : memref<32x128xf32, #tpu.memory_space<hbm>>) dst(%dma_wait3A_193 : memref<32x128xf32, #tpu.memory_space<vmem>>)
      %mul3A_196 = arith.constant 32 : i32
      %mul3A_197 = arith.muli %mul3A_112, %mul3A_196 : i32
      %add3A_198 = arith.addi %mul3A_2, %mul3A_197 : i32
      %multiple_of3A_199 = tpu.assume_multiple %add3A_198, 32 : i32
      %dma_wait3A_200 = arith.constant 192 : i32
      %dma_wait3A_201 = arith.constant 0 : i32
      %dma_wait3A_202 = tpu.memref_slice %arg6[%dma_wait3A_200, %dma_wait3A_201] : memref<256x128xf32, #tpu.memory_space<vmem>> -> memref<32x128xf32, #tpu.memory_space<vmem>>
      %dma_wait3A_203 = arith.constant 3072 : i32
      %dma_wait3A_204 = tpu.memref_slice %arg2[%multiple_of3A_199, %dma_wait3A_203] : memref<16384x4096xf32, #tpu.memory_space<hbm>> -> memref<32x128xf32, #tpu.memory_space<hbm>>
      %dma_wait3A_205 = arith.constant 192 : i32
      %dma_wait3A_206 = arith.constant 0 : i32
      %dma_wait3A_207 = tpu.memref_slice %arg6[%dma_wait3A_205, %dma_wait3A_206] : memref<256x128xf32, #tpu.memory_space<vmem>> -> memref<32x128xf32, #tpu.memory_space<vmem>>
      %dma_wait3A_208 = arith.constant 3072 : i32
      %dma_wait3A_209 = tpu.memref_slice %arg2[%multiple_of3A_199, %dma_wait3A_208] : memref<16384x4096xf32, #tpu.memory_space<hbm>> -> memref<32x128xf32, #tpu.memory_space<hbm>>
      tpu.wait_dma2 semaphore(%arg11 : memref<!tpu.dma_semaphore, #tpu.memory_space<semaphore_mem>>) src(%dma_wait3A_209 : memref<32x128xf32, #tpu.memory_space<hbm>>) dst(%dma_wait3A_207 : memref<32x128xf32, #tpu.memory_space<vmem>>)
      %mul3A_210 = arith.constant 32 : i32
      %mul3A_211 = arith.muli %mul3A_112, %mul3A_210 : i32
      %add3A_212 = arith.addi %mul3A_2, %mul3A_211 : i32
      %multiple_of3A_213 = tpu.assume_multiple %add3A_212, 32 : i32
      %dma_wait3A_214 = arith.constant 224 : i32
      %dma_wait3A_215 = arith.constant 0 : i32
      %dma_wait3A_216 = tpu.memref_slice %arg6[%dma_wait3A_214, %dma_wait3A_215] : memref<256x128xf32, #tpu.memory_space<vmem>> -> memref<32x128xf32, #tpu.memory_space<vmem>>
      %dma_wait3A_217 = arith.constant 3584 : i32
      %dma_wait3A_218 = tpu.memref_slice %arg2[%multiple_of3A_213, %dma_wait3A_217] : memref<16384x4096xf32, #tpu.memory_space<hbm>> -> memref<32x128xf32, #tpu.memory_space<hbm>>
      %dma_wait3A_219 = arith.constant 224 : i32
      %dma_wait3A_220 = arith.constant 0 : i32
      %dma_wait3A_221 = tpu.memref_slice %arg6[%dma_wait3A_219, %dma_wait3A_220] : memref<256x128xf32, #tpu.memory_space<vmem>> -> memref<32x128xf32, #tpu.memory_space<vmem>>
      %dma_wait3A_222 = arith.constant 3584 : i32
      %dma_wait3A_223 = tpu.memref_slice %arg2[%multiple_of3A_213, %dma_wait3A_222] : memref<16384x4096xf32, #tpu.memory_space<hbm>> -> memref<32x128xf32, #tpu.memory_space<hbm>>
      tpu.wait_dma2 semaphore(%arg11 : memref<!tpu.dma_semaphore, #tpu.memory_space<semaphore_mem>>) src(%dma_wait3A_223 : memref<32x128xf32, #tpu.memory_space<hbm>>) dst(%dma_wait3A_221 : memref<32x128xf32, #tpu.memory_space<vmem>>)
      %add3A_224 = arith.constant 1 : i32
      %add3A_225 = arith.addi %mul3A_112, %add3A_224 : i32
      %mul3A_226 = arith.constant 32 : i32
      %mul3A_227 = arith.muli %add3A_225, %mul3A_226 : i32
      %add3A_228 = arith.addi %mul3A_2, %mul3A_227 : i32
      %multiple_of3A_229 = tpu.assume_multiple %add3A_228, 32 : i32
      %dma_start3A_230 = arith.constant 0 : i32
      %dma_start3A_231 = arith.constant 0 : i32
      %dma_start3A_232 = tpu.memref_slice %arg7[%dma_start3A_230, %dma_start3A_231] : memref<256x128xf32, #tpu.memory_space<vmem>> -> memref<32x128xf32, #tpu.memory_space<vmem>>
      %dma_start3A_233 = arith.constant 0 : i32
      %dma_start3A_234 = tpu.memref_slice %arg2[%multiple_of3A_229, %dma_start3A_233] : memref<16384x4096xf32, #tpu.memory_space<hbm>> -> memref<32x128xf32, #tpu.memory_space<hbm>>
      %dma_start3A_235 = arith.constant 0 : i32
      %dma_start3A_236 = arith.constant 0 : i32
      %dma_start3A_237 = tpu.memref_slice %arg7[%dma_start3A_235, %dma_start3A_236] : memref<256x128xf32, #tpu.memory_space<vmem>> -> memref<32x128xf32, #tpu.memory_space<vmem>>
      %dma_start3A_238 = arith.constant 0 : i32
      %dma_start3A_239 = tpu.memref_slice %arg2[%multiple_of3A_229, %dma_start3A_238] : memref<16384x4096xf32, #tpu.memory_space<hbm>> -> memref<32x128xf32, #tpu.memory_space<hbm>>
      tpu.enqueue_dma source(%dma_start3A_239 : memref<32x128xf32, #tpu.memory_space<hbm>>) target(%dma_start3A_237 : memref<32x128xf32, #tpu.memory_space<vmem>>) target_semaphore(%arg11 : memref<!tpu.dma_semaphore, #tpu.memory_space<semaphore_mem>>)
      %mul3A_240 = arith.constant 32 : i32
      %mul3A_241 = arith.muli %add3A_225, %mul3A_240 : i32
      %add3A_242 = arith.addi %mul3A_2, %mul3A_241 : i32
      %multiple_of3A_243 = tpu.assume_multiple %add3A_242, 32 : i32
      %dma_start3A_244 = arith.constant 32 : i32
      %dma_start3A_245 = arith.constant 0 : i32
      %dma_start3A_246 = tpu.memref_slice %arg7[%dma_start3A_244, %dma_start3A_245] : memref<256x128xf32, #tpu.memory_space<vmem>> -> memref<32x128xf32, #tpu.memory_space<vmem>>
      %dma_start3A_247 = arith.constant 512 : i32
      %dma_start3A_248 = tpu.memref_slice %arg2[%multiple_of3A_243, %dma_start3A_247] : memref<16384x4096xf32, #tpu.memory_space<hbm>> -> memref<32x128xf32, #tpu.memory_space<hbm>>
      %dma_start3A_249 = arith.constant 32 : i32
      %dma_start3A_250 = arith.constant 0 : i32
      %dma_start3A_251 = tpu.memref_slice %arg7[%dma_start3A_249, %dma_start3A_250] : memref<256x128xf32, #tpu.memory_space<vmem>> -> memref<32x128xf32, #tpu.memory_space<vmem>>
      %dma_start3A_252 = arith.constant 512 : i32
      %dma_start3A_253 = tpu.memref_slice %arg2[%multiple_of3A_243, %dma_start3A_252] : memref<16384x4096xf32, #tpu.memory_space<hbm>> -> memref<32x128xf32, #tpu.memory_space<hbm>>
      tpu.enqueue_dma source(%dma_start3A_253 : memref<32x128xf32, #tpu.memory_space<hbm>>) target(%dma_start3A_251 : memref<32x128xf32, #tpu.memory_space<vmem>>) target_semaphore(%arg11 : memref<!tpu.dma_semaphore, #tpu.memory_space<semaphore_mem>>)
      %mul3A_254 = arith.constant 32 : i32
      %mul3A_255 = arith.muli %add3A_225, %mul3A_254 : i32
      %add3A_256 = arith.addi %mul3A_2, %mul3A_255 : i32
      %multiple_of3A_257 = tpu.assume_multiple %add3A_256, 32 : i32
      %dma_start3A_258 = arith.constant 64 : i32
      %dma_start3A_259 = arith.constant 0 : i32
      %dma_start3A_260 = tpu.memref_slice %arg7[%dma_start3A_258, %dma_start3A_259] : memref<256x128xf32, #tpu.memory_space<vmem>> -> memref<32x128xf32, #tpu.memory_space<vmem>>
      %dma_start3A_261 = arith.constant 1024 : i32
      %dma_start3A_262 = tpu.memref_slice %arg2[%multiple_of3A_257, %dma_start3A_261] : memref<16384x4096xf32, #tpu.memory_space<hbm>> -> memref<32x128xf32, #tpu.memory_space<hbm>>
      %dma_start3A_263 = arith.constant 64 : i32
      %dma_start3A_264 = arith.constant 0 : i32
      %dma_start3A_265 = tpu.memref_slice %arg7[%dma_start3A_263, %dma_start3A_264] : memref<256x128xf32, #tpu.memory_space<vmem>> -> memref<32x128xf32, #tpu.memory_space<vmem>>
      %dma_start3A_266 = arith.constant 1024 : i32
      %dma_start3A_267 = tpu.memref_slice %arg2[%multiple_of3A_257, %dma_start3A_266] : memref<16384x4096xf32, #tpu.memory_space<hbm>> -> memref<32x128xf32, #tpu.memory_space<hbm>>
      tpu.enqueue_dma source(%dma_start3A_267 : memref<32x128xf32, #tpu.memory_space<hbm>>) target(%dma_start3A_265 : memref<32x128xf32, #tpu.memory_space<vmem>>) target_semaphore(%arg11 : memref<!tpu.dma_semaphore, #tpu.memory_space<semaphore_mem>>)
      %mul3A_268 = arith.constant 32 : i32
      %mul3A_269 = arith.muli %add3A_225, %mul3A_268 : i32
      %add3A_270 = arith.addi %mul3A_2, %mul3A_269 : i32
      %multiple_of3A_271 = tpu.assume_multiple %add3A_270, 32 : i32
      %dma_start3A_272 = arith.constant 96 : i32
      %dma_start3A_273 = arith.constant 0 : i32
      %dma_start3A_274 = tpu.memref_slice %arg7[%dma_start3A_272, %dma_start3A_273] : memref<256x128xf32, #tpu.memory_space<vmem>> -> memref<32x128xf32, #tpu.memory_space<vmem>>
      %dma_start3A_275 = arith.constant 1536 : i32
      %dma_start3A_276 = tpu.memref_slice %arg2[%multiple_of3A_271, %dma_start3A_275] : memref<16384x4096xf32, #tpu.memory_space<hbm>> -> memref<32x128xf32, #tpu.memory_space<hbm>>
      %dma_start3A_277 = arith.constant 96 : i32
      %dma_start3A_278 = arith.constant 0 : i32
      %dma_start3A_279 = tpu.memref_slice %arg7[%dma_start3A_277, %dma_start3A_278] : memref<256x128xf32, #tpu.memory_space<vmem>> -> memref<32x128xf32, #tpu.memory_space<vmem>>
      %dma_start3A_280 = arith.constant 1536 : i32
      %dma_start3A_281 = tpu.memref_slice %arg2[%multiple_of3A_271, %dma_start3A_280] : memref<16384x4096xf32, #tpu.memory_space<hbm>> -> memref<32x128xf32, #tpu.memory_space<hbm>>
      tpu.enqueue_dma source(%dma_start3A_281 : memref<32x128xf32, #tpu.memory_space<hbm>>) target(%dma_start3A_279 : memref<32x128xf32, #tpu.memory_space<vmem>>) target_semaphore(%arg11 : memref<!tpu.dma_semaphore, #tpu.memory_space<semaphore_mem>>)
      %mul3A_282 = arith.constant 32 : i32
      %mul3A_283 = arith.muli %add3A_225, %mul3A_282 : i32
      %add3A_284 = arith.addi %mul3A_2, %mul3A_283 : i32
      %multiple_of3A_285 = tpu.assume_multiple %add3A_284, 32 : i32
      %dma_start3A_286 = arith.constant 128 : i32
      %dma_start3A_287 = arith.constant 0 : i32
      %dma_start3A_288 = tpu.memref_slice %arg7[%dma_start3A_286, %dma_start3A_287] : memref<256x128xf32, #tpu.memory_space<vmem>> -> memref<32x128xf32, #tpu.memory_space<vmem>>
      %dma_start3A_289 = arith.constant 2048 : i32
      %dma_start3A_290 = tpu.memref_slice %arg2[%multiple_of3A_285, %dma_start3A_289] : memref<16384x4096xf32, #tpu.memory_space<hbm>> -> memref<32x128xf32, #tpu.memory_space<hbm>>
      %dma_start3A_291 = arith.constant 128 : i32
      %dma_start3A_292 = arith.constant 0 : i32
      %dma_start3A_293 = tpu.memref_slice %arg7[%dma_start3A_291, %dma_start3A_292] : memref<256x128xf32, #tpu.memory_space<vmem>> -> memref<32x128xf32, #tpu.memory_space<vmem>>
      %dma_start3A_294 = arith.constant 2048 : i32
      %dma_start3A_295 = tpu.memref_slice %arg2[%multiple_of3A_285, %dma_start3A_294] : memref<16384x4096xf32, #tpu.memory_space<hbm>> -> memref<32x128xf32, #tpu.memory_space<hbm>>
      tpu.enqueue_dma source(%dma_start3A_295 : memref<32x128xf32, #tpu.memory_space<hbm>>) target(%dma_start3A_293 : memref<32x128xf32, #tpu.memory_space<vmem>>) target_semaphore(%arg11 : memref<!tpu.dma_semaphore, #tpu.memory_space<semaphore_mem>>)
      %mul3A_296 = arith.constant 32 : i32
      %mul3A_297 = arith.muli %add3A_225, %mul3A_296 : i32
      %add3A_298 = arith.addi %mul3A_2, %mul3A_297 : i32
      %multiple_of3A_299 = tpu.assume_multiple %add3A_298, 32 : i32
      %dma_start3A_300 = arith.constant 160 : i32
      %dma_start3A_301 = arith.constant 0 : i32
      %dma_start3A_302 = tpu.memref_slice %arg7[%dma_start3A_300, %dma_start3A_301] : memref<256x128xf32, #tpu.memory_space<vmem>> -> memref<32x128xf32, #tpu.memory_space<vmem>>
      %dma_start3A_303 = arith.constant 2560 : i32
      %dma_start3A_304 = tpu.memref_slice %arg2[%multiple_of3A_299, %dma_start3A_303] : memref<16384x4096xf32, #tpu.memory_space<hbm>> -> memref<32x128xf32, #tpu.memory_space<hbm>>
      %dma_start3A_305 = arith.constant 160 : i32
      %dma_start3A_306 = arith.constant 0 : i32
      %dma_start3A_307 = tpu.memref_slice %arg7[%dma_start3A_305, %dma_start3A_306] : memref<256x128xf32, #tpu.memory_space<vmem>> -> memref<32x128xf32, #tpu.memory_space<vmem>>
      %dma_start3A_308 = arith.constant 2560 : i32
      %dma_start3A_309 = tpu.memref_slice %arg2[%multiple_of3A_299, %dma_start3A_308] : memref<16384x4096xf32, #tpu.memory_space<hbm>> -> memref<32x128xf32, #tpu.memory_space<hbm>>
      tpu.enqueue_dma source(%dma_start3A_309 : memref<32x128xf32, #tpu.memory_space<hbm>>) target(%dma_start3A_307 : memref<32x128xf32, #tpu.memory_space<vmem>>) target_semaphore(%arg11 : memref<!tpu.dma_semaphore, #tpu.memory_space<semaphore_mem>>)
      %mul3A_310 = arith.constant 32 : i32
      %mul3A_311 = arith.muli %add3A_225, %mul3A_310 : i32
      %add3A_312 = arith.addi %mul3A_2, %mul3A_311 : i32
      %multiple_of3A_313 = tpu.assume_multiple %add3A_312, 32 : i32
      %dma_start3A_314 = arith.constant 192 : i32
      %dma_start3A_315 = arith.constant 0 : i32
      %dma_start3A_316 = tpu.memref_slice %arg7[%dma_start3A_314, %dma_start3A_315] : memref<256x128xf32, #tpu.memory_space<vmem>> -> memref<32x128xf32, #tpu.memory_space<vmem>>
      %dma_start3A_317 = arith.constant 3072 : i32
      %dma_start3A_318 = tpu.memref_slice %arg2[%multiple_of3A_313, %dma_start3A_317] : memref<16384x4096xf32, #tpu.memory_space<hbm>> -> memref<32x128xf32, #tpu.memory_space<hbm>>
      %dma_start3A_319 = arith.constant 192 : i32
      %dma_start3A_320 = arith.constant 0 : i32
      %dma_start3A_321 = tpu.memref_slice %arg7[%dma_start3A_319, %dma_start3A_320] : memref<256x128xf32, #tpu.memory_space<vmem>> -> memref<32x128xf32, #tpu.memory_space<vmem>>
      %dma_start3A_322 = arith.constant 3072 : i32
      %dma_start3A_323 = tpu.memref_slice %arg2[%multiple_of3A_313, %dma_start3A_322] : memref<16384x4096xf32, #tpu.memory_space<hbm>> -> memref<32x128xf32, #tpu.memory_space<hbm>>
      tpu.enqueue_dma source(%dma_start3A_323 : memref<32x128xf32, #tpu.memory_space<hbm>>) target(%dma_start3A_321 : memref<32x128xf32, #tpu.memory_space<vmem>>) target_semaphore(%arg11 : memref<!tpu.dma_semaphore, #tpu.memory_space<semaphore_mem>>)
      %mul3A_324 = arith.constant 32 : i32
      %mul3A_325 = arith.muli %add3A_225, %mul3A_324 : i32
      %add3A_326 = arith.addi %mul3A_2, %mul3A_325 : i32
      %multiple_of3A_327 = tpu.assume_multiple %add3A_326, 32 : i32
      %dma_start3A_328 = arith.constant 224 : i32
      %dma_start3A_329 = arith.constant 0 : i32
      %dma_start3A_330 = tpu.memref_slice %arg7[%dma_start3A_328, %dma_start3A_329] : memref<256x128xf32, #tpu.memory_space<vmem>> -> memref<32x128xf32, #tpu.memory_space<vmem>>
      %dma_start3A_331 = arith.constant 3584 : i32
      %dma_start3A_332 = tpu.memref_slice %arg2[%multiple_of3A_327, %dma_start3A_331] : memref<16384x4096xf32, #tpu.memory_space<hbm>> -> memref<32x128xf32, #tpu.memory_space<hbm>>
      %dma_start3A_333 = arith.constant 224 : i32
      %dma_start3A_334 = arith.constant 0 : i32
      %dma_start3A_335 = tpu.memref_slice %arg7[%dma_start3A_333, %dma_start3A_334] : memref<256x128xf32, #tpu.memory_space<vmem>> -> memref<32x128xf32, #tpu.memory_space<vmem>>
      %dma_start3A_336 = arith.constant 3584 : i32
      %dma_start3A_337 = tpu.memref_slice %arg2[%multiple_of3A_327, %dma_start3A_336] : memref<16384x4096xf32, #tpu.memory_space<hbm>> -> memref<32x128xf32, #tpu.memory_space<hbm>>
      tpu.enqueue_dma source(%dma_start3A_337 : memref<32x128xf32, #tpu.memory_space<hbm>>) target(%dma_start3A_335 : memref<32x128xf32, #tpu.memory_space<vmem>>) target_semaphore(%arg11 : memref<!tpu.dma_semaphore, #tpu.memory_space<semaphore_mem>>)
      %mul3A_338 = arith.constant 32 : i32
      %mul3A_339 = arith.muli %mul3A_112, %mul3A_338 : i32
      %add3A_340 = arith.constant 0 : i32
      %add3A_341 = arith.addi %mul3A_339, %add3A_340 : i32
      %get3A = arith.index_cast %add3A_341 : i32 to index
      %get3A_342 = tpu.vector_load %arg8[%get3A] {strides = array<i32>} : memref<512xi32, #tpu.memory_space<vmem>>, vector<16xi32>,
      %mul3A_343 = arith.constant 32 : i32
      %mul3A_344 = arith.muli %mul3A_112, %mul3A_343 : i32
      %add3A_345 = arith.constant 0 : i32
      %add3A_346 = arith.addi %mul3A_344, %add3A_345 : i32
      %get3A_347 = arith.index_cast %add3A_346 : i32 to index
      %get3A_348 = tpu.vector_load %arg9[%get3A_347] {strides = array<i32>} : memref<512xi32, #tpu.memory_space<vmem>>, vector<16xi32>,
      %sub3A = arith.constant 1 : i32
      %sub3A_349 = vector.broadcast %sub3A : i32 to vector<16xi32>
      %sub3A_350 = arith.subi %get3A_342, %sub3A_349 : vector<16xi32>
      %max3A = arith.constant 0 : i32
      %max3A_351 = vector.broadcast %max3A : i32 to vector<16xi32>
      %max3A_352 = arith.maxsi %sub3A_350, %max3A_351 : vector<16xi32>
      %mul3A_353 = arith.constant 32 : i32
      %mul3A_354 = vector.broadcast %mul3A_353 : i32 to vector<16xi32>
      %mul3A_355 = arith.muli %max3A_352, %mul3A_354 : vector<16xi32>
      %add3A_356 = arith.constant 0 : i32
      %add3A_357 = vector.broadcast %add3A_356 : i32 to vector<16xi32>
      %add3A_358 = arith.addi %mul3A_355, %add3A_357 : vector<16xi32>
      %add3A_359 = arith.addi %add3A_358, %iota3A : vector<16xi32>
      %gather3A = tpu.vector_load_idx %arg6[%add3A_359, %get3A_348] : memref<256x128xf32, #tpu.memory_space<vmem>>[vector<16xi32>, vector<16xi32>], vector<16xf32>,
      %broadcast_in_dim3A = arith.constant 0.000000e+00 : f32
      %broadcast_in_dim3A_360 = vector.broadcast %broadcast_in_dim3A : f32 to vector<16xf32>
      %get3A_361 = arith.constant 0 : i32
      %get3A_362 = arith.index_cast %get3A_361 : i32 to index
      %get3A_363 = arith.constant 0 : index
      %get3A_364 = tpu.vector_load %arg6[%get3A_362, %get3A_363] {strides = array<i32>} : memref<256x128xf32, #tpu.memory_space<vmem>>, vector<16xf32>,
      %get3A_365 = arith.constant 32 : i32
      %get3A_366 = arith.index_cast %get3A_365 : i32 to index
      %get3A_367 = arith.constant 0 : index
      %get3A_368 = tpu.vector_load %arg6[%get3A_366, %get3A_367] {strides = array<i32>} : memref<256x128xf32, #tpu.memory_space<vmem>>, vector<16xf32>,
      %add3A_369 = arith.addf %get3A_364, %get3A_368 : vector<16xf32>
      %get3A_370 = arith.constant 64 : i32
      %get3A_371 = arith.index_cast %get3A_370 : i32 to index
      %get3A_372 = arith.constant 0 : index
      %get3A_373 = tpu.vector_load %arg6[%get3A_371, %get3A_372] {strides = array<i32>} : memref<256x128xf32, #tpu.memory_space<vmem>>, vector<16xf32>,
      %add3A_374 = arith.addf %add3A_369, %get3A_373 : vector<16xf32>
      %get3A_375 = arith.constant 96 : i32
      %get3A_376 = arith.index_cast %get3A_375 : i32 to index
      %get3A_377 = arith.constant 0 : index
      %get3A_378 = tpu.vector_load %arg6[%get3A_376, %get3A_377] {strides = array<i32>} : memref<256x128xf32, #tpu.memory_space<vmem>>, vector<16xf32>,
      %add3A_379 = arith.addf %add3A_374, %get3A_378 : vector<16xf32>
      %get3A_380 = arith.constant 128 : i32
      %get3A_381 = arith.index_cast %get3A_380 : i32 to index
      %get3A_382 = arith.constant 0 : index
      %get3A_383 = tpu.vector_load %arg6[%get3A_381, %get3A_382] {strides = array<i32>} : memref<256x128xf32, #tpu.memory_space<vmem>>, vector<16xf32>,
      %add3A_384 = arith.addf %add3A_379, %get3A_383 : vector<16xf32>
      %get3A_385 = arith.constant 160 : i32
      %get3A_386 = arith.index_cast %get3A_385 : i32 to index
      %get3A_387 = arith.constant 0 : index
      %get3A_388 = tpu.vector_load %arg6[%get3A_386, %get3A_387] {strides = array<i32>} : memref<256x128xf32, #tpu.memory_space<vmem>>, vector<16xf32>,
      %add3A_389 = arith.addf %add3A_384, %get3A_388 : vector<16xf32>
      %get3A_390 = arith.constant 192 : i32
      %get3A_391 = arith.index_cast %get3A_390 : i32 to index
      %get3A_392 = arith.constant 0 : index
      %get3A_393 = tpu.vector_load %arg6[%get3A_391, %get3A_392] {strides = array<i32>} : memref<256x128xf32, #tpu.memory_space<vmem>>, vector<16xf32>,
      %add3A_394 = arith.addf %add3A_389, %get3A_393 : vector<16xf32>
      %get3A_395 = arith.constant 224 : i32
      %get3A_396 = arith.index_cast %get3A_395 : i32 to index
      %get3A_397 = arith.constant 0 : index
      %get3A_398 = tpu.vector_load %arg6[%get3A_396, %get3A_397] {strides = array<i32>} : memref<256x128xf32, #tpu.memory_space<vmem>>, vector<16xf32>,
      %add3A_399 = arith.addf %add3A_394, %get3A_398 : vector<16xf32>
      %broadcast_in_dim3A_400 = arith.constant true
      %broadcast_in_dim3A_401 = vector.broadcast %broadcast_in_dim3A_400 : i1 to vector<16xi1>
      %masked_cumsum3A = tpu.scan <sum>, %add3A_399 masked %broadcast_in_dim3A_401 : vector<16xf32>, vector<16xi1> -> vector<16xf32>
      %eq3A = arith.constant 0 : i32
      %eq3A_402 = vector.broadcast %eq3A : i32 to vector<16xi32>
      %eq3A_403 = arith.cmpi eq, %iota3A, %eq3A_402 : vector<16xi32>
      %lt3A = arith.constant 0 : i32
      %lt3A_404 = vector.broadcast %lt3A : i32 to vector<16xi32>
      %lt3A_405 = arith.cmpi slt, %get3A_348, %lt3A_404 : vector<16xi32>
      %add3A_406 = arith.constant 16 : i32
      %add3A_407 = vector.broadcast %add3A_406 : i32 to vector<16xi32>
      %add3A_408 = arith.addi %get3A_348, %add3A_407 : vector<16xi32>
      %select_n3A = arith.select %lt3A_405, %add3A_408, %get3A_348 : vector<16xi1>, vector<16xi32>
      %broadcast_in_dim3A_409 = vector.shape_cast %select_n3A : vector<16xi32> to vector<16x1xi32>
      %gather3A_410 = vector.shape_cast %broadcast_in_dim3A_409 : vector<16x1xi32> to vector<16xi32>
      %gather3A_411 = tpu.dynamic_gather %masked_cumsum3A[%gather3A_410] in [0] : vector<16xf32>, vector<16xi32> -> vector<16xf32>
      %select_n3A_412 = arith.select %eq3A_403, %gather3A_411, %broadcast_in_dim3A_360 : vector<16xi1>, vector<16xf32>
      %get3A_413 = arith.constant 1 : i32
      %get3A_414 = arith.index_cast %get3A_413 : i32 to index
      %get3A_415 = arith.constant 0 : index
      %get3A_416 = tpu.vector_load %arg6[%get3A_414, %get3A_415] {strides = array<i32>} : memref<256x128xf32, #tpu.memory_space<vmem>>, vector<16xf32>,
      %get3A_417 = arith.constant 33 : i32
      %get3A_418 = arith.index_cast %get3A_417 : i32 to index
      %get3A_419 = arith.constant 0 : index
      %get3A_420 = tpu.vector_load %arg6[%get3A_418, %get3A_419] {strides = array<i32>} : memref<256x128xf32, #tpu.memory_space<vmem>>, vector<16xf32>,
      %add3A_421 = arith.addf %get3A_416, %get3A_420 : vector<16xf32>
      %get3A_422 = arith.constant 65 : i32
      %get3A_423 = arith.index_cast %get3A_422 : i32 to index
      %get3A_424 = arith.constant 0 : index
      %get3A_425 = tpu.vector_load %arg6[%get3A_423, %get3A_424] {strides = array<i32>} : memref<256x128xf32, #tpu.memory_space<vmem>>, vector<16xf32>,
      %add3A_426 = arith.addf %add3A_421, %get3A_425 : vector<16xf32>
      %get3A_427 = arith.constant 97 : i32
      %get3A_428 = arith.index_cast %get3A_427 : i32 to index
      %get3A_429 = arith.constant 0 : index
      %get3A_430 = tpu.vector_load %arg6[%get3A_428, %get3A_429] {strides = array<i32>} : memref<256x128xf32, #tpu.memory_space<vmem>>, vector<16xf32>,
      %add3A_431 = arith.addf %add3A_426, %get3A_430 : vector<16xf32>
      %get3A_432 = arith.constant 129 : i32
      %get3A_433 = arith.index_cast %get3A_432 : i32 to index
      %get3A_434 = arith.constant 0 : index
      %get3A_435 = tpu.vector_load %arg6[%get3A_433, %get3A_434] {strides = array<i32>} : memref<256x128xf32, #tpu.memory_space<vmem>>, vector<16xf32>,
      %add3A_436 = arith.addf %add3A_431, %get3A_435 : vector<16xf32>
      %get3A_437 = arith.constant 161 : i32
      %get3A_438 = arith.index_cast %get3A_437 : i32 to index
      %get3A_439 = arith.constant 0 : index
      %get3A_440 = tpu.vector_load %arg6[%get3A_438, %get3A_439] {strides = array<i32>} : memref<256x128xf32, #tpu.memory_space<vmem>>, vector<16xf32>,
      %add3A_441 = arith.addf %add3A_436, %get3A_440 : vector<16xf32>
      %get3A_442 = arith.constant 193 : i32
      %get3A_443 = arith.index_cast %get3A_442 : i32 to index
      %get3A_444 = arith.constant 0 : index
      %get3A_445 = tpu.vector_load %arg6[%get3A_443, %get3A_444] {strides = array<i32>} : memref<256x128xf32, #tpu.memory_space<vmem>>, vector<16xf32>,
      %add3A_446 = arith.addf %add3A_441, %get3A_445 : vector<16xf32>
      %get3A_447 = arith.constant 225 : i32
      %get3A_448 = arith.index_cast %get3A_447 : i32 to index
      %get3A_449 = arith.constant 0 : index
      %get3A_450 = tpu.vector_load %arg6[%get3A_448, %get3A_449] {strides = array<i32>} : memref<256x128xf32, #tpu.memory_space<vmem>>, vector<16xf32>,
      %add3A_451 = arith.addf %add3A_446, %get3A_450 : vector<16xf32>
      %broadcast_in_dim3A_452 = arith.constant true
      %broadcast_in_dim3A_453 = vector.broadcast %broadcast_in_dim3A_452 : i1 to vector<16xi1>
      %masked_cumsum3A_454 = tpu.scan <sum>, %add3A_451 masked %broadcast_in_dim3A_453 : vector<16xf32>, vector<16xi1> -> vector<16xf32>
      %eq3A_455 = arith.constant 1 : i32
      %eq3A_456 = vector.broadcast %eq3A_455 : i32 to vector<16xi32>
      %eq3A_457 = arith.cmpi eq, %iota3A, %eq3A_456 : vector<16xi32>
      %lt3A_458 = arith.constant 0 : i32
      %lt3A_459 = vector.broadcast %lt3A_458 : i32 to vector<16xi32>
      %lt3A_460 = arith.cmpi slt, %get3A_348, %lt3A_459 : vector<16xi32>
      %add3A_461 = arith.constant 16 : i32
      %add3A_462 = vector.broadcast %add3A_461 : i32 to vector<16xi32>
      %add3A_463 = arith.addi %get3A_348, %add3A_462 : vector<16xi32>
      %select_n3A_464 = arith.select %lt3A_460, %add3A_463, %get3A_348 : vector<16xi1>, vector<16xi32>
      %broadcast_in_dim3A_465 = vector.shape_cast %select_n3A_464 : vector<16xi32> to vector<16x1xi32>
      %gather3A_466 = vector.shape_cast %broadcast_in_dim3A_465 : vector<16x1xi32> to vector<16xi32>
      %gather3A_467 = tpu.dynamic_gather %masked_cumsum3A_454[%gather3A_466] in [0] : vector<16xf32>, vector<16xi32> -> vector<16xf32>
      %select_n3A_468 = arith.select %eq3A_457, %gather3A_467, %select_n3A_412 : vector<16xi1>, vector<16xf32>
      %get3A_469 = arith.constant 2 : i32
      %get3A_470 = arith.index_cast %get3A_469 : i32 to index
      %get3A_471 = arith.constant 0 : index
      %get3A_472 = tpu.vector_load %arg6[%get3A_470, %get3A_471] {strides = array<i32>} : memref<256x128xf32, #tpu.memory_space<vmem>>, vector<16xf32>,
      %get3A_473 = arith.constant 34 : i32
      %get3A_474 = arith.index_cast %get3A_473 : i32 to index
      %get3A_475 = arith.constant 0 : index
      %get3A_476 = tpu.vector_load %arg6[%get3A_474, %get3A_475] {strides = array<i32>} : memref<256x128xf32, #tpu.memory_space<vmem>>, vector<16xf32>,
      %add3A_477 = arith.addf %get3A_472, %get3A_476 : vector<16xf32>
      %get3A_478 = arith.constant 66 : i32
      %get3A_479 = arith.index_cast %get3A_478 : i32 to index
      %get3A_480 = arith.constant 0 : index
      %get3A_481 = tpu.vector_load %arg6[%get3A_479, %get3A_480] {strides = array<i32>} : memref<256x128xf32, #tpu.memory_space<vmem>>, vector<16xf32>,
      %add3A_482 = arith.addf %add3A_477, %get3A_481 : vector<16xf32>
      %get3A_483 = arith.constant 98 : i32
      %get3A_484 = arith.index_cast %get3A_483 : i32 to index
      %get3A_485 = arith.constant 0 : index
      %get3A_486 = tpu.vector_load %arg6[%get3A_484, %get3A_485] {strides = array<i32>} : memref<256x128xf32, #tpu.memory_space<vmem>>, vector<16xf32>,
      %add3A_487 = arith.addf %add3A_482, %get3A_486 : vector<16xf32>
      %get3A_488 = arith.constant 130 : i32
      %get3A_489 = arith.index_cast %get3A_488 : i32 to index
      %get3A_490 = arith.constant 0 : index
      %get3A_491 = tpu.vector_load %arg6[%get3A_489, %get3A_490] {strides = array<i32>} : memref<256x128xf32, #tpu.memory_space<vmem>>, vector<16xf32>,
      %add3A_492 = arith.addf %add3A_487, %get3A_491 : vector<16xf32>
      %get3A_493 = arith.constant 162 : i32
      %get3A_494 = arith.index_cast %get3A_493 : i32 to index
      %get3A_495 = arith.constant 0 : index
      %get3A_496 = tpu.vector_load %arg6[%get3A_494, %get3A_495] {strides = array<i32>} : memref<256x128xf32, #tpu.memory_space<vmem>>, vector<16xf32>,
      %add3A_497 = arith.addf %add3A_492, %get3A_496 : vector<16xf32>
      %get3A_498 = arith.constant 194 : i32
      %get3A_499 = arith.index_cast %get3A_498 : i32 to index
      %get3A_500 = arith.constant 0 : index
      %get3A_501 = tpu.vector_load %arg6[%get3A_499, %get3A_500] {strides = array<i32>} : memref<256x128xf32, #tpu.memory_space<vmem>>, vector<16xf32>,
      %add3A_502 = arith.addf %add3A_497, %get3A_501 : vector<16xf32>
      %get3A_503 = arith.constant 226 : i32
      %get3A_504 = arith.index_cast %get3A_503 : i32 to index
      %get3A_505 = arith.constant 0 : index
      %get3A_506 = tpu.vector_load %arg6[%get3A_504, %get3A_505] {strides = array<i32>} : memref<256x128xf32, #tpu.memory_space<vmem>>, vector<16xf32>,
      %add3A_507 = arith.addf %add3A_502, %get3A_506 : vector<16xf32>
      %broadcast_in_dim3A_508 = arith.constant true
      %broadcast_in_dim3A_509 = vector.broadcast %broadcast_in_dim3A_508 : i1 to vector<16xi1>
      %masked_cumsum3A_510 = tpu.scan <sum>, %add3A_507 masked %broadcast_in_dim3A_509 : vector<16xf32>, vector<16xi1> -> vector<16xf32>
      %eq3A_511 = arith.constant 2 : i32
      %eq3A_512 = vector.broadcast %eq3A_511 : i32 to vector<16xi32>
      %eq3A_513 = arith.cmpi eq, %iota3A, %eq3A_512 : vector<16xi32>
      %lt3A_514 = arith.constant 0 : i32
      %lt3A_515 = vector.broadcast %lt3A_514 : i32 to vector<16xi32>
      %lt3A_516 = arith.cmpi slt, %get3A_348, %lt3A_515 : vector<16xi32>
      %add3A_517 = arith.constant 16 : i32
      %add3A_518 = vector.broadcast %add3A_517 : i32 to vector<16xi32>
      %add3A_519 = arith.addi %get3A_348, %add3A_518 : vector<16xi32>
      %select_n3A_520 = arith.select %lt3A_516, %add3A_519, %get3A_348 : vector<16xi1>, vector<16xi32>
      %broadcast_in_dim3A_521 = vector.shape_cast %select_n3A_520 : vector<16xi32> to vector<16x1xi32>
      %gather3A_522 = vector.shape_cast %broadcast_in_dim3A_521 : vector<16x1xi32> to vector<16xi32>
      %gather3A_523 = tpu.dynamic_gather %masked_cumsum3A_510[%gather3A_522] in [0] : vector<16xf32>, vector<16xi32> -> vector<16xf32>
      %select_n3A_524 = arith.select %eq3A_513, %gather3A_523, %select_n3A_468 : vector<16xi1>, vector<16xf32>
      %get3A_525 = arith.constant 3 : i32
      %get3A_526 = arith.index_cast %get3A_525 : i32 to index
      %get3A_527 = arith.constant 0 : index
      %get3A_528 = tpu.vector_load %arg6[%get3A_526, %get3A_527] {strides = array<i32>} : memref<256x128xf32, #tpu.memory_space<vmem>>, vector<16xf32>,
      %get3A_529 = arith.constant 35 : i32
      %get3A_530 = arith.index_cast %get3A_529 : i32 to index
      %get3A_531 = arith.constant 0 : index
      %get3A_532 = tpu.vector_load %arg6[%get3A_530, %get3A_531] {strides = array<i32>} : memref<256x128xf32, #tpu.memory_space<vmem>>, vector<16xf32>,
      %add3A_533 = arith.addf %get3A_528, %get3A_532 : vector<16xf32>
      %get3A_534 = arith.constant 67 : i32
      %get3A_535 = arith.index_cast %get3A_534 : i32 to index
      %get3A_536 = arith.constant 0 : index
      %get3A_537 = tpu.vector_load %arg6[%get3A_535, %get3A_536] {strides = array<i32>} : memref<256x128xf32, #tpu.memory_space<vmem>>, vector<16xf32>,
      %add3A_538 = arith.addf %add3A_533, %get3A_537 : vector<16xf32>
      %get3A_539 = arith.constant 99 : i32
      %get3A_540 = arith.index_cast %get3A_539 : i32 to index
      %get3A_541 = arith.constant 0 : index
      %get3A_542 = tpu.vector_load %arg6[%get3A_540, %get3A_541] {strides = array<i32>} : memref<256x128xf32, #tpu.memory_space<vmem>>, vector<16xf32>,
      %add3A_543 = arith.addf %add3A_538, %get3A_542 : vector<16xf32>
      %get3A_544 = arith.constant 131 : i32
      %get3A_545 = arith.index_cast %get3A_544 : i32 to index
      %get3A_546 = arith.constant 0 : index
      %get3A_547 = tpu.vector_load %arg6[%get3A_545, %get3A_546] {strides = array<i32>} : memref<256x128xf32, #tpu.memory_space<vmem>>, vector<16xf32>,
      %add3A_548 = arith.addf %add3A_543, %get3A_547 : vector<16xf32>
      %get3A_549 = arith.constant 163 : i32
      %get3A_550 = arith.index_cast %get3A_549 : i32 to index
      %get3A_551 = arith.constant 0 : index
      %get3A_552 = tpu.vector_load %arg6[%get3A_550, %get3A_551] {strides = array<i32>} : memref<256x128xf32, #tpu.memory_space<vmem>>, vector<16xf32>,
      %add3A_553 = arith.addf %add3A_548, %get3A_552 : vector<16xf32>
      %get3A_554 = arith.constant 195 : i32
      %get3A_555 = arith.index_cast %get3A_554 : i32 to index
      %get3A_556 = arith.constant 0 : index
      %get3A_557 = tpu.vector_load %arg6[%get3A_555, %get3A_556] {strides = array<i32>} : memref<256x128xf32, #tpu.memory_space<vmem>>, vector<16xf32>,
      %add3A_558 = arith.addf %add3A_553, %get3A_557 : vector<16xf32>
      %get3A_559 = arith.constant 227 : i32
      %get3A_560 = arith.index_cast %get3A_559 : i32 to index
      %get3A_561 = arith.constant 0 : index
      %get3A_562 = tpu.vector_load %arg6[%get3A_560, %get3A_561] {strides = array<i32>} : memref<256x128xf32, #tpu.memory_space<vmem>>, vector<16xf32>,
      %add3A_563 = arith.addf %add3A_558, %get3A_562 : vector<16xf32>
      %broadcast_in_dim3A_564 = arith.constant true
      %broadcast_in_dim3A_565 = vector.broadcast %broadcast_in_dim3A_564 : i1 to vector<16xi1>
      %masked_cumsum3A_566 = tpu.scan <sum>, %add3A_563 masked %broadcast_in_dim3A_565 : vector<16xf32>, vector<16xi1> -> vector<16xf32>
      %eq3A_567 = arith.constant 3 : i32
      %eq3A_568 = vector.broadcast %eq3A_567 : i32 to vector<16xi32>
      %eq3A_569 = arith.cmpi eq, %iota3A, %eq3A_568 : vector<16xi32>
      %lt3A_570 = arith.constant 0 : i32
      %lt3A_571 = vector.broadcast %lt3A_570 : i32 to vector<16xi32>
      %lt3A_572 = arith.cmpi slt, %get3A_348, %lt3A_571 : vector<16xi32>
      %add3A_573 = arith.constant 16 : i32
      %add3A_574 = vector.broadcast %add3A_573 : i32 to vector<16xi32>
      %add3A_575 = arith.addi %get3A_348, %add3A_574 : vector<16xi32>
      %select_n3A_576 = arith.select %lt3A_572, %add3A_575, %get3A_348 : vector<16xi1>, vector<16xi32>
      %broadcast_in_dim3A_577 = vector.shape_cast %select_n3A_576 : vector<16xi32> to vector<16x1xi32>
      %gather3A_578 = vector.shape_cast %broadcast_in_dim3A_577 : vector<16x1xi32> to vector<16xi32>
      %gather3A_579 = tpu.dynamic_gather %masked_cumsum3A_566[%gather3A_578] in [0] : vector<16xf32>, vector<16xi32> -> vector<16xf32>
      %select_n3A_580 = arith.select %eq3A_569, %gather3A_579, %select_n3A_524 : vector<16xi1>, vector<16xf32>
      %get3A_581 = arith.constant 4 : i32
      %get3A_582 = arith.index_cast %get3A_581 : i32 to index
      %get3A_583 = arith.constant 0 : index
      %get3A_584 = tpu.vector_load %arg6[%get3A_582, %get3A_583] {strides = array<i32>} : memref<256x128xf32, #tpu.memory_space<vmem>>, vector<16xf32>,
      %get3A_585 = arith.constant 36 : i32
      %get3A_586 = arith.index_cast %get3A_585 : i32 to index
      %get3A_587 = arith.constant 0 : index
      %get3A_588 = tpu.vector_load %arg6[%get3A_586, %get3A_587] {strides = array<i32>} : memref<256x128xf32, #tpu.memory_space<vmem>>, vector<16xf32>,
      %add3A_589 = arith.addf %get3A_584, %get3A_588 : vector<16xf32>
      %get3A_590 = arith.constant 68 : i32
      %get3A_591 = arith.index_cast %get3A_590 : i32 to index
      %get3A_592 = arith.constant 0 : index
      %get3A_593 = tpu.vector_load %arg6[%get3A_591, %get3A_592] {strides = array<i32>} : memref<256x128xf32, #tpu.memory_space<vmem>>, vector<16xf32>,
      %add3A_594 = arith.addf %add3A_589, %get3A_593 : vector<16xf32>
      %get3A_595 = arith.constant 100 : i32
      %get3A_596 = arith.index_cast %get3A_595 : i32 to index
      %get3A_597 = arith.constant 0 : index
      %get3A_598 = tpu.vector_load %arg6[%get3A_596, %get3A_597] {strides = array<i32>} : memref<256x128xf32, #tpu.memory_space<vmem>>, vector<16xf32>,
      %add3A_599 = arith.addf %add3A_594, %get3A_598 : vector<16xf32>
      %get3A_600 = arith.constant 132 : i32
      %get3A_601 = arith.index_cast %get3A_600 : i32 to index
      %get3A_602 = arith.constant 0 : index
      %get3A_603 = tpu.vector_load %arg6[%get3A_601, %get3A_602] {strides = array<i32>} : memref<256x128xf32, #tpu.memory_space<vmem>>, vector<16xf32>,
      %add3A_604 = arith.addf %add3A_599, %get3A_603 : vector<16xf32>
      %get3A_605 = arith.constant 164 : i32
      %get3A_606 = arith.index_cast %get3A_605 : i32 to index
      %get3A_607 = arith.constant 0 : index
      %get3A_608 = tpu.vector_load %arg6[%get3A_606, %get3A_607] {strides = array<i32>} : memref<256x128xf32, #tpu.memory_space<vmem>>, vector<16xf32>,
      %add3A_609 = arith.addf %add3A_604, %get3A_608 : vector<16xf32>
      %get3A_610 = arith.constant 196 : i32
      %get3A_611 = arith.index_cast %get3A_610 : i32 to index
      %get3A_612 = arith.constant 0 : index
      %get3A_613 = tpu.vector_load %arg6[%get3A_611, %get3A_612] {strides = array<i32>} : memref<256x128xf32, #tpu.memory_space<vmem>>, vector<16xf32>,
      %add3A_614 = arith.addf %add3A_609, %get3A_613 : vector<16xf32>
      %get3A_615 = arith.constant 228 : i32
      %get3A_616 = arith.index_cast %get3A_615 : i32 to index
      %get3A_617 = arith.constant 0 : index
      %get3A_618 = tpu.vector_load %arg6[%get3A_616, %get3A_617] {strides = array<i32>} : memref<256x128xf32, #tpu.memory_space<vmem>>, vector<16xf32>,
      %add3A_619 = arith.addf %add3A_614, %get3A_618 : vector<16xf32>
      %broadcast_in_dim3A_620 = arith.constant true
      %broadcast_in_dim3A_621 = vector.broadcast %broadcast_in_dim3A_620 : i1 to vector<16xi1>
      %masked_cumsum3A_622 = tpu.scan <sum>, %add3A_619 masked %broadcast_in_dim3A_621 : vector<16xf32>, vector<16xi1> -> vector<16xf32>
      %eq3A_623 = arith.constant 4 : i32
      %eq3A_624 = vector.broadcast %eq3A_623 : i32 to vector<16xi32>
      %eq3A_625 = arith.cmpi eq, %iota3A, %eq3A_624 : vector<16xi32>
      %lt3A_626 = arith.constant 0 : i32
      %lt3A_627 = vector.broadcast %lt3A_626 : i32 to vector<16xi32>
      %lt3A_628 = arith.cmpi slt, %get3A_348, %lt3A_627 : vector<16xi32>
      %add3A_629 = arith.constant 16 : i32
      %add3A_630 = vector.broadcast %add3A_629 : i32 to vector<16xi32>
      %add3A_631 = arith.addi %get3A_348, %add3A_630 : vector<16xi32>
      %select_n3A_632 = arith.select %lt3A_628, %add3A_631, %get3A_348 : vector<16xi1>, vector<16xi32>
      %broadcast_in_dim3A_633 = vector.shape_cast %select_n3A_632 : vector<16xi32> to vector<16x1xi32>
      %gather3A_634 = vector.shape_cast %broadcast_in_dim3A_633 : vector<16x1xi32> to vector<16xi32>
      %gather3A_635 = tpu.dynamic_gather %masked_cumsum3A_622[%gather3A_634] in [0] : vector<16xf32>, vector<16xi32> -> vector<16xf32>
      %select_n3A_636 = arith.select %eq3A_625, %gather3A_635, %select_n3A_580 : vector<16xi1>, vector<16xf32>
      %get3A_637 = arith.constant 5 : i32
      %get3A_638 = arith.index_cast %get3A_637 : i32 to index
      %get3A_639 = arith.constant 0 : index
      %get3A_640 = tpu.vector_load %arg6[%get3A_638, %get3A_639] {strides = array<i32>} : memref<256x128xf32, #tpu.memory_space<vmem>>, vector<16xf32>,
      %get3A_641 = arith.constant 37 : i32
      %get3A_642 = arith.index_cast %get3A_641 : i32 to index
      %get3A_643 = arith.constant 0 : index
      %get3A_644 = tpu.vector_load %arg6[%get3A_642, %get3A_643] {strides = array<i32>} : memref<256x128xf32, #tpu.memory_space<vmem>>, vector<16xf32>,
      %add3A_645 = arith.addf %get3A_640, %get3A_644 : vector<16xf32>
      %get3A_646 = arith.constant 69 : i32
      %get3A_647 = arith.index_cast %get3A_646 : i32 to index
      %get3A_648 = arith.constant 0 : index
      %get3A_649 = tpu.vector_load %arg6[%get3A_647, %get3A_648] {strides = array<i32>} : memref<256x128xf32, #tpu.memory_space<vmem>>, vector<16xf32>,
      %add3A_650 = arith.addf %add3A_645, %get3A_649 : vector<16xf32>
      %get3A_651 = arith.constant 101 : i32
      %get3A_652 = arith.index_cast %get3A_651 : i32 to index
      %get3A_653 = arith.constant 0 : index
      %get3A_654 = tpu.vector_load %arg6[%get3A_652, %get3A_653] {strides = array<i32>} : memref<256x128xf32, #tpu.memory_space<vmem>>, vector<16xf32>,
      %add3A_655 = arith.addf %add3A_650, %get3A_654 : vector<16xf32>
      %get3A_656 = arith.constant 133 : i32
      %get3A_657 = arith.index_cast %get3A_656 : i32 to index
      %get3A_658 = arith.constant 0 : index
      %get3A_659 = tpu.vector_load %arg6[%get3A_657, %get3A_658] {strides = array<i32>} : memref<256x128xf32, #tpu.memory_space<vmem>>, vector<16xf32>,
      %add3A_660 = arith.addf %add3A_655, %get3A_659 : vector<16xf32>
      %get3A_661 = arith.constant 165 : i32
      %get3A_662 = arith.index_cast %get3A_661 : i32 to index
      %get3A_663 = arith.constant 0 : index
      %get3A_664 = tpu.vector_load %arg6[%get3A_662, %get3A_663] {strides = array<i32>} : memref<256x128xf32, #tpu.memory_space<vmem>>, vector<16xf32>,
      %add3A_665 = arith.addf %add3A_660, %get3A_664 : vector<16xf32>
      %get3A_666 = arith.constant 197 : i32
      %get3A_667 = arith.index_cast %get3A_666 : i32 to index
      %get3A_668 = arith.constant 0 : index
      %get3A_669 = tpu.vector_load %arg6[%get3A_667, %get3A_668] {strides = array<i32>} : memref<256x128xf32, #tpu.memory_space<vmem>>, vector<16xf32>,
      %add3A_670 = arith.addf %add3A_665, %get3A_669 : vector<16xf32>
      %get3A_671 = arith.constant 229 : i32
      %get3A_672 = arith.index_cast %get3A_671 : i32 to index
      %get3A_673 = arith.constant 0 : index
      %get3A_674 = tpu.vector_load %arg6[%get3A_672, %get3A_673] {strides = array<i32>} : memref<256x128xf32, #tpu.memory_space<vmem>>, vector<16xf32>,
      %add3A_675 = arith.addf %add3A_670, %get3A_674 : vector<16xf32>
      %broadcast_in_dim3A_676 = arith.constant true
      %broadcast_in_dim3A_677 = vector.broadcast %broadcast_in_dim3A_676 : i1 to vector<16xi1>
      %masked_cumsum3A_678 = tpu.scan <sum>, %add3A_675 masked %broadcast_in_dim3A_677 : vector<16xf32>, vector<16xi1> -> vector<16xf32>
      %eq3A_679 = arith.constant 5 : i32
      %eq3A_680 = vector.broadcast %eq3A_679 : i32 to vector<16xi32>
      %eq3A_681 = arith.cmpi eq, %iota3A, %eq3A_680 : vector<16xi32>
      %lt3A_682 = arith.constant 0 : i32
      %lt3A_683 = vector.broadcast %lt3A_682 : i32 to vector<16xi32>
      %lt3A_684 = arith.cmpi slt, %get3A_348, %lt3A_683 : vector<16xi32>
      %add3A_685 = arith.constant 16 : i32
      %add3A_686 = vector.broadcast %add3A_685 : i32 to vector<16xi32>
      %add3A_687 = arith.addi %get3A_348, %add3A_686 : vector<16xi32>
      %select_n3A_688 = arith.select %lt3A_684, %add3A_687, %get3A_348 : vector<16xi1>, vector<16xi32>
      %broadcast_in_dim3A_689 = vector.shape_cast %select_n3A_688 : vector<16xi32> to vector<16x1xi32>
      %gather3A_690 = vector.shape_cast %broadcast_in_dim3A_689 : vector<16x1xi32> to vector<16xi32>
      %gather3A_691 = tpu.dynamic_gather %masked_cumsum3A_678[%gather3A_690] in [0] : vector<16xf32>, vector<16xi32> -> vector<16xf32>
      %select_n3A_692 = arith.select %eq3A_681, %gather3A_691, %select_n3A_636 : vector<16xi1>, vector<16xf32>
      %get3A_693 = arith.constant 6 : i32
      %get3A_694 = arith.index_cast %get3A_693 : i32 to index
      %get3A_695 = arith.constant 0 : index
      %get3A_696 = tpu.vector_load %arg6[%get3A_694, %get3A_695] {strides = array<i32>} : memref<256x128xf32, #tpu.memory_space<vmem>>, vector<16xf32>,
      %get3A_697 = arith.constant 38 : i32
      %get3A_698 = arith.index_cast %get3A_697 : i32 to index
      %get3A_699 = arith.constant 0 : index
      %get3A_700 = tpu.vector_load %arg6[%get3A_698, %get3A_699] {strides = array<i32>} : memref<256x128xf32, #tpu.memory_space<vmem>>, vector<16xf32>,
      %add3A_701 = arith.addf %get3A_696, %get3A_700 : vector<16xf32>
      %get3A_702 = arith.constant 70 : i32
      %get3A_703 = arith.index_cast %get3A_702 : i32 to index
      %get3A_704 = arith.constant 0 : index
      %get3A_705 = tpu.vector_load %arg6[%get3A_703, %get3A_704] {strides = array<i32>} : memref<256x128xf32, #tpu.memory_space<vmem>>, vector<16xf32>,
      %add3A_706 = arith.addf %add3A_701, %get3A_705 : vector<16xf32>
      %get3A_707 = arith.constant 102 : i32
      %get3A_708 = arith.index_cast %get3A_707 : i32 to index
      %get3A_709 = arith.constant 0 : index
      %get3A_710 = tpu.vector_load %arg6[%get3A_708, %get3A_709] {strides = array<i32>} : memref<256x128xf32, #tpu.memory_space<vmem>>, vector<16xf32>,
      %add3A_711 = arith.addf %add3A_706, %get3A_710 : vector<16xf32>
      %get3A_712 = arith.constant 134 : i32
      %get3A_713 = arith.index_cast %get3A_712 : i32 to index
      %get3A_714 = arith.constant 0 : index
      %get3A_715 = tpu.vector_load %arg6[%get3A_713, %get3A_714] {strides = array<i32>} : memref<256x128xf32, #tpu.memory_space<vmem>>, vector<16xf32>,
      %add3A_716 = arith.addf %add3A_711, %get3A_715 : vector<16xf32>
      %get3A_717 = arith.constant 166 : i32
      %get3A_718 = arith.index_cast %get3A_717 : i32 to index
      %get3A_719 = arith.constant 0 : index
      %get3A_720 = tpu.vector_load %arg6[%get3A_718, %get3A_719] {strides = array<i32>} : memref<256x128xf32, #tpu.memory_space<vmem>>, vector<16xf32>,
      %add3A_721 = arith.addf %add3A_716, %get3A_720 : vector<16xf32>
      %get3A_722 = arith.constant 198 : i32
      %get3A_723 = arith.index_cast %get3A_722 : i32 to index
      %get3A_724 = arith.constant 0 : index
      %get3A_725 = tpu.vector_load %arg6[%get3A_723, %get3A_724] {strides = array<i32>} : memref<256x128xf32, #tpu.memory_space<vmem>>, vector<16xf32>,
      %add3A_726 = arith.addf %add3A_721, %get3A_725 : vector<16xf32>
      %get3A_727 = arith.constant 230 : i32
      %get3A_728 = arith.index_cast %get3A_727 : i32 to index
      %get3A_729 = arith.constant 0 : index
      %get3A_730 = tpu.vector_load %arg6[%get3A_728, %get3A_729] {strides = array<i32>} : memref<256x128xf32, #tpu.memory_space<vmem>>, vector<16xf32>,
      %add3A_731 = arith.addf %add3A_726, %get3A_730 : vector<16xf32>
      %broadcast_in_dim3A_732 = arith.constant true
      %broadcast_in_dim3A_733 = vector.broadcast %broadcast_in_dim3A_732 : i1 to vector<16xi1>
      %masked_cumsum3A_734 = tpu.scan <sum>, %add3A_731 masked %broadcast_in_dim3A_733 : vector<16xf32>, vector<16xi1> -> vector<16xf32>
      %eq3A_735 = arith.constant 6 : i32
      %eq3A_736 = vector.broadcast %eq3A_735 : i32 to vector<16xi32>
      %eq3A_737 = arith.cmpi eq, %iota3A, %eq3A_736 : vector<16xi32>
      %lt3A_738 = arith.constant 0 : i32
      %lt3A_739 = vector.broadcast %lt3A_738 : i32 to vector<16xi32>
      %lt3A_740 = arith.cmpi slt, %get3A_348, %lt3A_739 : vector<16xi32>
      %add3A_741 = arith.constant 16 : i32
      %add3A_742 = vector.broadcast %add3A_741 : i32 to vector<16xi32>
      %add3A_743 = arith.addi %get3A_348, %add3A_742 : vector<16xi32>
      %select_n3A_744 = arith.select %lt3A_740, %add3A_743, %get3A_348 : vector<16xi1>, vector<16xi32>
      %broadcast_in_dim3A_745 = vector.shape_cast %select_n3A_744 : vector<16xi32> to vector<16x1xi32>
      %gather3A_746 = vector.shape_cast %broadcast_in_dim3A_745 : vector<16x1xi32> to vector<16xi32>
      %gather3A_747 = tpu.dynamic_gather %masked_cumsum3A_734[%gather3A_746] in [0] : vector<16xf32>, vector<16xi32> -> vector<16xf32>
      %select_n3A_748 = arith.select %eq3A_737, %gather3A_747, %select_n3A_692 : vector<16xi1>, vector<16xf32>
      %get3A_749 = arith.constant 7 : i32
      %get3A_750 = arith.index_cast %get3A_749 : i32 to index
      %get3A_751 = arith.constant 0 : index
      %get3A_752 = tpu.vector_load %arg6[%get3A_750, %get3A_751] {strides = array<i32>} : memref<256x128xf32, #tpu.memory_space<vmem>>, vector<16xf32>,
      %get3A_753 = arith.constant 39 : i32
      %get3A_754 = arith.index_cast %get3A_753 : i32 to index
      %get3A_755 = arith.constant 0 : index
      %get3A_756 = tpu.vector_load %arg6[%get3A_754, %get3A_755] {strides = array<i32>} : memref<256x128xf32, #tpu.memory_space<vmem>>, vector<16xf32>,
      %add3A_757 = arith.addf %get3A_752, %get3A_756 : vector<16xf32>
      %get3A_758 = arith.constant 71 : i32
      %get3A_759 = arith.index_cast %get3A_758 : i32 to index
      %get3A_760 = arith.constant 0 : index
      %get3A_761 = tpu.vector_load %arg6[%get3A_759, %get3A_760] {strides = array<i32>} : memref<256x128xf32, #tpu.memory_space<vmem>>, vector<16xf32>,
      %add3A_762 = arith.addf %add3A_757, %get3A_761 : vector<16xf32>
      %get3A_763 = arith.constant 103 : i32
      %get3A_764 = arith.index_cast %get3A_763 : i32 to index
      %get3A_765 = arith.constant 0 : index
      %get3A_766 = tpu.vector_load %arg6[%get3A_764, %get3A_765] {strides = array<i32>} : memref<256x128xf32, #tpu.memory_space<vmem>>, vector<16xf32>,
      %add3A_767 = arith.addf %add3A_762, %get3A_766 : vector<16xf32>
      %get3A_768 = arith.constant 135 : i32
      %get3A_769 = arith.index_cast %get3A_768 : i32 to index
      %get3A_770 = arith.constant 0 : index
      %get3A_771 = tpu.vector_load %arg6[%get3A_769, %get3A_770] {strides = array<i32>} : memref<256x128xf32, #tpu.memory_space<vmem>>, vector<16xf32>,
      %add3A_772 = arith.addf %add3A_767, %get3A_771 : vector<16xf32>
      %get3A_773 = arith.constant 167 : i32
      %get3A_774 = arith.index_cast %get3A_773 : i32 to index
      %get3A_775 = arith.constant 0 : index
      %get3A_776 = tpu.vector_load %arg6[%get3A_774, %get3A_775] {strides = array<i32>} : memref<256x128xf32, #tpu.memory_space<vmem>>, vector<16xf32>,
      %add3A_777 = arith.addf %add3A_772, %get3A_776 : vector<16xf32>
      %get3A_778 = arith.constant 199 : i32
      %get3A_779 = arith.index_cast %get3A_778 : i32 to index
      %get3A_780 = arith.constant 0 : index
      %get3A_781 = tpu.vector_load %arg6[%get3A_779, %get3A_780] {strides = array<i32>} : memref<256x128xf32, #tpu.memory_space<vmem>>, vector<16xf32>,
      %add3A_782 = arith.addf %add3A_777, %get3A_781 : vector<16xf32>
      %get3A_783 = arith.constant 231 : i32
      %get3A_784 = arith.index_cast %get3A_783 : i32 to index
      %get3A_785 = arith.constant 0 : index
      %get3A_786 = tpu.vector_load %arg6[%get3A_784, %get3A_785] {strides = array<i32>} : memref<256x128xf32, #tpu.memory_space<vmem>>, vector<16xf32>,
      %add3A_787 = arith.addf %add3A_782, %get3A_786 : vector<16xf32>
      %broadcast_in_dim3A_788 = arith.constant true
      %broadcast_in_dim3A_789 = vector.broadcast %broadcast_in_dim3A_788 : i1 to vector<16xi1>
      %masked_cumsum3A_790 = tpu.scan <sum>, %add3A_787 masked %broadcast_in_dim3A_789 : vector<16xf32>, vector<16xi1> -> vector<16xf32>
      %eq3A_791 = arith.constant 7 : i32
      %eq3A_792 = vector.broadcast %eq3A_791 : i32 to vector<16xi32>
      %eq3A_793 = arith.cmpi eq, %iota3A, %eq3A_792 : vector<16xi32>
      %lt3A_794 = arith.constant 0 : i32
      %lt3A_795 = vector.broadcast %lt3A_794 : i32 to vector<16xi32>
      %lt3A_796 = arith.cmpi slt, %get3A_348, %lt3A_795 : vector<16xi32>
      %add3A_797 = arith.constant 16 : i32
      %add3A_798 = vector.broadcast %add3A_797 : i32 to vector<16xi32>
      %add3A_799 = arith.addi %get3A_348, %add3A_798 : vector<16xi32>
      %select_n3A_800 = arith.select %lt3A_796, %add3A_799, %get3A_348 : vector<16xi1>, vector<16xi32>
      %broadcast_in_dim3A_801 = vector.shape_cast %select_n3A_800 : vector<16xi32> to vector<16x1xi32>
      %gather3A_802 = vector.shape_cast %broadcast_in_dim3A_801 : vector<16x1xi32> to vector<16xi32>
      %gather3A_803 = tpu.dynamic_gather %masked_cumsum3A_790[%gather3A_802] in [0] : vector<16xf32>, vector<16xi32> -> vector<16xf32>
      %select_n3A_804 = arith.select %eq3A_793, %gather3A_803, %select_n3A_748 : vector<16xi1>, vector<16xf32>
      %get3A_805 = arith.constant 8 : i32
      %get3A_806 = arith.index_cast %get3A_805 : i32 to index
      %get3A_807 = arith.constant 0 : index
      %get3A_808 = tpu.vector_load %arg6[%get3A_806, %get3A_807] {strides = array<i32>} : memref<256x128xf32, #tpu.memory_space<vmem>>, vector<16xf32>,
      %get3A_809 = arith.constant 40 : i32
      %get3A_810 = arith.index_cast %get3A_809 : i32 to index
      %get3A_811 = arith.constant 0 : index
      %get3A_812 = tpu.vector_load %arg6[%get3A_810, %get3A_811] {strides = array<i32>} : memref<256x128xf32, #tpu.memory_space<vmem>>, vector<16xf32>,
      %add3A_813 = arith.addf %get3A_808, %get3A_812 : vector<16xf32>
      %get3A_814 = arith.constant 72 : i32
      %get3A_815 = arith.index_cast %get3A_814 : i32 to index
      %get3A_816 = arith.constant 0 : index
      %get3A_817 = tpu.vector_load %arg6[%get3A_815, %get3A_816] {strides = array<i32>} : memref<256x128xf32, #tpu.memory_space<vmem>>, vector<16xf32>,
      %add3A_818 = arith.addf %add3A_813, %get3A_817 : vector<16xf32>
      %get3A_819 = arith.constant 104 : i32
      %get3A_820 = arith.index_cast %get3A_819 : i32 to index
      %get3A_821 = arith.constant 0 : index
      %get3A_822 = tpu.vector_load %arg6[%get3A_820, %get3A_821] {strides = array<i32>} : memref<256x128xf32, #tpu.memory_space<vmem>>, vector<16xf32>,
      %add3A_823 = arith.addf %add3A_818, %get3A_822 : vector<16xf32>
      %get3A_824 = arith.constant 136 : i32
      %get3A_825 = arith.index_cast %get3A_824 : i32 to index
      %get3A_826 = arith.constant 0 : index
      %get3A_827 = tpu.vector_load %arg6[%get3A_825, %get3A_826] {strides = array<i32>} : memref<256x128xf32, #tpu.memory_space<vmem>>, vector<16xf32>,
      %add3A_828 = arith.addf %add3A_823, %get3A_827 : vector<16xf32>
      %get3A_829 = arith.constant 168 : i32
      %get3A_830 = arith.index_cast %get3A_829 : i32 to index
      %get3A_831 = arith.constant 0 : index
      %get3A_832 = tpu.vector_load %arg6[%get3A_830, %get3A_831] {strides = array<i32>} : memref<256x128xf32, #tpu.memory_space<vmem>>, vector<16xf32>,
      %add3A_833 = arith.addf %add3A_828, %get3A_832 : vector<16xf32>
      %get3A_834 = arith.constant 200 : i32
      %get3A_835 = arith.index_cast %get3A_834 : i32 to index
      %get3A_836 = arith.constant 0 : index
      %get3A_837 = tpu.vector_load %arg6[%get3A_835, %get3A_836] {strides = array<i32>} : memref<256x128xf32, #tpu.memory_space<vmem>>, vector<16xf32>,
      %add3A_838 = arith.addf %add3A_833, %get3A_837 : vector<16xf32>
      %get3A_839 = arith.constant 232 : i32
      %get3A_840 = arith.index_cast %get3A_839 : i32 to index
      %get3A_841 = arith.constant 0 : index
      %get3A_842 = tpu.vector_load %arg6[%get3A_840, %get3A_841] {strides = array<i32>} : memref<256x128xf32, #tpu.memory_space<vmem>>, vector<16xf32>,
      %add3A_843 = arith.addf %add3A_838, %get3A_842 : vector<16xf32>
      %broadcast_in_dim3A_844 = arith.constant true
      %broadcast_in_dim3A_845 = vector.broadcast %broadcast_in_dim3A_844 : i1 to vector<16xi1>
      %masked_cumsum3A_846 = tpu.scan <sum>, %add3A_843 masked %broadcast_in_dim3A_845 : vector<16xf32>, vector<16xi1> -> vector<16xf32>
      %eq3A_847 = arith.constant 8 : i32
      %eq3A_848 = vector.broadcast %eq3A_847 : i32 to vector<16xi32>
      %eq3A_849 = arith.cmpi eq, %iota3A, %eq3A_848 : vector<16xi32>
      %lt3A_850 = arith.constant 0 : i32
      %lt3A_851 = vector.broadcast %lt3A_850 : i32 to vector<16xi32>
      %lt3A_852 = arith.cmpi slt, %get3A_348, %lt3A_851 : vector<16xi32>
      %add3A_853 = arith.constant 16 : i32
      %add3A_854 = vector.broadcast %add3A_853 : i32 to vector<16xi32>
      %add3A_855 = arith.addi %get3A_348, %add3A_854 : vector<16xi32>
      %select_n3A_856 = arith.select %lt3A_852, %add3A_855, %get3A_348 : vector<16xi1>, vector<16xi32>
      %broadcast_in_dim3A_857 = vector.shape_cast %select_n3A_856 : vector<16xi32> to vector<16x1xi32>
      %gather3A_858 = vector.shape_cast %broadcast_in_dim3A_857 : vector<16x1xi32> to vector<16xi32>
      %gather3A_859 = tpu.dynamic_gather %masked_cumsum3A_846[%gather3A_858] in [0] : vector<16xf32>, vector<16xi32> -> vector<16xf32>
      %select_n3A_860 = arith.select %eq3A_849, %gather3A_859, %select_n3A_804 : vector<16xi1>, vector<16xf32>
      %get3A_861 = arith.constant 9 : i32
      %get3A_862 = arith.index_cast %get3A_861 : i32 to index
      %get3A_863 = arith.constant 0 : index
      %get3A_864 = tpu.vector_load %arg6[%get3A_862, %get3A_863] {strides = array<i32>} : memref<256x128xf32, #tpu.memory_space<vmem>>, vector<16xf32>,
      %get3A_865 = arith.constant 41 : i32
      %get3A_866 = arith.index_cast %get3A_865 : i32 to index
      %get3A_867 = arith.constant 0 : index
      %get3A_868 = tpu.vector_load %arg6[%get3A_866, %get3A_867] {strides = array<i32>} : memref<256x128xf32, #tpu.memory_space<vmem>>, vector<16xf32>,
      %add3A_869 = arith.addf %get3A_864, %get3A_868 : vector<16xf32>
      %get3A_870 = arith.constant 73 : i32
      %get3A_871 = arith.index_cast %get3A_870 : i32 to index
      %get3A_872 = arith.constant 0 : index
      %get3A_873 = tpu.vector_load %arg6[%get3A_871, %get3A_872] {strides = array<i32>} : memref<256x128xf32, #tpu.memory_space<vmem>>, vector<16xf32>,
      %add3A_874 = arith.addf %add3A_869, %get3A_873 : vector<16xf32>
      %get3A_875 = arith.constant 105 : i32
      %get3A_876 = arith.index_cast %get3A_875 : i32 to index
      %get3A_877 = arith.constant 0 : index
      %get3A_878 = tpu.vector_load %arg6[%get3A_876, %get3A_877] {strides = array<i32>} : memref<256x128xf32, #tpu.memory_space<vmem>>, vector<16xf32>,
      %add3A_879 = arith.addf %add3A_874, %get3A_878 : vector<16xf32>
      %get3A_880 = arith.constant 137 : i32
      %get3A_881 = arith.index_cast %get3A_880 : i32 to index
      %get3A_882 = arith.constant 0 : index
      %get3A_883 = tpu.vector_load %arg6[%get3A_881, %get3A_882] {strides = array<i32>} : memref<256x128xf32, #tpu.memory_space<vmem>>, vector<16xf32>,
      %add3A_884 = arith.addf %add3A_879, %get3A_883 : vector<16xf32>
      %get3A_885 = arith.constant 169 : i32
      %get3A_886 = arith.index_cast %get3A_885 : i32 to index
      %get3A_887 = arith.constant 0 : index
      %get3A_888 = tpu.vector_load %arg6[%get3A_886, %get3A_887] {strides = array<i32>} : memref<256x128xf32, #tpu.memory_space<vmem>>, vector<16xf32>,
      %add3A_889 = arith.addf %add3A_884, %get3A_888 : vector<16xf32>
      %get3A_890 = arith.constant 201 : i32
      %get3A_891 = arith.index_cast %get3A_890 : i32 to index
      %get3A_892 = arith.constant 0 : index
      %get3A_893 = tpu.vector_load %arg6[%get3A_891, %get3A_892] {strides = array<i32>} : memref<256x128xf32, #tpu.memory_space<vmem>>, vector<16xf32>,
      %add3A_894 = arith.addf %add3A_889, %get3A_893 : vector<16xf32>
      %get3A_895 = arith.constant 233 : i32
      %get3A_896 = arith.index_cast %get3A_895 : i32 to index
      %get3A_897 = arith.constant 0 : index
      %get3A_898 = tpu.vector_load %arg6[%get3A_896, %get3A_897] {strides = array<i32>} : memref<256x128xf32, #tpu.memory_space<vmem>>, vector<16xf32>,
      %add3A_899 = arith.addf %add3A_894, %get3A_898 : vector<16xf32>
      %broadcast_in_dim3A_900 = arith.constant true
      %broadcast_in_dim3A_901 = vector.broadcast %broadcast_in_dim3A_900 : i1 to vector<16xi1>
      %masked_cumsum3A_902 = tpu.scan <sum>, %add3A_899 masked %broadcast_in_dim3A_901 : vector<16xf32>, vector<16xi1> -> vector<16xf32>
      %eq3A_903 = arith.constant 9 : i32
      %eq3A_904 = vector.broadcast %eq3A_903 : i32 to vector<16xi32>
      %eq3A_905 = arith.cmpi eq, %iota3A, %eq3A_904 : vector<16xi32>
      %lt3A_906 = arith.constant 0 : i32
      %lt3A_907 = vector.broadcast %lt3A_906 : i32 to vector<16xi32>
      %lt3A_908 = arith.cmpi slt, %get3A_348, %lt3A_907 : vector<16xi32>
      %add3A_909 = arith.constant 16 : i32
      %add3A_910 = vector.broadcast %add3A_909 : i32 to vector<16xi32>
      %add3A_911 = arith.addi %get3A_348, %add3A_910 : vector<16xi32>
      %select_n3A_912 = arith.select %lt3A_908, %add3A_911, %get3A_348 : vector<16xi1>, vector<16xi32>
      %broadcast_in_dim3A_913 = vector.shape_cast %select_n3A_912 : vector<16xi32> to vector<16x1xi32>
      %gather3A_914 = vector.shape_cast %broadcast_in_dim3A_913 : vector<16x1xi32> to vector<16xi32>
      %gather3A_915 = tpu.dynamic_gather %masked_cumsum3A_902[%gather3A_914] in [0] : vector<16xf32>, vector<16xi32> -> vector<16xf32>
      %select_n3A_916 = arith.select %eq3A_905, %gather3A_915, %select_n3A_860 : vector<16xi1>, vector<16xf32>
      %get3A_917 = arith.constant 10 : i32
      %get3A_918 = arith.index_cast %get3A_917 : i32 to index
      %get3A_919 = arith.constant 0 : index
      %get3A_920 = tpu.vector_load %arg6[%get3A_918, %get3A_919] {strides = array<i32>} : memref<256x128xf32, #tpu.memory_space<vmem>>, vector<16xf32>,
      %get3A_921 = arith.constant 42 : i32
      %get3A_922 = arith.index_cast %get3A_921 : i32 to index
      %get3A_923 = arith.constant 0 : index
      %get3A_924 = tpu.vector_load %arg6[%get3A_922, %get3A_923] {strides = array<i32>} : memref<256x128xf32, #tpu.memory_space<vmem>>, vector<16xf32>,
      %add3A_925 = arith.addf %get3A_920, %get3A_924 : vector<16xf32>
      %get3A_926 = arith.constant 74 : i32
      %get3A_927 = arith.index_cast %get3A_926 : i32 to index
      %get3A_928 = arith.constant 0 : index
      %get3A_929 = tpu.vector_load %arg6[%get3A_927, %get3A_928] {strides = array<i32>} : memref<256x128xf32, #tpu.memory_space<vmem>>, vector<16xf32>,
      %add3A_930 = arith.addf %add3A_925, %get3A_929 : vector<16xf32>
      %get3A_931 = arith.constant 106 : i32
      %get3A_932 = arith.index_cast %get3A_931 : i32 to index
      %get3A_933 = arith.constant 0 : index
      %get3A_934 = tpu.vector_load %arg6[%get3A_932, %get3A_933] {strides = array<i32>} : memref<256x128xf32, #tpu.memory_space<vmem>>, vector<16xf32>,
      %add3A_935 = arith.addf %add3A_930, %get3A_934 : vector<16xf32>
      %get3A_936 = arith.constant 138 : i32
      %get3A_937 = arith.index_cast %get3A_936 : i32 to index
      %get3A_938 = arith.constant 0 : index
      %get3A_939 = tpu.vector_load %arg6[%get3A_937, %get3A_938] {strides = array<i32>} : memref<256x128xf32, #tpu.memory_space<vmem>>, vector<16xf32>,
      %add3A_940 = arith.addf %add3A_935, %get3A_939 : vector<16xf32>
      %get3A_941 = arith.constant 170 : i32
      %get3A_942 = arith.index_cast %get3A_941 : i32 to index
      %get3A_943 = arith.constant 0 : index
      %get3A_944 = tpu.vector_load %arg6[%get3A_942, %get3A_943] {strides = array<i32>} : memref<256x128xf32, #tpu.memory_space<vmem>>, vector<16xf32>,
      %add3A_945 = arith.addf %add3A_940, %get3A_944 : vector<16xf32>
      %get3A_946 = arith.constant 202 : i32
      %get3A_947 = arith.index_cast %get3A_946 : i32 to index
      %get3A_948 = arith.constant 0 : index
      %get3A_949 = tpu.vector_load %arg6[%get3A_947, %get3A_948] {strides = array<i32>} : memref<256x128xf32, #tpu.memory_space<vmem>>, vector<16xf32>,
      %add3A_950 = arith.addf %add3A_945, %get3A_949 : vector<16xf32>
      %get3A_951 = arith.constant 234 : i32
      %get3A_952 = arith.index_cast %get3A_951 : i32 to index
      %get3A_953 = arith.constant 0 : index
      %get3A_954 = tpu.vector_load %arg6[%get3A_952, %get3A_953] {strides = array<i32>} : memref<256x128xf32, #tpu.memory_space<vmem>>, vector<16xf32>,
      %add3A_955 = arith.addf %add3A_950, %get3A_954 : vector<16xf32>
      %broadcast_in_dim3A_956 = arith.constant true
      %broadcast_in_dim3A_957 = vector.broadcast %broadcast_in_dim3A_956 : i1 to vector<16xi1>
      %masked_cumsum3A_958 = tpu.scan <sum>, %add3A_955 masked %broadcast_in_dim3A_957 : vector<16xf32>, vector<16xi1> -> vector<16xf32>
      %eq3A_959 = arith.constant 10 : i32
      %eq3A_960 = vector.broadcast %eq3A_959 : i32 to vector<16xi32>
      %eq3A_961 = arith.cmpi eq, %iota3A, %eq3A_960 : vector<16xi32>
      %lt3A_962 = arith.constant 0 : i32
      %lt3A_963 = vector.broadcast %lt3A_962 : i32 to vector<16xi32>
      %lt3A_964 = arith.cmpi slt, %get3A_348, %lt3A_963 : vector<16xi32>
      %add3A_965 = arith.constant 16 : i32
      %add3A_966 = vector.broadcast %add3A_965 : i32 to vector<16xi32>
      %add3A_967 = arith.addi %get3A_348, %add3A_966 : vector<16xi32>
      %select_n3A_968 = arith.select %lt3A_964, %add3A_967, %get3A_348 : vector<16xi1>, vector<16xi32>
      %broadcast_in_dim3A_969 = vector.shape_cast %select_n3A_968 : vector<16xi32> to vector<16x1xi32>
      %gather3A_970 = vector.shape_cast %broadcast_in_dim3A_969 : vector<16x1xi32> to vector<16xi32>
      %gather3A_971 = tpu.dynamic_gather %masked_cumsum3A_958[%gather3A_970] in [0] : vector<16xf32>, vector<16xi32> -> vector<16xf32>
      %select_n3A_972 = arith.select %eq3A_961, %gather3A_971, %select_n3A_916 : vector<16xi1>, vector<16xf32>
      %get3A_973 = arith.constant 11 : i32
      %get3A_974 = arith.index_cast %get3A_973 : i32 to index
      %get3A_975 = arith.constant 0 : index
      %get3A_976 = tpu.vector_load %arg6[%get3A_974, %get3A_975] {strides = array<i32>} : memref<256x128xf32, #tpu.memory_space<vmem>>, vector<16xf32>,
      %get3A_977 = arith.constant 43 : i32
      %get3A_978 = arith.index_cast %get3A_977 : i32 to index
      %get3A_979 = arith.constant 0 : index
      %get3A_980 = tpu.vector_load %arg6[%get3A_978, %get3A_979] {strides = array<i32>} : memref<256x128xf32, #tpu.memory_space<vmem>>, vector<16xf32>,
      %add3A_981 = arith.addf %get3A_976, %get3A_980 : vector<16xf32>
      %get3A_982 = arith.constant 75 : i32
      %get3A_983 = arith.index_cast %get3A_982 : i32 to index
      %get3A_984 = arith.constant 0 : index
      %get3A_985 = tpu.vector_load %arg6[%get3A_983, %get3A_984] {strides = array<i32>} : memref<256x128xf32, #tpu.memory_space<vmem>>, vector<16xf32>,
      %add3A_986 = arith.addf %add3A_981, %get3A_985 : vector<16xf32>
      %get3A_987 = arith.constant 107 : i32
      %get3A_988 = arith.index_cast %get3A_987 : i32 to index
      %get3A_989 = arith.constant 0 : index
      %get3A_990 = tpu.vector_load %arg6[%get3A_988, %get3A_989] {strides = array<i32>} : memref<256x128xf32, #tpu.memory_space<vmem>>, vector<16xf32>,
      %add3A_991 = arith.addf %add3A_986, %get3A_990 : vector<16xf32>
      %get3A_992 = arith.constant 139 : i32
      %get3A_993 = arith.index_cast %get3A_992 : i32 to index
      %get3A_994 = arith.constant 0 : index
      %get3A_995 = tpu.vector_load %arg6[%get3A_993, %get3A_994] {strides = array<i32>} : memref<256x128xf32, #tpu.memory_space<vmem>>, vector<16xf32>,
      %add3A_996 = arith.addf %add3A_991, %get3A_995 : vector<16xf32>
      %get3A_997 = arith.constant 171 : i32
      %get3A_998 = arith.index_cast %get3A_997 : i32 to index
      %get3A_999 = arith.constant 0 : index
      %get3A_1000 = tpu.vector_load %arg6[%get3A_998, %get3A_999] {strides = array<i32>} : memref<256x128xf32, #tpu.memory_space<vmem>>, vector<16xf32>,
      %add3A_1001 = arith.addf %add3A_996, %get3A_1000 : vector<16xf32>
      %get3A_1002 = arith.constant 203 : i32
      %get3A_1003 = arith.index_cast %get3A_1002 : i32 to index
      %get3A_1004 = arith.constant 0 : index
      %get3A_1005 = tpu.vector_load %arg6[%get3A_1003, %get3A_1004] {strides = array<i32>} : memref<256x128xf32, #tpu.memory_space<vmem>>, vector<16xf32>,
      %add3A_1006 = arith.addf %add3A_1001, %get3A_1005 : vector<16xf32>
      %get3A_1007 = arith.constant 235 : i32
      %get3A_1008 = arith.index_cast %get3A_1007 : i32 to index
      %get3A_1009 = arith.constant 0 : index
      %get3A_1010 = tpu.vector_load %arg6[%get3A_1008, %get3A_1009] {strides = array<i32>} : memref<256x128xf32, #tpu.memory_space<vmem>>, vector<16xf32>,
      %add3A_1011 = arith.addf %add3A_1006, %get3A_1010 : vector<16xf32>
      %broadcast_in_dim3A_1012 = arith.constant true
      %broadcast_in_dim3A_1013 = vector.broadcast %broadcast_in_dim3A_1012 : i1 to vector<16xi1>
      %masked_cumsum3A_1014 = tpu.scan <sum>, %add3A_1011 masked %broadcast_in_dim3A_1013 : vector<16xf32>, vector<16xi1> -> vector<16xf32>
      %eq3A_1015 = arith.constant 11 : i32
      %eq3A_1016 = vector.broadcast %eq3A_1015 : i32 to vector<16xi32>
      %eq3A_1017 = arith.cmpi eq, %iota3A, %eq3A_1016 : vector<16xi32>
      %lt3A_1018 = arith.constant 0 : i32
      %lt3A_1019 = vector.broadcast %lt3A_1018 : i32 to vector<16xi32>
      %lt3A_1020 = arith.cmpi slt, %get3A_348, %lt3A_1019 : vector<16xi32>
      %add3A_1021 = arith.constant 16 : i32
      %add3A_1022 = vector.broadcast %add3A_1021 : i32 to vector<16xi32>
      %add3A_1023 = arith.addi %get3A_348, %add3A_1022 : vector<16xi32>
      %select_n3A_1024 = arith.select %lt3A_1020, %add3A_1023, %get3A_348 : vector<16xi1>, vector<16xi32>
      %broadcast_in_dim3A_1025 = vector.shape_cast %select_n3A_1024 : vector<16xi32> to vector<16x1xi32>
      %gather3A_1026 = vector.shape_cast %broadcast_in_dim3A_1025 : vector<16x1xi32> to vector<16xi32>
      %gather3A_1027 = tpu.dynamic_gather %masked_cumsum3A_1014[%gather3A_1026] in [0] : vector<16xf32>, vector<16xi32> -> vector<16xf32>
      %select_n3A_1028 = arith.select %eq3A_1017, %gather3A_1027, %select_n3A_972 : vector<16xi1>, vector<16xf32>
      %get3A_1029 = arith.constant 12 : i32
      %get3A_1030 = arith.index_cast %get3A_1029 : i32 to index
      %get3A_1031 = arith.constant 0 : index
      %get3A_1032 = tpu.vector_load %arg6[%get3A_1030, %get3A_1031] {strides = array<i32>} : memref<256x128xf32, #tpu.memory_space<vmem>>, vector<16xf32>,
      %get3A_1033 = arith.constant 44 : i32
      %get3A_1034 = arith.index_cast %get3A_1033 : i32 to index
      %get3A_1035 = arith.constant 0 : index
      %get3A_1036 = tpu.vector_load %arg6[%get3A_1034, %get3A_1035] {strides = array<i32>} : memref<256x128xf32, #tpu.memory_space<vmem>>, vector<16xf32>,
      %add3A_1037 = arith.addf %get3A_1032, %get3A_1036 : vector<16xf32>
      %get3A_1038 = arith.constant 76 : i32
      %get3A_1039 = arith.index_cast %get3A_1038 : i32 to index
      %get3A_1040 = arith.constant 0 : index
      %get3A_1041 = tpu.vector_load %arg6[%get3A_1039, %get3A_1040] {strides = array<i32>} : memref<256x128xf32, #tpu.memory_space<vmem>>, vector<16xf32>,
      %add3A_1042 = arith.addf %add3A_1037, %get3A_1041 : vector<16xf32>
      %get3A_1043 = arith.constant 108 : i32
      %get3A_1044 = arith.index_cast %get3A_1043 : i32 to index
      %get3A_1045 = arith.constant 0 : index
      %get3A_1046 = tpu.vector_load %arg6[%get3A_1044, %get3A_1045] {strides = array<i32>} : memref<256x128xf32, #tpu.memory_space<vmem>>, vector<16xf32>,
      %add3A_1047 = arith.addf %add3A_1042, %get3A_1046 : vector<16xf32>
      %get3A_1048 = arith.constant 140 : i32
      %get3A_1049 = arith.index_cast %get3A_1048 : i32 to index
      %get3A_1050 = arith.constant 0 : index
      %get3A_1051 = tpu.vector_load %arg6[%get3A_1049, %get3A_1050] {strides = array<i32>} : memref<256x128xf32, #tpu.memory_space<vmem>>, vector<16xf32>,
      %add3A_1052 = arith.addf %add3A_1047, %get3A_1051 : vector<16xf32>
      %get3A_1053 = arith.constant 172 : i32
      %get3A_1054 = arith.index_cast %get3A_1053 : i32 to index
      %get3A_1055 = arith.constant 0 : index
      %get3A_1056 = tpu.vector_load %arg6[%get3A_1054, %get3A_1055] {strides = array<i32>} : memref<256x128xf32, #tpu.memory_space<vmem>>, vector<16xf32>,
      %add3A_1057 = arith.addf %add3A_1052, %get3A_1056 : vector<16xf32>
      %get3A_1058 = arith.constant 204 : i32
      %get3A_1059 = arith.index_cast %get3A_1058 : i32 to index
      %get3A_1060 = arith.constant 0 : index
      %get3A_1061 = tpu.vector_load %arg6[%get3A_1059, %get3A_1060] {strides = array<i32>} : memref<256x128xf32, #tpu.memory_space<vmem>>, vector<16xf32>,
      %add3A_1062 = arith.addf %add3A_1057, %get3A_1061 : vector<16xf32>
      %get3A_1063 = arith.constant 236 : i32
      %get3A_1064 = arith.index_cast %get3A_1063 : i32 to index
      %get3A_1065 = arith.constant 0 : index
      %get3A_1066 = tpu.vector_load %arg6[%get3A_1064, %get3A_1065] {strides = array<i32>} : memref<256x128xf32, #tpu.memory_space<vmem>>, vector<16xf32>,
      %add3A_1067 = arith.addf %add3A_1062, %get3A_1066 : vector<16xf32>
      %broadcast_in_dim3A_1068 = arith.constant true
      %broadcast_in_dim3A_1069 = vector.broadcast %broadcast_in_dim3A_1068 : i1 to vector<16xi1>
      %masked_cumsum3A_1070 = tpu.scan <sum>, %add3A_1067 masked %broadcast_in_dim3A_1069 : vector<16xf32>, vector<16xi1> -> vector<16xf32>
      %eq3A_1071 = arith.constant 12 : i32
      %eq3A_1072 = vector.broadcast %eq3A_1071 : i32 to vector<16xi32>
      %eq3A_1073 = arith.cmpi eq, %iota3A, %eq3A_1072 : vector<16xi32>
      %lt3A_1074 = arith.constant 0 : i32
      %lt3A_1075 = vector.broadcast %lt3A_1074 : i32 to vector<16xi32>
      %lt3A_1076 = arith.cmpi slt, %get3A_348, %lt3A_1075 : vector<16xi32>
      %add3A_1077 = arith.constant 16 : i32
      %add3A_1078 = vector.broadcast %add3A_1077 : i32 to vector<16xi32>
      %add3A_1079 = arith.addi %get3A_348, %add3A_1078 : vector<16xi32>
      %select_n3A_1080 = arith.select %lt3A_1076, %add3A_1079, %get3A_348 : vector<16xi1>, vector<16xi32>
      %broadcast_in_dim3A_1081 = vector.shape_cast %select_n3A_1080 : vector<16xi32> to vector<16x1xi32>
      %gather3A_1082 = vector.shape_cast %broadcast_in_dim3A_1081 : vector<16x1xi32> to vector<16xi32>
      %gather3A_1083 = tpu.dynamic_gather %masked_cumsum3A_1070[%gather3A_1082] in [0] : vector<16xf32>, vector<16xi32> -> vector<16xf32>
      %select_n3A_1084 = arith.select %eq3A_1073, %gather3A_1083, %select_n3A_1028 : vector<16xi1>, vector<16xf32>
      %get3A_1085 = arith.constant 13 : i32
      %get3A_1086 = arith.index_cast %get3A_1085 : i32 to index
      %get3A_1087 = arith.constant 0 : index
      %get3A_1088 = tpu.vector_load %arg6[%get3A_1086, %get3A_1087] {strides = array<i32>} : memref<256x128xf32, #tpu.memory_space<vmem>>, vector<16xf32>,
      %get3A_1089 = arith.constant 45 : i32
      %get3A_1090 = arith.index_cast %get3A_1089 : i32 to index
      %get3A_1091 = arith.constant 0 : index
      %get3A_1092 = tpu.vector_load %arg6[%get3A_1090, %get3A_1091] {strides = array<i32>} : memref<256x128xf32, #tpu.memory_space<vmem>>, vector<16xf32>,
      %add3A_1093 = arith.addf %get3A_1088, %get3A_1092 : vector<16xf32>
      %get3A_1094 = arith.constant 77 : i32
      %get3A_1095 = arith.index_cast %get3A_1094 : i32 to index
      %get3A_1096 = arith.constant 0 : index
      %get3A_1097 = tpu.vector_load %arg6[%get3A_1095, %get3A_1096] {strides = array<i32>} : memref<256x128xf32, #tpu.memory_space<vmem>>, vector<16xf32>,
      %add3A_1098 = arith.addf %add3A_1093, %get3A_1097 : vector<16xf32>
      %get3A_1099 = arith.constant 109 : i32
      %get3A_1100 = arith.index_cast %get3A_1099 : i32 to index
      %get3A_1101 = arith.constant 0 : index
      %get3A_1102 = tpu.vector_load %arg6[%get3A_1100, %get3A_1101] {strides = array<i32>} : memref<256x128xf32, #tpu.memory_space<vmem>>, vector<16xf32>,
      %add3A_1103 = arith.addf %add3A_1098, %get3A_1102 : vector<16xf32>
      %get3A_1104 = arith.constant 141 : i32
      %get3A_1105 = arith.index_cast %get3A_1104 : i32 to index
      %get3A_1106 = arith.constant 0 : index
      %get3A_1107 = tpu.vector_load %arg6[%get3A_1105, %get3A_1106] {strides = array<i32>} : memref<256x128xf32, #tpu.memory_space<vmem>>, vector<16xf32>,
      %add3A_1108 = arith.addf %add3A_1103, %get3A_1107 : vector<16xf32>
      %get3A_1109 = arith.constant 173 : i32
      %get3A_1110 = arith.index_cast %get3A_1109 : i32 to index
      %get3A_1111 = arith.constant 0 : index
      %get3A_1112 = tpu.vector_load %arg6[%get3A_1110, %get3A_1111] {strides = array<i32>} : memref<256x128xf32, #tpu.memory_space<vmem>>, vector<16xf32>,
      %add3A_1113 = arith.addf %add3A_1108, %get3A_1112 : vector<16xf32>
      %get3A_1114 = arith.constant 205 : i32
      %get3A_1115 = arith.index_cast %get3A_1114 : i32 to index
      %get3A_1116 = arith.constant 0 : index
      %get3A_1117 = tpu.vector_load %arg6[%get3A_1115, %get3A_1116] {strides = array<i32>} : memref<256x128xf32, #tpu.memory_space<vmem>>, vector<16xf32>,
      %add3A_1118 = arith.addf %add3A_1113, %get3A_1117 : vector<16xf32>
      %get3A_1119 = arith.constant 237 : i32
      %get3A_1120 = arith.index_cast %get3A_1119 : i32 to index
      %get3A_1121 = arith.constant 0 : index
      %get3A_1122 = tpu.vector_load %arg6[%get3A_1120, %get3A_1121] {strides = array<i32>} : memref<256x128xf32, #tpu.memory_space<vmem>>, vector<16xf32>,
      %add3A_1123 = arith.addf %add3A_1118, %get3A_1122 : vector<16xf32>
      %broadcast_in_dim3A_1124 = arith.constant true
      %broadcast_in_dim3A_1125 = vector.broadcast %broadcast_in_dim3A_1124 : i1 to vector<16xi1>
      %masked_cumsum3A_1126 = tpu.scan <sum>, %add3A_1123 masked %broadcast_in_dim3A_1125 : vector<16xf32>, vector<16xi1> -> vector<16xf32>
      %eq3A_1127 = arith.constant 13 : i32
      %eq3A_1128 = vector.broadcast %eq3A_1127 : i32 to vector<16xi32>
      %eq3A_1129 = arith.cmpi eq, %iota3A, %eq3A_1128 : vector<16xi32>
      %lt3A_1130 = arith.constant 0 : i32
      %lt3A_1131 = vector.broadcast %lt3A_1130 : i32 to vector<16xi32>
      %lt3A_1132 = arith.cmpi slt, %get3A_348, %lt3A_1131 : vector<16xi32>
      %add3A_1133 = arith.constant 16 : i32
      %add3A_1134 = vector.broadcast %add3A_1133 : i32 to vector<16xi32>
      %add3A_1135 = arith.addi %get3A_348, %add3A_1134 : vector<16xi32>
      %select_n3A_1136 = arith.select %lt3A_1132, %add3A_1135, %get3A_348 : vector<16xi1>, vector<16xi32>
      %broadcast_in_dim3A_1137 = vector.shape_cast %select_n3A_1136 : vector<16xi32> to vector<16x1xi32>
      %gather3A_1138 = vector.shape_cast %broadcast_in_dim3A_1137 : vector<16x1xi32> to vector<16xi32>
      %gather3A_1139 = tpu.dynamic_gather %masked_cumsum3A_1126[%gather3A_1138] in [0] : vector<16xf32>, vector<16xi32> -> vector<16xf32>
      %select_n3A_1140 = arith.select %eq3A_1129, %gather3A_1139, %select_n3A_1084 : vector<16xi1>, vector<16xf32>
      %get3A_1141 = arith.constant 14 : i32
      %get3A_1142 = arith.index_cast %get3A_1141 : i32 to index
      %get3A_1143 = arith.constant 0 : index
      %get3A_1144 = tpu.vector_load %arg6[%get3A_1142, %get3A_1143] {strides = array<i32>} : memref<256x128xf32, #tpu.memory_space<vmem>>, vector<16xf32>,
      %get3A_1145 = arith.constant 46 : i32
      %get3A_1146 = arith.index_cast %get3A_1145 : i32 to index
      %get3A_1147 = arith.constant 0 : index
      %get3A_1148 = tpu.vector_load %arg6[%get3A_1146, %get3A_1147] {strides = array<i32>} : memref<256x128xf32, #tpu.memory_space<vmem>>, vector<16xf32>,
      %add3A_1149 = arith.addf %get3A_1144, %get3A_1148 : vector<16xf32>
      %get3A_1150 = arith.constant 78 : i32
      %get3A_1151 = arith.index_cast %get3A_1150 : i32 to index
      %get3A_1152 = arith.constant 0 : index
      %get3A_1153 = tpu.vector_load %arg6[%get3A_1151, %get3A_1152] {strides = array<i32>} : memref<256x128xf32, #tpu.memory_space<vmem>>, vector<16xf32>,
      %add3A_1154 = arith.addf %add3A_1149, %get3A_1153 : vector<16xf32>
      %get3A_1155 = arith.constant 110 : i32
      %get3A_1156 = arith.index_cast %get3A_1155 : i32 to index
      %get3A_1157 = arith.constant 0 : index
      %get3A_1158 = tpu.vector_load %arg6[%get3A_1156, %get3A_1157] {strides = array<i32>} : memref<256x128xf32, #tpu.memory_space<vmem>>, vector<16xf32>,
      %add3A_1159 = arith.addf %add3A_1154, %get3A_1158 : vector<16xf32>
      %get3A_1160 = arith.constant 142 : i32
      %get3A_1161 = arith.index_cast %get3A_1160 : i32 to index
      %get3A_1162 = arith.constant 0 : index
      %get3A_1163 = tpu.vector_load %arg6[%get3A_1161, %get3A_1162] {strides = array<i32>} : memref<256x128xf32, #tpu.memory_space<vmem>>, vector<16xf32>,
      %add3A_1164 = arith.addf %add3A_1159, %get3A_1163 : vector<16xf32>
      %get3A_1165 = arith.constant 174 : i32
      %get3A_1166 = arith.index_cast %get3A_1165 : i32 to index
      %get3A_1167 = arith.constant 0 : index
      %get3A_1168 = tpu.vector_load %arg6[%get3A_1166, %get3A_1167] {strides = array<i32>} : memref<256x128xf32, #tpu.memory_space<vmem>>, vector<16xf32>,
      %add3A_1169 = arith.addf %add3A_1164, %get3A_1168 : vector<16xf32>
      %get3A_1170 = arith.constant 206 : i32
      %get3A_1171 = arith.index_cast %get3A_1170 : i32 to index
      %get3A_1172 = arith.constant 0 : index
      %get3A_1173 = tpu.vector_load %arg6[%get3A_1171, %get3A_1172] {strides = array<i32>} : memref<256x128xf32, #tpu.memory_space<vmem>>, vector<16xf32>,
      %add3A_1174 = arith.addf %add3A_1169, %get3A_1173 : vector<16xf32>
      %get3A_1175 = arith.constant 238 : i32
      %get3A_1176 = arith.index_cast %get3A_1175 : i32 to index
      %get3A_1177 = arith.constant 0 : index
      %get3A_1178 = tpu.vector_load %arg6[%get3A_1176, %get3A_1177] {strides = array<i32>} : memref<256x128xf32, #tpu.memory_space<vmem>>, vector<16xf32>,
      %add3A_1179 = arith.addf %add3A_1174, %get3A_1178 : vector<16xf32>
      %broadcast_in_dim3A_1180 = arith.constant true
      %broadcast_in_dim3A_1181 = vector.broadcast %broadcast_in_dim3A_1180 : i1 to vector<16xi1>
      %masked_cumsum3A_1182 = tpu.scan <sum>, %add3A_1179 masked %broadcast_in_dim3A_1181 : vector<16xf32>, vector<16xi1> -> vector<16xf32>
      %eq3A_1183 = arith.constant 14 : i32
      %eq3A_1184 = vector.broadcast %eq3A_1183 : i32 to vector<16xi32>
      %eq3A_1185 = arith.cmpi eq, %iota3A, %eq3A_1184 : vector<16xi32>
      %lt3A_1186 = arith.constant 0 : i32
      %lt3A_1187 = vector.broadcast %lt3A_1186 : i32 to vector<16xi32>
      %lt3A_1188 = arith.cmpi slt, %get3A_348, %lt3A_1187 : vector<16xi32>
      %add3A_1189 = arith.constant 16 : i32
      %add3A_1190 = vector.broadcast %add3A_1189 : i32 to vector<16xi32>
      %add3A_1191 = arith.addi %get3A_348, %add3A_1190 : vector<16xi32>
      %select_n3A_1192 = arith.select %lt3A_1188, %add3A_1191, %get3A_348 : vector<16xi1>, vector<16xi32>
      %broadcast_in_dim3A_1193 = vector.shape_cast %select_n3A_1192 : vector<16xi32> to vector<16x1xi32>
      %gather3A_1194 = vector.shape_cast %broadcast_in_dim3A_1193 : vector<16x1xi32> to vector<16xi32>
      %gather3A_1195 = tpu.dynamic_gather %masked_cumsum3A_1182[%gather3A_1194] in [0] : vector<16xf32>, vector<16xi32> -> vector<16xf32>
      %select_n3A_1196 = arith.select %eq3A_1185, %gather3A_1195, %select_n3A_1140 : vector<16xi1>, vector<16xf32>
      %get3A_1197 = arith.constant 15 : i32
      %get3A_1198 = arith.index_cast %get3A_1197 : i32 to index
      %get3A_1199 = arith.constant 0 : index
      %get3A_1200 = tpu.vector_load %arg6[%get3A_1198, %get3A_1199] {strides = array<i32>} : memref<256x128xf32, #tpu.memory_space<vmem>>, vector<16xf32>,
      %get3A_1201 = arith.constant 47 : i32
      %get3A_1202 = arith.index_cast %get3A_1201 : i32 to index
      %get3A_1203 = arith.constant 0 : index
      %get3A_1204 = tpu.vector_load %arg6[%get3A_1202, %get3A_1203] {strides = array<i32>} : memref<256x128xf32, #tpu.memory_space<vmem>>, vector<16xf32>,
      %add3A_1205 = arith.addf %get3A_1200, %get3A_1204 : vector<16xf32>
      %get3A_1206 = arith.constant 79 : i32
      %get3A_1207 = arith.index_cast %get3A_1206 : i32 to index
      %get3A_1208 = arith.constant 0 : index
      %get3A_1209 = tpu.vector_load %arg6[%get3A_1207, %get3A_1208] {strides = array<i32>} : memref<256x128xf32, #tpu.memory_space<vmem>>, vector<16xf32>,
      %add3A_1210 = arith.addf %add3A_1205, %get3A_1209 : vector<16xf32>
      %get3A_1211 = arith.constant 111 : i32
      %get3A_1212 = arith.index_cast %get3A_1211 : i32 to index
      %get3A_1213 = arith.constant 0 : index
      %get3A_1214 = tpu.vector_load %arg6[%get3A_1212, %get3A_1213] {strides = array<i32>} : memref<256x128xf32, #tpu.memory_space<vmem>>, vector<16xf32>,
      %add3A_1215 = arith.addf %add3A_1210, %get3A_1214 : vector<16xf32>
      %get3A_1216 = arith.constant 143 : i32
      %get3A_1217 = arith.index_cast %get3A_1216 : i32 to index
      %get3A_1218 = arith.constant 0 : index
      %get3A_1219 = tpu.vector_load %arg6[%get3A_1217, %get3A_1218] {strides = array<i32>} : memref<256x128xf32, #tpu.memory_space<vmem>>, vector<16xf32>,
      %add3A_1220 = arith.addf %add3A_1215, %get3A_1219 : vector<16xf32>
      %get3A_1221 = arith.constant 175 : i32
      %get3A_1222 = arith.index_cast %get3A_1221 : i32 to index
      %get3A_1223 = arith.constant 0 : index
      %get3A_1224 = tpu.vector_load %arg6[%get3A_1222, %get3A_1223] {strides = array<i32>} : memref<256x128xf32, #tpu.memory_space<vmem>>, vector<16xf32>,
      %add3A_1225 = arith.addf %add3A_1220, %get3A_1224 : vector<16xf32>
      %get3A_1226 = arith.constant 207 : i32
      %get3A_1227 = arith.index_cast %get3A_1226 : i32 to index
      %get3A_1228 = arith.constant 0 : index
      %get3A_1229 = tpu.vector_load %arg6[%get3A_1227, %get3A_1228] {strides = array<i32>} : memref<256x128xf32, #tpu.memory_space<vmem>>, vector<16xf32>,
      %add3A_1230 = arith.addf %add3A_1225, %get3A_1229 : vector<16xf32>
      %get3A_1231 = arith.constant 239 : i32
      %get3A_1232 = arith.index_cast %get3A_1231 : i32 to index
      %get3A_1233 = arith.constant 0 : index
      %get3A_1234 = tpu.vector_load %arg6[%get3A_1232, %get3A_1233] {strides = array<i32>} : memref<256x128xf32, #tpu.memory_space<vmem>>, vector<16xf32>,
      %add3A_1235 = arith.addf %add3A_1230, %get3A_1234 : vector<16xf32>
      %broadcast_in_dim3A_1236 = arith.constant true
      %broadcast_in_dim3A_1237 = vector.broadcast %broadcast_in_dim3A_1236 : i1 to vector<16xi1>
      %masked_cumsum3A_1238 = tpu.scan <sum>, %add3A_1235 masked %broadcast_in_dim3A_1237 : vector<16xf32>, vector<16xi1> -> vector<16xf32>
      %eq3A_1239 = arith.constant 15 : i32
      %eq3A_1240 = vector.broadcast %eq3A_1239 : i32 to vector<16xi32>
      %eq3A_1241 = arith.cmpi eq, %iota3A, %eq3A_1240 : vector<16xi32>
      %lt3A_1242 = arith.constant 0 : i32
      %lt3A_1243 = vector.broadcast %lt3A_1242 : i32 to vector<16xi32>
      %lt3A_1244 = arith.cmpi slt, %get3A_348, %lt3A_1243 : vector<16xi32>
      %add3A_1245 = arith.constant 16 : i32
      %add3A_1246 = vector.broadcast %add3A_1245 : i32 to vector<16xi32>
      %add3A_1247 = arith.addi %get3A_348, %add3A_1246 : vector<16xi32>
      %select_n3A_1248 = arith.select %lt3A_1244, %add3A_1247, %get3A_348 : vector<16xi1>, vector<16xi32>
      %broadcast_in_dim3A_1249 = vector.shape_cast %select_n3A_1248 : vector<16xi32> to vector<16x1xi32>
      %gather3A_1250 = vector.shape_cast %broadcast_in_dim3A_1249 : vector<16x1xi32> to vector<16xi32>
      %gather3A_1251 = tpu.dynamic_gather %masked_cumsum3A_1238[%gather3A_1250] in [0] : vector<16xf32>, vector<16xi32> -> vector<16xf32>
      %select_n3A_1252 = arith.select %eq3A_1241, %gather3A_1251, %select_n3A_1196 : vector<16xi1>, vector<16xf32>
      %gt3A = arith.constant 0 : i32
      %gt3A_1253 = vector.broadcast %gt3A : i32 to vector<16xi32>
      %gt3A_1254 = arith.cmpi sgt, %get3A_342, %gt3A_1253 : vector<16xi32>
      %sub3A_1255 = arith.constant 1.000000e+00 : f32
      %sub3A_1256 = vector.broadcast %sub3A_1255 : f32 to vector<16xf32>
      %sub3A_1257 = arith.subf %sub3A_1256, %select_n3A_1252 : vector<16xf32>
      %select_n3A_1258 = arith.select %gt3A_1254, %gather3A, %sub3A_1257 : vector<16xi1>, vector<16xf32>
      %mul3A_1259 = arith.constant 32 : i32
      %mul3A_1260 = arith.muli %mul3A_112, %mul3A_1259 : i32
      %add3A_1261 = arith.constant 0 : i32
      %add3A_1262 = arith.addi %mul3A_1260, %add3A_1261 : i32
      %swap3A = arith.index_cast %add3A_1262 : i32 to index
      %swap3A_1263 = tpu.vector_load %arg10[%swap3A] {strides = array<i32>} : memref<512xf32, #tpu.memory_space<vmem>>, vector<16xf32>,
      tpu.vector_store %arg10[%swap3A], %select_n3A_1258 {strides = array<i32>} : memref<512xf32, #tpu.memory_space<vmem>>, vector<16xf32>,
      %mul3A_1264 = arith.constant 32 : i32
      %mul3A_1265 = arith.muli %mul3A_112, %mul3A_1264 : i32
      %add3A_1266 = arith.constant 16 : i32
      %add3A_1267 = arith.addi %mul3A_1265, %add3A_1266 : i32
      %get3A_1268 = arith.index_cast %add3A_1267 : i32 to index
      %get3A_1269 = tpu.vector_load %arg8[%get3A_1268] {strides = array<i32>} : memref<512xi32, #tpu.memory_space<vmem>>, vector<16xi32>,
      %mul3A_1270 = arith.constant 32 : i32
      %mul3A_1271 = arith.muli %mul3A_112, %mul3A_1270 : i32
      %add3A_1272 = arith.constant 16 : i32
      %add3A_1273 = arith.addi %mul3A_1271, %add3A_1272 : i32
      %get3A_1274 = arith.index_cast %add3A_1273 : i32 to index
      %get3A_1275 = tpu.vector_load %arg9[%get3A_1274] {strides = array<i32>} : memref<512xi32, #tpu.memory_space<vmem>>, vector<16xi32>,
      %sub3A_1276 = arith.constant 1 : i32
      %sub3A_1277 = vector.broadcast %sub3A_1276 : i32 to vector<16xi32>
      %sub3A_1278 = arith.subi %get3A_1269, %sub3A_1277 : vector<16xi32>
      %max3A_1279 = arith.constant 0 : i32
      %max3A_1280 = vector.broadcast %max3A_1279 : i32 to vector<16xi32>
      %max3A_1281 = arith.maxsi %sub3A_1278, %max3A_1280 : vector<16xi32>
      %mul3A_1282 = arith.constant 32 : i32
      %mul3A_1283 = vector.broadcast %mul3A_1282 : i32 to vector<16xi32>
      %mul3A_1284 = arith.muli %max3A_1281, %mul3A_1283 : vector<16xi32>
      %add3A_1285 = arith.constant 16 : i32
      %add3A_1286 = vector.broadcast %add3A_1285 : i32 to vector<16xi32>
      %add3A_1287 = arith.addi %mul3A_1284, %add3A_1286 : vector<16xi32>
      %add3A_1288 = arith.addi %add3A_1287, %iota3A : vector<16xi32>
      %gather3A_1289 = tpu.vector_load_idx %arg6[%add3A_1288, %get3A_1275] : memref<256x128xf32, #tpu.memory_space<vmem>>[vector<16xi32>, vector<16xi32>], vector<16xf32>,
      %broadcast_in_dim3A_1290 = arith.constant 0.000000e+00 : f32
      %broadcast_in_dim3A_1291 = vector.broadcast %broadcast_in_dim3A_1290 : f32 to vector<16xf32>
      %get3A_1292 = arith.constant 16 : i32
      %get3A_1293 = arith.index_cast %get3A_1292 : i32 to index
      %get3A_1294 = arith.constant 0 : index
      %get3A_1295 = tpu.vector_load %arg6[%get3A_1293, %get3A_1294] {strides = array<i32>} : memref<256x128xf32, #tpu.memory_space<vmem>>, vector<16xf32>,
      %get3A_1296 = arith.constant 48 : i32
      %get3A_1297 = arith.index_cast %get3A_1296 : i32 to index
      %get3A_1298 = arith.constant 0 : index
      %get3A_1299 = tpu.vector_load %arg6[%get3A_1297, %get3A_1298] {strides = array<i32>} : memref<256x128xf32, #tpu.memory_space<vmem>>, vector<16xf32>,
      %add3A_1300 = arith.addf %get3A_1295, %get3A_1299 : vector<16xf32>
      %get3A_1301 = arith.constant 80 : i32
      %get3A_1302 = arith.index_cast %get3A_1301 : i32 to index
      %get3A_1303 = arith.constant 0 : index
      %get3A_1304 = tpu.vector_load %arg6[%get3A_1302, %get3A_1303] {strides = array<i32>} : memref<256x128xf32, #tpu.memory_space<vmem>>, vector<16xf32>,
      %add3A_1305 = arith.addf %add3A_1300, %get3A_1304 : vector<16xf32>
      %get3A_1306 = arith.constant 112 : i32
      %get3A_1307 = arith.index_cast %get3A_1306 : i32 to index
      %get3A_1308 = arith.constant 0 : index
      %get3A_1309 = tpu.vector_load %arg6[%get3A_1307, %get3A_1308] {strides = array<i32>} : memref<256x128xf32, #tpu.memory_space<vmem>>, vector<16xf32>,
      %add3A_1310 = arith.addf %add3A_1305, %get3A_1309 : vector<16xf32>
      %get3A_1311 = arith.constant 144 : i32
      %get3A_1312 = arith.index_cast %get3A_1311 : i32 to index
      %get3A_1313 = arith.constant 0 : index
      %get3A_1314 = tpu.vector_load %arg6[%get3A_1312, %get3A_1313] {strides = array<i32>} : memref<256x128xf32, #tpu.memory_space<vmem>>, vector<16xf32>,
      %add3A_1315 = arith.addf %add3A_1310, %get3A_1314 : vector<16xf32>
      %get3A_1316 = arith.constant 176 : i32
      %get3A_1317 = arith.index_cast %get3A_1316 : i32 to index
      %get3A_1318 = arith.constant 0 : index
      %get3A_1319 = tpu.vector_load %arg6[%get3A_1317, %get3A_1318] {strides = array<i32>} : memref<256x128xf32, #tpu.memory_space<vmem>>, vector<16xf32>,
      %add3A_1320 = arith.addf %add3A_1315, %get3A_1319 : vector<16xf32>
      %get3A_1321 = arith.constant 208 : i32
      %get3A_1322 = arith.index_cast %get3A_1321 : i32 to index
      %get3A_1323 = arith.constant 0 : index
      %get3A_1324 = tpu.vector_load %arg6[%get3A_1322, %get3A_1323] {strides = array<i32>} : memref<256x128xf32, #tpu.memory_space<vmem>>, vector<16xf32>,
      %add3A_1325 = arith.addf %add3A_1320, %get3A_1324 : vector<16xf32>
      %get3A_1326 = arith.constant 240 : i32
      %get3A_1327 = arith.index_cast %get3A_1326 : i32 to index
      %get3A_1328 = arith.constant 0 : index
      %get3A_1329 = tpu.vector_load %arg6[%get3A_1327, %get3A_1328] {strides = array<i32>} : memref<256x128xf32, #tpu.memory_space<vmem>>, vector<16xf32>,
      %add3A_1330 = arith.addf %add3A_1325, %get3A_1329 : vector<16xf32>
      %broadcast_in_dim3A_1331 = arith.constant true
      %broadcast_in_dim3A_1332 = vector.broadcast %broadcast_in_dim3A_1331 : i1 to vector<16xi1>
      %masked_cumsum3A_1333 = tpu.scan <sum>, %add3A_1330 masked %broadcast_in_dim3A_1332 : vector<16xf32>, vector<16xi1> -> vector<16xf32>
      %eq3A_1334 = arith.constant 0 : i32
      %eq3A_1335 = vector.broadcast %eq3A_1334 : i32 to vector<16xi32>
      %eq3A_1336 = arith.cmpi eq, %iota3A, %eq3A_1335 : vector<16xi32>
      %lt3A_1337 = arith.constant 0 : i32
      %lt3A_1338 = vector.broadcast %lt3A_1337 : i32 to vector<16xi32>
      %lt3A_1339 = arith.cmpi slt, %get3A_1275, %lt3A_1338 : vector<16xi32>
      %add3A_1340 = arith.constant 16 : i32
      %add3A_1341 = vector.broadcast %add3A_1340 : i32 to vector<16xi32>
      %add3A_1342 = arith.addi %get3A_1275, %add3A_1341 : vector<16xi32>
      %select_n3A_1343 = arith.select %lt3A_1339, %add3A_1342, %get3A_1275 : vector<16xi1>, vector<16xi32>
      %broadcast_in_dim3A_1344 = vector.shape_cast %select_n3A_1343 : vector<16xi32> to vector<16x1xi32>
      %gather3A_1345 = vector.shape_cast %broadcast_in_dim3A_1344 : vector<16x1xi32> to vector<16xi32>
      %gather3A_1346 = tpu.dynamic_gather %masked_cumsum3A_1333[%gather3A_1345] in [0] : vector<16xf32>, vector<16xi32> -> vector<16xf32>
      %select_n3A_1347 = arith.select %eq3A_1336, %gather3A_1346, %broadcast_in_dim3A_1291 : vector<16xi1>, vector<16xf32>
      %get3A_1348 = arith.constant 17 : i32
      %get3A_1349 = arith.index_cast %get3A_1348 : i32 to index
      %get3A_1350 = arith.constant 0 : index
      %get3A_1351 = tpu.vector_load %arg6[%get3A_1349, %get3A_1350] {strides = array<i32>} : memref<256x128xf32, #tpu.memory_space<vmem>>, vector<16xf32>,
      %get3A_1352 = arith.constant 49 : i32
      %get3A_1353 = arith.index_cast %get3A_1352 : i32 to index
      %get3A_1354 = arith.constant 0 : index
      %get3A_1355 = tpu.vector_load %arg6[%get3A_1353, %get3A_1354] {strides = array<i32>} : memref<256x128xf32, #tpu.memory_space<vmem>>, vector<16xf32>,
      %add3A_1356 = arith.addf %get3A_1351, %get3A_1355 : vector<16xf32>
      %get3A_1357 = arith.constant 81 : i32
      %get3A_1358 = arith.index_cast %get3A_1357 : i32 to index
      %get3A_1359 = arith.constant 0 : index
      %get3A_1360 = tpu.vector_load %arg6[%get3A_1358, %get3A_1359] {strides = array<i32>} : memref<256x128xf32, #tpu.memory_space<vmem>>, vector<16xf32>,
      %add3A_1361 = arith.addf %add3A_1356, %get3A_1360 : vector<16xf32>
      %get3A_1362 = arith.constant 113 : i32
      %get3A_1363 = arith.index_cast %get3A_1362 : i32 to index
      %get3A_1364 = arith.constant 0 : index
      %get3A_1365 = tpu.vector_load %arg6[%get3A_1363, %get3A_1364] {strides = array<i32>} : memref<256x128xf32, #tpu.memory_space<vmem>>, vector<16xf32>,
      %add3A_1366 = arith.addf %add3A_1361, %get3A_1365 : vector<16xf32>
      %get3A_1367 = arith.constant 145 : i32
      %get3A_1368 = arith.index_cast %get3A_1367 : i32 to index
      %get3A_1369 = arith.constant 0 : index
      %get3A_1370 = tpu.vector_load %arg6[%get3A_1368, %get3A_1369] {strides = array<i32>} : memref<256x128xf32, #tpu.memory_space<vmem>>, vector<16xf32>,
      %add3A_1371 = arith.addf %add3A_1366, %get3A_1370 : vector<16xf32>
      %get3A_1372 = arith.constant 177 : i32
      %get3A_1373 = arith.index_cast %get3A_1372 : i32 to index
      %get3A_1374 = arith.constant 0 : index
      %get3A_1375 = tpu.vector_load %arg6[%get3A_1373, %get3A_1374] {strides = array<i32>} : memref<256x128xf32, #tpu.memory_space<vmem>>, vector<16xf32>,
      %add3A_1376 = arith.addf %add3A_1371, %get3A_1375 : vector<16xf32>
      %get3A_1377 = arith.constant 209 : i32
      %get3A_1378 = arith.index_cast %get3A_1377 : i32 to index
      %get3A_1379 = arith.constant 0 : index
      %get3A_1380 = tpu.vector_load %arg6[%get3A_1378, %get3A_1379] {strides = array<i32>} : memref<256x128xf32, #tpu.memory_space<vmem>>, vector<16xf32>,
      %add3A_1381 = arith.addf %add3A_1376, %get3A_1380 : vector<16xf32>
      %get3A_1382 = arith.constant 241 : i32
      %get3A_1383 = arith.index_cast %get3A_1382 : i32 to index
      %get3A_1384 = arith.constant 0 : index
      %get3A_1385 = tpu.vector_load %arg6[%get3A_1383, %get3A_1384] {strides = array<i32>} : memref<256x128xf32, #tpu.memory_space<vmem>>, vector<16xf32>,
      %add3A_1386 = arith.addf %add3A_1381, %get3A_1385 : vector<16xf32>
      %broadcast_in_dim3A_1387 = arith.constant true
      %broadcast_in_dim3A_1388 = vector.broadcast %broadcast_in_dim3A_1387 : i1 to vector<16xi1>
      %masked_cumsum3A_1389 = tpu.scan <sum>, %add3A_1386 masked %broadcast_in_dim3A_1388 : vector<16xf32>, vector<16xi1> -> vector<16xf32>
      %eq3A_1390 = arith.constant 1 : i32
      %eq3A_1391 = vector.broadcast %eq3A_1390 : i32 to vector<16xi32>
      %eq3A_1392 = arith.cmpi eq, %iota3A, %eq3A_1391 : vector<16xi32>
      %lt3A_1393 = arith.constant 0 : i32
      %lt3A_1394 = vector.broadcast %lt3A_1393 : i32 to vector<16xi32>
      %lt3A_1395 = arith.cmpi slt, %get3A_1275, %lt3A_1394 : vector<16xi32>
      %add3A_1396 = arith.constant 16 : i32
      %add3A_1397 = vector.broadcast %add3A_1396 : i32 to vector<16xi32>
      %add3A_1398 = arith.addi %get3A_1275, %add3A_1397 : vector<16xi32>
      %select_n3A_1399 = arith.select %lt3A_1395, %add3A_1398, %get3A_1275 : vector<16xi1>, vector<16xi32>
      %broadcast_in_dim3A_1400 = vector.shape_cast %select_n3A_1399 : vector<16xi32> to vector<16x1xi32>
      %gather3A_1401 = vector.shape_cast %broadcast_in_dim3A_1400 : vector<16x1xi32> to vector<16xi32>
      %gather3A_1402 = tpu.dynamic_gather %masked_cumsum3A_1389[%gather3A_1401] in [0] : vector<16xf32>, vector<16xi32> -> vector<16xf32>
      %select_n3A_1403 = arith.select %eq3A_1392, %gather3A_1402, %select_n3A_1347 : vector<16xi1>, vector<16xf32>
      %get3A_1404 = arith.constant 18 : i32
      %get3A_1405 = arith.index_cast %get3A_1404 : i32 to index
      %get3A_1406 = arith.constant 0 : index
      %get3A_1407 = tpu.vector_load %arg6[%get3A_1405, %get3A_1406] {strides = array<i32>} : memref<256x128xf32, #tpu.memory_space<vmem>>, vector<16xf32>,
      %get3A_1408 = arith.constant 50 : i32
      %get3A_1409 = arith.index_cast %get3A_1408 : i32 to index
      %get3A_1410 = arith.constant 0 : index
      %get3A_1411 = tpu.vector_load %arg6[%get3A_1409, %get3A_1410] {strides = array<i32>} : memref<256x128xf32, #tpu.memory_space<vmem>>, vector<16xf32>,
      %add3A_1412 = arith.addf %get3A_1407, %get3A_1411 : vector<16xf32>
      %get3A_1413 = arith.constant 82 : i32
      %get3A_1414 = arith.index_cast %get3A_1413 : i32 to index
      %get3A_1415 = arith.constant 0 : index
      %get3A_1416 = tpu.vector_load %arg6[%get3A_1414, %get3A_1415] {strides = array<i32>} : memref<256x128xf32, #tpu.memory_space<vmem>>, vector<16xf32>,
      %add3A_1417 = arith.addf %add3A_1412, %get3A_1416 : vector<16xf32>
      %get3A_1418 = arith.constant 114 : i32
      %get3A_1419 = arith.index_cast %get3A_1418 : i32 to index
      %get3A_1420 = arith.constant 0 : index
      %get3A_1421 = tpu.vector_load %arg6[%get3A_1419, %get3A_1420] {strides = array<i32>} : memref<256x128xf32, #tpu.memory_space<vmem>>, vector<16xf32>,
      %add3A_1422 = arith.addf %add3A_1417, %get3A_1421 : vector<16xf32>
      %get3A_1423 = arith.constant 146 : i32
      %get3A_1424 = arith.index_cast %get3A_1423 : i32 to index
      %get3A_1425 = arith.constant 0 : index
      %get3A_1426 = tpu.vector_load %arg6[%get3A_1424, %get3A_1425] {strides = array<i32>} : memref<256x128xf32, #tpu.memory_space<vmem>>, vector<16xf32>,
      %add3A_1427 = arith.addf %add3A_1422, %get3A_1426 : vector<16xf32>
      %get3A_1428 = arith.constant 178 : i32
      %get3A_1429 = arith.index_cast %get3A_1428 : i32 to index
      %get3A_1430 = arith.constant 0 : index
      %get3A_1431 = tpu.vector_load %arg6[%get3A_1429, %get3A_1430] {strides = array<i32>} : memref<256x128xf32, #tpu.memory_space<vmem>>, vector<16xf32>,
      %add3A_1432 = arith.addf %add3A_1427, %get3A_1431 : vector<16xf32>
      %get3A_1433 = arith.constant 210 : i32
      %get3A_1434 = arith.index_cast %get3A_1433 : i32 to index
      %get3A_1435 = arith.constant 0 : index
      %get3A_1436 = tpu.vector_load %arg6[%get3A_1434, %get3A_1435] {strides = array<i32>} : memref<256x128xf32, #tpu.memory_space<vmem>>, vector<16xf32>,
      %add3A_1437 = arith.addf %add3A_1432, %get3A_1436 : vector<16xf32>
      %get3A_1438 = arith.constant 242 : i32
      %get3A_1439 = arith.index_cast %get3A_1438 : i32 to index
      %get3A_1440 = arith.constant 0 : index
      %get3A_1441 = tpu.vector_load %arg6[%get3A_1439, %get3A_1440] {strides = array<i32>} : memref<256x128xf32, #tpu.memory_space<vmem>>, vector<16xf32>,
      %add3A_1442 = arith.addf %add3A_1437, %get3A_1441 : vector<16xf32>
      %broadcast_in_dim3A_1443 = arith.constant true
      %broadcast_in_dim3A_1444 = vector.broadcast %broadcast_in_dim3A_1443 : i1 to vector<16xi1>
      %masked_cumsum3A_1445 = tpu.scan <sum>, %add3A_1442 masked %broadcast_in_dim3A_1444 : vector<16xf32>, vector<16xi1> -> vector<16xf32>
      %eq3A_1446 = arith.constant 2 : i32
      %eq3A_1447 = vector.broadcast %eq3A_1446 : i32 to vector<16xi32>
      %eq3A_1448 = arith.cmpi eq, %iota3A, %eq3A_1447 : vector<16xi32>
      %lt3A_1449 = arith.constant 0 : i32
      %lt3A_1450 = vector.broadcast %lt3A_1449 : i32 to vector<16xi32>
      %lt3A_1451 = arith.cmpi slt, %get3A_1275, %lt3A_1450 : vector<16xi32>
      %add3A_1452 = arith.constant 16 : i32
      %add3A_1453 = vector.broadcast %add3A_1452 : i32 to vector<16xi32>
      %add3A_1454 = arith.addi %get3A_1275, %add3A_1453 : vector<16xi32>
      %select_n3A_1455 = arith.select %lt3A_1451, %add3A_1454, %get3A_1275 : vector<16xi1>, vector<16xi32>
      %broadcast_in_dim3A_1456 = vector.shape_cast %select_n3A_1455 : vector<16xi32> to vector<16x1xi32>
      %gather3A_1457 = vector.shape_cast %broadcast_in_dim3A_1456 : vector<16x1xi32> to vector<16xi32>
      %gather3A_1458 = tpu.dynamic_gather %masked_cumsum3A_1445[%gather3A_1457] in [0] : vector<16xf32>, vector<16xi32> -> vector<16xf32>
      %select_n3A_1459 = arith.select %eq3A_1448, %gather3A_1458, %select_n3A_1403 : vector<16xi1>, vector<16xf32>
      %get3A_1460 = arith.constant 19 : i32
      %get3A_1461 = arith.index_cast %get3A_1460 : i32 to index
      %get3A_1462 = arith.constant 0 : index
      %get3A_1463 = tpu.vector_load %arg6[%get3A_1461, %get3A_1462] {strides = array<i32>} : memref<256x128xf32, #tpu.memory_space<vmem>>, vector<16xf32>,
      %get3A_1464 = arith.constant 51 : i32
      %get3A_1465 = arith.index_cast %get3A_1464 : i32 to index
      %get3A_1466 = arith.constant 0 : index
      %get3A_1467 = tpu.vector_load %arg6[%get3A_1465, %get3A_1466] {strides = array<i32>} : memref<256x128xf32, #tpu.memory_space<vmem>>, vector<16xf32>,
      %add3A_1468 = arith.addf %get3A_1463, %get3A_1467 : vector<16xf32>
      %get3A_1469 = arith.constant 83 : i32
      %get3A_1470 = arith.index_cast %get3A_1469 : i32 to index
      %get3A_1471 = arith.constant 0 : index
      %get3A_1472 = tpu.vector_load %arg6[%get3A_1470, %get3A_1471] {strides = array<i32>} : memref<256x128xf32, #tpu.memory_space<vmem>>, vector<16xf32>,
      %add3A_1473 = arith.addf %add3A_1468, %get3A_1472 : vector<16xf32>
      %get3A_1474 = arith.constant 115 : i32
      %get3A_1475 = arith.index_cast %get3A_1474 : i32 to index
      %get3A_1476 = arith.constant 0 : index
      %get3A_1477 = tpu.vector_load %arg6[%get3A_1475, %get3A_1476] {strides = array<i32>} : memref<256x128xf32, #tpu.memory_space<vmem>>, vector<16xf32>,
      %add3A_1478 = arith.addf %add3A_1473, %get3A_1477 : vector<16xf32>
      %get3A_1479 = arith.constant 147 : i32
      %get3A_1480 = arith.index_cast %get3A_1479 : i32 to index
      %get3A_1481 = arith.constant 0 : index
      %get3A_1482 = tpu.vector_load %arg6[%get3A_1480, %get3A_1481] {strides = array<i32>} : memref<256x128xf32, #tpu.memory_space<vmem>>, vector<16xf32>,
      %add3A_1483 = arith.addf %add3A_1478, %get3A_1482 : vector<16xf32>
      %get3A_1484 = arith.constant 179 : i32
      %get3A_1485 = arith.index_cast %get3A_1484 : i32 to index
      %get3A_1486 = arith.constant 0 : index
      %get3A_1487 = tpu.vector_load %arg6[%get3A_1485, %get3A_1486] {strides = array<i32>} : memref<256x128xf32, #tpu.memory_space<vmem>>, vector<16xf32>,
      %add3A_1488 = arith.addf %add3A_1483, %get3A_1487 : vector<16xf32>
      %get3A_1489 = arith.constant 211 : i32
      %get3A_1490 = arith.index_cast %get3A_1489 : i32 to index
      %get3A_1491 = arith.constant 0 : index
      %get3A_1492 = tpu.vector_load %arg6[%get3A_1490, %get3A_1491] {strides = array<i32>} : memref<256x128xf32, #tpu.memory_space<vmem>>, vector<16xf32>,
      %add3A_1493 = arith.addf %add3A_1488, %get3A_1492 : vector<16xf32>
      %get3A_1494 = arith.constant 243 : i32
      %get3A_1495 = arith.index_cast %get3A_1494 : i32 to index
      %get3A_1496 = arith.constant 0 : index
      %get3A_1497 = tpu.vector_load %arg6[%get3A_1495, %get3A_1496] {strides = array<i32>} : memref<256x128xf32, #tpu.memory_space<vmem>>, vector<16xf32>,
      %add3A_1498 = arith.addf %add3A_1493, %get3A_1497 : vector<16xf32>
      %broadcast_in_dim3A_1499 = arith.constant true
      %broadcast_in_dim3A_1500 = vector.broadcast %broadcast_in_dim3A_1499 : i1 to vector<16xi1>
      %masked_cumsum3A_1501 = tpu.scan <sum>, %add3A_1498 masked %broadcast_in_dim3A_1500 : vector<16xf32>, vector<16xi1> -> vector<16xf32>
      %eq3A_1502 = arith.constant 3 : i32
      %eq3A_1503 = vector.broadcast %eq3A_1502 : i32 to vector<16xi32>
      %eq3A_1504 = arith.cmpi eq, %iota3A, %eq3A_1503 : vector<16xi32>
      %lt3A_1505 = arith.constant 0 : i32
      %lt3A_1506 = vector.broadcast %lt3A_1505 : i32 to vector<16xi32>
      %lt3A_1507 = arith.cmpi slt, %get3A_1275, %lt3A_1506 : vector<16xi32>
      %add3A_1508 = arith.constant 16 : i32
      %add3A_1509 = vector.broadcast %add3A_1508 : i32 to vector<16xi32>
      %add3A_1510 = arith.addi %get3A_1275, %add3A_1509 : vector<16xi32>
      %select_n3A_1511 = arith.select %lt3A_1507, %add3A_1510, %get3A_1275 : vector<16xi1>, vector<16xi32>
      %broadcast_in_dim3A_1512 = vector.shape_cast %select_n3A_1511 : vector<16xi32> to vector<16x1xi32>
      %gather3A_1513 = vector.shape_cast %broadcast_in_dim3A_1512 : vector<16x1xi32> to vector<16xi32>
      %gather3A_1514 = tpu.dynamic_gather %masked_cumsum3A_1501[%gather3A_1513] in [0] : vector<16xf32>, vector<16xi32> -> vector<16xf32>
      %select_n3A_1515 = arith.select %eq3A_1504, %gather3A_1514, %select_n3A_1459 : vector<16xi1>, vector<16xf32>
      %get3A_1516 = arith.constant 20 : i32
      %get3A_1517 = arith.index_cast %get3A_1516 : i32 to index
      %get3A_1518 = arith.constant 0 : index
      %get3A_1519 = tpu.vector_load %arg6[%get3A_1517, %get3A_1518] {strides = array<i32>} : memref<256x128xf32, #tpu.memory_space<vmem>>, vector<16xf32>,
      %get3A_1520 = arith.constant 52 : i32
      %get3A_1521 = arith.index_cast %get3A_1520 : i32 to index
      %get3A_1522 = arith.constant 0 : index
      %get3A_1523 = tpu.vector_load %arg6[%get3A_1521, %get3A_1522] {strides = array<i32>} : memref<256x128xf32, #tpu.memory_space<vmem>>, vector<16xf32>,
      %add3A_1524 = arith.addf %get3A_1519, %get3A_1523 : vector<16xf32>
      %get3A_1525 = arith.constant 84 : i32
      %get3A_1526 = arith.index_cast %get3A_1525 : i32 to index
      %get3A_1527 = arith.constant 0 : index
      %get3A_1528 = tpu.vector_load %arg6[%get3A_1526, %get3A_1527] {strides = array<i32>} : memref<256x128xf32, #tpu.memory_space<vmem>>, vector<16xf32>,
      %add3A_1529 = arith.addf %add3A_1524, %get3A_1528 : vector<16xf32>
      %get3A_1530 = arith.constant 116 : i32
      %get3A_1531 = arith.index_cast %get3A_1530 : i32 to index
      %get3A_1532 = arith.constant 0 : index
      %get3A_1533 = tpu.vector_load %arg6[%get3A_1531, %get3A_1532] {strides = array<i32>} : memref<256x128xf32, #tpu.memory_space<vmem>>, vector<16xf32>,
      %add3A_1534 = arith.addf %add3A_1529, %get3A_1533 : vector<16xf32>
      %get3A_1535 = arith.constant 148 : i32
      %get3A_1536 = arith.index_cast %get3A_1535 : i32 to index
      %get3A_1537 = arith.constant 0 : index
      %get3A_1538 = tpu.vector_load %arg6[%get3A_1536, %get3A_1537] {strides = array<i32>} : memref<256x128xf32, #tpu.memory_space<vmem>>, vector<16xf32>,
      %add3A_1539 = arith.addf %add3A_1534, %get3A_1538 : vector<16xf32>
      %get3A_1540 = arith.constant 180 : i32
      %get3A_1541 = arith.index_cast %get3A_1540 : i32 to index
      %get3A_1542 = arith.constant 0 : index
      %get3A_1543 = tpu.vector_load %arg6[%get3A_1541, %get3A_1542] {strides = array<i32>} : memref<256x128xf32, #tpu.memory_space<vmem>>, vector<16xf32>,
      %add3A_1544 = arith.addf %add3A_1539, %get3A_1543 : vector<16xf32>
      %get3A_1545 = arith.constant 212 : i32
      %get3A_1546 = arith.index_cast %get3A_1545 : i32 to index
      %get3A_1547 = arith.constant 0 : index
      %get3A_1548 = tpu.vector_load %arg6[%get3A_1546, %get3A_1547] {strides = array<i32>} : memref<256x128xf32, #tpu.memory_space<vmem>>, vector<16xf32>,
      %add3A_1549 = arith.addf %add3A_1544, %get3A_1548 : vector<16xf32>
      %get3A_1550 = arith.constant 244 : i32
      %get3A_1551 = arith.index_cast %get3A_1550 : i32 to index
      %get3A_1552 = arith.constant 0 : index
      %get3A_1553 = tpu.vector_load %arg6[%get3A_1551, %get3A_1552] {strides = array<i32>} : memref<256x128xf32, #tpu.memory_space<vmem>>, vector<16xf32>,
      %add3A_1554 = arith.addf %add3A_1549, %get3A_1553 : vector<16xf32>
      %broadcast_in_dim3A_1555 = arith.constant true
      %broadcast_in_dim3A_1556 = vector.broadcast %broadcast_in_dim3A_1555 : i1 to vector<16xi1>
      %masked_cumsum3A_1557 = tpu.scan <sum>, %add3A_1554 masked %broadcast_in_dim3A_1556 : vector<16xf32>, vector<16xi1> -> vector<16xf32>
      %eq3A_1558 = arith.constant 4 : i32
      %eq3A_1559 = vector.broadcast %eq3A_1558 : i32 to vector<16xi32>
      %eq3A_1560 = arith.cmpi eq, %iota3A, %eq3A_1559 : vector<16xi32>
      %lt3A_1561 = arith.constant 0 : i32
      %lt3A_1562 = vector.broadcast %lt3A_1561 : i32 to vector<16xi32>
      %lt3A_1563 = arith.cmpi slt, %get3A_1275, %lt3A_1562 : vector<16xi32>
      %add3A_1564 = arith.constant 16 : i32
      %add3A_1565 = vector.broadcast %add3A_1564 : i32 to vector<16xi32>
      %add3A_1566 = arith.addi %get3A_1275, %add3A_1565 : vector<16xi32>
      %select_n3A_1567 = arith.select %lt3A_1563, %add3A_1566, %get3A_1275 : vector<16xi1>, vector<16xi32>
      %broadcast_in_dim3A_1568 = vector.shape_cast %select_n3A_1567 : vector<16xi32> to vector<16x1xi32>
      %gather3A_1569 = vector.shape_cast %broadcast_in_dim3A_1568 : vector<16x1xi32> to vector<16xi32>
      %gather3A_1570 = tpu.dynamic_gather %masked_cumsum3A_1557[%gather3A_1569] in [0] : vector<16xf32>, vector<16xi32> -> vector<16xf32>
      %select_n3A_1571 = arith.select %eq3A_1560, %gather3A_1570, %select_n3A_1515 : vector<16xi1>, vector<16xf32>
      %get3A_1572 = arith.constant 21 : i32
      %get3A_1573 = arith.index_cast %get3A_1572 : i32 to index
      %get3A_1574 = arith.constant 0 : index
      %get3A_1575 = tpu.vector_load %arg6[%get3A_1573, %get3A_1574] {strides = array<i32>} : memref<256x128xf32, #tpu.memory_space<vmem>>, vector<16xf32>,
      %get3A_1576 = arith.constant 53 : i32
      %get3A_1577 = arith.index_cast %get3A_1576 : i32 to index
      %get3A_1578 = arith.constant 0 : index
      %get3A_1579 = tpu.vector_load %arg6[%get3A_1577, %get3A_1578] {strides = array<i32>} : memref<256x128xf32, #tpu.memory_space<vmem>>, vector<16xf32>,
      %add3A_1580 = arith.addf %get3A_1575, %get3A_1579 : vector<16xf32>
      %get3A_1581 = arith.constant 85 : i32
      %get3A_1582 = arith.index_cast %get3A_1581 : i32 to index
      %get3A_1583 = arith.constant 0 : index
      %get3A_1584 = tpu.vector_load %arg6[%get3A_1582, %get3A_1583] {strides = array<i32>} : memref<256x128xf32, #tpu.memory_space<vmem>>, vector<16xf32>,
      %add3A_1585 = arith.addf %add3A_1580, %get3A_1584 : vector<16xf32>
      %get3A_1586 = arith.constant 117 : i32
      %get3A_1587 = arith.index_cast %get3A_1586 : i32 to index
      %get3A_1588 = arith.constant 0 : index
      %get3A_1589 = tpu.vector_load %arg6[%get3A_1587, %get3A_1588] {strides = array<i32>} : memref<256x128xf32, #tpu.memory_space<vmem>>, vector<16xf32>,
      %add3A_1590 = arith.addf %add3A_1585, %get3A_1589 : vector<16xf32>
      %get3A_1591 = arith.constant 149 : i32
      %get3A_1592 = arith.index_cast %get3A_1591 : i32 to index
      %get3A_1593 = arith.constant 0 : index
      %get3A_1594 = tpu.vector_load %arg6[%get3A_1592, %get3A_1593] {strides = array<i32>} : memref<256x128xf32, #tpu.memory_space<vmem>>, vector<16xf32>,
      %add3A_1595 = arith.addf %add3A_1590, %get3A_1594 : vector<16xf32>
      %get3A_1596 = arith.constant 181 : i32
      %get3A_1597 = arith.index_cast %get3A_1596 : i32 to index
      %get3A_1598 = arith.constant 0 : index
      %get3A_1599 = tpu.vector_load %arg6[%get3A_1597, %get3A_1598] {strides = array<i32>} : memref<256x128xf32, #tpu.memory_space<vmem>>, vector<16xf32>,
      %add3A_1600 = arith.addf %add3A_1595, %get3A_1599 : vector<16xf32>
      %get3A_1601 = arith.constant 213 : i32
      %get3A_1602 = arith.index_cast %get3A_1601 : i32 to index
      %get3A_1603 = arith.constant 0 : index
      %get3A_1604 = tpu.vector_load %arg6[%get3A_1602, %get3A_1603] {strides = array<i32>} : memref<256x128xf32, #tpu.memory_space<vmem>>, vector<16xf32>,
      %add3A_1605 = arith.addf %add3A_1600, %get3A_1604 : vector<16xf32>
      %get3A_1606 = arith.constant 245 : i32
      %get3A_1607 = arith.index_cast %get3A_1606 : i32 to index
      %get3A_1608 = arith.constant 0 : index
      %get3A_1609 = tpu.vector_load %arg6[%get3A_1607, %get3A_1608] {strides = array<i32>} : memref<256x128xf32, #tpu.memory_space<vmem>>, vector<16xf32>,
      %add3A_1610 = arith.addf %add3A_1605, %get3A_1609 : vector<16xf32>
      %broadcast_in_dim3A_1611 = arith.constant true
      %broadcast_in_dim3A_1612 = vector.broadcast %broadcast_in_dim3A_1611 : i1 to vector<16xi1>
      %masked_cumsum3A_1613 = tpu.scan <sum>, %add3A_1610 masked %broadcast_in_dim3A_1612 : vector<16xf32>, vector<16xi1> -> vector<16xf32>
      %eq3A_1614 = arith.constant 5 : i32
      %eq3A_1615 = vector.broadcast %eq3A_1614 : i32 to vector<16xi32>
      %eq3A_1616 = arith.cmpi eq, %iota3A, %eq3A_1615 : vector<16xi32>
      %lt3A_1617 = arith.constant 0 : i32
      %lt3A_1618 = vector.broadcast %lt3A_1617 : i32 to vector<16xi32>
      %lt3A_1619 = arith.cmpi slt, %get3A_1275, %lt3A_1618 : vector<16xi32>
      %add3A_1620 = arith.constant 16 : i32
      %add3A_1621 = vector.broadcast %add3A_1620 : i32 to vector<16xi32>
      %add3A_1622 = arith.addi %get3A_1275, %add3A_1621 : vector<16xi32>
      %select_n3A_1623 = arith.select %lt3A_1619, %add3A_1622, %get3A_1275 : vector<16xi1>, vector<16xi32>
      %broadcast_in_dim3A_1624 = vector.shape_cast %select_n3A_1623 : vector<16xi32> to vector<16x1xi32>
      %gather3A_1625 = vector.shape_cast %broadcast_in_dim3A_1624 : vector<16x1xi32> to vector<16xi32>
      %gather3A_1626 = tpu.dynamic_gather %masked_cumsum3A_1613[%gather3A_1625] in [0] : vector<16xf32>, vector<16xi32> -> vector<16xf32>
      %select_n3A_1627 = arith.select %eq3A_1616, %gather3A_1626, %select_n3A_1571 : vector<16xi1>, vector<16xf32>
      %get3A_1628 = arith.constant 22 : i32
      %get3A_1629 = arith.index_cast %get3A_1628 : i32 to index
      %get3A_1630 = arith.constant 0 : index
      %get3A_1631 = tpu.vector_load %arg6[%get3A_1629, %get3A_1630] {strides = array<i32>} : memref<256x128xf32, #tpu.memory_space<vmem>>, vector<16xf32>,
      %get3A_1632 = arith.constant 54 : i32
      %get3A_1633 = arith.index_cast %get3A_1632 : i32 to index
      %get3A_1634 = arith.constant 0 : index
      %get3A_1635 = tpu.vector_load %arg6[%get3A_1633, %get3A_1634] {strides = array<i32>} : memref<256x128xf32, #tpu.memory_space<vmem>>, vector<16xf32>,
      %add3A_1636 = arith.addf %get3A_1631, %get3A_1635 : vector<16xf32>
      %get3A_1637 = arith.constant 86 : i32
      %get3A_1638 = arith.index_cast %get3A_1637 : i32 to index
      %get3A_1639 = arith.constant 0 : index
      %get3A_1640 = tpu.vector_load %arg6[%get3A_1638, %get3A_1639] {strides = array<i32>} : memref<256x128xf32, #tpu.memory_space<vmem>>, vector<16xf32>,
      %add3A_1641 = arith.addf %add3A_1636, %get3A_1640 : vector<16xf32>
      %get3A_1642 = arith.constant 118 : i32
      %get3A_1643 = arith.index_cast %get3A_1642 : i32 to index
      %get3A_1644 = arith.constant 0 : index
      %get3A_1645 = tpu.vector_load %arg6[%get3A_1643, %get3A_1644] {strides = array<i32>} : memref<256x128xf32, #tpu.memory_space<vmem>>, vector<16xf32>,
      %add3A_1646 = arith.addf %add3A_1641, %get3A_1645 : vector<16xf32>
      %get3A_1647 = arith.constant 150 : i32
      %get3A_1648 = arith.index_cast %get3A_1647 : i32 to index
      %get3A_1649 = arith.constant 0 : index
      %get3A_1650 = tpu.vector_load %arg6[%get3A_1648, %get3A_1649] {strides = array<i32>} : memref<256x128xf32, #tpu.memory_space<vmem>>, vector<16xf32>,
      %add3A_1651 = arith.addf %add3A_1646, %get3A_1650 : vector<16xf32>
      %get3A_1652 = arith.constant 182 : i32
      %get3A_1653 = arith.index_cast %get3A_1652 : i32 to index
      %get3A_1654 = arith.constant 0 : index
      %get3A_1655 = tpu.vector_load %arg6[%get3A_1653, %get3A_1654] {strides = array<i32>} : memref<256x128xf32, #tpu.memory_space<vmem>>, vector<16xf32>,
      %add3A_1656 = arith.addf %add3A_1651, %get3A_1655 : vector<16xf32>
      %get3A_1657 = arith.constant 214 : i32
      %get3A_1658 = arith.index_cast %get3A_1657 : i32 to index
      %get3A_1659 = arith.constant 0 : index
      %get3A_1660 = tpu.vector_load %arg6[%get3A_1658, %get3A_1659] {strides = array<i32>} : memref<256x128xf32, #tpu.memory_space<vmem>>, vector<16xf32>,
      %add3A_1661 = arith.addf %add3A_1656, %get3A_1660 : vector<16xf32>
      %get3A_1662 = arith.constant 246 : i32
      %get3A_1663 = arith.index_cast %get3A_1662 : i32 to index
      %get3A_1664 = arith.constant 0 : index
      %get3A_1665 = tpu.vector_load %arg6[%get3A_1663, %get3A_1664] {strides = array<i32>} : memref<256x128xf32, #tpu.memory_space<vmem>>, vector<16xf32>,
      %add3A_1666 = arith.addf %add3A_1661, %get3A_1665 : vector<16xf32>
      %broadcast_in_dim3A_1667 = arith.constant true
      %broadcast_in_dim3A_1668 = vector.broadcast %broadcast_in_dim3A_1667 : i1 to vector<16xi1>
      %masked_cumsum3A_1669 = tpu.scan <sum>, %add3A_1666 masked %broadcast_in_dim3A_1668 : vector<16xf32>, vector<16xi1> -> vector<16xf32>
      %eq3A_1670 = arith.constant 6 : i32
      %eq3A_1671 = vector.broadcast %eq3A_1670 : i32 to vector<16xi32>
      %eq3A_1672 = arith.cmpi eq, %iota3A, %eq3A_1671 : vector<16xi32>
      %lt3A_1673 = arith.constant 0 : i32
      %lt3A_1674 = vector.broadcast %lt3A_1673 : i32 to vector<16xi32>
      %lt3A_1675 = arith.cmpi slt, %get3A_1275, %lt3A_1674 : vector<16xi32>
      %add3A_1676 = arith.constant 16 : i32
      %add3A_1677 = vector.broadcast %add3A_1676 : i32 to vector<16xi32>
      %add3A_1678 = arith.addi %get3A_1275, %add3A_1677 : vector<16xi32>
      %select_n3A_1679 = arith.select %lt3A_1675, %add3A_1678, %get3A_1275 : vector<16xi1>, vector<16xi32>
      %broadcast_in_dim3A_1680 = vector.shape_cast %select_n3A_1679 : vector<16xi32> to vector<16x1xi32>
      %gather3A_1681 = vector.shape_cast %broadcast_in_dim3A_1680 : vector<16x1xi32> to vector<16xi32>
      %gather3A_1682 = tpu.dynamic_gather %masked_cumsum3A_1669[%gather3A_1681] in [0] : vector<16xf32>, vector<16xi32> -> vector<16xf32>
      %select_n3A_1683 = arith.select %eq3A_1672, %gather3A_1682, %select_n3A_1627 : vector<16xi1>, vector<16xf32>
      %get3A_1684 = arith.constant 23 : i32
      %get3A_1685 = arith.index_cast %get3A_1684 : i32 to index
      %get3A_1686 = arith.constant 0 : index
      %get3A_1687 = tpu.vector_load %arg6[%get3A_1685, %get3A_1686] {strides = array<i32>} : memref<256x128xf32, #tpu.memory_space<vmem>>, vector<16xf32>,
      %get3A_1688 = arith.constant 55 : i32
      %get3A_1689 = arith.index_cast %get3A_1688 : i32 to index
      %get3A_1690 = arith.constant 0 : index
      %get3A_1691 = tpu.vector_load %arg6[%get3A_1689, %get3A_1690] {strides = array<i32>} : memref<256x128xf32, #tpu.memory_space<vmem>>, vector<16xf32>,
      %add3A_1692 = arith.addf %get3A_1687, %get3A_1691 : vector<16xf32>
      %get3A_1693 = arith.constant 87 : i32
      %get3A_1694 = arith.index_cast %get3A_1693 : i32 to index
      %get3A_1695 = arith.constant 0 : index
      %get3A_1696 = tpu.vector_load %arg6[%get3A_1694, %get3A_1695] {strides = array<i32>} : memref<256x128xf32, #tpu.memory_space<vmem>>, vector<16xf32>,
      %add3A_1697 = arith.addf %add3A_1692, %get3A_1696 : vector<16xf32>
      %get3A_1698 = arith.constant 119 : i32
      %get3A_1699 = arith.index_cast %get3A_1698 : i32 to index
      %get3A_1700 = arith.constant 0 : index
      %get3A_1701 = tpu.vector_load %arg6[%get3A_1699, %get3A_1700] {strides = array<i32>} : memref<256x128xf32, #tpu.memory_space<vmem>>, vector<16xf32>,
      %add3A_1702 = arith.addf %add3A_1697, %get3A_1701 : vector<16xf32>
      %get3A_1703 = arith.constant 151 : i32
      %get3A_1704 = arith.index_cast %get3A_1703 : i32 to index
      %get3A_1705 = arith.constant 0 : index
      %get3A_1706 = tpu.vector_load %arg6[%get3A_1704, %get3A_1705] {strides = array<i32>} : memref<256x128xf32, #tpu.memory_space<vmem>>, vector<16xf32>,
      %add3A_1707 = arith.addf %add3A_1702, %get3A_1706 : vector<16xf32>
      %get3A_1708 = arith.constant 183 : i32
      %get3A_1709 = arith.index_cast %get3A_1708 : i32 to index
      %get3A_1710 = arith.constant 0 : index
      %get3A_1711 = tpu.vector_load %arg6[%get3A_1709, %get3A_1710] {strides = array<i32>} : memref<256x128xf32, #tpu.memory_space<vmem>>, vector<16xf32>,
      %add3A_1712 = arith.addf %add3A_1707, %get3A_1711 : vector<16xf32>
      %get3A_1713 = arith.constant 215 : i32
      %get3A_1714 = arith.index_cast %get3A_1713 : i32 to index
      %get3A_1715 = arith.constant 0 : index
      %get3A_1716 = tpu.vector_load %arg6[%get3A_1714, %get3A_1715] {strides = array<i32>} : memref<256x128xf32, #tpu.memory_space<vmem>>, vector<16xf32>,
      %add3A_1717 = arith.addf %add3A_1712, %get3A_1716 : vector<16xf32>
      %get3A_1718 = arith.constant 247 : i32
      %get3A_1719 = arith.index_cast %get3A_1718 : i32 to index
      %get3A_1720 = arith.constant 0 : index
      %get3A_1721 = tpu.vector_load %arg6[%get3A_1719, %get3A_1720] {strides = array<i32>} : memref<256x128xf32, #tpu.memory_space<vmem>>, vector<16xf32>,
      %add3A_1722 = arith.addf %add3A_1717, %get3A_1721 : vector<16xf32>
      %broadcast_in_dim3A_1723 = arith.constant true
      %broadcast_in_dim3A_1724 = vector.broadcast %broadcast_in_dim3A_1723 : i1 to vector<16xi1>
      %masked_cumsum3A_1725 = tpu.scan <sum>, %add3A_1722 masked %broadcast_in_dim3A_1724 : vector<16xf32>, vector<16xi1> -> vector<16xf32>
      %eq3A_1726 = arith.constant 7 : i32
      %eq3A_1727 = vector.broadcast %eq3A_1726 : i32 to vector<16xi32>
      %eq3A_1728 = arith.cmpi eq, %iota3A, %eq3A_1727 : vector<16xi32>
      %lt3A_1729 = arith.constant 0 : i32
      %lt3A_1730 = vector.broadcast %lt3A_1729 : i32 to vector<16xi32>
      %lt3A_1731 = arith.cmpi slt, %get3A_1275, %lt3A_1730 : vector<16xi32>
      %add3A_1732 = arith.constant 16 : i32
      %add3A_1733 = vector.broadcast %add3A_1732 : i32 to vector<16xi32>
      %add3A_1734 = arith.addi %get3A_1275, %add3A_1733 : vector<16xi32>
      %select_n3A_1735 = arith.select %lt3A_1731, %add3A_1734, %get3A_1275 : vector<16xi1>, vector<16xi32>
      %broadcast_in_dim3A_1736 = vector.shape_cast %select_n3A_1735 : vector<16xi32> to vector<16x1xi32>
      %gather3A_1737 = vector.shape_cast %broadcast_in_dim3A_1736 : vector<16x1xi32> to vector<16xi32>
      %gather3A_1738 = tpu.dynamic_gather %masked_cumsum3A_1725[%gather3A_1737] in [0] : vector<16xf32>, vector<16xi32> -> vector<16xf32>
      %select_n3A_1739 = arith.select %eq3A_1728, %gather3A_1738, %select_n3A_1683 : vector<16xi1>, vector<16xf32>
      %get3A_1740 = arith.constant 24 : i32
      %get3A_1741 = arith.index_cast %get3A_1740 : i32 to index
      %get3A_1742 = arith.constant 0 : index
      %get3A_1743 = tpu.vector_load %arg6[%get3A_1741, %get3A_1742] {strides = array<i32>} : memref<256x128xf32, #tpu.memory_space<vmem>>, vector<16xf32>,
      %get3A_1744 = arith.constant 56 : i32
      %get3A_1745 = arith.index_cast %get3A_1744 : i32 to index
      %get3A_1746 = arith.constant 0 : index
      %get3A_1747 = tpu.vector_load %arg6[%get3A_1745, %get3A_1746] {strides = array<i32>} : memref<256x128xf32, #tpu.memory_space<vmem>>, vector<16xf32>,
      %add3A_1748 = arith.addf %get3A_1743, %get3A_1747 : vector<16xf32>
      %get3A_1749 = arith.constant 88 : i32
      %get3A_1750 = arith.index_cast %get3A_1749 : i32 to index
      %get3A_1751 = arith.constant 0 : index
      %get3A_1752 = tpu.vector_load %arg6[%get3A_1750, %get3A_1751] {strides = array<i32>} : memref<256x128xf32, #tpu.memory_space<vmem>>, vector<16xf32>,
      %add3A_1753 = arith.addf %add3A_1748, %get3A_1752 : vector<16xf32>
      %get3A_1754 = arith.constant 120 : i32
      %get3A_1755 = arith.index_cast %get3A_1754 : i32 to index
      %get3A_1756 = arith.constant 0 : index
      %get3A_1757 = tpu.vector_load %arg6[%get3A_1755, %get3A_1756] {strides = array<i32>} : memref<256x128xf32, #tpu.memory_space<vmem>>, vector<16xf32>,
      %add3A_1758 = arith.addf %add3A_1753, %get3A_1757 : vector<16xf32>
      %get3A_1759 = arith.constant 152 : i32
      %get3A_1760 = arith.index_cast %get3A_1759 : i32 to index
      %get3A_1761 = arith.constant 0 : index
      %get3A_1762 = tpu.vector_load %arg6[%get3A_1760, %get3A_1761] {strides = array<i32>} : memref<256x128xf32, #tpu.memory_space<vmem>>, vector<16xf32>,
      %add3A_1763 = arith.addf %add3A_1758, %get3A_1762 : vector<16xf32>
      %get3A_1764 = arith.constant 184 : i32
      %get3A_1765 = arith.index_cast %get3A_1764 : i32 to index
      %get3A_1766 = arith.constant 0 : index
      %get3A_1767 = tpu.vector_load %arg6[%get3A_1765, %get3A_1766] {strides = array<i32>} : memref<256x128xf32, #tpu.memory_space<vmem>>, vector<16xf32>,
      %add3A_1768 = arith.addf %add3A_1763, %get3A_1767 : vector<16xf32>
      %get3A_1769 = arith.constant 216 : i32
      %get3A_1770 = arith.index_cast %get3A_1769 : i32 to index
      %get3A_1771 = arith.constant 0 : index
      %get3A_1772 = tpu.vector_load %arg6[%get3A_1770, %get3A_1771] {strides = array<i32>} : memref<256x128xf32, #tpu.memory_space<vmem>>, vector<16xf32>,
      %add3A_1773 = arith.addf %add3A_1768, %get3A_1772 : vector<16xf32>
      %get3A_1774 = arith.constant 248 : i32
      %get3A_1775 = arith.index_cast %get3A_1774 : i32 to index
      %get3A_1776 = arith.constant 0 : index
      %get3A_1777 = tpu.vector_load %arg6[%get3A_1775, %get3A_1776] {strides = array<i32>} : memref<256x128xf32, #tpu.memory_space<vmem>>, vector<16xf32>,
      %add3A_1778 = arith.addf %add3A_1773, %get3A_1777 : vector<16xf32>
      %broadcast_in_dim3A_1779 = arith.constant true
      %broadcast_in_dim3A_1780 = vector.broadcast %broadcast_in_dim3A_1779 : i1 to vector<16xi1>
      %masked_cumsum3A_1781 = tpu.scan <sum>, %add3A_1778 masked %broadcast_in_dim3A_1780 : vector<16xf32>, vector<16xi1> -> vector<16xf32>
      %eq3A_1782 = arith.constant 8 : i32
      %eq3A_1783 = vector.broadcast %eq3A_1782 : i32 to vector<16xi32>
      %eq3A_1784 = arith.cmpi eq, %iota3A, %eq3A_1783 : vector<16xi32>
      %lt3A_1785 = arith.constant 0 : i32
      %lt3A_1786 = vector.broadcast %lt3A_1785 : i32 to vector<16xi32>
      %lt3A_1787 = arith.cmpi slt, %get3A_1275, %lt3A_1786 : vector<16xi32>
      %add3A_1788 = arith.constant 16 : i32
      %add3A_1789 = vector.broadcast %add3A_1788 : i32 to vector<16xi32>
      %add3A_1790 = arith.addi %get3A_1275, %add3A_1789 : vector<16xi32>
      %select_n3A_1791 = arith.select %lt3A_1787, %add3A_1790, %get3A_1275 : vector<16xi1>, vector<16xi32>
      %broadcast_in_dim3A_1792 = vector.shape_cast %select_n3A_1791 : vector<16xi32> to vector<16x1xi32>
      %gather3A_1793 = vector.shape_cast %broadcast_in_dim3A_1792 : vector<16x1xi32> to vector<16xi32>
      %gather3A_1794 = tpu.dynamic_gather %masked_cumsum3A_1781[%gather3A_1793] in [0] : vector<16xf32>, vector<16xi32> -> vector<16xf32>
      %select_n3A_1795 = arith.select %eq3A_1784, %gather3A_1794, %select_n3A_1739 : vector<16xi1>, vector<16xf32>
      %get3A_1796 = arith.constant 25 : i32
      %get3A_1797 = arith.index_cast %get3A_1796 : i32 to index
      %get3A_1798 = arith.constant 0 : index
      %get3A_1799 = tpu.vector_load %arg6[%get3A_1797, %get3A_1798] {strides = array<i32>} : memref<256x128xf32, #tpu.memory_space<vmem>>, vector<16xf32>,
      %get3A_1800 = arith.constant 57 : i32
      %get3A_1801 = arith.index_cast %get3A_1800 : i32 to index
      %get3A_1802 = arith.constant 0 : index
      %get3A_1803 = tpu.vector_load %arg6[%get3A_1801, %get3A_1802] {strides = array<i32>} : memref<256x128xf32, #tpu.memory_space<vmem>>, vector<16xf32>,
      %add3A_1804 = arith.addf %get3A_1799, %get3A_1803 : vector<16xf32>
      %get3A_1805 = arith.constant 89 : i32
      %get3A_1806 = arith.index_cast %get3A_1805 : i32 to index
      %get3A_1807 = arith.constant 0 : index
      %get3A_1808 = tpu.vector_load %arg6[%get3A_1806, %get3A_1807] {strides = array<i32>} : memref<256x128xf32, #tpu.memory_space<vmem>>, vector<16xf32>,
      %add3A_1809 = arith.addf %add3A_1804, %get3A_1808 : vector<16xf32>
      %get3A_1810 = arith.constant 121 : i32
      %get3A_1811 = arith.index_cast %get3A_1810 : i32 to index
      %get3A_1812 = arith.constant 0 : index
      %get3A_1813 = tpu.vector_load %arg6[%get3A_1811, %get3A_1812] {strides = array<i32>} : memref<256x128xf32, #tpu.memory_space<vmem>>, vector<16xf32>,
      %add3A_1814 = arith.addf %add3A_1809, %get3A_1813 : vector<16xf32>
      %get3A_1815 = arith.constant 153 : i32
      %get3A_1816 = arith.index_cast %get3A_1815 : i32 to index
      %get3A_1817 = arith.constant 0 : index
      %get3A_1818 = tpu.vector_load %arg6[%get3A_1816, %get3A_1817] {strides = array<i32>} : memref<256x128xf32, #tpu.memory_space<vmem>>, vector<16xf32>,
      %add3A_1819 = arith.addf %add3A_1814, %get3A_1818 : vector<16xf32>
      %get3A_1820 = arith.constant 185 : i32
      %get3A_1821 = arith.index_cast %get3A_1820 : i32 to index
      %get3A_1822 = arith.constant 0 : index
      %get3A_1823 = tpu.vector_load %arg6[%get3A_1821, %get3A_1822] {strides = array<i32>} : memref<256x128xf32, #tpu.memory_space<vmem>>, vector<16xf32>,
      %add3A_1824 = arith.addf %add3A_1819, %get3A_1823 : vector<16xf32>
      %get3A_1825 = arith.constant 217 : i32
      %get3A_1826 = arith.index_cast %get3A_1825 : i32 to index
      %get3A_1827 = arith.constant 0 : index
      %get3A_1828 = tpu.vector_load %arg6[%get3A_1826, %get3A_1827] {strides = array<i32>} : memref<256x128xf32, #tpu.memory_space<vmem>>, vector<16xf32>,
      %add3A_1829 = arith.addf %add3A_1824, %get3A_1828 : vector<16xf32>
      %get3A_1830 = arith.constant 249 : i32
      %get3A_1831 = arith.index_cast %get3A_1830 : i32 to index
      %get3A_1832 = arith.constant 0 : index
      %get3A_1833 = tpu.vector_load %arg6[%get3A_1831, %get3A_1832] {strides = array<i32>} : memref<256x128xf32, #tpu.memory_space<vmem>>, vector<16xf32>,
      %add3A_1834 = arith.addf %add3A_1829, %get3A_1833 : vector<16xf32>
      %broadcast_in_dim3A_1835 = arith.constant true
      %broadcast_in_dim3A_1836 = vector.broadcast %broadcast_in_dim3A_1835 : i1 to vector<16xi1>
      %masked_cumsum3A_1837 = tpu.scan <sum>, %add3A_1834 masked %broadcast_in_dim3A_1836 : vector<16xf32>, vector<16xi1> -> vector<16xf32>
      %eq3A_1838 = arith.constant 9 : i32
      %eq3A_1839 = vector.broadcast %eq3A_1838 : i32 to vector<16xi32>
      %eq3A_1840 = arith.cmpi eq, %iota3A, %eq3A_1839 : vector<16xi32>
      %lt3A_1841 = arith.constant 0 : i32
      %lt3A_1842 = vector.broadcast %lt3A_1841 : i32 to vector<16xi32>
      %lt3A_1843 = arith.cmpi slt, %get3A_1275, %lt3A_1842 : vector<16xi32>
      %add3A_1844 = arith.constant 16 : i32
      %add3A_1845 = vector.broadcast %add3A_1844 : i32 to vector<16xi32>
      %add3A_1846 = arith.addi %get3A_1275, %add3A_1845 : vector<16xi32>
      %select_n3A_1847 = arith.select %lt3A_1843, %add3A_1846, %get3A_1275 : vector<16xi1>, vector<16xi32>
      %broadcast_in_dim3A_1848 = vector.shape_cast %select_n3A_1847 : vector<16xi32> to vector<16x1xi32>
      %gather3A_1849 = vector.shape_cast %broadcast_in_dim3A_1848 : vector<16x1xi32> to vector<16xi32>
      %gather3A_1850 = tpu.dynamic_gather %masked_cumsum3A_1837[%gather3A_1849] in [0] : vector<16xf32>, vector<16xi32> -> vector<16xf32>
      %select_n3A_1851 = arith.select %eq3A_1840, %gather3A_1850, %select_n3A_1795 : vector<16xi1>, vector<16xf32>
      %get3A_1852 = arith.constant 26 : i32
      %get3A_1853 = arith.index_cast %get3A_1852 : i32 to index
      %get3A_1854 = arith.constant 0 : index
      %get3A_1855 = tpu.vector_load %arg6[%get3A_1853, %get3A_1854] {strides = array<i32>} : memref<256x128xf32, #tpu.memory_space<vmem>>, vector<16xf32>,
      %get3A_1856 = arith.constant 58 : i32
      %get3A_1857 = arith.index_cast %get3A_1856 : i32 to index
      %get3A_1858 = arith.constant 0 : index
      %get3A_1859 = tpu.vector_load %arg6[%get3A_1857, %get3A_1858] {strides = array<i32>} : memref<256x128xf32, #tpu.memory_space<vmem>>, vector<16xf32>,
      %add3A_1860 = arith.addf %get3A_1855, %get3A_1859 : vector<16xf32>
      %get3A_1861 = arith.constant 90 : i32
      %get3A_1862 = arith.index_cast %get3A_1861 : i32 to index
      %get3A_1863 = arith.constant 0 : index
      %get3A_1864 = tpu.vector_load %arg6[%get3A_1862, %get3A_1863] {strides = array<i32>} : memref<256x128xf32, #tpu.memory_space<vmem>>, vector<16xf32>,
      %add3A_1865 = arith.addf %add3A_1860, %get3A_1864 : vector<16xf32>
      %get3A_1866 = arith.constant 122 : i32
      %get3A_1867 = arith.index_cast %get3A_1866 : i32 to index
      %get3A_1868 = arith.constant 0 : index
      %get3A_1869 = tpu.vector_load %arg6[%get3A_1867, %get3A_1868] {strides = array<i32>} : memref<256x128xf32, #tpu.memory_space<vmem>>, vector<16xf32>,
      %add3A_1870 = arith.addf %add3A_1865, %get3A_1869 : vector<16xf32>
      %get3A_1871 = arith.constant 154 : i32
      %get3A_1872 = arith.index_cast %get3A_1871 : i32 to index
      %get3A_1873 = arith.constant 0 : index
      %get3A_1874 = tpu.vector_load %arg6[%get3A_1872, %get3A_1873] {strides = array<i32>} : memref<256x128xf32, #tpu.memory_space<vmem>>, vector<16xf32>,
      %add3A_1875 = arith.addf %add3A_1870, %get3A_1874 : vector<16xf32>
      %get3A_1876 = arith.constant 186 : i32
      %get3A_1877 = arith.index_cast %get3A_1876 : i32 to index
      %get3A_1878 = arith.constant 0 : index
      %get3A_1879 = tpu.vector_load %arg6[%get3A_1877, %get3A_1878] {strides = array<i32>} : memref<256x128xf32, #tpu.memory_space<vmem>>, vector<16xf32>,
      %add3A_1880 = arith.addf %add3A_1875, %get3A_1879 : vector<16xf32>
      %get3A_1881 = arith.constant 218 : i32
      %get3A_1882 = arith.index_cast %get3A_1881 : i32 to index
      %get3A_1883 = arith.constant 0 : index
      %get3A_1884 = tpu.vector_load %arg6[%get3A_1882, %get3A_1883] {strides = array<i32>} : memref<256x128xf32, #tpu.memory_space<vmem>>, vector<16xf32>,
      %add3A_1885 = arith.addf %add3A_1880, %get3A_1884 : vector<16xf32>
      %get3A_1886 = arith.constant 250 : i32
      %get3A_1887 = arith.index_cast %get3A_1886 : i32 to index
      %get3A_1888 = arith.constant 0 : index
      %get3A_1889 = tpu.vector_load %arg6[%get3A_1887, %get3A_1888] {strides = array<i32>} : memref<256x128xf32, #tpu.memory_space<vmem>>, vector<16xf32>,
      %add3A_1890 = arith.addf %add3A_1885, %get3A_1889 : vector<16xf32>
      %broadcast_in_dim3A_1891 = arith.constant true
      %broadcast_in_dim3A_1892 = vector.broadcast %broadcast_in_dim3A_1891 : i1 to vector<16xi1>
      %masked_cumsum3A_1893 = tpu.scan <sum>, %add3A_1890 masked %broadcast_in_dim3A_1892 : vector<16xf32>, vector<16xi1> -> vector<16xf32>
      %eq3A_1894 = arith.constant 10 : i32
      %eq3A_1895 = vector.broadcast %eq3A_1894 : i32 to vector<16xi32>
      %eq3A_1896 = arith.cmpi eq, %iota3A, %eq3A_1895 : vector<16xi32>
      %lt3A_1897 = arith.constant 0 : i32
      %lt3A_1898 = vector.broadcast %lt3A_1897 : i32 to vector<16xi32>
      %lt3A_1899 = arith.cmpi slt, %get3A_1275, %lt3A_1898 : vector<16xi32>
      %add3A_1900 = arith.constant 16 : i32
      %add3A_1901 = vector.broadcast %add3A_1900 : i32 to vector<16xi32>
      %add3A_1902 = arith.addi %get3A_1275, %add3A_1901 : vector<16xi32>
      %select_n3A_1903 = arith.select %lt3A_1899, %add3A_1902, %get3A_1275 : vector<16xi1>, vector<16xi32>
      %broadcast_in_dim3A_1904 = vector.shape_cast %select_n3A_1903 : vector<16xi32> to vector<16x1xi32>
      %gather3A_1905 = vector.shape_cast %broadcast_in_dim3A_1904 : vector<16x1xi32> to vector<16xi32>
      %gather3A_1906 = tpu.dynamic_gather %masked_cumsum3A_1893[%gather3A_1905] in [0] : vector<16xf32>, vector<16xi32> -> vector<16xf32>
      %select_n3A_1907 = arith.select %eq3A_1896, %gather3A_1906, %select_n3A_1851 : vector<16xi1>, vector<16xf32>
      %get3A_1908 = arith.constant 27 : i32
      %get3A_1909 = arith.index_cast %get3A_1908 : i32 to index
      %get3A_1910 = arith.constant 0 : index
      %get3A_1911 = tpu.vector_load %arg6[%get3A_1909, %get3A_1910] {strides = array<i32>} : memref<256x128xf32, #tpu.memory_space<vmem>>, vector<16xf32>,
      %get3A_1912 = arith.constant 59 : i32
      %get3A_1913 = arith.index_cast %get3A_1912 : i32 to index
      %get3A_1914 = arith.constant 0 : index
      %get3A_1915 = tpu.vector_load %arg6[%get3A_1913, %get3A_1914] {strides = array<i32>} : memref<256x128xf32, #tpu.memory_space<vmem>>, vector<16xf32>,
      %add3A_1916 = arith.addf %get3A_1911, %get3A_1915 : vector<16xf32>
      %get3A_1917 = arith.constant 91 : i32
      %get3A_1918 = arith.index_cast %get3A_1917 : i32 to index
      %get3A_1919 = arith.constant 0 : index
      %get3A_1920 = tpu.vector_load %arg6[%get3A_1918, %get3A_1919] {strides = array<i32>} : memref<256x128xf32, #tpu.memory_space<vmem>>, vector<16xf32>,
      %add3A_1921 = arith.addf %add3A_1916, %get3A_1920 : vector<16xf32>
      %get3A_1922 = arith.constant 123 : i32
      %get3A_1923 = arith.index_cast %get3A_1922 : i32 to index
      %get3A_1924 = arith.constant 0 : index
      %get3A_1925 = tpu.vector_load %arg6[%get3A_1923, %get3A_1924] {strides = array<i32>} : memref<256x128xf32, #tpu.memory_space<vmem>>, vector<16xf32>,
      %add3A_1926 = arith.addf %add3A_1921, %get3A_1925 : vector<16xf32>
      %get3A_1927 = arith.constant 155 : i32
      %get3A_1928 = arith.index_cast %get3A_1927 : i32 to index
      %get3A_1929 = arith.constant 0 : index
      %get3A_1930 = tpu.vector_load %arg6[%get3A_1928, %get3A_1929] {strides = array<i32>} : memref<256x128xf32, #tpu.memory_space<vmem>>, vector<16xf32>,
      %add3A_1931 = arith.addf %add3A_1926, %get3A_1930 : vector<16xf32>
      %get3A_1932 = arith.constant 187 : i32
      %get3A_1933 = arith.index_cast %get3A_1932 : i32 to index
      %get3A_1934 = arith.constant 0 : index
      %get3A_1935 = tpu.vector_load %arg6[%get3A_1933, %get3A_1934] {strides = array<i32>} : memref<256x128xf32, #tpu.memory_space<vmem>>, vector<16xf32>,
      %add3A_1936 = arith.addf %add3A_1931, %get3A_1935 : vector<16xf32>
      %get3A_1937 = arith.constant 219 : i32
      %get3A_1938 = arith.index_cast %get3A_1937 : i32 to index
      %get3A_1939 = arith.constant 0 : index
      %get3A_1940 = tpu.vector_load %arg6[%get3A_1938, %get3A_1939] {strides = array<i32>} : memref<256x128xf32, #tpu.memory_space<vmem>>, vector<16xf32>,
      %add3A_1941 = arith.addf %add3A_1936, %get3A_1940 : vector<16xf32>
      %get3A_1942 = arith.constant 251 : i32
      %get3A_1943 = arith.index_cast %get3A_1942 : i32 to index
      %get3A_1944 = arith.constant 0 : index
      %get3A_1945 = tpu.vector_load %arg6[%get3A_1943, %get3A_1944] {strides = array<i32>} : memref<256x128xf32, #tpu.memory_space<vmem>>, vector<16xf32>,
      %add3A_1946 = arith.addf %add3A_1941, %get3A_1945 : vector<16xf32>
      %broadcast_in_dim3A_1947 = arith.constant true
      %broadcast_in_dim3A_1948 = vector.broadcast %broadcast_in_dim3A_1947 : i1 to vector<16xi1>
      %masked_cumsum3A_1949 = tpu.scan <sum>, %add3A_1946 masked %broadcast_in_dim3A_1948 : vector<16xf32>, vector<16xi1> -> vector<16xf32>
      %eq3A_1950 = arith.constant 11 : i32
      %eq3A_1951 = vector.broadcast %eq3A_1950 : i32 to vector<16xi32>
      %eq3A_1952 = arith.cmpi eq, %iota3A, %eq3A_1951 : vector<16xi32>
      %lt3A_1953 = arith.constant 0 : i32
      %lt3A_1954 = vector.broadcast %lt3A_1953 : i32 to vector<16xi32>
      %lt3A_1955 = arith.cmpi slt, %get3A_1275, %lt3A_1954 : vector<16xi32>
      %add3A_1956 = arith.constant 16 : i32
      %add3A_1957 = vector.broadcast %add3A_1956 : i32 to vector<16xi32>
      %add3A_1958 = arith.addi %get3A_1275, %add3A_1957 : vector<16xi32>
      %select_n3A_1959 = arith.select %lt3A_1955, %add3A_1958, %get3A_1275 : vector<16xi1>, vector<16xi32>
      %broadcast_in_dim3A_1960 = vector.shape_cast %select_n3A_1959 : vector<16xi32> to vector<16x1xi32>
      %gather3A_1961 = vector.shape_cast %broadcast_in_dim3A_1960 : vector<16x1xi32> to vector<16xi32>
      %gather3A_1962 = tpu.dynamic_gather %masked_cumsum3A_1949[%gather3A_1961] in [0] : vector<16xf32>, vector<16xi32> -> vector<16xf32>
      %select_n3A_1963 = arith.select %eq3A_1952, %gather3A_1962, %select_n3A_1907 : vector<16xi1>, vector<16xf32>
      %get3A_1964 = arith.constant 28 : i32
      %get3A_1965 = arith.index_cast %get3A_1964 : i32 to index
      %get3A_1966 = arith.constant 0 : index
      %get3A_1967 = tpu.vector_load %arg6[%get3A_1965, %get3A_1966] {strides = array<i32>} : memref<256x128xf32, #tpu.memory_space<vmem>>, vector<16xf32>,
      %get3A_1968 = arith.constant 60 : i32
      %get3A_1969 = arith.index_cast %get3A_1968 : i32 to index
      %get3A_1970 = arith.constant 0 : index
      %get3A_1971 = tpu.vector_load %arg6[%get3A_1969, %get3A_1970] {strides = array<i32>} : memref<256x128xf32, #tpu.memory_space<vmem>>, vector<16xf32>,
      %add3A_1972 = arith.addf %get3A_1967, %get3A_1971 : vector<16xf32>
      %get3A_1973 = arith.constant 92 : i32
      %get3A_1974 = arith.index_cast %get3A_1973 : i32 to index
      %get3A_1975 = arith.constant 0 : index
      %get3A_1976 = tpu.vector_load %arg6[%get3A_1974, %get3A_1975] {strides = array<i32>} : memref<256x128xf32, #tpu.memory_space<vmem>>, vector<16xf32>,
      %add3A_1977 = arith.addf %add3A_1972, %get3A_1976 : vector<16xf32>
      %get3A_1978 = arith.constant 124 : i32
      %get3A_1979 = arith.index_cast %get3A_1978 : i32 to index
      %get3A_1980 = arith.constant 0 : index
      %get3A_1981 = tpu.vector_load %arg6[%get3A_1979, %get3A_1980] {strides = array<i32>} : memref<256x128xf32, #tpu.memory_space<vmem>>, vector<16xf32>,
      %add3A_1982 = arith.addf %add3A_1977, %get3A_1981 : vector<16xf32>
      %get3A_1983 = arith.constant 156 : i32
      %get3A_1984 = arith.index_cast %get3A_1983 : i32 to index
      %get3A_1985 = arith.constant 0 : index
      %get3A_1986 = tpu.vector_load %arg6[%get3A_1984, %get3A_1985] {strides = array<i32>} : memref<256x128xf32, #tpu.memory_space<vmem>>, vector<16xf32>,
      %add3A_1987 = arith.addf %add3A_1982, %get3A_1986 : vector<16xf32>
      %get3A_1988 = arith.constant 188 : i32
      %get3A_1989 = arith.index_cast %get3A_1988 : i32 to index
      %get3A_1990 = arith.constant 0 : index
      %get3A_1991 = tpu.vector_load %arg6[%get3A_1989, %get3A_1990] {strides = array<i32>} : memref<256x128xf32, #tpu.memory_space<vmem>>, vector<16xf32>,
      %add3A_1992 = arith.addf %add3A_1987, %get3A_1991 : vector<16xf32>
      %get3A_1993 = arith.constant 220 : i32
      %get3A_1994 = arith.index_cast %get3A_1993 : i32 to index
      %get3A_1995 = arith.constant 0 : index
      %get3A_1996 = tpu.vector_load %arg6[%get3A_1994, %get3A_1995] {strides = array<i32>} : memref<256x128xf32, #tpu.memory_space<vmem>>, vector<16xf32>,
      %add3A_1997 = arith.addf %add3A_1992, %get3A_1996 : vector<16xf32>
      %get3A_1998 = arith.constant 252 : i32
      %get3A_1999 = arith.index_cast %get3A_1998 : i32 to index
      %get3A_2000 = arith.constant 0 : index
      %get3A_2001 = tpu.vector_load %arg6[%get3A_1999, %get3A_2000] {strides = array<i32>} : memref<256x128xf32, #tpu.memory_space<vmem>>, vector<16xf32>,
      %add3A_2002 = arith.addf %add3A_1997, %get3A_2001 : vector<16xf32>
      %broadcast_in_dim3A_2003 = arith.constant true
      %broadcast_in_dim3A_2004 = vector.broadcast %broadcast_in_dim3A_2003 : i1 to vector<16xi1>
      %masked_cumsum3A_2005 = tpu.scan <sum>, %add3A_2002 masked %broadcast_in_dim3A_2004 : vector<16xf32>, vector<16xi1> -> vector<16xf32>
      %eq3A_2006 = arith.constant 12 : i32
      %eq3A_2007 = vector.broadcast %eq3A_2006 : i32 to vector<16xi32>
      %eq3A_2008 = arith.cmpi eq, %iota3A, %eq3A_2007 : vector<16xi32>
      %lt3A_2009 = arith.constant 0 : i32
      %lt3A_2010 = vector.broadcast %lt3A_2009 : i32 to vector<16xi32>
      %lt3A_2011 = arith.cmpi slt, %get3A_1275, %lt3A_2010 : vector<16xi32>
      %add3A_2012 = arith.constant 16 : i32
      %add3A_2013 = vector.broadcast %add3A_2012 : i32 to vector<16xi32>
      %add3A_2014 = arith.addi %get3A_1275, %add3A_2013 : vector<16xi32>
      %select_n3A_2015 = arith.select %lt3A_2011, %add3A_2014, %get3A_1275 : vector<16xi1>, vector<16xi32>
      %broadcast_in_dim3A_2016 = vector.shape_cast %select_n3A_2015 : vector<16xi32> to vector<16x1xi32>
      %gather3A_2017 = vector.shape_cast %broadcast_in_dim3A_2016 : vector<16x1xi32> to vector<16xi32>
      %gather3A_2018 = tpu.dynamic_gather %masked_cumsum3A_2005[%gather3A_2017] in [0] : vector<16xf32>, vector<16xi32> -> vector<16xf32>
      %select_n3A_2019 = arith.select %eq3A_2008, %gather3A_2018, %select_n3A_1963 : vector<16xi1>, vector<16xf32>
      %get3A_2020 = arith.constant 29 : i32
      %get3A_2021 = arith.index_cast %get3A_2020 : i32 to index
      %get3A_2022 = arith.constant 0 : index
      %get3A_2023 = tpu.vector_load %arg6[%get3A_2021, %get3A_2022] {strides = array<i32>} : memref<256x128xf32, #tpu.memory_space<vmem>>, vector<16xf32>,
      %get3A_2024 = arith.constant 61 : i32
      %get3A_2025 = arith.index_cast %get3A_2024 : i32 to index
      %get3A_2026 = arith.constant 0 : index
      %get3A_2027 = tpu.vector_load %arg6[%get3A_2025, %get3A_2026] {strides = array<i32>} : memref<256x128xf32, #tpu.memory_space<vmem>>, vector<16xf32>,
      %add3A_2028 = arith.addf %get3A_2023, %get3A_2027 : vector<16xf32>
      %get3A_2029 = arith.constant 93 : i32
      %get3A_2030 = arith.index_cast %get3A_2029 : i32 to index
      %get3A_2031 = arith.constant 0 : index
      %get3A_2032 = tpu.vector_load %arg6[%get3A_2030, %get3A_2031] {strides = array<i32>} : memref<256x128xf32, #tpu.memory_space<vmem>>, vector<16xf32>,
      %add3A_2033 = arith.addf %add3A_2028, %get3A_2032 : vector<16xf32>
      %get3A_2034 = arith.constant 125 : i32
      %get3A_2035 = arith.index_cast %get3A_2034 : i32 to index
      %get3A_2036 = arith.constant 0 : index
      %get3A_2037 = tpu.vector_load %arg6[%get3A_2035, %get3A_2036] {strides = array<i32>} : memref<256x128xf32, #tpu.memory_space<vmem>>, vector<16xf32>,
      %add3A_2038 = arith.addf %add3A_2033, %get3A_2037 : vector<16xf32>
      %get3A_2039 = arith.constant 157 : i32
      %get3A_2040 = arith.index_cast %get3A_2039 : i32 to index
      %get3A_2041 = arith.constant 0 : index
      %get3A_2042 = tpu.vector_load %arg6[%get3A_2040, %get3A_2041] {strides = array<i32>} : memref<256x128xf32, #tpu.memory_space<vmem>>, vector<16xf32>,
      %add3A_2043 = arith.addf %add3A_2038, %get3A_2042 : vector<16xf32>
      %get3A_2044 = arith.constant 189 : i32
      %get3A_2045 = arith.index_cast %get3A_2044 : i32 to index
      %get3A_2046 = arith.constant 0 : index
      %get3A_2047 = tpu.vector_load %arg6[%get3A_2045, %get3A_2046] {strides = array<i32>} : memref<256x128xf32, #tpu.memory_space<vmem>>, vector<16xf32>,
      %add3A_2048 = arith.addf %add3A_2043, %get3A_2047 : vector<16xf32>
      %get3A_2049 = arith.constant 221 : i32
      %get3A_2050 = arith.index_cast %get3A_2049 : i32 to index
      %get3A_2051 = arith.constant 0 : index
      %get3A_2052 = tpu.vector_load %arg6[%get3A_2050, %get3A_2051] {strides = array<i32>} : memref<256x128xf32, #tpu.memory_space<vmem>>, vector<16xf32>,
      %add3A_2053 = arith.addf %add3A_2048, %get3A_2052 : vector<16xf32>
      %get3A_2054 = arith.constant 253 : i32
      %get3A_2055 = arith.index_cast %get3A_2054 : i32 to index
      %get3A_2056 = arith.constant 0 : index
      %get3A_2057 = tpu.vector_load %arg6[%get3A_2055, %get3A_2056] {strides = array<i32>} : memref<256x128xf32, #tpu.memory_space<vmem>>, vector<16xf32>,
      %add3A_2058 = arith.addf %add3A_2053, %get3A_2057 : vector<16xf32>
      %broadcast_in_dim3A_2059 = arith.constant true
      %broadcast_in_dim3A_2060 = vector.broadcast %broadcast_in_dim3A_2059 : i1 to vector<16xi1>
      %masked_cumsum3A_2061 = tpu.scan <sum>, %add3A_2058 masked %broadcast_in_dim3A_2060 : vector<16xf32>, vector<16xi1> -> vector<16xf32>
      %eq3A_2062 = arith.constant 13 : i32
      %eq3A_2063 = vector.broadcast %eq3A_2062 : i32 to vector<16xi32>
      %eq3A_2064 = arith.cmpi eq, %iota3A, %eq3A_2063 : vector<16xi32>
      %lt3A_2065 = arith.constant 0 : i32
      %lt3A_2066 = vector.broadcast %lt3A_2065 : i32 to vector<16xi32>
      %lt3A_2067 = arith.cmpi slt, %get3A_1275, %lt3A_2066 : vector<16xi32>
      %add3A_2068 = arith.constant 16 : i32
      %add3A_2069 = vector.broadcast %add3A_2068 : i32 to vector<16xi32>
      %add3A_2070 = arith.addi %get3A_1275, %add3A_2069 : vector<16xi32>
      %select_n3A_2071 = arith.select %lt3A_2067, %add3A_2070, %get3A_1275 : vector<16xi1>, vector<16xi32>
      %broadcast_in_dim3A_2072 = vector.shape_cast %select_n3A_2071 : vector<16xi32> to vector<16x1xi32>
      %gather3A_2073 = vector.shape_cast %broadcast_in_dim3A_2072 : vector<16x1xi32> to vector<16xi32>
      %gather3A_2074 = tpu.dynamic_gather %masked_cumsum3A_2061[%gather3A_2073] in [0] : vector<16xf32>, vector<16xi32> -> vector<16xf32>
      %select_n3A_2075 = arith.select %eq3A_2064, %gather3A_2074, %select_n3A_2019 : vector<16xi1>, vector<16xf32>
      %get3A_2076 = arith.constant 30 : i32
      %get3A_2077 = arith.index_cast %get3A_2076 : i32 to index
      %get3A_2078 = arith.constant 0 : index
      %get3A_2079 = tpu.vector_load %arg6[%get3A_2077, %get3A_2078] {strides = array<i32>} : memref<256x128xf32, #tpu.memory_space<vmem>>, vector<16xf32>,
      %get3A_2080 = arith.constant 62 : i32
      %get3A_2081 = arith.index_cast %get3A_2080 : i32 to index
      %get3A_2082 = arith.constant 0 : index
      %get3A_2083 = tpu.vector_load %arg6[%get3A_2081, %get3A_2082] {strides = array<i32>} : memref<256x128xf32, #tpu.memory_space<vmem>>, vector<16xf32>,
      %add3A_2084 = arith.addf %get3A_2079, %get3A_2083 : vector<16xf32>
      %get3A_2085 = arith.constant 94 : i32
      %get3A_2086 = arith.index_cast %get3A_2085 : i32 to index
      %get3A_2087 = arith.constant 0 : index
      %get3A_2088 = tpu.vector_load %arg6[%get3A_2086, %get3A_2087] {strides = array<i32>} : memref<256x128xf32, #tpu.memory_space<vmem>>, vector<16xf32>,
      %add3A_2089 = arith.addf %add3A_2084, %get3A_2088 : vector<16xf32>
      %get3A_2090 = arith.constant 126 : i32
      %get3A_2091 = arith.index_cast %get3A_2090 : i32 to index
      %get3A_2092 = arith.constant 0 : index
      %get3A_2093 = tpu.vector_load %arg6[%get3A_2091, %get3A_2092] {strides = array<i32>} : memref<256x128xf32, #tpu.memory_space<vmem>>, vector<16xf32>,
      %add3A_2094 = arith.addf %add3A_2089, %get3A_2093 : vector<16xf32>
      %get3A_2095 = arith.constant 158 : i32
      %get3A_2096 = arith.index_cast %get3A_2095 : i32 to index
      %get3A_2097 = arith.constant 0 : index
      %get3A_2098 = tpu.vector_load %arg6[%get3A_2096, %get3A_2097] {strides = array<i32>} : memref<256x128xf32, #tpu.memory_space<vmem>>, vector<16xf32>,
      %add3A_2099 = arith.addf %add3A_2094, %get3A_2098 : vector<16xf32>
      %get3A_2100 = arith.constant 190 : i32
      %get3A_2101 = arith.index_cast %get3A_2100 : i32 to index
      %get3A_2102 = arith.constant 0 : index
      %get3A_2103 = tpu.vector_load %arg6[%get3A_2101, %get3A_2102] {strides = array<i32>} : memref<256x128xf32, #tpu.memory_space<vmem>>, vector<16xf32>,
      %add3A_2104 = arith.addf %add3A_2099, %get3A_2103 : vector<16xf32>
      %get3A_2105 = arith.constant 222 : i32
      %get3A_2106 = arith.index_cast %get3A_2105 : i32 to index
      %get3A_2107 = arith.constant 0 : index
      %get3A_2108 = tpu.vector_load %arg6[%get3A_2106, %get3A_2107] {strides = array<i32>} : memref<256x128xf32, #tpu.memory_space<vmem>>, vector<16xf32>,
      %add3A_2109 = arith.addf %add3A_2104, %get3A_2108 : vector<16xf32>
      %get3A_2110 = arith.constant 254 : i32
      %get3A_2111 = arith.index_cast %get3A_2110 : i32 to index
      %get3A_2112 = arith.constant 0 : index
      %get3A_2113 = tpu.vector_load %arg6[%get3A_2111, %get3A_2112] {strides = array<i32>} : memref<256x128xf32, #tpu.memory_space<vmem>>, vector<16xf32>,
      %add3A_2114 = arith.addf %add3A_2109, %get3A_2113 : vector<16xf32>
      %broadcast_in_dim3A_2115 = arith.constant true
      %broadcast_in_dim3A_2116 = vector.broadcast %broadcast_in_dim3A_2115 : i1 to vector<16xi1>
      %masked_cumsum3A_2117 = tpu.scan <sum>, %add3A_2114 masked %broadcast_in_dim3A_2116 : vector<16xf32>, vector<16xi1> -> vector<16xf32>
      %eq3A_2118 = arith.constant 14 : i32
      %eq3A_2119 = vector.broadcast %eq3A_2118 : i32 to vector<16xi32>
      %eq3A_2120 = arith.cmpi eq, %iota3A, %eq3A_2119 : vector<16xi32>
      %lt3A_2121 = arith.constant 0 : i32
      %lt3A_2122 = vector.broadcast %lt3A_2121 : i32 to vector<16xi32>
      %lt3A_2123 = arith.cmpi slt, %get3A_1275, %lt3A_2122 : vector<16xi32>
      %add3A_2124 = arith.constant 16 : i32
      %add3A_2125 = vector.broadcast %add3A_2124 : i32 to vector<16xi32>
      %add3A_2126 = arith.addi %get3A_1275, %add3A_2125 : vector<16xi32>
      %select_n3A_2127 = arith.select %lt3A_2123, %add3A_2126, %get3A_1275 : vector<16xi1>, vector<16xi32>
      %broadcast_in_dim3A_2128 = vector.shape_cast %select_n3A_2127 : vector<16xi32> to vector<16x1xi32>
      %gather3A_2129 = vector.shape_cast %broadcast_in_dim3A_2128 : vector<16x1xi32> to vector<16xi32>
      %gather3A_2130 = tpu.dynamic_gather %masked_cumsum3A_2117[%gather3A_2129] in [0] : vector<16xf32>, vector<16xi32> -> vector<16xf32>
      %select_n3A_2131 = arith.select %eq3A_2120, %gather3A_2130, %select_n3A_2075 : vector<16xi1>, vector<16xf32>
      %get3A_2132 = arith.constant 31 : i32
      %get3A_2133 = arith.index_cast %get3A_2132 : i32 to index
      %get3A_2134 = arith.constant 0 : index
      %get3A_2135 = tpu.vector_load %arg6[%get3A_2133, %get3A_2134] {strides = array<i32>} : memref<256x128xf32, #tpu.memory_space<vmem>>, vector<16xf32>,
      %get3A_2136 = arith.constant 63 : i32
      %get3A_2137 = arith.index_cast %get3A_2136 : i32 to index
      %get3A_2138 = arith.constant 0 : index
      %get3A_2139 = tpu.vector_load %arg6[%get3A_2137, %get3A_2138] {strides = array<i32>} : memref<256x128xf32, #tpu.memory_space<vmem>>, vector<16xf32>,
      %add3A_2140 = arith.addf %get3A_2135, %get3A_2139 : vector<16xf32>
      %get3A_2141 = arith.constant 95 : i32
      %get3A_2142 = arith.index_cast %get3A_2141 : i32 to index
      %get3A_2143 = arith.constant 0 : index
      %get3A_2144 = tpu.vector_load %arg6[%get3A_2142, %get3A_2143] {strides = array<i32>} : memref<256x128xf32, #tpu.memory_space<vmem>>, vector<16xf32>,
      %add3A_2145 = arith.addf %add3A_2140, %get3A_2144 : vector<16xf32>
      %get3A_2146 = arith.constant 127 : i32
      %get3A_2147 = arith.index_cast %get3A_2146 : i32 to index
      %get3A_2148 = arith.constant 0 : index
      %get3A_2149 = tpu.vector_load %arg6[%get3A_2147, %get3A_2148] {strides = array<i32>} : memref<256x128xf32, #tpu.memory_space<vmem>>, vector<16xf32>,
      %add3A_2150 = arith.addf %add3A_2145, %get3A_2149 : vector<16xf32>
      %get3A_2151 = arith.constant 159 : i32
      %get3A_2152 = arith.index_cast %get3A_2151 : i32 to index
      %get3A_2153 = arith.constant 0 : index
      %get3A_2154 = tpu.vector_load %arg6[%get3A_2152, %get3A_2153] {strides = array<i32>} : memref<256x128xf32, #tpu.memory_space<vmem>>, vector<16xf32>,
      %add3A_2155 = arith.addf %add3A_2150, %get3A_2154 : vector<16xf32>
      %get3A_2156 = arith.constant 191 : i32
      %get3A_2157 = arith.index_cast %get3A_2156 : i32 to index
      %get3A_2158 = arith.constant 0 : index
      %get3A_2159 = tpu.vector_load %arg6[%get3A_2157, %get3A_2158] {strides = array<i32>} : memref<256x128xf32, #tpu.memory_space<vmem>>, vector<16xf32>,
      %add3A_2160 = arith.addf %add3A_2155, %get3A_2159 : vector<16xf32>
      %get3A_2161 = arith.constant 223 : i32
      %get3A_2162 = arith.index_cast %get3A_2161 : i32 to index
      %get3A_2163 = arith.constant 0 : index
      %get3A_2164 = tpu.vector_load %arg6[%get3A_2162, %get3A_2163] {strides = array<i32>} : memref<256x128xf32, #tpu.memory_space<vmem>>, vector<16xf32>,
      %add3A_2165 = arith.addf %add3A_2160, %get3A_2164 : vector<16xf32>
      %get3A_2166 = arith.constant 255 : i32
      %get3A_2167 = arith.index_cast %get3A_2166 : i32 to index
      %get3A_2168 = arith.constant 0 : index
      %get3A_2169 = tpu.vector_load %arg6[%get3A_2167, %get3A_2168] {strides = array<i32>} : memref<256x128xf32, #tpu.memory_space<vmem>>, vector<16xf32>,
      %add3A_2170 = arith.addf %add3A_2165, %get3A_2169 : vector<16xf32>
      %broadcast_in_dim3A_2171 = arith.constant true
      %broadcast_in_dim3A_2172 = vector.broadcast %broadcast_in_dim3A_2171 : i1 to vector<16xi1>
      %masked_cumsum3A_2173 = tpu.scan <sum>, %add3A_2170 masked %broadcast_in_dim3A_2172 : vector<16xf32>, vector<16xi1> -> vector<16xf32>
      %eq3A_2174 = arith.constant 15 : i32
      %eq3A_2175 = vector.broadcast %eq3A_2174 : i32 to vector<16xi32>
      %eq3A_2176 = arith.cmpi eq, %iota3A, %eq3A_2175 : vector<16xi32>
      %lt3A_2177 = arith.constant 0 : i32
      %lt3A_2178 = vector.broadcast %lt3A_2177 : i32 to vector<16xi32>
      %lt3A_2179 = arith.cmpi slt, %get3A_1275, %lt3A_2178 : vector<16xi32>
      %add3A_2180 = arith.constant 16 : i32
      %add3A_2181 = vector.broadcast %add3A_2180 : i32 to vector<16xi32>
      %add3A_2182 = arith.addi %get3A_1275, %add3A_2181 : vector<16xi32>
      %select_n3A_2183 = arith.select %lt3A_2179, %add3A_2182, %get3A_1275 : vector<16xi1>, vector<16xi32>
      %broadcast_in_dim3A_2184 = vector.shape_cast %select_n3A_2183 : vector<16xi32> to vector<16x1xi32>
      %gather3A_2185 = vector.shape_cast %broadcast_in_dim3A_2184 : vector<16x1xi32> to vector<16xi32>
      %gather3A_2186 = tpu.dynamic_gather %masked_cumsum3A_2173[%gather3A_2185] in [0] : vector<16xf32>, vector<16xi32> -> vector<16xf32>
      %select_n3A_2187 = arith.select %eq3A_2176, %gather3A_2186, %select_n3A_2131 : vector<16xi1>, vector<16xf32>
      %gt3A_2188 = arith.constant 0 : i32
      %gt3A_2189 = vector.broadcast %gt3A_2188 : i32 to vector<16xi32>
      %gt3A_2190 = arith.cmpi sgt, %get3A_1269, %gt3A_2189 : vector<16xi32>
      %sub3A_2191 = arith.constant 1.000000e+00 : f32
      %sub3A_2192 = vector.broadcast %sub3A_2191 : f32 to vector<16xf32>
      %sub3A_2193 = arith.subf %sub3A_2192, %select_n3A_2187 : vector<16xf32>
      %select_n3A_2194 = arith.select %gt3A_2190, %gather3A_1289, %sub3A_2193 : vector<16xi1>, vector<16xf32>
      %mul3A_2195 = arith.constant 32 : i32
      %mul3A_2196 = arith.muli %mul3A_112, %mul3A_2195 : i32
      %add3A_2197 = arith.constant 16 : i32
      %add3A_2198 = arith.addi %mul3A_2196, %add3A_2197 : i32
      %swap3A_2199 = arith.index_cast %add3A_2198 : i32 to index
      %swap3A_2200 = tpu.vector_load %arg10[%swap3A_2199] {strides = array<i32>} : memref<512xf32, #tpu.memory_space<vmem>>, vector<16xf32>,
      tpu.vector_store %arg10[%swap3A_2199], %select_n3A_2194 {strides = array<i32>} : memref<512xf32, #tpu.memory_space<vmem>>, vector<16xf32>,
      %add3A_2201 = arith.constant 1 : i32
      %add3A_2202 = arith.addi %mul3A_112, %add3A_2201 : i32
      %mul3A_2203 = arith.constant 32 : i32
      %mul3A_2204 = arith.muli %add3A_2202, %mul3A_2203 : i32
      %add3A_2205 = arith.addi %mul3A_2, %mul3A_2204 : i32
      %multiple_of3A_2206 = tpu.assume_multiple %add3A_2205, 32 : i32
      %dma_wait3A_2207 = arith.constant 0 : i32
      %dma_wait3A_2208 = arith.constant 0 : i32
      %dma_wait3A_2209 = tpu.memref_slice %arg7[%dma_wait3A_2207, %dma_wait3A_2208] : memref<256x128xf32, #tpu.memory_space<vmem>> -> memref<32x128xf32, #tpu.memory_space<vmem>>
      %dma_wait3A_2210 = arith.constant 0 : i32
      %dma_wait3A_2211 = tpu.memref_slice %arg2[%multiple_of3A_2206, %dma_wait3A_2210] : memref<16384x4096xf32, #tpu.memory_space<hbm>> -> memref<32x128xf32, #tpu.memory_space<hbm>>
      %dma_wait3A_2212 = arith.constant 0 : i32
      %dma_wait3A_2213 = arith.constant 0 : i32
      %dma_wait3A_2214 = tpu.memref_slice %arg7[%dma_wait3A_2212, %dma_wait3A_2213] : memref<256x128xf32, #tpu.memory_space<vmem>> -> memref<32x128xf32, #tpu.memory_space<vmem>>
      %dma_wait3A_2215 = arith.constant 0 : i32
      %dma_wait3A_2216 = tpu.memref_slice %arg2[%multiple_of3A_2206, %dma_wait3A_2215] : memref<16384x4096xf32, #tpu.memory_space<hbm>> -> memref<32x128xf32, #tpu.memory_space<hbm>>
      tpu.wait_dma2 semaphore(%arg11 : memref<!tpu.dma_semaphore, #tpu.memory_space<semaphore_mem>>) src(%dma_wait3A_2216 : memref<32x128xf32, #tpu.memory_space<hbm>>) dst(%dma_wait3A_2214 : memref<32x128xf32, #tpu.memory_space<vmem>>)
      %mul3A_2217 = arith.constant 32 : i32
      %mul3A_2218 = arith.muli %add3A_2202, %mul3A_2217 : i32
      %add3A_2219 = arith.addi %mul3A_2, %mul3A_2218 : i32
      %multiple_of3A_2220 = tpu.assume_multiple %add3A_2219, 32 : i32
      %dma_wait3A_2221 = arith.constant 32 : i32
      %dma_wait3A_2222 = arith.constant 0 : i32
      %dma_wait3A_2223 = tpu.memref_slice %arg7[%dma_wait3A_2221, %dma_wait3A_2222] : memref<256x128xf32, #tpu.memory_space<vmem>> -> memref<32x128xf32, #tpu.memory_space<vmem>>
      %dma_wait3A_2224 = arith.constant 512 : i32
      %dma_wait3A_2225 = tpu.memref_slice %arg2[%multiple_of3A_2220, %dma_wait3A_2224] : memref<16384x4096xf32, #tpu.memory_space<hbm>> -> memref<32x128xf32, #tpu.memory_space<hbm>>
      %dma_wait3A_2226 = arith.constant 32 : i32
      %dma_wait3A_2227 = arith.constant 0 : i32
      %dma_wait3A_2228 = tpu.memref_slice %arg7[%dma_wait3A_2226, %dma_wait3A_2227] : memref<256x128xf32, #tpu.memory_space<vmem>> -> memref<32x128xf32, #tpu.memory_space<vmem>>
      %dma_wait3A_2229 = arith.constant 512 : i32
      %dma_wait3A_2230 = tpu.memref_slice %arg2[%multiple_of3A_2220, %dma_wait3A_2229] : memref<16384x4096xf32, #tpu.memory_space<hbm>> -> memref<32x128xf32, #tpu.memory_space<hbm>>
      tpu.wait_dma2 semaphore(%arg11 : memref<!tpu.dma_semaphore, #tpu.memory_space<semaphore_mem>>) src(%dma_wait3A_2230 : memref<32x128xf32, #tpu.memory_space<hbm>>) dst(%dma_wait3A_2228 : memref<32x128xf32, #tpu.memory_space<vmem>>)
      %mul3A_2231 = arith.constant 32 : i32
      %mul3A_2232 = arith.muli %add3A_2202, %mul3A_2231 : i32
      %add3A_2233 = arith.addi %mul3A_2, %mul3A_2232 : i32
      %multiple_of3A_2234 = tpu.assume_multiple %add3A_2233, 32 : i32
      %dma_wait3A_2235 = arith.constant 64 : i32
      %dma_wait3A_2236 = arith.constant 0 : i32
      %dma_wait3A_2237 = tpu.memref_slice %arg7[%dma_wait3A_2235, %dma_wait3A_2236] : memref<256x128xf32, #tpu.memory_space<vmem>> -> memref<32x128xf32, #tpu.memory_space<vmem>>
      %dma_wait3A_2238 = arith.constant 1024 : i32
      %dma_wait3A_2239 = tpu.memref_slice %arg2[%multiple_of3A_2234, %dma_wait3A_2238] : memref<16384x4096xf32, #tpu.memory_space<hbm>> -> memref<32x128xf32, #tpu.memory_space<hbm>>
      %dma_wait3A_2240 = arith.constant 64 : i32
      %dma_wait3A_2241 = arith.constant 0 : i32
      %dma_wait3A_2242 = tpu.memref_slice %arg7[%dma_wait3A_2240, %dma_wait3A_2241] : memref<256x128xf32, #tpu.memory_space<vmem>> -> memref<32x128xf32, #tpu.memory_space<vmem>>
      %dma_wait3A_2243 = arith.constant 1024 : i32
      %dma_wait3A_2244 = tpu.memref_slice %arg2[%multiple_of3A_2234, %dma_wait3A_2243] : memref<16384x4096xf32, #tpu.memory_space<hbm>> -> memref<32x128xf32, #tpu.memory_space<hbm>>
      tpu.wait_dma2 semaphore(%arg11 : memref<!tpu.dma_semaphore, #tpu.memory_space<semaphore_mem>>) src(%dma_wait3A_2244 : memref<32x128xf32, #tpu.memory_space<hbm>>) dst(%dma_wait3A_2242 : memref<32x128xf32, #tpu.memory_space<vmem>>)
      %mul3A_2245 = arith.constant 32 : i32
      %mul3A_2246 = arith.muli %add3A_2202, %mul3A_2245 : i32
      %add3A_2247 = arith.addi %mul3A_2, %mul3A_2246 : i32
      %multiple_of3A_2248 = tpu.assume_multiple %add3A_2247, 32 : i32
      %dma_wait3A_2249 = arith.constant 96 : i32
      %dma_wait3A_2250 = arith.constant 0 : i32
      %dma_wait3A_2251 = tpu.memref_slice %arg7[%dma_wait3A_2249, %dma_wait3A_2250] : memref<256x128xf32, #tpu.memory_space<vmem>> -> memref<32x128xf32, #tpu.memory_space<vmem>>
      %dma_wait3A_2252 = arith.constant 1536 : i32
      %dma_wait3A_2253 = tpu.memref_slice %arg2[%multiple_of3A_2248, %dma_wait3A_2252] : memref<16384x4096xf32, #tpu.memory_space<hbm>> -> memref<32x128xf32, #tpu.memory_space<hbm>>
      %dma_wait3A_2254 = arith.constant 96 : i32
      %dma_wait3A_2255 = arith.constant 0 : i32
      %dma_wait3A_2256 = tpu.memref_slice %arg7[%dma_wait3A_2254, %dma_wait3A_2255] : memref<256x128xf32, #tpu.memory_space<vmem>> -> memref<32x128xf32, #tpu.memory_space<vmem>>
      %dma_wait3A_2257 = arith.constant 1536 : i32
      %dma_wait3A_2258 = tpu.memref_slice %arg2[%multiple_of3A_2248, %dma_wait3A_2257] : memref<16384x4096xf32, #tpu.memory_space<hbm>> -> memref<32x128xf32, #tpu.memory_space<hbm>>
      tpu.wait_dma2 semaphore(%arg11 : memref<!tpu.dma_semaphore, #tpu.memory_space<semaphore_mem>>) src(%dma_wait3A_2258 : memref<32x128xf32, #tpu.memory_space<hbm>>) dst(%dma_wait3A_2256 : memref<32x128xf32, #tpu.memory_space<vmem>>)
      %mul3A_2259 = arith.constant 32 : i32
      %mul3A_2260 = arith.muli %add3A_2202, %mul3A_2259 : i32
      %add3A_2261 = arith.addi %mul3A_2, %mul3A_2260 : i32
      %multiple_of3A_2262 = tpu.assume_multiple %add3A_2261, 32 : i32
      %dma_wait3A_2263 = arith.constant 128 : i32
      %dma_wait3A_2264 = arith.constant 0 : i32
      %dma_wait3A_2265 = tpu.memref_slice %arg7[%dma_wait3A_2263, %dma_wait3A_2264] : memref<256x128xf32, #tpu.memory_space<vmem>> -> memref<32x128xf32, #tpu.memory_space<vmem>>
      %dma_wait3A_2266 = arith.constant 2048 : i32
      %dma_wait3A_2267 = tpu.memref_slice %arg2[%multiple_of3A_2262, %dma_wait3A_2266] : memref<16384x4096xf32, #tpu.memory_space<hbm>> -> memref<32x128xf32, #tpu.memory_space<hbm>>
      %dma_wait3A_2268 = arith.constant 128 : i32
      %dma_wait3A_2269 = arith.constant 0 : i32
      %dma_wait3A_2270 = tpu.memref_slice %arg7[%dma_wait3A_2268, %dma_wait3A_2269] : memref<256x128xf32, #tpu.memory_space<vmem>> -> memref<32x128xf32, #tpu.memory_space<vmem>>
      %dma_wait3A_2271 = arith.constant 2048 : i32
      %dma_wait3A_2272 = tpu.memref_slice %arg2[%multiple_of3A_2262, %dma_wait3A_2271] : memref<16384x4096xf32, #tpu.memory_space<hbm>> -> memref<32x128xf32, #tpu.memory_space<hbm>>
      tpu.wait_dma2 semaphore(%arg11 : memref<!tpu.dma_semaphore, #tpu.memory_space<semaphore_mem>>) src(%dma_wait3A_2272 : memref<32x128xf32, #tpu.memory_space<hbm>>) dst(%dma_wait3A_2270 : memref<32x128xf32, #tpu.memory_space<vmem>>)
      %mul3A_2273 = arith.constant 32 : i32
      %mul3A_2274 = arith.muli %add3A_2202, %mul3A_2273 : i32
      %add3A_2275 = arith.addi %mul3A_2, %mul3A_2274 : i32
      %multiple_of3A_2276 = tpu.assume_multiple %add3A_2275, 32 : i32
      %dma_wait3A_2277 = arith.constant 160 : i32
      %dma_wait3A_2278 = arith.constant 0 : i32
      %dma_wait3A_2279 = tpu.memref_slice %arg7[%dma_wait3A_2277, %dma_wait3A_2278] : memref<256x128xf32, #tpu.memory_space<vmem>> -> memref<32x128xf32, #tpu.memory_space<vmem>>
      %dma_wait3A_2280 = arith.constant 2560 : i32
      %dma_wait3A_2281 = tpu.memref_slice %arg2[%multiple_of3A_2276, %dma_wait3A_2280] : memref<16384x4096xf32, #tpu.memory_space<hbm>> -> memref<32x128xf32, #tpu.memory_space<hbm>>
      %dma_wait3A_2282 = arith.constant 160 : i32
      %dma_wait3A_2283 = arith.constant 0 : i32
      %dma_wait3A_2284 = tpu.memref_slice %arg7[%dma_wait3A_2282, %dma_wait3A_2283] : memref<256x128xf32, #tpu.memory_space<vmem>> -> memref<32x128xf32, #tpu.memory_space<vmem>>
      %dma_wait3A_2285 = arith.constant 2560 : i32
      %dma_wait3A_2286 = tpu.memref_slice %arg2[%multiple_of3A_2276, %dma_wait3A_2285] : memref<16384x4096xf32, #tpu.memory_space<hbm>> -> memref<32x128xf32, #tpu.memory_space<hbm>>
      tpu.wait_dma2 semaphore(%arg11 : memref<!tpu.dma_semaphore, #tpu.memory_space<semaphore_mem>>) src(%dma_wait3A_2286 : memref<32x128xf32, #tpu.memory_space<hbm>>) dst(%dma_wait3A_2284 : memref<32x128xf32, #tpu.memory_space<vmem>>)
      %mul3A_2287 = arith.constant 32 : i32
      %mul3A_2288 = arith.muli %add3A_2202, %mul3A_2287 : i32
      %add3A_2289 = arith.addi %mul3A_2, %mul3A_2288 : i32
      %multiple_of3A_2290 = tpu.assume_multiple %add3A_2289, 32 : i32
      %dma_wait3A_2291 = arith.constant 192 : i32
      %dma_wait3A_2292 = arith.constant 0 : i32
      %dma_wait3A_2293 = tpu.memref_slice %arg7[%dma_wait3A_2291, %dma_wait3A_2292] : memref<256x128xf32, #tpu.memory_space<vmem>> -> memref<32x128xf32, #tpu.memory_space<vmem>>
      %dma_wait3A_2294 = arith.constant 3072 : i32
      %dma_wait3A_2295 = tpu.memref_slice %arg2[%multiple_of3A_2290, %dma_wait3A_2294] : memref<16384x4096xf32, #tpu.memory_space<hbm>> -> memref<32x128xf32, #tpu.memory_space<hbm>>
      %dma_wait3A_2296 = arith.constant 192 : i32
      %dma_wait3A_2297 = arith.constant 0 : i32
      %dma_wait3A_2298 = tpu.memref_slice %arg7[%dma_wait3A_2296, %dma_wait3A_2297] : memref<256x128xf32, #tpu.memory_space<vmem>> -> memref<32x128xf32, #tpu.memory_space<vmem>>
      %dma_wait3A_2299 = arith.constant 3072 : i32
      %dma_wait3A_2300 = tpu.memref_slice %arg2[%multiple_of3A_2290, %dma_wait3A_2299] : memref<16384x4096xf32, #tpu.memory_space<hbm>> -> memref<32x128xf32, #tpu.memory_space<hbm>>
      tpu.wait_dma2 semaphore(%arg11 : memref<!tpu.dma_semaphore, #tpu.memory_space<semaphore_mem>>) src(%dma_wait3A_2300 : memref<32x128xf32, #tpu.memory_space<hbm>>) dst(%dma_wait3A_2298 : memref<32x128xf32, #tpu.memory_space<vmem>>)
      %mul3A_2301 = arith.constant 32 : i32
      %mul3A_2302 = arith.muli %add3A_2202, %mul3A_2301 : i32
      %add3A_2303 = arith.addi %mul3A_2, %mul3A_2302 : i32
      %multiple_of3A_2304 = tpu.assume_multiple %add3A_2303, 32 : i32
      %dma_wait3A_2305 = arith.constant 224 : i32
      %dma_wait3A_2306 = arith.constant 0 : i32
      %dma_wait3A_2307 = tpu.memref_slice %arg7[%dma_wait3A_2305, %dma_wait3A_2306] : memref<256x128xf32, #tpu.memory_space<vmem>> -> memref<32x128xf32, #tpu.memory_space<vmem>>
      %dma_wait3A_2308 = arith.constant 3584 : i32
      %dma_wait3A_2309 = tpu.memref_slice %arg2[%multiple_of3A_2304, %dma_wait3A_2308] : memref<16384x4096xf32, #tpu.memory_space<hbm>> -> memref<32x128xf32, #tpu.memory_space<hbm>>
      %dma_wait3A_2310 = arith.constant 224 : i32
      %dma_wait3A_2311 = arith.constant 0 : i32
      %dma_wait3A_2312 = tpu.memref_slice %arg7[%dma_wait3A_2310, %dma_wait3A_2311] : memref<256x128xf32, #tpu.memory_space<vmem>> -> memref<32x128xf32, #tpu.memory_space<vmem>>
      %dma_wait3A_2313 = arith.constant 3584 : i32
      %dma_wait3A_2314 = tpu.memref_slice %arg2[%multiple_of3A_2304, %dma_wait3A_2313] : memref<16384x4096xf32, #tpu.memory_space<hbm>> -> memref<32x128xf32, #tpu.memory_space<hbm>>
      tpu.wait_dma2 semaphore(%arg11 : memref<!tpu.dma_semaphore, #tpu.memory_space<semaphore_mem>>) src(%dma_wait3A_2314 : memref<32x128xf32, #tpu.memory_space<hbm>>) dst(%dma_wait3A_2312 : memref<32x128xf32, #tpu.memory_space<vmem>>)
      %add3A_2315 = arith.constant 2 : i32
      %add3A_2316 = arith.addi %mul3A_112, %add3A_2315 : i32
      %lt3A_2317 = arith.constant 16 : i32
      %lt3A_2318 = arith.cmpi slt, %add3A_2316, %lt3A_2317 : i32
      %convert_element_type3A = arith.extui %lt3A_2318 : i1 to i32
      %cond3A = arith.constant 0 : i32
      %cond3A_2319 = arith.cmpi ne, %convert_element_type3A, %cond3A : i32
      scf.if %cond3A_2319 {
        %add3A_4196 = arith.constant 2 : i32
        %add3A_4197 = arith.addi %mul3A_112, %add3A_4196 : i32
        %mul3A_4198 = arith.constant 32 : i32
        %mul3A_4199 = arith.muli %add3A_4197, %mul3A_4198 : i32
        %add3A_4200 = arith.addi %mul3A_2, %mul3A_4199 : i32
        %multiple_of3A_4201 = tpu.assume_multiple %add3A_4200, 32 : i32
        %dma_start3A_4202 = arith.constant 0 : i32
        %dma_start3A_4203 = arith.constant 0 : i32
        %dma_start3A_4204 = tpu.memref_slice %arg6[%dma_start3A_4202, %dma_start3A_4203] : memref<256x128xf32, #tpu.memory_space<vmem>> -> memref<32x128xf32, #tpu.memory_space<vmem>>
        %dma_start3A_4205 = arith.constant 0 : i32
        %dma_start3A_4206 = tpu.memref_slice %arg2[%multiple_of3A_4201, %dma_start3A_4205] : memref<16384x4096xf32, #tpu.memory_space<hbm>> -> memref<32x128xf32, #tpu.memory_space<hbm>>
        %dma_start3A_4207 = arith.constant 0 : i32
        %dma_start3A_4208 = arith.constant 0 : i32
        %dma_start3A_4209 = tpu.memref_slice %arg6[%dma_start3A_4207, %dma_start3A_4208] : memref<256x128xf32, #tpu.memory_space<vmem>> -> memref<32x128xf32, #tpu.memory_space<vmem>>
        %dma_start3A_4210 = arith.constant 0 : i32
        %dma_start3A_4211 = tpu.memref_slice %arg2[%multiple_of3A_4201, %dma_start3A_4210] : memref<16384x4096xf32, #tpu.memory_space<hbm>> -> memref<32x128xf32, #tpu.memory_space<hbm>>
        tpu.enqueue_dma source(%dma_start3A_4211 : memref<32x128xf32, #tpu.memory_space<hbm>>) target(%dma_start3A_4209 : memref<32x128xf32, #tpu.memory_space<vmem>>) target_semaphore(%arg11 : memref<!tpu.dma_semaphore, #tpu.memory_space<semaphore_mem>>)
        %mul3A_4212 = arith.constant 32 : i32
        %mul3A_4213 = arith.muli %add3A_4197, %mul3A_4212 : i32
        %add3A_4214 = arith.addi %mul3A_2, %mul3A_4213 : i32
        %multiple_of3A_4215 = tpu.assume_multiple %add3A_4214, 32 : i32
        %dma_start3A_4216 = arith.constant 32 : i32
        %dma_start3A_4217 = arith.constant 0 : i32
        %dma_start3A_4218 = tpu.memref_slice %arg6[%dma_start3A_4216, %dma_start3A_4217] : memref<256x128xf32, #tpu.memory_space<vmem>> -> memref<32x128xf32, #tpu.memory_space<vmem>>
        %dma_start3A_4219 = arith.constant 512 : i32
        %dma_start3A_4220 = tpu.memref_slice %arg2[%multiple_of3A_4215, %dma_start3A_4219] : memref<16384x4096xf32, #tpu.memory_space<hbm>> -> memref<32x128xf32, #tpu.memory_space<hbm>>
        %dma_start3A_4221 = arith.constant 32 : i32
        %dma_start3A_4222 = arith.constant 0 : i32
        %dma_start3A_4223 = tpu.memref_slice %arg6[%dma_start3A_4221, %dma_start3A_4222] : memref<256x128xf32, #tpu.memory_space<vmem>> -> memref<32x128xf32, #tpu.memory_space<vmem>>
        %dma_start3A_4224 = arith.constant 512 : i32
        %dma_start3A_4225 = tpu.memref_slice %arg2[%multiple_of3A_4215, %dma_start3A_4224] : memref<16384x4096xf32, #tpu.memory_space<hbm>> -> memref<32x128xf32, #tpu.memory_space<hbm>>
        tpu.enqueue_dma source(%dma_start3A_4225 : memref<32x128xf32, #tpu.memory_space<hbm>>) target(%dma_start3A_4223 : memref<32x128xf32, #tpu.memory_space<vmem>>) target_semaphore(%arg11 : memref<!tpu.dma_semaphore, #tpu.memory_space<semaphore_mem>>)
        %mul3A_4226 = arith.constant 32 : i32
        %mul3A_4227 = arith.muli %add3A_4197, %mul3A_4226 : i32
        %add3A_4228 = arith.addi %mul3A_2, %mul3A_4227 : i32
        %multiple_of3A_4229 = tpu.assume_multiple %add3A_4228, 32 : i32
        %dma_start3A_4230 = arith.constant 64 : i32
        %dma_start3A_4231 = arith.constant 0 : i32
        %dma_start3A_4232 = tpu.memref_slice %arg6[%dma_start3A_4230, %dma_start3A_4231] : memref<256x128xf32, #tpu.memory_space<vmem>> -> memref<32x128xf32, #tpu.memory_space<vmem>>
        %dma_start3A_4233 = arith.constant 1024 : i32
        %dma_start3A_4234 = tpu.memref_slice %arg2[%multiple_of3A_4229, %dma_start3A_4233] : memref<16384x4096xf32, #tpu.memory_space<hbm>> -> memref<32x128xf32, #tpu.memory_space<hbm>>
        %dma_start3A_4235 = arith.constant 64 : i32
        %dma_start3A_4236 = arith.constant 0 : i32
        %dma_start3A_4237 = tpu.memref_slice %arg6[%dma_start3A_4235, %dma_start3A_4236] : memref<256x128xf32, #tpu.memory_space<vmem>> -> memref<32x128xf32, #tpu.memory_space<vmem>>
        %dma_start3A_4238 = arith.constant 1024 : i32
        %dma_start3A_4239 = tpu.memref_slice %arg2[%multiple_of3A_4229, %dma_start3A_4238] : memref<16384x4096xf32, #tpu.memory_space<hbm>> -> memref<32x128xf32, #tpu.memory_space<hbm>>
        tpu.enqueue_dma source(%dma_start3A_4239 : memref<32x128xf32, #tpu.memory_space<hbm>>) target(%dma_start3A_4237 : memref<32x128xf32, #tpu.memory_space<vmem>>) target_semaphore(%arg11 : memref<!tpu.dma_semaphore, #tpu.memory_space<semaphore_mem>>)
        %mul3A_4240 = arith.constant 32 : i32
        %mul3A_4241 = arith.muli %add3A_4197, %mul3A_4240 : i32
        %add3A_4242 = arith.addi %mul3A_2, %mul3A_4241 : i32
        %multiple_of3A_4243 = tpu.assume_multiple %add3A_4242, 32 : i32
        %dma_start3A_4244 = arith.constant 96 : i32
        %dma_start3A_4245 = arith.constant 0 : i32
        %dma_start3A_4246 = tpu.memref_slice %arg6[%dma_start3A_4244, %dma_start3A_4245] : memref<256x128xf32, #tpu.memory_space<vmem>> -> memref<32x128xf32, #tpu.memory_space<vmem>>
        %dma_start3A_4247 = arith.constant 1536 : i32
        %dma_start3A_4248 = tpu.memref_slice %arg2[%multiple_of3A_4243, %dma_start3A_4247] : memref<16384x4096xf32, #tpu.memory_space<hbm>> -> memref<32x128xf32, #tpu.memory_space<hbm>>
        %dma_start3A_4249 = arith.constant 96 : i32
        %dma_start3A_4250 = arith.constant 0 : i32
        %dma_start3A_4251 = tpu.memref_slice %arg6[%dma_start3A_4249, %dma_start3A_4250] : memref<256x128xf32, #tpu.memory_space<vmem>> -> memref<32x128xf32, #tpu.memory_space<vmem>>
        %dma_start3A_4252 = arith.constant 1536 : i32
        %dma_start3A_4253 = tpu.memref_slice %arg2[%multiple_of3A_4243, %dma_start3A_4252] : memref<16384x4096xf32, #tpu.memory_space<hbm>> -> memref<32x128xf32, #tpu.memory_space<hbm>>
        tpu.enqueue_dma source(%dma_start3A_4253 : memref<32x128xf32, #tpu.memory_space<hbm>>) target(%dma_start3A_4251 : memref<32x128xf32, #tpu.memory_space<vmem>>) target_semaphore(%arg11 : memref<!tpu.dma_semaphore, #tpu.memory_space<semaphore_mem>>)
        %mul3A_4254 = arith.constant 32 : i32
        %mul3A_4255 = arith.muli %add3A_4197, %mul3A_4254 : i32
        %add3A_4256 = arith.addi %mul3A_2, %mul3A_4255 : i32
        %multiple_of3A_4257 = tpu.assume_multiple %add3A_4256, 32 : i32
        %dma_start3A_4258 = arith.constant 128 : i32
        %dma_start3A_4259 = arith.constant 0 : i32
        %dma_start3A_4260 = tpu.memref_slice %arg6[%dma_start3A_4258, %dma_start3A_4259] : memref<256x128xf32, #tpu.memory_space<vmem>> -> memref<32x128xf32, #tpu.memory_space<vmem>>
        %dma_start3A_4261 = arith.constant 2048 : i32
        %dma_start3A_4262 = tpu.memref_slice %arg2[%multiple_of3A_4257, %dma_start3A_4261] : memref<16384x4096xf32, #tpu.memory_space<hbm>> -> memref<32x128xf32, #tpu.memory_space<hbm>>
        %dma_start3A_4263 = arith.constant 128 : i32
        %dma_start3A_4264 = arith.constant 0 : i32
        %dma_start3A_4265 = tpu.memref_slice %arg6[%dma_start3A_4263, %dma_start3A_4264] : memref<256x128xf32, #tpu.memory_space<vmem>> -> memref<32x128xf32, #tpu.memory_space<vmem>>
        %dma_start3A_4266 = arith.constant 2048 : i32
        %dma_start3A_4267 = tpu.memref_slice %arg2[%multiple_of3A_4257, %dma_start3A_4266] : memref<16384x4096xf32, #tpu.memory_space<hbm>> -> memref<32x128xf32, #tpu.memory_space<hbm>>
        tpu.enqueue_dma source(%dma_start3A_4267 : memref<32x128xf32, #tpu.memory_space<hbm>>) target(%dma_start3A_4265 : memref<32x128xf32, #tpu.memory_space<vmem>>) target_semaphore(%arg11 : memref<!tpu.dma_semaphore, #tpu.memory_space<semaphore_mem>>)
        %mul3A_4268 = arith.constant 32 : i32
        %mul3A_4269 = arith.muli %add3A_4197, %mul3A_4268 : i32
        %add3A_4270 = arith.addi %mul3A_2, %mul3A_4269 : i32
        %multiple_of3A_4271 = tpu.assume_multiple %add3A_4270, 32 : i32
        %dma_start3A_4272 = arith.constant 160 : i32
        %dma_start3A_4273 = arith.constant 0 : i32
        %dma_start3A_4274 = tpu.memref_slice %arg6[%dma_start3A_4272, %dma_start3A_4273] : memref<256x128xf32, #tpu.memory_space<vmem>> -> memref<32x128xf32, #tpu.memory_space<vmem>>
        %dma_start3A_4275 = arith.constant 2560 : i32
        %dma_start3A_4276 = tpu.memref_slice %arg2[%multiple_of3A_4271, %dma_start3A_4275] : memref<16384x4096xf32, #tpu.memory_space<hbm>> -> memref<32x128xf32, #tpu.memory_space<hbm>>
        %dma_start3A_4277 = arith.constant 160 : i32
        %dma_start3A_4278 = arith.constant 0 : i32
        %dma_start3A_4279 = tpu.memref_slice %arg6[%dma_start3A_4277, %dma_start3A_4278] : memref<256x128xf32, #tpu.memory_space<vmem>> -> memref<32x128xf32, #tpu.memory_space<vmem>>
        %dma_start3A_4280 = arith.constant 2560 : i32
        %dma_start3A_4281 = tpu.memref_slice %arg2[%multiple_of3A_4271, %dma_start3A_4280] : memref<16384x4096xf32, #tpu.memory_space<hbm>> -> memref<32x128xf32, #tpu.memory_space<hbm>>
        tpu.enqueue_dma source(%dma_start3A_4281 : memref<32x128xf32, #tpu.memory_space<hbm>>) target(%dma_start3A_4279 : memref<32x128xf32, #tpu.memory_space<vmem>>) target_semaphore(%arg11 : memref<!tpu.dma_semaphore, #tpu.memory_space<semaphore_mem>>)
        %mul3A_4282 = arith.constant 32 : i32
        %mul3A_4283 = arith.muli %add3A_4197, %mul3A_4282 : i32
        %add3A_4284 = arith.addi %mul3A_2, %mul3A_4283 : i32
        %multiple_of3A_4285 = tpu.assume_multiple %add3A_4284, 32 : i32
        %dma_start3A_4286 = arith.constant 192 : i32
        %dma_start3A_4287 = arith.constant 0 : i32
        %dma_start3A_4288 = tpu.memref_slice %arg6[%dma_start3A_4286, %dma_start3A_4287] : memref<256x128xf32, #tpu.memory_space<vmem>> -> memref<32x128xf32, #tpu.memory_space<vmem>>
        %dma_start3A_4289 = arith.constant 3072 : i32
        %dma_start3A_4290 = tpu.memref_slice %arg2[%multiple_of3A_4285, %dma_start3A_4289] : memref<16384x4096xf32, #tpu.memory_space<hbm>> -> memref<32x128xf32, #tpu.memory_space<hbm>>
        %dma_start3A_4291 = arith.constant 192 : i32
        %dma_start3A_4292 = arith.constant 0 : i32
        %dma_start3A_4293 = tpu.memref_slice %arg6[%dma_start3A_4291, %dma_start3A_4292] : memref<256x128xf32, #tpu.memory_space<vmem>> -> memref<32x128xf32, #tpu.memory_space<vmem>>
        %dma_start3A_4294 = arith.constant 3072 : i32
        %dma_start3A_4295 = tpu.memref_slice %arg2[%multiple_of3A_4285, %dma_start3A_4294] : memref<16384x4096xf32, #tpu.memory_space<hbm>> -> memref<32x128xf32, #tpu.memory_space<hbm>>
        tpu.enqueue_dma source(%dma_start3A_4295 : memref<32x128xf32, #tpu.memory_space<hbm>>) target(%dma_start3A_4293 : memref<32x128xf32, #tpu.memory_space<vmem>>) target_semaphore(%arg11 : memref<!tpu.dma_semaphore, #tpu.memory_space<semaphore_mem>>)
        %mul3A_4296 = arith.constant 32 : i32
        %mul3A_4297 = arith.muli %add3A_4197, %mul3A_4296 : i32
        %add3A_4298 = arith.addi %mul3A_2, %mul3A_4297 : i32
        %multiple_of3A_4299 = tpu.assume_multiple %add3A_4298, 32 : i32
        %dma_start3A_4300 = arith.constant 224 : i32
        %dma_start3A_4301 = arith.constant 0 : i32
        %dma_start3A_4302 = tpu.memref_slice %arg6[%dma_start3A_4300, %dma_start3A_4301] : memref<256x128xf32, #tpu.memory_space<vmem>> -> memref<32x128xf32, #tpu.memory_space<vmem>>
        %dma_start3A_4303 = arith.constant 3584 : i32
        %dma_start3A_4304 = tpu.memref_slice %arg2[%multiple_of3A_4299, %dma_start3A_4303] : memref<16384x4096xf32, #tpu.memory_space<hbm>> -> memref<32x128xf32, #tpu.memory_space<hbm>>
        %dma_start3A_4305 = arith.constant 224 : i32
        %dma_start3A_4306 = arith.constant 0 : i32
        %dma_start3A_4307 = tpu.memref_slice %arg6[%dma_start3A_4305, %dma_start3A_4306] : memref<256x128xf32, #tpu.memory_space<vmem>> -> memref<32x128xf32, #tpu.memory_space<vmem>>
        %dma_start3A_4308 = arith.constant 3584 : i32
        %dma_start3A_4309 = tpu.memref_slice %arg2[%multiple_of3A_4299, %dma_start3A_4308] : memref<16384x4096xf32, #tpu.memory_space<hbm>> -> memref<32x128xf32, #tpu.memory_space<hbm>>
        tpu.enqueue_dma source(%dma_start3A_4309 : memref<32x128xf32, #tpu.memory_space<hbm>>) target(%dma_start3A_4307 : memref<32x128xf32, #tpu.memory_space<vmem>>) target_semaphore(%arg11 : memref<!tpu.dma_semaphore, #tpu.memory_space<semaphore_mem>>)
      } else {
      }
      %add3A_2320 = arith.constant 1 : i32
      %add3A_2321 = arith.addi %mul3A_112, %add3A_2320 : i32
      %mul3A_2322 = arith.constant 32 : i32
      %mul3A_2323 = arith.muli %add3A_2321, %mul3A_2322 : i32
      %add3A_2324 = arith.constant 0 : i32
      %add3A_2325 = arith.addi %mul3A_2323, %add3A_2324 : i32
      %get3A_2326 = arith.index_cast %add3A_2325 : i32 to index
      %get3A_2327 = tpu.vector_load %arg8[%get3A_2326] {strides = array<i32>} : memref<512xi32, #tpu.memory_space<vmem>>, vector<16xi32>,
      %mul3A_2328 = arith.constant 32 : i32
      %mul3A_2329 = arith.muli %add3A_2321, %mul3A_2328 : i32
      %add3A_2330 = arith.constant 0 : i32
      %add3A_2331 = arith.addi %mul3A_2329, %add3A_2330 : i32
      %get3A_2332 = arith.index_cast %add3A_2331 : i32 to index
      %get3A_2333 = tpu.vector_load %arg9[%get3A_2332] {strides = array<i32>} : memref<512xi32, #tpu.memory_space<vmem>>, vector<16xi32>,
      %sub3A_2334 = arith.constant 1 : i32
      %sub3A_2335 = vector.broadcast %sub3A_2334 : i32 to vector<16xi32>
      %sub3A_2336 = arith.subi %get3A_2327, %sub3A_2335 : vector<16xi32>
      %max3A_2337 = arith.constant 0 : i32
      %max3A_2338 = vector.broadcast %max3A_2337 : i32 to vector<16xi32>
      %max3A_2339 = arith.maxsi %sub3A_2336, %max3A_2338 : vector<16xi32>
      %mul3A_2340 = arith.constant 32 : i32
      %mul3A_2341 = vector.broadcast %mul3A_2340 : i32 to vector<16xi32>
      %mul3A_2342 = arith.muli %max3A_2339, %mul3A_2341 : vector<16xi32>
      %add3A_2343 = arith.constant 0 : i32
      %add3A_2344 = vector.broadcast %add3A_2343 : i32 to vector<16xi32>
      %add3A_2345 = arith.addi %mul3A_2342, %add3A_2344 : vector<16xi32>
      %add3A_2346 = arith.addi %add3A_2345, %iota3A : vector<16xi32>
      %gather3A_2347 = tpu.vector_load_idx %arg7[%add3A_2346, %get3A_2333] : memref<256x128xf32, #tpu.memory_space<vmem>>[vector<16xi32>, vector<16xi32>], vector<16xf32>,
      %broadcast_in_dim3A_2348 = arith.constant 0.000000e+00 : f32
      %broadcast_in_dim3A_2349 = vector.broadcast %broadcast_in_dim3A_2348 : f32 to vector<16xf32>
      %get3A_2350 = arith.constant 0 : i32
      %get3A_2351 = arith.index_cast %get3A_2350 : i32 to index
      %get3A_2352 = arith.constant 0 : index
      %get3A_2353 = tpu.vector_load %arg7[%get3A_2351, %get3A_2352] {strides = array<i32>} : memref<256x128xf32, #tpu.memory_space<vmem>>, vector<16xf32>,
      %get3A_2354 = arith.constant 32 : i32
      %get3A_2355 = arith.index_cast %get3A_2354 : i32 to index
      %get3A_2356 = arith.constant 0 : index
      %get3A_2357 = tpu.vector_load %arg7[%get3A_2355, %get3A_2356] {strides = array<i32>} : memref<256x128xf32, #tpu.memory_space<vmem>>, vector<16xf32>,
      %add3A_2358 = arith.addf %get3A_2353, %get3A_2357 : vector<16xf32>
      %get3A_2359 = arith.constant 64 : i32
      %get3A_2360 = arith.index_cast %get3A_2359 : i32 to index
      %get3A_2361 = arith.constant 0 : index
      %get3A_2362 = tpu.vector_load %arg7[%get3A_2360, %get3A_2361] {strides = array<i32>} : memref<256x128xf32, #tpu.memory_space<vmem>>, vector<16xf32>,
      %add3A_2363 = arith.addf %add3A_2358, %get3A_2362 : vector<16xf32>
      %get3A_2364 = arith.constant 96 : i32
      %get3A_2365 = arith.index_cast %get3A_2364 : i32 to index
      %get3A_2366 = arith.constant 0 : index
      %get3A_2367 = tpu.vector_load %arg7[%get3A_2365, %get3A_2366] {strides = array<i32>} : memref<256x128xf32, #tpu.memory_space<vmem>>, vector<16xf32>,
      %add3A_2368 = arith.addf %add3A_2363, %get3A_2367 : vector<16xf32>
      %get3A_2369 = arith.constant 128 : i32
      %get3A_2370 = arith.index_cast %get3A_2369 : i32 to index
      %get3A_2371 = arith.constant 0 : index
      %get3A_2372 = tpu.vector_load %arg7[%get3A_2370, %get3A_2371] {strides = array<i32>} : memref<256x128xf32, #tpu.memory_space<vmem>>, vector<16xf32>,
      %add3A_2373 = arith.addf %add3A_2368, %get3A_2372 : vector<16xf32>
      %get3A_2374 = arith.constant 160 : i32
      %get3A_2375 = arith.index_cast %get3A_2374 : i32 to index
      %get3A_2376 = arith.constant 0 : index
      %get3A_2377 = tpu.vector_load %arg7[%get3A_2375, %get3A_2376] {strides = array<i32>} : memref<256x128xf32, #tpu.memory_space<vmem>>, vector<16xf32>,
      %add3A_2378 = arith.addf %add3A_2373, %get3A_2377 : vector<16xf32>
      %get3A_2379 = arith.constant 192 : i32
      %get3A_2380 = arith.index_cast %get3A_2379 : i32 to index
      %get3A_2381 = arith.constant 0 : index
      %get3A_2382 = tpu.vector_load %arg7[%get3A_2380, %get3A_2381] {strides = array<i32>} : memref<256x128xf32, #tpu.memory_space<vmem>>, vector<16xf32>,
      %add3A_2383 = arith.addf %add3A_2378, %get3A_2382 : vector<16xf32>
      %get3A_2384 = arith.constant 224 : i32
      %get3A_2385 = arith.index_cast %get3A_2384 : i32 to index
      %get3A_2386 = arith.constant 0 : index
      %get3A_2387 = tpu.vector_load %arg7[%get3A_2385, %get3A_2386] {strides = array<i32>} : memref<256x128xf32, #tpu.memory_space<vmem>>, vector<16xf32>,
      %add3A_2388 = arith.addf %add3A_2383, %get3A_2387 : vector<16xf32>
      %broadcast_in_dim3A_2389 = arith.constant true
      %broadcast_in_dim3A_2390 = vector.broadcast %broadcast_in_dim3A_2389 : i1 to vector<16xi1>
      %masked_cumsum3A_2391 = tpu.scan <sum>, %add3A_2388 masked %broadcast_in_dim3A_2390 : vector<16xf32>, vector<16xi1> -> vector<16xf32>
      %eq3A_2392 = arith.constant 0 : i32
      %eq3A_2393 = vector.broadcast %eq3A_2392 : i32 to vector<16xi32>
      %eq3A_2394 = arith.cmpi eq, %iota3A, %eq3A_2393 : vector<16xi32>
      %lt3A_2395 = arith.constant 0 : i32
      %lt3A_2396 = vector.broadcast %lt3A_2395 : i32 to vector<16xi32>
      %lt3A_2397 = arith.cmpi slt, %get3A_2333, %lt3A_2396 : vector<16xi32>
      %add3A_2398 = arith.constant 16 : i32
      %add3A_2399 = vector.broadcast %add3A_2398 : i32 to vector<16xi32>
      %add3A_2400 = arith.addi %get3A_2333, %add3A_2399 : vector<16xi32>
      %select_n3A_2401 = arith.select %lt3A_2397, %add3A_2400, %get3A_2333 : vector<16xi1>, vector<16xi32>
      %broadcast_in_dim3A_2402 = vector.shape_cast %select_n3A_2401 : vector<16xi32> to vector<16x1xi32>
      %gather3A_2403 = vector.shape_cast %broadcast_in_dim3A_2402 : vector<16x1xi32> to vector<16xi32>
      %gather3A_2404 = tpu.dynamic_gather %masked_cumsum3A_2391[%gather3A_2403] in [0] : vector<16xf32>, vector<16xi32> -> vector<16xf32>
      %select_n3A_2405 = arith.select %eq3A_2394, %gather3A_2404, %broadcast_in_dim3A_2349 : vector<16xi1>, vector<16xf32>
      %get3A_2406 = arith.constant 1 : i32
      %get3A_2407 = arith.index_cast %get3A_2406 : i32 to index
      %get3A_2408 = arith.constant 0 : index
      %get3A_2409 = tpu.vector_load %arg7[%get3A_2407, %get3A_2408] {strides = array<i32>} : memref<256x128xf32, #tpu.memory_space<vmem>>, vector<16xf32>,
      %get3A_2410 = arith.constant 33 : i32
      %get3A_2411 = arith.index_cast %get3A_2410 : i32 to index
      %get3A_2412 = arith.constant 0 : index
      %get3A_2413 = tpu.vector_load %arg7[%get3A_2411, %get3A_2412] {strides = array<i32>} : memref<256x128xf32, #tpu.memory_space<vmem>>, vector<16xf32>,
      %add3A_2414 = arith.addf %get3A_2409, %get3A_2413 : vector<16xf32>
      %get3A_2415 = arith.constant 65 : i32
      %get3A_2416 = arith.index_cast %get3A_2415 : i32 to index
      %get3A_2417 = arith.constant 0 : index
      %get3A_2418 = tpu.vector_load %arg7[%get3A_2416, %get3A_2417] {strides = array<i32>} : memref<256x128xf32, #tpu.memory_space<vmem>>, vector<16xf32>,
      %add3A_2419 = arith.addf %add3A_2414, %get3A_2418 : vector<16xf32>
      %get3A_2420 = arith.constant 97 : i32
      %get3A_2421 = arith.index_cast %get3A_2420 : i32 to index
      %get3A_2422 = arith.constant 0 : index
      %get3A_2423 = tpu.vector_load %arg7[%get3A_2421, %get3A_2422] {strides = array<i32>} : memref<256x128xf32, #tpu.memory_space<vmem>>, vector<16xf32>,
      %add3A_2424 = arith.addf %add3A_2419, %get3A_2423 : vector<16xf32>
      %get3A_2425 = arith.constant 129 : i32
      %get3A_2426 = arith.index_cast %get3A_2425 : i32 to index
      %get3A_2427 = arith.constant 0 : index
      %get3A_2428 = tpu.vector_load %arg7[%get3A_2426, %get3A_2427] {strides = array<i32>} : memref<256x128xf32, #tpu.memory_space<vmem>>, vector<16xf32>,
      %add3A_2429 = arith.addf %add3A_2424, %get3A_2428 : vector<16xf32>
      %get3A_2430 = arith.constant 161 : i32
      %get3A_2431 = arith.index_cast %get3A_2430 : i32 to index
      %get3A_2432 = arith.constant 0 : index
      %get3A_2433 = tpu.vector_load %arg7[%get3A_2431, %get3A_2432] {strides = array<i32>} : memref<256x128xf32, #tpu.memory_space<vmem>>, vector<16xf32>,
      %add3A_2434 = arith.addf %add3A_2429, %get3A_2433 : vector<16xf32>
      %get3A_2435 = arith.constant 193 : i32
      %get3A_2436 = arith.index_cast %get3A_2435 : i32 to index
      %get3A_2437 = arith.constant 0 : index
      %get3A_2438 = tpu.vector_load %arg7[%get3A_2436, %get3A_2437] {strides = array<i32>} : memref<256x128xf32, #tpu.memory_space<vmem>>, vector<16xf32>,
      %add3A_2439 = arith.addf %add3A_2434, %get3A_2438 : vector<16xf32>
      %get3A_2440 = arith.constant 225 : i32
      %get3A_2441 = arith.index_cast %get3A_2440 : i32 to index
      %get3A_2442 = arith.constant 0 : index
      %get3A_2443 = tpu.vector_load %arg7[%get3A_2441, %get3A_2442] {strides = array<i32>} : memref<256x128xf32, #tpu.memory_space<vmem>>, vector<16xf32>,
      %add3A_2444 = arith.addf %add3A_2439, %get3A_2443 : vector<16xf32>
      %broadcast_in_dim3A_2445 = arith.constant true
      %broadcast_in_dim3A_2446 = vector.broadcast %broadcast_in_dim3A_2445 : i1 to vector<16xi1>
      %masked_cumsum3A_2447 = tpu.scan <sum>, %add3A_2444 masked %broadcast_in_dim3A_2446 : vector<16xf32>, vector<16xi1> -> vector<16xf32>
      %eq3A_2448 = arith.constant 1 : i32
      %eq3A_2449 = vector.broadcast %eq3A_2448 : i32 to vector<16xi32>
      %eq3A_2450 = arith.cmpi eq, %iota3A, %eq3A_2449 : vector<16xi32>
      %lt3A_2451 = arith.constant 0 : i32
      %lt3A_2452 = vector.broadcast %lt3A_2451 : i32 to vector<16xi32>
      %lt3A_2453 = arith.cmpi slt, %get3A_2333, %lt3A_2452 : vector<16xi32>
      %add3A_2454 = arith.constant 16 : i32
      %add3A_2455 = vector.broadcast %add3A_2454 : i32 to vector<16xi32>
      %add3A_2456 = arith.addi %get3A_2333, %add3A_2455 : vector<16xi32>
      %select_n3A_2457 = arith.select %lt3A_2453, %add3A_2456, %get3A_2333 : vector<16xi1>, vector<16xi32>
      %broadcast_in_dim3A_2458 = vector.shape_cast %select_n3A_2457 : vector<16xi32> to vector<16x1xi32>
      %gather3A_2459 = vector.shape_cast %broadcast_in_dim3A_2458 : vector<16x1xi32> to vector<16xi32>
      %gather3A_2460 = tpu.dynamic_gather %masked_cumsum3A_2447[%gather3A_2459] in [0] : vector<16xf32>, vector<16xi32> -> vector<16xf32>
      %select_n3A_2461 = arith.select %eq3A_2450, %gather3A_2460, %select_n3A_2405 : vector<16xi1>, vector<16xf32>
      %get3A_2462 = arith.constant 2 : i32
      %get3A_2463 = arith.index_cast %get3A_2462 : i32 to index
      %get3A_2464 = arith.constant 0 : index
      %get3A_2465 = tpu.vector_load %arg7[%get3A_2463, %get3A_2464] {strides = array<i32>} : memref<256x128xf32, #tpu.memory_space<vmem>>, vector<16xf32>,
      %get3A_2466 = arith.constant 34 : i32
      %get3A_2467 = arith.index_cast %get3A_2466 : i32 to index
      %get3A_2468 = arith.constant 0 : index
      %get3A_2469 = tpu.vector_load %arg7[%get3A_2467, %get3A_2468] {strides = array<i32>} : memref<256x128xf32, #tpu.memory_space<vmem>>, vector<16xf32>,
      %add3A_2470 = arith.addf %get3A_2465, %get3A_2469 : vector<16xf32>
      %get3A_2471 = arith.constant 66 : i32
      %get3A_2472 = arith.index_cast %get3A_2471 : i32 to index
      %get3A_2473 = arith.constant 0 : index
      %get3A_2474 = tpu.vector_load %arg7[%get3A_2472, %get3A_2473] {strides = array<i32>} : memref<256x128xf32, #tpu.memory_space<vmem>>, vector<16xf32>,
      %add3A_2475 = arith.addf %add3A_2470, %get3A_2474 : vector<16xf32>
      %get3A_2476 = arith.constant 98 : i32
      %get3A_2477 = arith.index_cast %get3A_2476 : i32 to index
      %get3A_2478 = arith.constant 0 : index
      %get3A_2479 = tpu.vector_load %arg7[%get3A_2477, %get3A_2478] {strides = array<i32>} : memref<256x128xf32, #tpu.memory_space<vmem>>, vector<16xf32>,
      %add3A_2480 = arith.addf %add3A_2475, %get3A_2479 : vector<16xf32>
      %get3A_2481 = arith.constant 130 : i32
      %get3A_2482 = arith.index_cast %get3A_2481 : i32 to index
      %get3A_2483 = arith.constant 0 : index
      %get3A_2484 = tpu.vector_load %arg7[%get3A_2482, %get3A_2483] {strides = array<i32>} : memref<256x128xf32, #tpu.memory_space<vmem>>, vector<16xf32>,
      %add3A_2485 = arith.addf %add3A_2480, %get3A_2484 : vector<16xf32>
      %get3A_2486 = arith.constant 162 : i32
      %get3A_2487 = arith.index_cast %get3A_2486 : i32 to index
      %get3A_2488 = arith.constant 0 : index
      %get3A_2489 = tpu.vector_load %arg7[%get3A_2487, %get3A_2488] {strides = array<i32>} : memref<256x128xf32, #tpu.memory_space<vmem>>, vector<16xf32>,
      %add3A_2490 = arith.addf %add3A_2485, %get3A_2489 : vector<16xf32>
      %get3A_2491 = arith.constant 194 : i32
      %get3A_2492 = arith.index_cast %get3A_2491 : i32 to index
      %get3A_2493 = arith.constant 0 : index
      %get3A_2494 = tpu.vector_load %arg7[%get3A_2492, %get3A_2493] {strides = array<i32>} : memref<256x128xf32, #tpu.memory_space<vmem>>, vector<16xf32>,
      %add3A_2495 = arith.addf %add3A_2490, %get3A_2494 : vector<16xf32>
      %get3A_2496 = arith.constant 226 : i32
      %get3A_2497 = arith.index_cast %get3A_2496 : i32 to index
      %get3A_2498 = arith.constant 0 : index
      %get3A_2499 = tpu.vector_load %arg7[%get3A_2497, %get3A_2498] {strides = array<i32>} : memref<256x128xf32, #tpu.memory_space<vmem>>, vector<16xf32>,
      %add3A_2500 = arith.addf %add3A_2495, %get3A_2499 : vector<16xf32>
      %broadcast_in_dim3A_2501 = arith.constant true
      %broadcast_in_dim3A_2502 = vector.broadcast %broadcast_in_dim3A_2501 : i1 to vector<16xi1>
      %masked_cumsum3A_2503 = tpu.scan <sum>, %add3A_2500 masked %broadcast_in_dim3A_2502 : vector<16xf32>, vector<16xi1> -> vector<16xf32>
      %eq3A_2504 = arith.constant 2 : i32
      %eq3A_2505 = vector.broadcast %eq3A_2504 : i32 to vector<16xi32>
      %eq3A_2506 = arith.cmpi eq, %iota3A, %eq3A_2505 : vector<16xi32>
      %lt3A_2507 = arith.constant 0 : i32
      %lt3A_2508 = vector.broadcast %lt3A_2507 : i32 to vector<16xi32>
      %lt3A_2509 = arith.cmpi slt, %get3A_2333, %lt3A_2508 : vector<16xi32>
      %add3A_2510 = arith.constant 16 : i32
      %add3A_2511 = vector.broadcast %add3A_2510 : i32 to vector<16xi32>
      %add3A_2512 = arith.addi %get3A_2333, %add3A_2511 : vector<16xi32>
      %select_n3A_2513 = arith.select %lt3A_2509, %add3A_2512, %get3A_2333 : vector<16xi1>, vector<16xi32>
      %broadcast_in_dim3A_2514 = vector.shape_cast %select_n3A_2513 : vector<16xi32> to vector<16x1xi32>
      %gather3A_2515 = vector.shape_cast %broadcast_in_dim3A_2514 : vector<16x1xi32> to vector<16xi32>
      %gather3A_2516 = tpu.dynamic_gather %masked_cumsum3A_2503[%gather3A_2515] in [0] : vector<16xf32>, vector<16xi32> -> vector<16xf32>
      %select_n3A_2517 = arith.select %eq3A_2506, %gather3A_2516, %select_n3A_2461 : vector<16xi1>, vector<16xf32>
      %get3A_2518 = arith.constant 3 : i32
      %get3A_2519 = arith.index_cast %get3A_2518 : i32 to index
      %get3A_2520 = arith.constant 0 : index
      %get3A_2521 = tpu.vector_load %arg7[%get3A_2519, %get3A_2520] {strides = array<i32>} : memref<256x128xf32, #tpu.memory_space<vmem>>, vector<16xf32>,
      %get3A_2522 = arith.constant 35 : i32
      %get3A_2523 = arith.index_cast %get3A_2522 : i32 to index
      %get3A_2524 = arith.constant 0 : index
      %get3A_2525 = tpu.vector_load %arg7[%get3A_2523, %get3A_2524] {strides = array<i32>} : memref<256x128xf32, #tpu.memory_space<vmem>>, vector<16xf32>,
      %add3A_2526 = arith.addf %get3A_2521, %get3A_2525 : vector<16xf32>
      %get3A_2527 = arith.constant 67 : i32
      %get3A_2528 = arith.index_cast %get3A_2527 : i32 to index
      %get3A_2529 = arith.constant 0 : index
      %get3A_2530 = tpu.vector_load %arg7[%get3A_2528, %get3A_2529] {strides = array<i32>} : memref<256x128xf32, #tpu.memory_space<vmem>>, vector<16xf32>,
      %add3A_2531 = arith.addf %add3A_2526, %get3A_2530 : vector<16xf32>
      %get3A_2532 = arith.constant 99 : i32
      %get3A_2533 = arith.index_cast %get3A_2532 : i32 to index
      %get3A_2534 = arith.constant 0 : index
      %get3A_2535 = tpu.vector_load %arg7[%get3A_2533, %get3A_2534] {strides = array<i32>} : memref<256x128xf32, #tpu.memory_space<vmem>>, vector<16xf32>,
      %add3A_2536 = arith.addf %add3A_2531, %get3A_2535 : vector<16xf32>
      %get3A_2537 = arith.constant 131 : i32
      %get3A_2538 = arith.index_cast %get3A_2537 : i32 to index
      %get3A_2539 = arith.constant 0 : index
      %get3A_2540 = tpu.vector_load %arg7[%get3A_2538, %get3A_2539] {strides = array<i32>} : memref<256x128xf32, #tpu.memory_space<vmem>>, vector<16xf32>,
      %add3A_2541 = arith.addf %add3A_2536, %get3A_2540 : vector<16xf32>
      %get3A_2542 = arith.constant 163 : i32
      %get3A_2543 = arith.index_cast %get3A_2542 : i32 to index
      %get3A_2544 = arith.constant 0 : index
      %get3A_2545 = tpu.vector_load %arg7[%get3A_2543, %get3A_2544] {strides = array<i32>} : memref<256x128xf32, #tpu.memory_space<vmem>>, vector<16xf32>,
      %add3A_2546 = arith.addf %add3A_2541, %get3A_2545 : vector<16xf32>
      %get3A_2547 = arith.constant 195 : i32
      %get3A_2548 = arith.index_cast %get3A_2547 : i32 to index
      %get3A_2549 = arith.constant 0 : index
      %get3A_2550 = tpu.vector_load %arg7[%get3A_2548, %get3A_2549] {strides = array<i32>} : memref<256x128xf32, #tpu.memory_space<vmem>>, vector<16xf32>,
      %add3A_2551 = arith.addf %add3A_2546, %get3A_2550 : vector<16xf32>
      %get3A_2552 = arith.constant 227 : i32
      %get3A_2553 = arith.index_cast %get3A_2552 : i32 to index
      %get3A_2554 = arith.constant 0 : index
      %get3A_2555 = tpu.vector_load %arg7[%get3A_2553, %get3A_2554] {strides = array<i32>} : memref<256x128xf32, #tpu.memory_space<vmem>>, vector<16xf32>,
      %add3A_2556 = arith.addf %add3A_2551, %get3A_2555 : vector<16xf32>
      %broadcast_in_dim3A_2557 = arith.constant true
      %broadcast_in_dim3A_2558 = vector.broadcast %broadcast_in_dim3A_2557 : i1 to vector<16xi1>
      %masked_cumsum3A_2559 = tpu.scan <sum>, %add3A_2556 masked %broadcast_in_dim3A_2558 : vector<16xf32>, vector<16xi1> -> vector<16xf32>
      %eq3A_2560 = arith.constant 3 : i32
      %eq3A_2561 = vector.broadcast %eq3A_2560 : i32 to vector<16xi32>
      %eq3A_2562 = arith.cmpi eq, %iota3A, %eq3A_2561 : vector<16xi32>
      %lt3A_2563 = arith.constant 0 : i32
      %lt3A_2564 = vector.broadcast %lt3A_2563 : i32 to vector<16xi32>
      %lt3A_2565 = arith.cmpi slt, %get3A_2333, %lt3A_2564 : vector<16xi32>
      %add3A_2566 = arith.constant 16 : i32
      %add3A_2567 = vector.broadcast %add3A_2566 : i32 to vector<16xi32>
      %add3A_2568 = arith.addi %get3A_2333, %add3A_2567 : vector<16xi32>
      %select_n3A_2569 = arith.select %lt3A_2565, %add3A_2568, %get3A_2333 : vector<16xi1>, vector<16xi32>
      %broadcast_in_dim3A_2570 = vector.shape_cast %select_n3A_2569 : vector<16xi32> to vector<16x1xi32>
      %gather3A_2571 = vector.shape_cast %broadcast_in_dim3A_2570 : vector<16x1xi32> to vector<16xi32>
      %gather3A_2572 = tpu.dynamic_gather %masked_cumsum3A_2559[%gather3A_2571] in [0] : vector<16xf32>, vector<16xi32> -> vector<16xf32>
      %select_n3A_2573 = arith.select %eq3A_2562, %gather3A_2572, %select_n3A_2517 : vector<16xi1>, vector<16xf32>
      %get3A_2574 = arith.constant 4 : i32
      %get3A_2575 = arith.index_cast %get3A_2574 : i32 to index
      %get3A_2576 = arith.constant 0 : index
      %get3A_2577 = tpu.vector_load %arg7[%get3A_2575, %get3A_2576] {strides = array<i32>} : memref<256x128xf32, #tpu.memory_space<vmem>>, vector<16xf32>,
      %get3A_2578 = arith.constant 36 : i32
      %get3A_2579 = arith.index_cast %get3A_2578 : i32 to index
      %get3A_2580 = arith.constant 0 : index
      %get3A_2581 = tpu.vector_load %arg7[%get3A_2579, %get3A_2580] {strides = array<i32>} : memref<256x128xf32, #tpu.memory_space<vmem>>, vector<16xf32>,
      %add3A_2582 = arith.addf %get3A_2577, %get3A_2581 : vector<16xf32>
      %get3A_2583 = arith.constant 68 : i32
      %get3A_2584 = arith.index_cast %get3A_2583 : i32 to index
      %get3A_2585 = arith.constant 0 : index
      %get3A_2586 = tpu.vector_load %arg7[%get3A_2584, %get3A_2585] {strides = array<i32>} : memref<256x128xf32, #tpu.memory_space<vmem>>, vector<16xf32>,
      %add3A_2587 = arith.addf %add3A_2582, %get3A_2586 : vector<16xf32>
      %get3A_2588 = arith.constant 100 : i32
      %get3A_2589 = arith.index_cast %get3A_2588 : i32 to index
      %get3A_2590 = arith.constant 0 : index
      %get3A_2591 = tpu.vector_load %arg7[%get3A_2589, %get3A_2590] {strides = array<i32>} : memref<256x128xf32, #tpu.memory_space<vmem>>, vector<16xf32>,
      %add3A_2592 = arith.addf %add3A_2587, %get3A_2591 : vector<16xf32>
      %get3A_2593 = arith.constant 132 : i32
      %get3A_2594 = arith.index_cast %get3A_2593 : i32 to index
      %get3A_2595 = arith.constant 0 : index
      %get3A_2596 = tpu.vector_load %arg7[%get3A_2594, %get3A_2595] {strides = array<i32>} : memref<256x128xf32, #tpu.memory_space<vmem>>, vector<16xf32>,
      %add3A_2597 = arith.addf %add3A_2592, %get3A_2596 : vector<16xf32>
      %get3A_2598 = arith.constant 164 : i32
      %get3A_2599 = arith.index_cast %get3A_2598 : i32 to index
      %get3A_2600 = arith.constant 0 : index
      %get3A_2601 = tpu.vector_load %arg7[%get3A_2599, %get3A_2600] {strides = array<i32>} : memref<256x128xf32, #tpu.memory_space<vmem>>, vector<16xf32>,
      %add3A_2602 = arith.addf %add3A_2597, %get3A_2601 : vector<16xf32>
      %get3A_2603 = arith.constant 196 : i32
      %get3A_2604 = arith.index_cast %get3A_2603 : i32 to index
      %get3A_2605 = arith.constant 0 : index
      %get3A_2606 = tpu.vector_load %arg7[%get3A_2604, %get3A_2605] {strides = array<i32>} : memref<256x128xf32, #tpu.memory_space<vmem>>, vector<16xf32>,
      %add3A_2607 = arith.addf %add3A_2602, %get3A_2606 : vector<16xf32>
      %get3A_2608 = arith.constant 228 : i32
      %get3A_2609 = arith.index_cast %get3A_2608 : i32 to index
      %get3A_2610 = arith.constant 0 : index
      %get3A_2611 = tpu.vector_load %arg7[%get3A_2609, %get3A_2610] {strides = array<i32>} : memref<256x128xf32, #tpu.memory_space<vmem>>, vector<16xf32>,
      %add3A_2612 = arith.addf %add3A_2607, %get3A_2611 : vector<16xf32>
      %broadcast_in_dim3A_2613 = arith.constant true
      %broadcast_in_dim3A_2614 = vector.broadcast %broadcast_in_dim3A_2613 : i1 to vector<16xi1>
      %masked_cumsum3A_2615 = tpu.scan <sum>, %add3A_2612 masked %broadcast_in_dim3A_2614 : vector<16xf32>, vector<16xi1> -> vector<16xf32>
      %eq3A_2616 = arith.constant 4 : i32
      %eq3A_2617 = vector.broadcast %eq3A_2616 : i32 to vector<16xi32>
      %eq3A_2618 = arith.cmpi eq, %iota3A, %eq3A_2617 : vector<16xi32>
      %lt3A_2619 = arith.constant 0 : i32
      %lt3A_2620 = vector.broadcast %lt3A_2619 : i32 to vector<16xi32>
      %lt3A_2621 = arith.cmpi slt, %get3A_2333, %lt3A_2620 : vector<16xi32>
      %add3A_2622 = arith.constant 16 : i32
      %add3A_2623 = vector.broadcast %add3A_2622 : i32 to vector<16xi32>
      %add3A_2624 = arith.addi %get3A_2333, %add3A_2623 : vector<16xi32>
      %select_n3A_2625 = arith.select %lt3A_2621, %add3A_2624, %get3A_2333 : vector<16xi1>, vector<16xi32>
      %broadcast_in_dim3A_2626 = vector.shape_cast %select_n3A_2625 : vector<16xi32> to vector<16x1xi32>
      %gather3A_2627 = vector.shape_cast %broadcast_in_dim3A_2626 : vector<16x1xi32> to vector<16xi32>
      %gather3A_2628 = tpu.dynamic_gather %masked_cumsum3A_2615[%gather3A_2627] in [0] : vector<16xf32>, vector<16xi32> -> vector<16xf32>
      %select_n3A_2629 = arith.select %eq3A_2618, %gather3A_2628, %select_n3A_2573 : vector<16xi1>, vector<16xf32>
      %get3A_2630 = arith.constant 5 : i32
      %get3A_2631 = arith.index_cast %get3A_2630 : i32 to index
      %get3A_2632 = arith.constant 0 : index
      %get3A_2633 = tpu.vector_load %arg7[%get3A_2631, %get3A_2632] {strides = array<i32>} : memref<256x128xf32, #tpu.memory_space<vmem>>, vector<16xf32>,
      %get3A_2634 = arith.constant 37 : i32
      %get3A_2635 = arith.index_cast %get3A_2634 : i32 to index
      %get3A_2636 = arith.constant 0 : index
      %get3A_2637 = tpu.vector_load %arg7[%get3A_2635, %get3A_2636] {strides = array<i32>} : memref<256x128xf32, #tpu.memory_space<vmem>>, vector<16xf32>,
      %add3A_2638 = arith.addf %get3A_2633, %get3A_2637 : vector<16xf32>
      %get3A_2639 = arith.constant 69 : i32
      %get3A_2640 = arith.index_cast %get3A_2639 : i32 to index
      %get3A_2641 = arith.constant 0 : index
      %get3A_2642 = tpu.vector_load %arg7[%get3A_2640, %get3A_2641] {strides = array<i32>} : memref<256x128xf32, #tpu.memory_space<vmem>>, vector<16xf32>,
      %add3A_2643 = arith.addf %add3A_2638, %get3A_2642 : vector<16xf32>
      %get3A_2644 = arith.constant 101 : i32
      %get3A_2645 = arith.index_cast %get3A_2644 : i32 to index
      %get3A_2646 = arith.constant 0 : index
      %get3A_2647 = tpu.vector_load %arg7[%get3A_2645, %get3A_2646] {strides = array<i32>} : memref<256x128xf32, #tpu.memory_space<vmem>>, vector<16xf32>,
      %add3A_2648 = arith.addf %add3A_2643, %get3A_2647 : vector<16xf32>
      %get3A_2649 = arith.constant 133 : i32
      %get3A_2650 = arith.index_cast %get3A_2649 : i32 to index
      %get3A_2651 = arith.constant 0 : index
      %get3A_2652 = tpu.vector_load %arg7[%get3A_2650, %get3A_2651] {strides = array<i32>} : memref<256x128xf32, #tpu.memory_space<vmem>>, vector<16xf32>,
      %add3A_2653 = arith.addf %add3A_2648, %get3A_2652 : vector<16xf32>
      %get3A_2654 = arith.constant 165 : i32
      %get3A_2655 = arith.index_cast %get3A_2654 : i32 to index
      %get3A_2656 = arith.constant 0 : index
      %get3A_2657 = tpu.vector_load %arg7[%get3A_2655, %get3A_2656] {strides = array<i32>} : memref<256x128xf32, #tpu.memory_space<vmem>>, vector<16xf32>,
      %add3A_2658 = arith.addf %add3A_2653, %get3A_2657 : vector<16xf32>
      %get3A_2659 = arith.constant 197 : i32
      %get3A_2660 = arith.index_cast %get3A_2659 : i32 to index
      %get3A_2661 = arith.constant 0 : index
      %get3A_2662 = tpu.vector_load %arg7[%get3A_2660, %get3A_2661] {strides = array<i32>} : memref<256x128xf32, #tpu.memory_space<vmem>>, vector<16xf32>,
      %add3A_2663 = arith.addf %add3A_2658, %get3A_2662 : vector<16xf32>
      %get3A_2664 = arith.constant 229 : i32
      %get3A_2665 = arith.index_cast %get3A_2664 : i32 to index
      %get3A_2666 = arith.constant 0 : index
      %get3A_2667 = tpu.vector_load %arg7[%get3A_2665, %get3A_2666] {strides = array<i32>} : memref<256x128xf32, #tpu.memory_space<vmem>>, vector<16xf32>,
      %add3A_2668 = arith.addf %add3A_2663, %get3A_2667 : vector<16xf32>
      %broadcast_in_dim3A_2669 = arith.constant true
      %broadcast_in_dim3A_2670 = vector.broadcast %broadcast_in_dim3A_2669 : i1 to vector<16xi1>
      %masked_cumsum3A_2671 = tpu.scan <sum>, %add3A_2668 masked %broadcast_in_dim3A_2670 : vector<16xf32>, vector<16xi1> -> vector<16xf32>
      %eq3A_2672 = arith.constant 5 : i32
      %eq3A_2673 = vector.broadcast %eq3A_2672 : i32 to vector<16xi32>
      %eq3A_2674 = arith.cmpi eq, %iota3A, %eq3A_2673 : vector<16xi32>
      %lt3A_2675 = arith.constant 0 : i32
      %lt3A_2676 = vector.broadcast %lt3A_2675 : i32 to vector<16xi32>
      %lt3A_2677 = arith.cmpi slt, %get3A_2333, %lt3A_2676 : vector<16xi32>
      %add3A_2678 = arith.constant 16 : i32
      %add3A_2679 = vector.broadcast %add3A_2678 : i32 to vector<16xi32>
      %add3A_2680 = arith.addi %get3A_2333, %add3A_2679 : vector<16xi32>
      %select_n3A_2681 = arith.select %lt3A_2677, %add3A_2680, %get3A_2333 : vector<16xi1>, vector<16xi32>
      %broadcast_in_dim3A_2682 = vector.shape_cast %select_n3A_2681 : vector<16xi32> to vector<16x1xi32>
      %gather3A_2683 = vector.shape_cast %broadcast_in_dim3A_2682 : vector<16x1xi32> to vector<16xi32>
      %gather3A_2684 = tpu.dynamic_gather %masked_cumsum3A_2671[%gather3A_2683] in [0] : vector<16xf32>, vector<16xi32> -> vector<16xf32>
      %select_n3A_2685 = arith.select %eq3A_2674, %gather3A_2684, %select_n3A_2629 : vector<16xi1>, vector<16xf32>
      %get3A_2686 = arith.constant 6 : i32
      %get3A_2687 = arith.index_cast %get3A_2686 : i32 to index
      %get3A_2688 = arith.constant 0 : index
      %get3A_2689 = tpu.vector_load %arg7[%get3A_2687, %get3A_2688] {strides = array<i32>} : memref<256x128xf32, #tpu.memory_space<vmem>>, vector<16xf32>,
      %get3A_2690 = arith.constant 38 : i32
      %get3A_2691 = arith.index_cast %get3A_2690 : i32 to index
      %get3A_2692 = arith.constant 0 : index
      %get3A_2693 = tpu.vector_load %arg7[%get3A_2691, %get3A_2692] {strides = array<i32>} : memref<256x128xf32, #tpu.memory_space<vmem>>, vector<16xf32>,
      %add3A_2694 = arith.addf %get3A_2689, %get3A_2693 : vector<16xf32>
      %get3A_2695 = arith.constant 70 : i32
      %get3A_2696 = arith.index_cast %get3A_2695 : i32 to index
      %get3A_2697 = arith.constant 0 : index
      %get3A_2698 = tpu.vector_load %arg7[%get3A_2696, %get3A_2697] {strides = array<i32>} : memref<256x128xf32, #tpu.memory_space<vmem>>, vector<16xf32>,
      %add3A_2699 = arith.addf %add3A_2694, %get3A_2698 : vector<16xf32>
      %get3A_2700 = arith.constant 102 : i32
      %get3A_2701 = arith.index_cast %get3A_2700 : i32 to index
      %get3A_2702 = arith.constant 0 : index
      %get3A_2703 = tpu.vector_load %arg7[%get3A_2701, %get3A_2702] {strides = array<i32>} : memref<256x128xf32, #tpu.memory_space<vmem>>, vector<16xf32>,
      %add3A_2704 = arith.addf %add3A_2699, %get3A_2703 : vector<16xf32>
      %get3A_2705 = arith.constant 134 : i32
      %get3A_2706 = arith.index_cast %get3A_2705 : i32 to index
      %get3A_2707 = arith.constant 0 : index
      %get3A_2708 = tpu.vector_load %arg7[%get3A_2706, %get3A_2707] {strides = array<i32>} : memref<256x128xf32, #tpu.memory_space<vmem>>, vector<16xf32>,
      %add3A_2709 = arith.addf %add3A_2704, %get3A_2708 : vector<16xf32>
      %get3A_2710 = arith.constant 166 : i32
      %get3A_2711 = arith.index_cast %get3A_2710 : i32 to index
      %get3A_2712 = arith.constant 0 : index
      %get3A_2713 = tpu.vector_load %arg7[%get3A_2711, %get3A_2712] {strides = array<i32>} : memref<256x128xf32, #tpu.memory_space<vmem>>, vector<16xf32>,
      %add3A_2714 = arith.addf %add3A_2709, %get3A_2713 : vector<16xf32>
      %get3A_2715 = arith.constant 198 : i32
      %get3A_2716 = arith.index_cast %get3A_2715 : i32 to index
      %get3A_2717 = arith.constant 0 : index
      %get3A_2718 = tpu.vector_load %arg7[%get3A_2716, %get3A_2717] {strides = array<i32>} : memref<256x128xf32, #tpu.memory_space<vmem>>, vector<16xf32>,
      %add3A_2719 = arith.addf %add3A_2714, %get3A_2718 : vector<16xf32>
      %get3A_2720 = arith.constant 230 : i32
      %get3A_2721 = arith.index_cast %get3A_2720 : i32 to index
      %get3A_2722 = arith.constant 0 : index
      %get3A_2723 = tpu.vector_load %arg7[%get3A_2721, %get3A_2722] {strides = array<i32>} : memref<256x128xf32, #tpu.memory_space<vmem>>, vector<16xf32>,
      %add3A_2724 = arith.addf %add3A_2719, %get3A_2723 : vector<16xf32>
      %broadcast_in_dim3A_2725 = arith.constant true
      %broadcast_in_dim3A_2726 = vector.broadcast %broadcast_in_dim3A_2725 : i1 to vector<16xi1>
      %masked_cumsum3A_2727 = tpu.scan <sum>, %add3A_2724 masked %broadcast_in_dim3A_2726 : vector<16xf32>, vector<16xi1> -> vector<16xf32>
      %eq3A_2728 = arith.constant 6 : i32
      %eq3A_2729 = vector.broadcast %eq3A_2728 : i32 to vector<16xi32>
      %eq3A_2730 = arith.cmpi eq, %iota3A, %eq3A_2729 : vector<16xi32>
      %lt3A_2731 = arith.constant 0 : i32
      %lt3A_2732 = vector.broadcast %lt3A_2731 : i32 to vector<16xi32>
      %lt3A_2733 = arith.cmpi slt, %get3A_2333, %lt3A_2732 : vector<16xi32>
      %add3A_2734 = arith.constant 16 : i32
      %add3A_2735 = vector.broadcast %add3A_2734 : i32 to vector<16xi32>
      %add3A_2736 = arith.addi %get3A_2333, %add3A_2735 : vector<16xi32>
      %select_n3A_2737 = arith.select %lt3A_2733, %add3A_2736, %get3A_2333 : vector<16xi1>, vector<16xi32>
      %broadcast_in_dim3A_2738 = vector.shape_cast %select_n3A_2737 : vector<16xi32> to vector<16x1xi32>
      %gather3A_2739 = vector.shape_cast %broadcast_in_dim3A_2738 : vector<16x1xi32> to vector<16xi32>
      %gather3A_2740 = tpu.dynamic_gather %masked_cumsum3A_2727[%gather3A_2739] in [0] : vector<16xf32>, vector<16xi32> -> vector<16xf32>
      %select_n3A_2741 = arith.select %eq3A_2730, %gather3A_2740, %select_n3A_2685 : vector<16xi1>, vector<16xf32>
      %get3A_2742 = arith.constant 7 : i32
      %get3A_2743 = arith.index_cast %get3A_2742 : i32 to index
      %get3A_2744 = arith.constant 0 : index
      %get3A_2745 = tpu.vector_load %arg7[%get3A_2743, %get3A_2744] {strides = array<i32>} : memref<256x128xf32, #tpu.memory_space<vmem>>, vector<16xf32>,
      %get3A_2746 = arith.constant 39 : i32
      %get3A_2747 = arith.index_cast %get3A_2746 : i32 to index
      %get3A_2748 = arith.constant 0 : index
      %get3A_2749 = tpu.vector_load %arg7[%get3A_2747, %get3A_2748] {strides = array<i32>} : memref<256x128xf32, #tpu.memory_space<vmem>>, vector<16xf32>,
      %add3A_2750 = arith.addf %get3A_2745, %get3A_2749 : vector<16xf32>
      %get3A_2751 = arith.constant 71 : i32
      %get3A_2752 = arith.index_cast %get3A_2751 : i32 to index
      %get3A_2753 = arith.constant 0 : index
      %get3A_2754 = tpu.vector_load %arg7[%get3A_2752, %get3A_2753] {strides = array<i32>} : memref<256x128xf32, #tpu.memory_space<vmem>>, vector<16xf32>,
      %add3A_2755 = arith.addf %add3A_2750, %get3A_2754 : vector<16xf32>
      %get3A_2756 = arith.constant 103 : i32
      %get3A_2757 = arith.index_cast %get3A_2756 : i32 to index
      %get3A_2758 = arith.constant 0 : index
      %get3A_2759 = tpu.vector_load %arg7[%get3A_2757, %get3A_2758] {strides = array<i32>} : memref<256x128xf32, #tpu.memory_space<vmem>>, vector<16xf32>,
      %add3A_2760 = arith.addf %add3A_2755, %get3A_2759 : vector<16xf32>
      %get3A_2761 = arith.constant 135 : i32
      %get3A_2762 = arith.index_cast %get3A_2761 : i32 to index
      %get3A_2763 = arith.constant 0 : index
      %get3A_2764 = tpu.vector_load %arg7[%get3A_2762, %get3A_2763] {strides = array<i32>} : memref<256x128xf32, #tpu.memory_space<vmem>>, vector<16xf32>,
      %add3A_2765 = arith.addf %add3A_2760, %get3A_2764 : vector<16xf32>
      %get3A_2766 = arith.constant 167 : i32
      %get3A_2767 = arith.index_cast %get3A_2766 : i32 to index
      %get3A_2768 = arith.constant 0 : index
      %get3A_2769 = tpu.vector_load %arg7[%get3A_2767, %get3A_2768] {strides = array<i32>} : memref<256x128xf32, #tpu.memory_space<vmem>>, vector<16xf32>,
      %add3A_2770 = arith.addf %add3A_2765, %get3A_2769 : vector<16xf32>
      %get3A_2771 = arith.constant 199 : i32
      %get3A_2772 = arith.index_cast %get3A_2771 : i32 to index
      %get3A_2773 = arith.constant 0 : index
      %get3A_2774 = tpu.vector_load %arg7[%get3A_2772, %get3A_2773] {strides = array<i32>} : memref<256x128xf32, #tpu.memory_space<vmem>>, vector<16xf32>,
      %add3A_2775 = arith.addf %add3A_2770, %get3A_2774 : vector<16xf32>
      %get3A_2776 = arith.constant 231 : i32
      %get3A_2777 = arith.index_cast %get3A_2776 : i32 to index
      %get3A_2778 = arith.constant 0 : index
      %get3A_2779 = tpu.vector_load %arg7[%get3A_2777, %get3A_2778] {strides = array<i32>} : memref<256x128xf32, #tpu.memory_space<vmem>>, vector<16xf32>,
      %add3A_2780 = arith.addf %add3A_2775, %get3A_2779 : vector<16xf32>
      %broadcast_in_dim3A_2781 = arith.constant true
      %broadcast_in_dim3A_2782 = vector.broadcast %broadcast_in_dim3A_2781 : i1 to vector<16xi1>
      %masked_cumsum3A_2783 = tpu.scan <sum>, %add3A_2780 masked %broadcast_in_dim3A_2782 : vector<16xf32>, vector<16xi1> -> vector<16xf32>
      %eq3A_2784 = arith.constant 7 : i32
      %eq3A_2785 = vector.broadcast %eq3A_2784 : i32 to vector<16xi32>
      %eq3A_2786 = arith.cmpi eq, %iota3A, %eq3A_2785 : vector<16xi32>
      %lt3A_2787 = arith.constant 0 : i32
      %lt3A_2788 = vector.broadcast %lt3A_2787 : i32 to vector<16xi32>
      %lt3A_2789 = arith.cmpi slt, %get3A_2333, %lt3A_2788 : vector<16xi32>
      %add3A_2790 = arith.constant 16 : i32
      %add3A_2791 = vector.broadcast %add3A_2790 : i32 to vector<16xi32>
      %add3A_2792 = arith.addi %get3A_2333, %add3A_2791 : vector<16xi32>
      %select_n3A_2793 = arith.select %lt3A_2789, %add3A_2792, %get3A_2333 : vector<16xi1>, vector<16xi32>
      %broadcast_in_dim3A_2794 = vector.shape_cast %select_n3A_2793 : vector<16xi32> to vector<16x1xi32>
      %gather3A_2795 = vector.shape_cast %broadcast_in_dim3A_2794 : vector<16x1xi32> to vector<16xi32>
      %gather3A_2796 = tpu.dynamic_gather %masked_cumsum3A_2783[%gather3A_2795] in [0] : vector<16xf32>, vector<16xi32> -> vector<16xf32>
      %select_n3A_2797 = arith.select %eq3A_2786, %gather3A_2796, %select_n3A_2741 : vector<16xi1>, vector<16xf32>
      %get3A_2798 = arith.constant 8 : i32
      %get3A_2799 = arith.index_cast %get3A_2798 : i32 to index
      %get3A_2800 = arith.constant 0 : index
      %get3A_2801 = tpu.vector_load %arg7[%get3A_2799, %get3A_2800] {strides = array<i32>} : memref<256x128xf32, #tpu.memory_space<vmem>>, vector<16xf32>,
      %get3A_2802 = arith.constant 40 : i32
      %get3A_2803 = arith.index_cast %get3A_2802 : i32 to index
      %get3A_2804 = arith.constant 0 : index
      %get3A_2805 = tpu.vector_load %arg7[%get3A_2803, %get3A_2804] {strides = array<i32>} : memref<256x128xf32, #tpu.memory_space<vmem>>, vector<16xf32>,
      %add3A_2806 = arith.addf %get3A_2801, %get3A_2805 : vector<16xf32>
      %get3A_2807 = arith.constant 72 : i32
      %get3A_2808 = arith.index_cast %get3A_2807 : i32 to index
      %get3A_2809 = arith.constant 0 : index
      %get3A_2810 = tpu.vector_load %arg7[%get3A_2808, %get3A_2809] {strides = array<i32>} : memref<256x128xf32, #tpu.memory_space<vmem>>, vector<16xf32>,
      %add3A_2811 = arith.addf %add3A_2806, %get3A_2810 : vector<16xf32>
      %get3A_2812 = arith.constant 104 : i32
      %get3A_2813 = arith.index_cast %get3A_2812 : i32 to index
      %get3A_2814 = arith.constant 0 : index
      %get3A_2815 = tpu.vector_load %arg7[%get3A_2813, %get3A_2814] {strides = array<i32>} : memref<256x128xf32, #tpu.memory_space<vmem>>, vector<16xf32>,
      %add3A_2816 = arith.addf %add3A_2811, %get3A_2815 : vector<16xf32>
      %get3A_2817 = arith.constant 136 : i32
      %get3A_2818 = arith.index_cast %get3A_2817 : i32 to index
      %get3A_2819 = arith.constant 0 : index
      %get3A_2820 = tpu.vector_load %arg7[%get3A_2818, %get3A_2819] {strides = array<i32>} : memref<256x128xf32, #tpu.memory_space<vmem>>, vector<16xf32>,
      %add3A_2821 = arith.addf %add3A_2816, %get3A_2820 : vector<16xf32>
      %get3A_2822 = arith.constant 168 : i32
      %get3A_2823 = arith.index_cast %get3A_2822 : i32 to index
      %get3A_2824 = arith.constant 0 : index
      %get3A_2825 = tpu.vector_load %arg7[%get3A_2823, %get3A_2824] {strides = array<i32>} : memref<256x128xf32, #tpu.memory_space<vmem>>, vector<16xf32>,
      %add3A_2826 = arith.addf %add3A_2821, %get3A_2825 : vector<16xf32>
      %get3A_2827 = arith.constant 200 : i32
      %get3A_2828 = arith.index_cast %get3A_2827 : i32 to index
      %get3A_2829 = arith.constant 0 : index
      %get3A_2830 = tpu.vector_load %arg7[%get3A_2828, %get3A_2829] {strides = array<i32>} : memref<256x128xf32, #tpu.memory_space<vmem>>, vector<16xf32>,
      %add3A_2831 = arith.addf %add3A_2826, %get3A_2830 : vector<16xf32>
      %get3A_2832 = arith.constant 232 : i32
      %get3A_2833 = arith.index_cast %get3A_2832 : i32 to index
      %get3A_2834 = arith.constant 0 : index
      %get3A_2835 = tpu.vector_load %arg7[%get3A_2833, %get3A_2834] {strides = array<i32>} : memref<256x128xf32, #tpu.memory_space<vmem>>, vector<16xf32>,
      %add3A_2836 = arith.addf %add3A_2831, %get3A_2835 : vector<16xf32>
      %broadcast_in_dim3A_2837 = arith.constant true
      %broadcast_in_dim3A_2838 = vector.broadcast %broadcast_in_dim3A_2837 : i1 to vector<16xi1>
      %masked_cumsum3A_2839 = tpu.scan <sum>, %add3A_2836 masked %broadcast_in_dim3A_2838 : vector<16xf32>, vector<16xi1> -> vector<16xf32>
      %eq3A_2840 = arith.constant 8 : i32
      %eq3A_2841 = vector.broadcast %eq3A_2840 : i32 to vector<16xi32>
      %eq3A_2842 = arith.cmpi eq, %iota3A, %eq3A_2841 : vector<16xi32>
      %lt3A_2843 = arith.constant 0 : i32
      %lt3A_2844 = vector.broadcast %lt3A_2843 : i32 to vector<16xi32>
      %lt3A_2845 = arith.cmpi slt, %get3A_2333, %lt3A_2844 : vector<16xi32>
      %add3A_2846 = arith.constant 16 : i32
      %add3A_2847 = vector.broadcast %add3A_2846 : i32 to vector<16xi32>
      %add3A_2848 = arith.addi %get3A_2333, %add3A_2847 : vector<16xi32>
      %select_n3A_2849 = arith.select %lt3A_2845, %add3A_2848, %get3A_2333 : vector<16xi1>, vector<16xi32>
      %broadcast_in_dim3A_2850 = vector.shape_cast %select_n3A_2849 : vector<16xi32> to vector<16x1xi32>
      %gather3A_2851 = vector.shape_cast %broadcast_in_dim3A_2850 : vector<16x1xi32> to vector<16xi32>
      %gather3A_2852 = tpu.dynamic_gather %masked_cumsum3A_2839[%gather3A_2851] in [0] : vector<16xf32>, vector<16xi32> -> vector<16xf32>
      %select_n3A_2853 = arith.select %eq3A_2842, %gather3A_2852, %select_n3A_2797 : vector<16xi1>, vector<16xf32>
      %get3A_2854 = arith.constant 9 : i32
      %get3A_2855 = arith.index_cast %get3A_2854 : i32 to index
      %get3A_2856 = arith.constant 0 : index
      %get3A_2857 = tpu.vector_load %arg7[%get3A_2855, %get3A_2856] {strides = array<i32>} : memref<256x128xf32, #tpu.memory_space<vmem>>, vector<16xf32>,
      %get3A_2858 = arith.constant 41 : i32
      %get3A_2859 = arith.index_cast %get3A_2858 : i32 to index
      %get3A_2860 = arith.constant 0 : index
      %get3A_2861 = tpu.vector_load %arg7[%get3A_2859, %get3A_2860] {strides = array<i32>} : memref<256x128xf32, #tpu.memory_space<vmem>>, vector<16xf32>,
      %add3A_2862 = arith.addf %get3A_2857, %get3A_2861 : vector<16xf32>
      %get3A_2863 = arith.constant 73 : i32
      %get3A_2864 = arith.index_cast %get3A_2863 : i32 to index
      %get3A_2865 = arith.constant 0 : index
      %get3A_2866 = tpu.vector_load %arg7[%get3A_2864, %get3A_2865] {strides = array<i32>} : memref<256x128xf32, #tpu.memory_space<vmem>>, vector<16xf32>,
      %add3A_2867 = arith.addf %add3A_2862, %get3A_2866 : vector<16xf32>
      %get3A_2868 = arith.constant 105 : i32
      %get3A_2869 = arith.index_cast %get3A_2868 : i32 to index
      %get3A_2870 = arith.constant 0 : index
      %get3A_2871 = tpu.vector_load %arg7[%get3A_2869, %get3A_2870] {strides = array<i32>} : memref<256x128xf32, #tpu.memory_space<vmem>>, vector<16xf32>,
      %add3A_2872 = arith.addf %add3A_2867, %get3A_2871 : vector<16xf32>
      %get3A_2873 = arith.constant 137 : i32
      %get3A_2874 = arith.index_cast %get3A_2873 : i32 to index
      %get3A_2875 = arith.constant 0 : index
      %get3A_2876 = tpu.vector_load %arg7[%get3A_2874, %get3A_2875] {strides = array<i32>} : memref<256x128xf32, #tpu.memory_space<vmem>>, vector<16xf32>,
      %add3A_2877 = arith.addf %add3A_2872, %get3A_2876 : vector<16xf32>
      %get3A_2878 = arith.constant 169 : i32
      %get3A_2879 = arith.index_cast %get3A_2878 : i32 to index
      %get3A_2880 = arith.constant 0 : index
      %get3A_2881 = tpu.vector_load %arg7[%get3A_2879, %get3A_2880] {strides = array<i32>} : memref<256x128xf32, #tpu.memory_space<vmem>>, vector<16xf32>,
      %add3A_2882 = arith.addf %add3A_2877, %get3A_2881 : vector<16xf32>
      %get3A_2883 = arith.constant 201 : i32
      %get3A_2884 = arith.index_cast %get3A_2883 : i32 to index
      %get3A_2885 = arith.constant 0 : index
      %get3A_2886 = tpu.vector_load %arg7[%get3A_2884, %get3A_2885] {strides = array<i32>} : memref<256x128xf32, #tpu.memory_space<vmem>>, vector<16xf32>,
      %add3A_2887 = arith.addf %add3A_2882, %get3A_2886 : vector<16xf32>
      %get3A_2888 = arith.constant 233 : i32
      %get3A_2889 = arith.index_cast %get3A_2888 : i32 to index
      %get3A_2890 = arith.constant 0 : index
      %get3A_2891 = tpu.vector_load %arg7[%get3A_2889, %get3A_2890] {strides = array<i32>} : memref<256x128xf32, #tpu.memory_space<vmem>>, vector<16xf32>,
      %add3A_2892 = arith.addf %add3A_2887, %get3A_2891 : vector<16xf32>
      %broadcast_in_dim3A_2893 = arith.constant true
      %broadcast_in_dim3A_2894 = vector.broadcast %broadcast_in_dim3A_2893 : i1 to vector<16xi1>
      %masked_cumsum3A_2895 = tpu.scan <sum>, %add3A_2892 masked %broadcast_in_dim3A_2894 : vector<16xf32>, vector<16xi1> -> vector<16xf32>
      %eq3A_2896 = arith.constant 9 : i32
      %eq3A_2897 = vector.broadcast %eq3A_2896 : i32 to vector<16xi32>
      %eq3A_2898 = arith.cmpi eq, %iota3A, %eq3A_2897 : vector<16xi32>
      %lt3A_2899 = arith.constant 0 : i32
      %lt3A_2900 = vector.broadcast %lt3A_2899 : i32 to vector<16xi32>
      %lt3A_2901 = arith.cmpi slt, %get3A_2333, %lt3A_2900 : vector<16xi32>
      %add3A_2902 = arith.constant 16 : i32
      %add3A_2903 = vector.broadcast %add3A_2902 : i32 to vector<16xi32>
      %add3A_2904 = arith.addi %get3A_2333, %add3A_2903 : vector<16xi32>
      %select_n3A_2905 = arith.select %lt3A_2901, %add3A_2904, %get3A_2333 : vector<16xi1>, vector<16xi32>
      %broadcast_in_dim3A_2906 = vector.shape_cast %select_n3A_2905 : vector<16xi32> to vector<16x1xi32>
      %gather3A_2907 = vector.shape_cast %broadcast_in_dim3A_2906 : vector<16x1xi32> to vector<16xi32>
      %gather3A_2908 = tpu.dynamic_gather %masked_cumsum3A_2895[%gather3A_2907] in [0] : vector<16xf32>, vector<16xi32> -> vector<16xf32>
      %select_n3A_2909 = arith.select %eq3A_2898, %gather3A_2908, %select_n3A_2853 : vector<16xi1>, vector<16xf32>
      %get3A_2910 = arith.constant 10 : i32
      %get3A_2911 = arith.index_cast %get3A_2910 : i32 to index
      %get3A_2912 = arith.constant 0 : index
      %get3A_2913 = tpu.vector_load %arg7[%get3A_2911, %get3A_2912] {strides = array<i32>} : memref<256x128xf32, #tpu.memory_space<vmem>>, vector<16xf32>,
      %get3A_2914 = arith.constant 42 : i32
      %get3A_2915 = arith.index_cast %get3A_2914 : i32 to index
      %get3A_2916 = arith.constant 0 : index
      %get3A_2917 = tpu.vector_load %arg7[%get3A_2915, %get3A_2916] {strides = array<i32>} : memref<256x128xf32, #tpu.memory_space<vmem>>, vector<16xf32>,
      %add3A_2918 = arith.addf %get3A_2913, %get3A_2917 : vector<16xf32>
      %get3A_2919 = arith.constant 74 : i32
      %get3A_2920 = arith.index_cast %get3A_2919 : i32 to index
      %get3A_2921 = arith.constant 0 : index
      %get3A_2922 = tpu.vector_load %arg7[%get3A_2920, %get3A_2921] {strides = array<i32>} : memref<256x128xf32, #tpu.memory_space<vmem>>, vector<16xf32>,
      %add3A_2923 = arith.addf %add3A_2918, %get3A_2922 : vector<16xf32>
      %get3A_2924 = arith.constant 106 : i32
      %get3A_2925 = arith.index_cast %get3A_2924 : i32 to index
      %get3A_2926 = arith.constant 0 : index
      %get3A_2927 = tpu.vector_load %arg7[%get3A_2925, %get3A_2926] {strides = array<i32>} : memref<256x128xf32, #tpu.memory_space<vmem>>, vector<16xf32>,
      %add3A_2928 = arith.addf %add3A_2923, %get3A_2927 : vector<16xf32>
      %get3A_2929 = arith.constant 138 : i32
      %get3A_2930 = arith.index_cast %get3A_2929 : i32 to index
      %get3A_2931 = arith.constant 0 : index
      %get3A_2932 = tpu.vector_load %arg7[%get3A_2930, %get3A_2931] {strides = array<i32>} : memref<256x128xf32, #tpu.memory_space<vmem>>, vector<16xf32>,
      %add3A_2933 = arith.addf %add3A_2928, %get3A_2932 : vector<16xf32>
      %get3A_2934 = arith.constant 170 : i32
      %get3A_2935 = arith.index_cast %get3A_2934 : i32 to index
      %get3A_2936 = arith.constant 0 : index
      %get3A_2937 = tpu.vector_load %arg7[%get3A_2935, %get3A_2936] {strides = array<i32>} : memref<256x128xf32, #tpu.memory_space<vmem>>, vector<16xf32>,
      %add3A_2938 = arith.addf %add3A_2933, %get3A_2937 : vector<16xf32>
      %get3A_2939 = arith.constant 202 : i32
      %get3A_2940 = arith.index_cast %get3A_2939 : i32 to index
      %get3A_2941 = arith.constant 0 : index
      %get3A_2942 = tpu.vector_load %arg7[%get3A_2940, %get3A_2941] {strides = array<i32>} : memref<256x128xf32, #tpu.memory_space<vmem>>, vector<16xf32>,
      %add3A_2943 = arith.addf %add3A_2938, %get3A_2942 : vector<16xf32>
      %get3A_2944 = arith.constant 234 : i32
      %get3A_2945 = arith.index_cast %get3A_2944 : i32 to index
      %get3A_2946 = arith.constant 0 : index
      %get3A_2947 = tpu.vector_load %arg7[%get3A_2945, %get3A_2946] {strides = array<i32>} : memref<256x128xf32, #tpu.memory_space<vmem>>, vector<16xf32>,
      %add3A_2948 = arith.addf %add3A_2943, %get3A_2947 : vector<16xf32>
      %broadcast_in_dim3A_2949 = arith.constant true
      %broadcast_in_dim3A_2950 = vector.broadcast %broadcast_in_dim3A_2949 : i1 to vector<16xi1>
      %masked_cumsum3A_2951 = tpu.scan <sum>, %add3A_2948 masked %broadcast_in_dim3A_2950 : vector<16xf32>, vector<16xi1> -> vector<16xf32>
      %eq3A_2952 = arith.constant 10 : i32
      %eq3A_2953 = vector.broadcast %eq3A_2952 : i32 to vector<16xi32>
      %eq3A_2954 = arith.cmpi eq, %iota3A, %eq3A_2953 : vector<16xi32>
      %lt3A_2955 = arith.constant 0 : i32
      %lt3A_2956 = vector.broadcast %lt3A_2955 : i32 to vector<16xi32>
      %lt3A_2957 = arith.cmpi slt, %get3A_2333, %lt3A_2956 : vector<16xi32>
      %add3A_2958 = arith.constant 16 : i32
      %add3A_2959 = vector.broadcast %add3A_2958 : i32 to vector<16xi32>
      %add3A_2960 = arith.addi %get3A_2333, %add3A_2959 : vector<16xi32>
      %select_n3A_2961 = arith.select %lt3A_2957, %add3A_2960, %get3A_2333 : vector<16xi1>, vector<16xi32>
      %broadcast_in_dim3A_2962 = vector.shape_cast %select_n3A_2961 : vector<16xi32> to vector<16x1xi32>
      %gather3A_2963 = vector.shape_cast %broadcast_in_dim3A_2962 : vector<16x1xi32> to vector<16xi32>
      %gather3A_2964 = tpu.dynamic_gather %masked_cumsum3A_2951[%gather3A_2963] in [0] : vector<16xf32>, vector<16xi32> -> vector<16xf32>
      %select_n3A_2965 = arith.select %eq3A_2954, %gather3A_2964, %select_n3A_2909 : vector<16xi1>, vector<16xf32>
      %get3A_2966 = arith.constant 11 : i32
      %get3A_2967 = arith.index_cast %get3A_2966 : i32 to index
      %get3A_2968 = arith.constant 0 : index
      %get3A_2969 = tpu.vector_load %arg7[%get3A_2967, %get3A_2968] {strides = array<i32>} : memref<256x128xf32, #tpu.memory_space<vmem>>, vector<16xf32>,
      %get3A_2970 = arith.constant 43 : i32
      %get3A_2971 = arith.index_cast %get3A_2970 : i32 to index
      %get3A_2972 = arith.constant 0 : index
      %get3A_2973 = tpu.vector_load %arg7[%get3A_2971, %get3A_2972] {strides = array<i32>} : memref<256x128xf32, #tpu.memory_space<vmem>>, vector<16xf32>,
      %add3A_2974 = arith.addf %get3A_2969, %get3A_2973 : vector<16xf32>
      %get3A_2975 = arith.constant 75 : i32
      %get3A_2976 = arith.index_cast %get3A_2975 : i32 to index
      %get3A_2977 = arith.constant 0 : index
      %get3A_2978 = tpu.vector_load %arg7[%get3A_2976, %get3A_2977] {strides = array<i32>} : memref<256x128xf32, #tpu.memory_space<vmem>>, vector<16xf32>,
      %add3A_2979 = arith.addf %add3A_2974, %get3A_2978 : vector<16xf32>
      %get3A_2980 = arith.constant 107 : i32
      %get3A_2981 = arith.index_cast %get3A_2980 : i32 to index
      %get3A_2982 = arith.constant 0 : index
      %get3A_2983 = tpu.vector_load %arg7[%get3A_2981, %get3A_2982] {strides = array<i32>} : memref<256x128xf32, #tpu.memory_space<vmem>>, vector<16xf32>,
      %add3A_2984 = arith.addf %add3A_2979, %get3A_2983 : vector<16xf32>
      %get3A_2985 = arith.constant 139 : i32
      %get3A_2986 = arith.index_cast %get3A_2985 : i32 to index
      %get3A_2987 = arith.constant 0 : index
      %get3A_2988 = tpu.vector_load %arg7[%get3A_2986, %get3A_2987] {strides = array<i32>} : memref<256x128xf32, #tpu.memory_space<vmem>>, vector<16xf32>,
      %add3A_2989 = arith.addf %add3A_2984, %get3A_2988 : vector<16xf32>
      %get3A_2990 = arith.constant 171 : i32
      %get3A_2991 = arith.index_cast %get3A_2990 : i32 to index
      %get3A_2992 = arith.constant 0 : index
      %get3A_2993 = tpu.vector_load %arg7[%get3A_2991, %get3A_2992] {strides = array<i32>} : memref<256x128xf32, #tpu.memory_space<vmem>>, vector<16xf32>,
      %add3A_2994 = arith.addf %add3A_2989, %get3A_2993 : vector<16xf32>
      %get3A_2995 = arith.constant 203 : i32
      %get3A_2996 = arith.index_cast %get3A_2995 : i32 to index
      %get3A_2997 = arith.constant 0 : index
      %get3A_2998 = tpu.vector_load %arg7[%get3A_2996, %get3A_2997] {strides = array<i32>} : memref<256x128xf32, #tpu.memory_space<vmem>>, vector<16xf32>,
      %add3A_2999 = arith.addf %add3A_2994, %get3A_2998 : vector<16xf32>
      %get3A_3000 = arith.constant 235 : i32
      %get3A_3001 = arith.index_cast %get3A_3000 : i32 to index
      %get3A_3002 = arith.constant 0 : index
      %get3A_3003 = tpu.vector_load %arg7[%get3A_3001, %get3A_3002] {strides = array<i32>} : memref<256x128xf32, #tpu.memory_space<vmem>>, vector<16xf32>,
      %add3A_3004 = arith.addf %add3A_2999, %get3A_3003 : vector<16xf32>
      %broadcast_in_dim3A_3005 = arith.constant true
      %broadcast_in_dim3A_3006 = vector.broadcast %broadcast_in_dim3A_3005 : i1 to vector<16xi1>
      %masked_cumsum3A_3007 = tpu.scan <sum>, %add3A_3004 masked %broadcast_in_dim3A_3006 : vector<16xf32>, vector<16xi1> -> vector<16xf32>
      %eq3A_3008 = arith.constant 11 : i32
      %eq3A_3009 = vector.broadcast %eq3A_3008 : i32 to vector<16xi32>
      %eq3A_3010 = arith.cmpi eq, %iota3A, %eq3A_3009 : vector<16xi32>
      %lt3A_3011 = arith.constant 0 : i32
      %lt3A_3012 = vector.broadcast %lt3A_3011 : i32 to vector<16xi32>
      %lt3A_3013 = arith.cmpi slt, %get3A_2333, %lt3A_3012 : vector<16xi32>
      %add3A_3014 = arith.constant 16 : i32
      %add3A_3015 = vector.broadcast %add3A_3014 : i32 to vector<16xi32>
      %add3A_3016 = arith.addi %get3A_2333, %add3A_3015 : vector<16xi32>
      %select_n3A_3017 = arith.select %lt3A_3013, %add3A_3016, %get3A_2333 : vector<16xi1>, vector<16xi32>
      %broadcast_in_dim3A_3018 = vector.shape_cast %select_n3A_3017 : vector<16xi32> to vector<16x1xi32>
      %gather3A_3019 = vector.shape_cast %broadcast_in_dim3A_3018 : vector<16x1xi32> to vector<16xi32>
      %gather3A_3020 = tpu.dynamic_gather %masked_cumsum3A_3007[%gather3A_3019] in [0] : vector<16xf32>, vector<16xi32> -> vector<16xf32>
      %select_n3A_3021 = arith.select %eq3A_3010, %gather3A_3020, %select_n3A_2965 : vector<16xi1>, vector<16xf32>
      %get3A_3022 = arith.constant 12 : i32
      %get3A_3023 = arith.index_cast %get3A_3022 : i32 to index
      %get3A_3024 = arith.constant 0 : index
      %get3A_3025 = tpu.vector_load %arg7[%get3A_3023, %get3A_3024] {strides = array<i32>} : memref<256x128xf32, #tpu.memory_space<vmem>>, vector<16xf32>,
      %get3A_3026 = arith.constant 44 : i32
      %get3A_3027 = arith.index_cast %get3A_3026 : i32 to index
      %get3A_3028 = arith.constant 0 : index
      %get3A_3029 = tpu.vector_load %arg7[%get3A_3027, %get3A_3028] {strides = array<i32>} : memref<256x128xf32, #tpu.memory_space<vmem>>, vector<16xf32>,
      %add3A_3030 = arith.addf %get3A_3025, %get3A_3029 : vector<16xf32>
      %get3A_3031 = arith.constant 76 : i32
      %get3A_3032 = arith.index_cast %get3A_3031 : i32 to index
      %get3A_3033 = arith.constant 0 : index
      %get3A_3034 = tpu.vector_load %arg7[%get3A_3032, %get3A_3033] {strides = array<i32>} : memref<256x128xf32, #tpu.memory_space<vmem>>, vector<16xf32>,
      %add3A_3035 = arith.addf %add3A_3030, %get3A_3034 : vector<16xf32>
      %get3A_3036 = arith.constant 108 : i32
      %get3A_3037 = arith.index_cast %get3A_3036 : i32 to index
      %get3A_3038 = arith.constant 0 : index
      %get3A_3039 = tpu.vector_load %arg7[%get3A_3037, %get3A_3038] {strides = array<i32>} : memref<256x128xf32, #tpu.memory_space<vmem>>, vector<16xf32>,
      %add3A_3040 = arith.addf %add3A_3035, %get3A_3039 : vector<16xf32>
      %get3A_3041 = arith.constant 140 : i32
      %get3A_3042 = arith.index_cast %get3A_3041 : i32 to index
      %get3A_3043 = arith.constant 0 : index
      %get3A_3044 = tpu.vector_load %arg7[%get3A_3042, %get3A_3043] {strides = array<i32>} : memref<256x128xf32, #tpu.memory_space<vmem>>, vector<16xf32>,
      %add3A_3045 = arith.addf %add3A_3040, %get3A_3044 : vector<16xf32>
      %get3A_3046 = arith.constant 172 : i32
      %get3A_3047 = arith.index_cast %get3A_3046 : i32 to index
      %get3A_3048 = arith.constant 0 : index
      %get3A_3049 = tpu.vector_load %arg7[%get3A_3047, %get3A_3048] {strides = array<i32>} : memref<256x128xf32, #tpu.memory_space<vmem>>, vector<16xf32>,
      %add3A_3050 = arith.addf %add3A_3045, %get3A_3049 : vector<16xf32>
      %get3A_3051 = arith.constant 204 : i32
      %get3A_3052 = arith.index_cast %get3A_3051 : i32 to index
      %get3A_3053 = arith.constant 0 : index
      %get3A_3054 = tpu.vector_load %arg7[%get3A_3052, %get3A_3053] {strides = array<i32>} : memref<256x128xf32, #tpu.memory_space<vmem>>, vector<16xf32>,
      %add3A_3055 = arith.addf %add3A_3050, %get3A_3054 : vector<16xf32>
      %get3A_3056 = arith.constant 236 : i32
      %get3A_3057 = arith.index_cast %get3A_3056 : i32 to index
      %get3A_3058 = arith.constant 0 : index
      %get3A_3059 = tpu.vector_load %arg7[%get3A_3057, %get3A_3058] {strides = array<i32>} : memref<256x128xf32, #tpu.memory_space<vmem>>, vector<16xf32>,
      %add3A_3060 = arith.addf %add3A_3055, %get3A_3059 : vector<16xf32>
      %broadcast_in_dim3A_3061 = arith.constant true
      %broadcast_in_dim3A_3062 = vector.broadcast %broadcast_in_dim3A_3061 : i1 to vector<16xi1>
      %masked_cumsum3A_3063 = tpu.scan <sum>, %add3A_3060 masked %broadcast_in_dim3A_3062 : vector<16xf32>, vector<16xi1> -> vector<16xf32>
      %eq3A_3064 = arith.constant 12 : i32
      %eq3A_3065 = vector.broadcast %eq3A_3064 : i32 to vector<16xi32>
      %eq3A_3066 = arith.cmpi eq, %iota3A, %eq3A_3065 : vector<16xi32>
      %lt3A_3067 = arith.constant 0 : i32
      %lt3A_3068 = vector.broadcast %lt3A_3067 : i32 to vector<16xi32>
      %lt3A_3069 = arith.cmpi slt, %get3A_2333, %lt3A_3068 : vector<16xi32>
      %add3A_3070 = arith.constant 16 : i32
      %add3A_3071 = vector.broadcast %add3A_3070 : i32 to vector<16xi32>
      %add3A_3072 = arith.addi %get3A_2333, %add3A_3071 : vector<16xi32>
      %select_n3A_3073 = arith.select %lt3A_3069, %add3A_3072, %get3A_2333 : vector<16xi1>, vector<16xi32>
      %broadcast_in_dim3A_3074 = vector.shape_cast %select_n3A_3073 : vector<16xi32> to vector<16x1xi32>
      %gather3A_3075 = vector.shape_cast %broadcast_in_dim3A_3074 : vector<16x1xi32> to vector<16xi32>
      %gather3A_3076 = tpu.dynamic_gather %masked_cumsum3A_3063[%gather3A_3075] in [0] : vector<16xf32>, vector<16xi32> -> vector<16xf32>
      %select_n3A_3077 = arith.select %eq3A_3066, %gather3A_3076, %select_n3A_3021 : vector<16xi1>, vector<16xf32>
      %get3A_3078 = arith.constant 13 : i32
      %get3A_3079 = arith.index_cast %get3A_3078 : i32 to index
      %get3A_3080 = arith.constant 0 : index
      %get3A_3081 = tpu.vector_load %arg7[%get3A_3079, %get3A_3080] {strides = array<i32>} : memref<256x128xf32, #tpu.memory_space<vmem>>, vector<16xf32>,
      %get3A_3082 = arith.constant 45 : i32
      %get3A_3083 = arith.index_cast %get3A_3082 : i32 to index
      %get3A_3084 = arith.constant 0 : index
      %get3A_3085 = tpu.vector_load %arg7[%get3A_3083, %get3A_3084] {strides = array<i32>} : memref<256x128xf32, #tpu.memory_space<vmem>>, vector<16xf32>,
      %add3A_3086 = arith.addf %get3A_3081, %get3A_3085 : vector<16xf32>
      %get3A_3087 = arith.constant 77 : i32
      %get3A_3088 = arith.index_cast %get3A_3087 : i32 to index
      %get3A_3089 = arith.constant 0 : index
      %get3A_3090 = tpu.vector_load %arg7[%get3A_3088, %get3A_3089] {strides = array<i32>} : memref<256x128xf32, #tpu.memory_space<vmem>>, vector<16xf32>,
      %add3A_3091 = arith.addf %add3A_3086, %get3A_3090 : vector<16xf32>
      %get3A_3092 = arith.constant 109 : i32
      %get3A_3093 = arith.index_cast %get3A_3092 : i32 to index
      %get3A_3094 = arith.constant 0 : index
      %get3A_3095 = tpu.vector_load %arg7[%get3A_3093, %get3A_3094] {strides = array<i32>} : memref<256x128xf32, #tpu.memory_space<vmem>>, vector<16xf32>,
      %add3A_3096 = arith.addf %add3A_3091, %get3A_3095 : vector<16xf32>
      %get3A_3097 = arith.constant 141 : i32
      %get3A_3098 = arith.index_cast %get3A_3097 : i32 to index
      %get3A_3099 = arith.constant 0 : index
      %get3A_3100 = tpu.vector_load %arg7[%get3A_3098, %get3A_3099] {strides = array<i32>} : memref<256x128xf32, #tpu.memory_space<vmem>>, vector<16xf32>,
      %add3A_3101 = arith.addf %add3A_3096, %get3A_3100 : vector<16xf32>
      %get3A_3102 = arith.constant 173 : i32
      %get3A_3103 = arith.index_cast %get3A_3102 : i32 to index
      %get3A_3104 = arith.constant 0 : index
      %get3A_3105 = tpu.vector_load %arg7[%get3A_3103, %get3A_3104] {strides = array<i32>} : memref<256x128xf32, #tpu.memory_space<vmem>>, vector<16xf32>,
      %add3A_3106 = arith.addf %add3A_3101, %get3A_3105 : vector<16xf32>
      %get3A_3107 = arith.constant 205 : i32
      %get3A_3108 = arith.index_cast %get3A_3107 : i32 to index
      %get3A_3109 = arith.constant 0 : index
      %get3A_3110 = tpu.vector_load %arg7[%get3A_3108, %get3A_3109] {strides = array<i32>} : memref<256x128xf32, #tpu.memory_space<vmem>>, vector<16xf32>,
      %add3A_3111 = arith.addf %add3A_3106, %get3A_3110 : vector<16xf32>
      %get3A_3112 = arith.constant 237 : i32
      %get3A_3113 = arith.index_cast %get3A_3112 : i32 to index
      %get3A_3114 = arith.constant 0 : index
      %get3A_3115 = tpu.vector_load %arg7[%get3A_3113, %get3A_3114] {strides = array<i32>} : memref<256x128xf32, #tpu.memory_space<vmem>>, vector<16xf32>,
      %add3A_3116 = arith.addf %add3A_3111, %get3A_3115 : vector<16xf32>
      %broadcast_in_dim3A_3117 = arith.constant true
      %broadcast_in_dim3A_3118 = vector.broadcast %broadcast_in_dim3A_3117 : i1 to vector<16xi1>
      %masked_cumsum3A_3119 = tpu.scan <sum>, %add3A_3116 masked %broadcast_in_dim3A_3118 : vector<16xf32>, vector<16xi1> -> vector<16xf32>
      %eq3A_3120 = arith.constant 13 : i32
      %eq3A_3121 = vector.broadcast %eq3A_3120 : i32 to vector<16xi32>
      %eq3A_3122 = arith.cmpi eq, %iota3A, %eq3A_3121 : vector<16xi32>
      %lt3A_3123 = arith.constant 0 : i32
      %lt3A_3124 = vector.broadcast %lt3A_3123 : i32 to vector<16xi32>
      %lt3A_3125 = arith.cmpi slt, %get3A_2333, %lt3A_3124 : vector<16xi32>
      %add3A_3126 = arith.constant 16 : i32
      %add3A_3127 = vector.broadcast %add3A_3126 : i32 to vector<16xi32>
      %add3A_3128 = arith.addi %get3A_2333, %add3A_3127 : vector<16xi32>
      %select_n3A_3129 = arith.select %lt3A_3125, %add3A_3128, %get3A_2333 : vector<16xi1>, vector<16xi32>
      %broadcast_in_dim3A_3130 = vector.shape_cast %select_n3A_3129 : vector<16xi32> to vector<16x1xi32>
      %gather3A_3131 = vector.shape_cast %broadcast_in_dim3A_3130 : vector<16x1xi32> to vector<16xi32>
      %gather3A_3132 = tpu.dynamic_gather %masked_cumsum3A_3119[%gather3A_3131] in [0] : vector<16xf32>, vector<16xi32> -> vector<16xf32>
      %select_n3A_3133 = arith.select %eq3A_3122, %gather3A_3132, %select_n3A_3077 : vector<16xi1>, vector<16xf32>
      %get3A_3134 = arith.constant 14 : i32
      %get3A_3135 = arith.index_cast %get3A_3134 : i32 to index
      %get3A_3136 = arith.constant 0 : index
      %get3A_3137 = tpu.vector_load %arg7[%get3A_3135, %get3A_3136] {strides = array<i32>} : memref<256x128xf32, #tpu.memory_space<vmem>>, vector<16xf32>,
      %get3A_3138 = arith.constant 46 : i32
      %get3A_3139 = arith.index_cast %get3A_3138 : i32 to index
      %get3A_3140 = arith.constant 0 : index
      %get3A_3141 = tpu.vector_load %arg7[%get3A_3139, %get3A_3140] {strides = array<i32>} : memref<256x128xf32, #tpu.memory_space<vmem>>, vector<16xf32>,
      %add3A_3142 = arith.addf %get3A_3137, %get3A_3141 : vector<16xf32>
      %get3A_3143 = arith.constant 78 : i32
      %get3A_3144 = arith.index_cast %get3A_3143 : i32 to index
      %get3A_3145 = arith.constant 0 : index
      %get3A_3146 = tpu.vector_load %arg7[%get3A_3144, %get3A_3145] {strides = array<i32>} : memref<256x128xf32, #tpu.memory_space<vmem>>, vector<16xf32>,
      %add3A_3147 = arith.addf %add3A_3142, %get3A_3146 : vector<16xf32>
      %get3A_3148 = arith.constant 110 : i32
      %get3A_3149 = arith.index_cast %get3A_3148 : i32 to index
      %get3A_3150 = arith.constant 0 : index
      %get3A_3151 = tpu.vector_load %arg7[%get3A_3149, %get3A_3150] {strides = array<i32>} : memref<256x128xf32, #tpu.memory_space<vmem>>, vector<16xf32>,
      %add3A_3152 = arith.addf %add3A_3147, %get3A_3151 : vector<16xf32>
      %get3A_3153 = arith.constant 142 : i32
      %get3A_3154 = arith.index_cast %get3A_3153 : i32 to index
      %get3A_3155 = arith.constant 0 : index
      %get3A_3156 = tpu.vector_load %arg7[%get3A_3154, %get3A_3155] {strides = array<i32>} : memref<256x128xf32, #tpu.memory_space<vmem>>, vector<16xf32>,
      %add3A_3157 = arith.addf %add3A_3152, %get3A_3156 : vector<16xf32>
      %get3A_3158 = arith.constant 174 : i32
      %get3A_3159 = arith.index_cast %get3A_3158 : i32 to index
      %get3A_3160 = arith.constant 0 : index
      %get3A_3161 = tpu.vector_load %arg7[%get3A_3159, %get3A_3160] {strides = array<i32>} : memref<256x128xf32, #tpu.memory_space<vmem>>, vector<16xf32>,
      %add3A_3162 = arith.addf %add3A_3157, %get3A_3161 : vector<16xf32>
      %get3A_3163 = arith.constant 206 : i32
      %get3A_3164 = arith.index_cast %get3A_3163 : i32 to index
      %get3A_3165 = arith.constant 0 : index
      %get3A_3166 = tpu.vector_load %arg7[%get3A_3164, %get3A_3165] {strides = array<i32>} : memref<256x128xf32, #tpu.memory_space<vmem>>, vector<16xf32>,
      %add3A_3167 = arith.addf %add3A_3162, %get3A_3166 : vector<16xf32>
      %get3A_3168 = arith.constant 238 : i32
      %get3A_3169 = arith.index_cast %get3A_3168 : i32 to index
      %get3A_3170 = arith.constant 0 : index
      %get3A_3171 = tpu.vector_load %arg7[%get3A_3169, %get3A_3170] {strides = array<i32>} : memref<256x128xf32, #tpu.memory_space<vmem>>, vector<16xf32>,
      %add3A_3172 = arith.addf %add3A_3167, %get3A_3171 : vector<16xf32>
      %broadcast_in_dim3A_3173 = arith.constant true
      %broadcast_in_dim3A_3174 = vector.broadcast %broadcast_in_dim3A_3173 : i1 to vector<16xi1>
      %masked_cumsum3A_3175 = tpu.scan <sum>, %add3A_3172 masked %broadcast_in_dim3A_3174 : vector<16xf32>, vector<16xi1> -> vector<16xf32>
      %eq3A_3176 = arith.constant 14 : i32
      %eq3A_3177 = vector.broadcast %eq3A_3176 : i32 to vector<16xi32>
      %eq3A_3178 = arith.cmpi eq, %iota3A, %eq3A_3177 : vector<16xi32>
      %lt3A_3179 = arith.constant 0 : i32
      %lt3A_3180 = vector.broadcast %lt3A_3179 : i32 to vector<16xi32>
      %lt3A_3181 = arith.cmpi slt, %get3A_2333, %lt3A_3180 : vector<16xi32>
      %add3A_3182 = arith.constant 16 : i32
      %add3A_3183 = vector.broadcast %add3A_3182 : i32 to vector<16xi32>
      %add3A_3184 = arith.addi %get3A_2333, %add3A_3183 : vector<16xi32>
      %select_n3A_3185 = arith.select %lt3A_3181, %add3A_3184, %get3A_2333 : vector<16xi1>, vector<16xi32>
      %broadcast_in_dim3A_3186 = vector.shape_cast %select_n3A_3185 : vector<16xi32> to vector<16x1xi32>
      %gather3A_3187 = vector.shape_cast %broadcast_in_dim3A_3186 : vector<16x1xi32> to vector<16xi32>
      %gather3A_3188 = tpu.dynamic_gather %masked_cumsum3A_3175[%gather3A_3187] in [0] : vector<16xf32>, vector<16xi32> -> vector<16xf32>
      %select_n3A_3189 = arith.select %eq3A_3178, %gather3A_3188, %select_n3A_3133 : vector<16xi1>, vector<16xf32>
      %get3A_3190 = arith.constant 15 : i32
      %get3A_3191 = arith.index_cast %get3A_3190 : i32 to index
      %get3A_3192 = arith.constant 0 : index
      %get3A_3193 = tpu.vector_load %arg7[%get3A_3191, %get3A_3192] {strides = array<i32>} : memref<256x128xf32, #tpu.memory_space<vmem>>, vector<16xf32>,
      %get3A_3194 = arith.constant 47 : i32
      %get3A_3195 = arith.index_cast %get3A_3194 : i32 to index
      %get3A_3196 = arith.constant 0 : index
      %get3A_3197 = tpu.vector_load %arg7[%get3A_3195, %get3A_3196] {strides = array<i32>} : memref<256x128xf32, #tpu.memory_space<vmem>>, vector<16xf32>,
      %add3A_3198 = arith.addf %get3A_3193, %get3A_3197 : vector<16xf32>
      %get3A_3199 = arith.constant 79 : i32
      %get3A_3200 = arith.index_cast %get3A_3199 : i32 to index
      %get3A_3201 = arith.constant 0 : index
      %get3A_3202 = tpu.vector_load %arg7[%get3A_3200, %get3A_3201] {strides = array<i32>} : memref<256x128xf32, #tpu.memory_space<vmem>>, vector<16xf32>,
      %add3A_3203 = arith.addf %add3A_3198, %get3A_3202 : vector<16xf32>
      %get3A_3204 = arith.constant 111 : i32
      %get3A_3205 = arith.index_cast %get3A_3204 : i32 to index
      %get3A_3206 = arith.constant 0 : index
      %get3A_3207 = tpu.vector_load %arg7[%get3A_3205, %get3A_3206] {strides = array<i32>} : memref<256x128xf32, #tpu.memory_space<vmem>>, vector<16xf32>,
      %add3A_3208 = arith.addf %add3A_3203, %get3A_3207 : vector<16xf32>
      %get3A_3209 = arith.constant 143 : i32
      %get3A_3210 = arith.index_cast %get3A_3209 : i32 to index
      %get3A_3211 = arith.constant 0 : index
      %get3A_3212 = tpu.vector_load %arg7[%get3A_3210, %get3A_3211] {strides = array<i32>} : memref<256x128xf32, #tpu.memory_space<vmem>>, vector<16xf32>,
      %add3A_3213 = arith.addf %add3A_3208, %get3A_3212 : vector<16xf32>
      %get3A_3214 = arith.constant 175 : i32
      %get3A_3215 = arith.index_cast %get3A_3214 : i32 to index
      %get3A_3216 = arith.constant 0 : index
      %get3A_3217 = tpu.vector_load %arg7[%get3A_3215, %get3A_3216] {strides = array<i32>} : memref<256x128xf32, #tpu.memory_space<vmem>>, vector<16xf32>,
      %add3A_3218 = arith.addf %add3A_3213, %get3A_3217 : vector<16xf32>
      %get3A_3219 = arith.constant 207 : i32
      %get3A_3220 = arith.index_cast %get3A_3219 : i32 to index
      %get3A_3221 = arith.constant 0 : index
      %get3A_3222 = tpu.vector_load %arg7[%get3A_3220, %get3A_3221] {strides = array<i32>} : memref<256x128xf32, #tpu.memory_space<vmem>>, vector<16xf32>,
      %add3A_3223 = arith.addf %add3A_3218, %get3A_3222 : vector<16xf32>
      %get3A_3224 = arith.constant 239 : i32
      %get3A_3225 = arith.index_cast %get3A_3224 : i32 to index
      %get3A_3226 = arith.constant 0 : index
      %get3A_3227 = tpu.vector_load %arg7[%get3A_3225, %get3A_3226] {strides = array<i32>} : memref<256x128xf32, #tpu.memory_space<vmem>>, vector<16xf32>,
      %add3A_3228 = arith.addf %add3A_3223, %get3A_3227 : vector<16xf32>
      %broadcast_in_dim3A_3229 = arith.constant true
      %broadcast_in_dim3A_3230 = vector.broadcast %broadcast_in_dim3A_3229 : i1 to vector<16xi1>
      %masked_cumsum3A_3231 = tpu.scan <sum>, %add3A_3228 masked %broadcast_in_dim3A_3230 : vector<16xf32>, vector<16xi1> -> vector<16xf32>
      %eq3A_3232 = arith.constant 15 : i32
      %eq3A_3233 = vector.broadcast %eq3A_3232 : i32 to vector<16xi32>
      %eq3A_3234 = arith.cmpi eq, %iota3A, %eq3A_3233 : vector<16xi32>
      %lt3A_3235 = arith.constant 0 : i32
      %lt3A_3236 = vector.broadcast %lt3A_3235 : i32 to vector<16xi32>
      %lt3A_3237 = arith.cmpi slt, %get3A_2333, %lt3A_3236 : vector<16xi32>
      %add3A_3238 = arith.constant 16 : i32
      %add3A_3239 = vector.broadcast %add3A_3238 : i32 to vector<16xi32>
      %add3A_3240 = arith.addi %get3A_2333, %add3A_3239 : vector<16xi32>
      %select_n3A_3241 = arith.select %lt3A_3237, %add3A_3240, %get3A_2333 : vector<16xi1>, vector<16xi32>
      %broadcast_in_dim3A_3242 = vector.shape_cast %select_n3A_3241 : vector<16xi32> to vector<16x1xi32>
      %gather3A_3243 = vector.shape_cast %broadcast_in_dim3A_3242 : vector<16x1xi32> to vector<16xi32>
      %gather3A_3244 = tpu.dynamic_gather %masked_cumsum3A_3231[%gather3A_3243] in [0] : vector<16xf32>, vector<16xi32> -> vector<16xf32>
      %select_n3A_3245 = arith.select %eq3A_3234, %gather3A_3244, %select_n3A_3189 : vector<16xi1>, vector<16xf32>
      %gt3A_3246 = arith.constant 0 : i32
      %gt3A_3247 = vector.broadcast %gt3A_3246 : i32 to vector<16xi32>
      %gt3A_3248 = arith.cmpi sgt, %get3A_2327, %gt3A_3247 : vector<16xi32>
      %sub3A_3249 = arith.constant 1.000000e+00 : f32
      %sub3A_3250 = vector.broadcast %sub3A_3249 : f32 to vector<16xf32>
      %sub3A_3251 = arith.subf %sub3A_3250, %select_n3A_3245 : vector<16xf32>
      %select_n3A_3252 = arith.select %gt3A_3248, %gather3A_2347, %sub3A_3251 : vector<16xi1>, vector<16xf32>
      %mul3A_3253 = arith.constant 32 : i32
      %mul3A_3254 = arith.muli %add3A_2321, %mul3A_3253 : i32
      %add3A_3255 = arith.constant 0 : i32
      %add3A_3256 = arith.addi %mul3A_3254, %add3A_3255 : i32
      %swap3A_3257 = arith.index_cast %add3A_3256 : i32 to index
      %swap3A_3258 = tpu.vector_load %arg10[%swap3A_3257] {strides = array<i32>} : memref<512xf32, #tpu.memory_space<vmem>>, vector<16xf32>,
      tpu.vector_store %arg10[%swap3A_3257], %select_n3A_3252 {strides = array<i32>} : memref<512xf32, #tpu.memory_space<vmem>>, vector<16xf32>,
      %mul3A_3259 = arith.constant 32 : i32
      %mul3A_3260 = arith.muli %add3A_2321, %mul3A_3259 : i32
      %add3A_3261 = arith.constant 16 : i32
      %add3A_3262 = arith.addi %mul3A_3260, %add3A_3261 : i32
      %get3A_3263 = arith.index_cast %add3A_3262 : i32 to index
      %get3A_3264 = tpu.vector_load %arg8[%get3A_3263] {strides = array<i32>} : memref<512xi32, #tpu.memory_space<vmem>>, vector<16xi32>,
      %mul3A_3265 = arith.constant 32 : i32
      %mul3A_3266 = arith.muli %add3A_2321, %mul3A_3265 : i32
      %add3A_3267 = arith.constant 16 : i32
      %add3A_3268 = arith.addi %mul3A_3266, %add3A_3267 : i32
      %get3A_3269 = arith.index_cast %add3A_3268 : i32 to index
      %get3A_3270 = tpu.vector_load %arg9[%get3A_3269] {strides = array<i32>} : memref<512xi32, #tpu.memory_space<vmem>>, vector<16xi32>,
      %sub3A_3271 = arith.constant 1 : i32
      %sub3A_3272 = vector.broadcast %sub3A_3271 : i32 to vector<16xi32>
      %sub3A_3273 = arith.subi %get3A_3264, %sub3A_3272 : vector<16xi32>
      %max3A_3274 = arith.constant 0 : i32
      %max3A_3275 = vector.broadcast %max3A_3274 : i32 to vector<16xi32>
      %max3A_3276 = arith.maxsi %sub3A_3273, %max3A_3275 : vector<16xi32>
      %mul3A_3277 = arith.constant 32 : i32
      %mul3A_3278 = vector.broadcast %mul3A_3277 : i32 to vector<16xi32>
      %mul3A_3279 = arith.muli %max3A_3276, %mul3A_3278 : vector<16xi32>
      %add3A_3280 = arith.constant 16 : i32
      %add3A_3281 = vector.broadcast %add3A_3280 : i32 to vector<16xi32>
      %add3A_3282 = arith.addi %mul3A_3279, %add3A_3281 : vector<16xi32>
      %add3A_3283 = arith.addi %add3A_3282, %iota3A : vector<16xi32>
      %gather3A_3284 = tpu.vector_load_idx %arg7[%add3A_3283, %get3A_3270] : memref<256x128xf32, #tpu.memory_space<vmem>>[vector<16xi32>, vector<16xi32>], vector<16xf32>,
      %broadcast_in_dim3A_3285 = arith.constant 0.000000e+00 : f32
      %broadcast_in_dim3A_3286 = vector.broadcast %broadcast_in_dim3A_3285 : f32 to vector<16xf32>
      %get3A_3287 = arith.constant 16 : i32
      %get3A_3288 = arith.index_cast %get3A_3287 : i32 to index
      %get3A_3289 = arith.constant 0 : index
      %get3A_3290 = tpu.vector_load %arg7[%get3A_3288, %get3A_3289] {strides = array<i32>} : memref<256x128xf32, #tpu.memory_space<vmem>>, vector<16xf32>,
      %get3A_3291 = arith.constant 48 : i32
      %get3A_3292 = arith.index_cast %get3A_3291 : i32 to index
      %get3A_3293 = arith.constant 0 : index
      %get3A_3294 = tpu.vector_load %arg7[%get3A_3292, %get3A_3293] {strides = array<i32>} : memref<256x128xf32, #tpu.memory_space<vmem>>, vector<16xf32>,
      %add3A_3295 = arith.addf %get3A_3290, %get3A_3294 : vector<16xf32>
      %get3A_3296 = arith.constant 80 : i32
      %get3A_3297 = arith.index_cast %get3A_3296 : i32 to index
      %get3A_3298 = arith.constant 0 : index
      %get3A_3299 = tpu.vector_load %arg7[%get3A_3297, %get3A_3298] {strides = array<i32>} : memref<256x128xf32, #tpu.memory_space<vmem>>, vector<16xf32>,
      %add3A_3300 = arith.addf %add3A_3295, %get3A_3299 : vector<16xf32>
      %get3A_3301 = arith.constant 112 : i32
      %get3A_3302 = arith.index_cast %get3A_3301 : i32 to index
      %get3A_3303 = arith.constant 0 : index
      %get3A_3304 = tpu.vector_load %arg7[%get3A_3302, %get3A_3303] {strides = array<i32>} : memref<256x128xf32, #tpu.memory_space<vmem>>, vector<16xf32>,
      %add3A_3305 = arith.addf %add3A_3300, %get3A_3304 : vector<16xf32>
      %get3A_3306 = arith.constant 144 : i32
      %get3A_3307 = arith.index_cast %get3A_3306 : i32 to index
      %get3A_3308 = arith.constant 0 : index
      %get3A_3309 = tpu.vector_load %arg7[%get3A_3307, %get3A_3308] {strides = array<i32>} : memref<256x128xf32, #tpu.memory_space<vmem>>, vector<16xf32>,
      %add3A_3310 = arith.addf %add3A_3305, %get3A_3309 : vector<16xf32>
      %get3A_3311 = arith.constant 176 : i32
      %get3A_3312 = arith.index_cast %get3A_3311 : i32 to index
      %get3A_3313 = arith.constant 0 : index
      %get3A_3314 = tpu.vector_load %arg7[%get3A_3312, %get3A_3313] {strides = array<i32>} : memref<256x128xf32, #tpu.memory_space<vmem>>, vector<16xf32>,
      %add3A_3315 = arith.addf %add3A_3310, %get3A_3314 : vector<16xf32>
      %get3A_3316 = arith.constant 208 : i32
      %get3A_3317 = arith.index_cast %get3A_3316 : i32 to index
      %get3A_3318 = arith.constant 0 : index
      %get3A_3319 = tpu.vector_load %arg7[%get3A_3317, %get3A_3318] {strides = array<i32>} : memref<256x128xf32, #tpu.memory_space<vmem>>, vector<16xf32>,
      %add3A_3320 = arith.addf %add3A_3315, %get3A_3319 : vector<16xf32>
      %get3A_3321 = arith.constant 240 : i32
      %get3A_3322 = arith.index_cast %get3A_3321 : i32 to index
      %get3A_3323 = arith.constant 0 : index
      %get3A_3324 = tpu.vector_load %arg7[%get3A_3322, %get3A_3323] {strides = array<i32>} : memref<256x128xf32, #tpu.memory_space<vmem>>, vector<16xf32>,
      %add3A_3325 = arith.addf %add3A_3320, %get3A_3324 : vector<16xf32>
      %broadcast_in_dim3A_3326 = arith.constant true
      %broadcast_in_dim3A_3327 = vector.broadcast %broadcast_in_dim3A_3326 : i1 to vector<16xi1>
      %masked_cumsum3A_3328 = tpu.scan <sum>, %add3A_3325 masked %broadcast_in_dim3A_3327 : vector<16xf32>, vector<16xi1> -> vector<16xf32>
      %eq3A_3329 = arith.constant 0 : i32
      %eq3A_3330 = vector.broadcast %eq3A_3329 : i32 to vector<16xi32>
      %eq3A_3331 = arith.cmpi eq, %iota3A, %eq3A_3330 : vector<16xi32>
      %lt3A_3332 = arith.constant 0 : i32
      %lt3A_3333 = vector.broadcast %lt3A_3332 : i32 to vector<16xi32>
      %lt3A_3334 = arith.cmpi slt, %get3A_3270, %lt3A_3333 : vector<16xi32>
      %add3A_3335 = arith.constant 16 : i32
      %add3A_3336 = vector.broadcast %add3A_3335 : i32 to vector<16xi32>
      %add3A_3337 = arith.addi %get3A_3270, %add3A_3336 : vector<16xi32>
      %select_n3A_3338 = arith.select %lt3A_3334, %add3A_3337, %get3A_3270 : vector<16xi1>, vector<16xi32>
      %broadcast_in_dim3A_3339 = vector.shape_cast %select_n3A_3338 : vector<16xi32> to vector<16x1xi32>
      %gather3A_3340 = vector.shape_cast %broadcast_in_dim3A_3339 : vector<16x1xi32> to vector<16xi32>
      %gather3A_3341 = tpu.dynamic_gather %masked_cumsum3A_3328[%gather3A_3340] in [0] : vector<16xf32>, vector<16xi32> -> vector<16xf32>
      %select_n3A_3342 = arith.select %eq3A_3331, %gather3A_3341, %broadcast_in_dim3A_3286 : vector<16xi1>, vector<16xf32>
      %get3A_3343 = arith.constant 17 : i32
      %get3A_3344 = arith.index_cast %get3A_3343 : i32 to index
      %get3A_3345 = arith.constant 0 : index
      %get3A_3346 = tpu.vector_load %arg7[%get3A_3344, %get3A_3345] {strides = array<i32>} : memref<256x128xf32, #tpu.memory_space<vmem>>, vector<16xf32>,
      %get3A_3347 = arith.constant 49 : i32
      %get3A_3348 = arith.index_cast %get3A_3347 : i32 to index
      %get3A_3349 = arith.constant 0 : index
      %get3A_3350 = tpu.vector_load %arg7[%get3A_3348, %get3A_3349] {strides = array<i32>} : memref<256x128xf32, #tpu.memory_space<vmem>>, vector<16xf32>,
      %add3A_3351 = arith.addf %get3A_3346, %get3A_3350 : vector<16xf32>
      %get3A_3352 = arith.constant 81 : i32
      %get3A_3353 = arith.index_cast %get3A_3352 : i32 to index
      %get3A_3354 = arith.constant 0 : index
      %get3A_3355 = tpu.vector_load %arg7[%get3A_3353, %get3A_3354] {strides = array<i32>} : memref<256x128xf32, #tpu.memory_space<vmem>>, vector<16xf32>,
      %add3A_3356 = arith.addf %add3A_3351, %get3A_3355 : vector<16xf32>
      %get3A_3357 = arith.constant 113 : i32
      %get3A_3358 = arith.index_cast %get3A_3357 : i32 to index
      %get3A_3359 = arith.constant 0 : index
      %get3A_3360 = tpu.vector_load %arg7[%get3A_3358, %get3A_3359] {strides = array<i32>} : memref<256x128xf32, #tpu.memory_space<vmem>>, vector<16xf32>,
      %add3A_3361 = arith.addf %add3A_3356, %get3A_3360 : vector<16xf32>
      %get3A_3362 = arith.constant 145 : i32
      %get3A_3363 = arith.index_cast %get3A_3362 : i32 to index
      %get3A_3364 = arith.constant 0 : index
      %get3A_3365 = tpu.vector_load %arg7[%get3A_3363, %get3A_3364] {strides = array<i32>} : memref<256x128xf32, #tpu.memory_space<vmem>>, vector<16xf32>,
      %add3A_3366 = arith.addf %add3A_3361, %get3A_3365 : vector<16xf32>
      %get3A_3367 = arith.constant 177 : i32
      %get3A_3368 = arith.index_cast %get3A_3367 : i32 to index
      %get3A_3369 = arith.constant 0 : index
      %get3A_3370 = tpu.vector_load %arg7[%get3A_3368, %get3A_3369] {strides = array<i32>} : memref<256x128xf32, #tpu.memory_space<vmem>>, vector<16xf32>,
      %add3A_3371 = arith.addf %add3A_3366, %get3A_3370 : vector<16xf32>
      %get3A_3372 = arith.constant 209 : i32
      %get3A_3373 = arith.index_cast %get3A_3372 : i32 to index
      %get3A_3374 = arith.constant 0 : index
      %get3A_3375 = tpu.vector_load %arg7[%get3A_3373, %get3A_3374] {strides = array<i32>} : memref<256x128xf32, #tpu.memory_space<vmem>>, vector<16xf32>,
      %add3A_3376 = arith.addf %add3A_3371, %get3A_3375 : vector<16xf32>
      %get3A_3377 = arith.constant 241 : i32
      %get3A_3378 = arith.index_cast %get3A_3377 : i32 to index
      %get3A_3379 = arith.constant 0 : index
      %get3A_3380 = tpu.vector_load %arg7[%get3A_3378, %get3A_3379] {strides = array<i32>} : memref<256x128xf32, #tpu.memory_space<vmem>>, vector<16xf32>,
      %add3A_3381 = arith.addf %add3A_3376, %get3A_3380 : vector<16xf32>
      %broadcast_in_dim3A_3382 = arith.constant true
      %broadcast_in_dim3A_3383 = vector.broadcast %broadcast_in_dim3A_3382 : i1 to vector<16xi1>
      %masked_cumsum3A_3384 = tpu.scan <sum>, %add3A_3381 masked %broadcast_in_dim3A_3383 : vector<16xf32>, vector<16xi1> -> vector<16xf32>
      %eq3A_3385 = arith.constant 1 : i32
      %eq3A_3386 = vector.broadcast %eq3A_3385 : i32 to vector<16xi32>
      %eq3A_3387 = arith.cmpi eq, %iota3A, %eq3A_3386 : vector<16xi32>
      %lt3A_3388 = arith.constant 0 : i32
      %lt3A_3389 = vector.broadcast %lt3A_3388 : i32 to vector<16xi32>
      %lt3A_3390 = arith.cmpi slt, %get3A_3270, %lt3A_3389 : vector<16xi32>
      %add3A_3391 = arith.constant 16 : i32
      %add3A_3392 = vector.broadcast %add3A_3391 : i32 to vector<16xi32>
      %add3A_3393 = arith.addi %get3A_3270, %add3A_3392 : vector<16xi32>
      %select_n3A_3394 = arith.select %lt3A_3390, %add3A_3393, %get3A_3270 : vector<16xi1>, vector<16xi32>
      %broadcast_in_dim3A_3395 = vector.shape_cast %select_n3A_3394 : vector<16xi32> to vector<16x1xi32>
      %gather3A_3396 = vector.shape_cast %broadcast_in_dim3A_3395 : vector<16x1xi32> to vector<16xi32>
      %gather3A_3397 = tpu.dynamic_gather %masked_cumsum3A_3384[%gather3A_3396] in [0] : vector<16xf32>, vector<16xi32> -> vector<16xf32>
      %select_n3A_3398 = arith.select %eq3A_3387, %gather3A_3397, %select_n3A_3342 : vector<16xi1>, vector<16xf32>
      %get3A_3399 = arith.constant 18 : i32
      %get3A_3400 = arith.index_cast %get3A_3399 : i32 to index
      %get3A_3401 = arith.constant 0 : index
      %get3A_3402 = tpu.vector_load %arg7[%get3A_3400, %get3A_3401] {strides = array<i32>} : memref<256x128xf32, #tpu.memory_space<vmem>>, vector<16xf32>,
      %get3A_3403 = arith.constant 50 : i32
      %get3A_3404 = arith.index_cast %get3A_3403 : i32 to index
      %get3A_3405 = arith.constant 0 : index
      %get3A_3406 = tpu.vector_load %arg7[%get3A_3404, %get3A_3405] {strides = array<i32>} : memref<256x128xf32, #tpu.memory_space<vmem>>, vector<16xf32>,
      %add3A_3407 = arith.addf %get3A_3402, %get3A_3406 : vector<16xf32>
      %get3A_3408 = arith.constant 82 : i32
      %get3A_3409 = arith.index_cast %get3A_3408 : i32 to index
      %get3A_3410 = arith.constant 0 : index
      %get3A_3411 = tpu.vector_load %arg7[%get3A_3409, %get3A_3410] {strides = array<i32>} : memref<256x128xf32, #tpu.memory_space<vmem>>, vector<16xf32>,
      %add3A_3412 = arith.addf %add3A_3407, %get3A_3411 : vector<16xf32>
      %get3A_3413 = arith.constant 114 : i32
      %get3A_3414 = arith.index_cast %get3A_3413 : i32 to index
      %get3A_3415 = arith.constant 0 : index
      %get3A_3416 = tpu.vector_load %arg7[%get3A_3414, %get3A_3415] {strides = array<i32>} : memref<256x128xf32, #tpu.memory_space<vmem>>, vector<16xf32>,
      %add3A_3417 = arith.addf %add3A_3412, %get3A_3416 : vector<16xf32>
      %get3A_3418 = arith.constant 146 : i32
      %get3A_3419 = arith.index_cast %get3A_3418 : i32 to index
      %get3A_3420 = arith.constant 0 : index
      %get3A_3421 = tpu.vector_load %arg7[%get3A_3419, %get3A_3420] {strides = array<i32>} : memref<256x128xf32, #tpu.memory_space<vmem>>, vector<16xf32>,
      %add3A_3422 = arith.addf %add3A_3417, %get3A_3421 : vector<16xf32>
      %get3A_3423 = arith.constant 178 : i32
      %get3A_3424 = arith.index_cast %get3A_3423 : i32 to index
      %get3A_3425 = arith.constant 0 : index
      %get3A_3426 = tpu.vector_load %arg7[%get3A_3424, %get3A_3425] {strides = array<i32>} : memref<256x128xf32, #tpu.memory_space<vmem>>, vector<16xf32>,
      %add3A_3427 = arith.addf %add3A_3422, %get3A_3426 : vector<16xf32>
      %get3A_3428 = arith.constant 210 : i32
      %get3A_3429 = arith.index_cast %get3A_3428 : i32 to index
      %get3A_3430 = arith.constant 0 : index
      %get3A_3431 = tpu.vector_load %arg7[%get3A_3429, %get3A_3430] {strides = array<i32>} : memref<256x128xf32, #tpu.memory_space<vmem>>, vector<16xf32>,
      %add3A_3432 = arith.addf %add3A_3427, %get3A_3431 : vector<16xf32>
      %get3A_3433 = arith.constant 242 : i32
      %get3A_3434 = arith.index_cast %get3A_3433 : i32 to index
      %get3A_3435 = arith.constant 0 : index
      %get3A_3436 = tpu.vector_load %arg7[%get3A_3434, %get3A_3435] {strides = array<i32>} : memref<256x128xf32, #tpu.memory_space<vmem>>, vector<16xf32>,
      %add3A_3437 = arith.addf %add3A_3432, %get3A_3436 : vector<16xf32>
      %broadcast_in_dim3A_3438 = arith.constant true
      %broadcast_in_dim3A_3439 = vector.broadcast %broadcast_in_dim3A_3438 : i1 to vector<16xi1>
      %masked_cumsum3A_3440 = tpu.scan <sum>, %add3A_3437 masked %broadcast_in_dim3A_3439 : vector<16xf32>, vector<16xi1> -> vector<16xf32>
      %eq3A_3441 = arith.constant 2 : i32
      %eq3A_3442 = vector.broadcast %eq3A_3441 : i32 to vector<16xi32>
      %eq3A_3443 = arith.cmpi eq, %iota3A, %eq3A_3442 : vector<16xi32>
      %lt3A_3444 = arith.constant 0 : i32
      %lt3A_3445 = vector.broadcast %lt3A_3444 : i32 to vector<16xi32>
      %lt3A_3446 = arith.cmpi slt, %get3A_3270, %lt3A_3445 : vector<16xi32>
      %add3A_3447 = arith.constant 16 : i32
      %add3A_3448 = vector.broadcast %add3A_3447 : i32 to vector<16xi32>
      %add3A_3449 = arith.addi %get3A_3270, %add3A_3448 : vector<16xi32>
      %select_n3A_3450 = arith.select %lt3A_3446, %add3A_3449, %get3A_3270 : vector<16xi1>, vector<16xi32>
      %broadcast_in_dim3A_3451 = vector.shape_cast %select_n3A_3450 : vector<16xi32> to vector<16x1xi32>
      %gather3A_3452 = vector.shape_cast %broadcast_in_dim3A_3451 : vector<16x1xi32> to vector<16xi32>
      %gather3A_3453 = tpu.dynamic_gather %masked_cumsum3A_3440[%gather3A_3452] in [0] : vector<16xf32>, vector<16xi32> -> vector<16xf32>
      %select_n3A_3454 = arith.select %eq3A_3443, %gather3A_3453, %select_n3A_3398 : vector<16xi1>, vector<16xf32>
      %get3A_3455 = arith.constant 19 : i32
      %get3A_3456 = arith.index_cast %get3A_3455 : i32 to index
      %get3A_3457 = arith.constant 0 : index
      %get3A_3458 = tpu.vector_load %arg7[%get3A_3456, %get3A_3457] {strides = array<i32>} : memref<256x128xf32, #tpu.memory_space<vmem>>, vector<16xf32>,
      %get3A_3459 = arith.constant 51 : i32
      %get3A_3460 = arith.index_cast %get3A_3459 : i32 to index
      %get3A_3461 = arith.constant 0 : index
      %get3A_3462 = tpu.vector_load %arg7[%get3A_3460, %get3A_3461] {strides = array<i32>} : memref<256x128xf32, #tpu.memory_space<vmem>>, vector<16xf32>,
      %add3A_3463 = arith.addf %get3A_3458, %get3A_3462 : vector<16xf32>
      %get3A_3464 = arith.constant 83 : i32
      %get3A_3465 = arith.index_cast %get3A_3464 : i32 to index
      %get3A_3466 = arith.constant 0 : index
      %get3A_3467 = tpu.vector_load %arg7[%get3A_3465, %get3A_3466] {strides = array<i32>} : memref<256x128xf32, #tpu.memory_space<vmem>>, vector<16xf32>,
      %add3A_3468 = arith.addf %add3A_3463, %get3A_3467 : vector<16xf32>
      %get3A_3469 = arith.constant 115 : i32
      %get3A_3470 = arith.index_cast %get3A_3469 : i32 to index
      %get3A_3471 = arith.constant 0 : index
      %get3A_3472 = tpu.vector_load %arg7[%get3A_3470, %get3A_3471] {strides = array<i32>} : memref<256x128xf32, #tpu.memory_space<vmem>>, vector<16xf32>,
      %add3A_3473 = arith.addf %add3A_3468, %get3A_3472 : vector<16xf32>
      %get3A_3474 = arith.constant 147 : i32
      %get3A_3475 = arith.index_cast %get3A_3474 : i32 to index
      %get3A_3476 = arith.constant 0 : index
      %get3A_3477 = tpu.vector_load %arg7[%get3A_3475, %get3A_3476] {strides = array<i32>} : memref<256x128xf32, #tpu.memory_space<vmem>>, vector<16xf32>,
      %add3A_3478 = arith.addf %add3A_3473, %get3A_3477 : vector<16xf32>
      %get3A_3479 = arith.constant 179 : i32
      %get3A_3480 = arith.index_cast %get3A_3479 : i32 to index
      %get3A_3481 = arith.constant 0 : index
      %get3A_3482 = tpu.vector_load %arg7[%get3A_3480, %get3A_3481] {strides = array<i32>} : memref<256x128xf32, #tpu.memory_space<vmem>>, vector<16xf32>,
      %add3A_3483 = arith.addf %add3A_3478, %get3A_3482 : vector<16xf32>
      %get3A_3484 = arith.constant 211 : i32
      %get3A_3485 = arith.index_cast %get3A_3484 : i32 to index
      %get3A_3486 = arith.constant 0 : index
      %get3A_3487 = tpu.vector_load %arg7[%get3A_3485, %get3A_3486] {strides = array<i32>} : memref<256x128xf32, #tpu.memory_space<vmem>>, vector<16xf32>,
      %add3A_3488 = arith.addf %add3A_3483, %get3A_3487 : vector<16xf32>
      %get3A_3489 = arith.constant 243 : i32
      %get3A_3490 = arith.index_cast %get3A_3489 : i32 to index
      %get3A_3491 = arith.constant 0 : index
      %get3A_3492 = tpu.vector_load %arg7[%get3A_3490, %get3A_3491] {strides = array<i32>} : memref<256x128xf32, #tpu.memory_space<vmem>>, vector<16xf32>,
      %add3A_3493 = arith.addf %add3A_3488, %get3A_3492 : vector<16xf32>
      %broadcast_in_dim3A_3494 = arith.constant true
      %broadcast_in_dim3A_3495 = vector.broadcast %broadcast_in_dim3A_3494 : i1 to vector<16xi1>
      %masked_cumsum3A_3496 = tpu.scan <sum>, %add3A_3493 masked %broadcast_in_dim3A_3495 : vector<16xf32>, vector<16xi1> -> vector<16xf32>
      %eq3A_3497 = arith.constant 3 : i32
      %eq3A_3498 = vector.broadcast %eq3A_3497 : i32 to vector<16xi32>
      %eq3A_3499 = arith.cmpi eq, %iota3A, %eq3A_3498 : vector<16xi32>
      %lt3A_3500 = arith.constant 0 : i32
      %lt3A_3501 = vector.broadcast %lt3A_3500 : i32 to vector<16xi32>
      %lt3A_3502 = arith.cmpi slt, %get3A_3270, %lt3A_3501 : vector<16xi32>
      %add3A_3503 = arith.constant 16 : i32
      %add3A_3504 = vector.broadcast %add3A_3503 : i32 to vector<16xi32>
      %add3A_3505 = arith.addi %get3A_3270, %add3A_3504 : vector<16xi32>
      %select_n3A_3506 = arith.select %lt3A_3502, %add3A_3505, %get3A_3270 : vector<16xi1>, vector<16xi32>
      %broadcast_in_dim3A_3507 = vector.shape_cast %select_n3A_3506 : vector<16xi32> to vector<16x1xi32>
      %gather3A_3508 = vector.shape_cast %broadcast_in_dim3A_3507 : vector<16x1xi32> to vector<16xi32>
      %gather3A_3509 = tpu.dynamic_gather %masked_cumsum3A_3496[%gather3A_3508] in [0] : vector<16xf32>, vector<16xi32> -> vector<16xf32>
      %select_n3A_3510 = arith.select %eq3A_3499, %gather3A_3509, %select_n3A_3454 : vector<16xi1>, vector<16xf32>
      %get3A_3511 = arith.constant 20 : i32
      %get3A_3512 = arith.index_cast %get3A_3511 : i32 to index
      %get3A_3513 = arith.constant 0 : index
      %get3A_3514 = tpu.vector_load %arg7[%get3A_3512, %get3A_3513] {strides = array<i32>} : memref<256x128xf32, #tpu.memory_space<vmem>>, vector<16xf32>,
      %get3A_3515 = arith.constant 52 : i32
      %get3A_3516 = arith.index_cast %get3A_3515 : i32 to index
      %get3A_3517 = arith.constant 0 : index
      %get3A_3518 = tpu.vector_load %arg7[%get3A_3516, %get3A_3517] {strides = array<i32>} : memref<256x128xf32, #tpu.memory_space<vmem>>, vector<16xf32>,
      %add3A_3519 = arith.addf %get3A_3514, %get3A_3518 : vector<16xf32>
      %get3A_3520 = arith.constant 84 : i32
      %get3A_3521 = arith.index_cast %get3A_3520 : i32 to index
      %get3A_3522 = arith.constant 0 : index
      %get3A_3523 = tpu.vector_load %arg7[%get3A_3521, %get3A_3522] {strides = array<i32>} : memref<256x128xf32, #tpu.memory_space<vmem>>, vector<16xf32>,
      %add3A_3524 = arith.addf %add3A_3519, %get3A_3523 : vector<16xf32>
      %get3A_3525 = arith.constant 116 : i32
      %get3A_3526 = arith.index_cast %get3A_3525 : i32 to index
      %get3A_3527 = arith.constant 0 : index
      %get3A_3528 = tpu.vector_load %arg7[%get3A_3526, %get3A_3527] {strides = array<i32>} : memref<256x128xf32, #tpu.memory_space<vmem>>, vector<16xf32>,
      %add3A_3529 = arith.addf %add3A_3524, %get3A_3528 : vector<16xf32>
      %get3A_3530 = arith.constant 148 : i32
      %get3A_3531 = arith.index_cast %get3A_3530 : i32 to index
      %get3A_3532 = arith.constant 0 : index
      %get3A_3533 = tpu.vector_load %arg7[%get3A_3531, %get3A_3532] {strides = array<i32>} : memref<256x128xf32, #tpu.memory_space<vmem>>, vector<16xf32>,
      %add3A_3534 = arith.addf %add3A_3529, %get3A_3533 : vector<16xf32>
      %get3A_3535 = arith.constant 180 : i32
      %get3A_3536 = arith.index_cast %get3A_3535 : i32 to index
      %get3A_3537 = arith.constant 0 : index
      %get3A_3538 = tpu.vector_load %arg7[%get3A_3536, %get3A_3537] {strides = array<i32>} : memref<256x128xf32, #tpu.memory_space<vmem>>, vector<16xf32>,
      %add3A_3539 = arith.addf %add3A_3534, %get3A_3538 : vector<16xf32>
      %get3A_3540 = arith.constant 212 : i32
      %get3A_3541 = arith.index_cast %get3A_3540 : i32 to index
      %get3A_3542 = arith.constant 0 : index
      %get3A_3543 = tpu.vector_load %arg7[%get3A_3541, %get3A_3542] {strides = array<i32>} : memref<256x128xf32, #tpu.memory_space<vmem>>, vector<16xf32>,
      %add3A_3544 = arith.addf %add3A_3539, %get3A_3543 : vector<16xf32>
      %get3A_3545 = arith.constant 244 : i32
      %get3A_3546 = arith.index_cast %get3A_3545 : i32 to index
      %get3A_3547 = arith.constant 0 : index
      %get3A_3548 = tpu.vector_load %arg7[%get3A_3546, %get3A_3547] {strides = array<i32>} : memref<256x128xf32, #tpu.memory_space<vmem>>, vector<16xf32>,
      %add3A_3549 = arith.addf %add3A_3544, %get3A_3548 : vector<16xf32>
      %broadcast_in_dim3A_3550 = arith.constant true
      %broadcast_in_dim3A_3551 = vector.broadcast %broadcast_in_dim3A_3550 : i1 to vector<16xi1>
      %masked_cumsum3A_3552 = tpu.scan <sum>, %add3A_3549 masked %broadcast_in_dim3A_3551 : vector<16xf32>, vector<16xi1> -> vector<16xf32>
      %eq3A_3553 = arith.constant 4 : i32
      %eq3A_3554 = vector.broadcast %eq3A_3553 : i32 to vector<16xi32>
      %eq3A_3555 = arith.cmpi eq, %iota3A, %eq3A_3554 : vector<16xi32>
      %lt3A_3556 = arith.constant 0 : i32
      %lt3A_3557 = vector.broadcast %lt3A_3556 : i32 to vector<16xi32>
      %lt3A_3558 = arith.cmpi slt, %get3A_3270, %lt3A_3557 : vector<16xi32>
      %add3A_3559 = arith.constant 16 : i32
      %add3A_3560 = vector.broadcast %add3A_3559 : i32 to vector<16xi32>
      %add3A_3561 = arith.addi %get3A_3270, %add3A_3560 : vector<16xi32>
      %select_n3A_3562 = arith.select %lt3A_3558, %add3A_3561, %get3A_3270 : vector<16xi1>, vector<16xi32>
      %broadcast_in_dim3A_3563 = vector.shape_cast %select_n3A_3562 : vector<16xi32> to vector<16x1xi32>
      %gather3A_3564 = vector.shape_cast %broadcast_in_dim3A_3563 : vector<16x1xi32> to vector<16xi32>
      %gather3A_3565 = tpu.dynamic_gather %masked_cumsum3A_3552[%gather3A_3564] in [0] : vector<16xf32>, vector<16xi32> -> vector<16xf32>
      %select_n3A_3566 = arith.select %eq3A_3555, %gather3A_3565, %select_n3A_3510 : vector<16xi1>, vector<16xf32>
      %get3A_3567 = arith.constant 21 : i32
      %get3A_3568 = arith.index_cast %get3A_3567 : i32 to index
      %get3A_3569 = arith.constant 0 : index
      %get3A_3570 = tpu.vector_load %arg7[%get3A_3568, %get3A_3569] {strides = array<i32>} : memref<256x128xf32, #tpu.memory_space<vmem>>, vector<16xf32>,
      %get3A_3571 = arith.constant 53 : i32
      %get3A_3572 = arith.index_cast %get3A_3571 : i32 to index
      %get3A_3573 = arith.constant 0 : index
      %get3A_3574 = tpu.vector_load %arg7[%get3A_3572, %get3A_3573] {strides = array<i32>} : memref<256x128xf32, #tpu.memory_space<vmem>>, vector<16xf32>,
      %add3A_3575 = arith.addf %get3A_3570, %get3A_3574 : vector<16xf32>
      %get3A_3576 = arith.constant 85 : i32
      %get3A_3577 = arith.index_cast %get3A_3576 : i32 to index
      %get3A_3578 = arith.constant 0 : index
      %get3A_3579 = tpu.vector_load %arg7[%get3A_3577, %get3A_3578] {strides = array<i32>} : memref<256x128xf32, #tpu.memory_space<vmem>>, vector<16xf32>,
      %add3A_3580 = arith.addf %add3A_3575, %get3A_3579 : vector<16xf32>
      %get3A_3581 = arith.constant 117 : i32
      %get3A_3582 = arith.index_cast %get3A_3581 : i32 to index
      %get3A_3583 = arith.constant 0 : index
      %get3A_3584 = tpu.vector_load %arg7[%get3A_3582, %get3A_3583] {strides = array<i32>} : memref<256x128xf32, #tpu.memory_space<vmem>>, vector<16xf32>,
      %add3A_3585 = arith.addf %add3A_3580, %get3A_3584 : vector<16xf32>
      %get3A_3586 = arith.constant 149 : i32
      %get3A_3587 = arith.index_cast %get3A_3586 : i32 to index
      %get3A_3588 = arith.constant 0 : index
      %get3A_3589 = tpu.vector_load %arg7[%get3A_3587, %get3A_3588] {strides = array<i32>} : memref<256x128xf32, #tpu.memory_space<vmem>>, vector<16xf32>,
      %add3A_3590 = arith.addf %add3A_3585, %get3A_3589 : vector<16xf32>
      %get3A_3591 = arith.constant 181 : i32
      %get3A_3592 = arith.index_cast %get3A_3591 : i32 to index
      %get3A_3593 = arith.constant 0 : index
      %get3A_3594 = tpu.vector_load %arg7[%get3A_3592, %get3A_3593] {strides = array<i32>} : memref<256x128xf32, #tpu.memory_space<vmem>>, vector<16xf32>,
      %add3A_3595 = arith.addf %add3A_3590, %get3A_3594 : vector<16xf32>
      %get3A_3596 = arith.constant 213 : i32
      %get3A_3597 = arith.index_cast %get3A_3596 : i32 to index
      %get3A_3598 = arith.constant 0 : index
      %get3A_3599 = tpu.vector_load %arg7[%get3A_3597, %get3A_3598] {strides = array<i32>} : memref<256x128xf32, #tpu.memory_space<vmem>>, vector<16xf32>,
      %add3A_3600 = arith.addf %add3A_3595, %get3A_3599 : vector<16xf32>
      %get3A_3601 = arith.constant 245 : i32
      %get3A_3602 = arith.index_cast %get3A_3601 : i32 to index
      %get3A_3603 = arith.constant 0 : index
      %get3A_3604 = tpu.vector_load %arg7[%get3A_3602, %get3A_3603] {strides = array<i32>} : memref<256x128xf32, #tpu.memory_space<vmem>>, vector<16xf32>,
      %add3A_3605 = arith.addf %add3A_3600, %get3A_3604 : vector<16xf32>
      %broadcast_in_dim3A_3606 = arith.constant true
      %broadcast_in_dim3A_3607 = vector.broadcast %broadcast_in_dim3A_3606 : i1 to vector<16xi1>
      %masked_cumsum3A_3608 = tpu.scan <sum>, %add3A_3605 masked %broadcast_in_dim3A_3607 : vector<16xf32>, vector<16xi1> -> vector<16xf32>
      %eq3A_3609 = arith.constant 5 : i32
      %eq3A_3610 = vector.broadcast %eq3A_3609 : i32 to vector<16xi32>
      %eq3A_3611 = arith.cmpi eq, %iota3A, %eq3A_3610 : vector<16xi32>
      %lt3A_3612 = arith.constant 0 : i32
      %lt3A_3613 = vector.broadcast %lt3A_3612 : i32 to vector<16xi32>
      %lt3A_3614 = arith.cmpi slt, %get3A_3270, %lt3A_3613 : vector<16xi32>
      %add3A_3615 = arith.constant 16 : i32
      %add3A_3616 = vector.broadcast %add3A_3615 : i32 to vector<16xi32>
      %add3A_3617 = arith.addi %get3A_3270, %add3A_3616 : vector<16xi32>
      %select_n3A_3618 = arith.select %lt3A_3614, %add3A_3617, %get3A_3270 : vector<16xi1>, vector<16xi32>
      %broadcast_in_dim3A_3619 = vector.shape_cast %select_n3A_3618 : vector<16xi32> to vector<16x1xi32>
      %gather3A_3620 = vector.shape_cast %broadcast_in_dim3A_3619 : vector<16x1xi32> to vector<16xi32>
      %gather3A_3621 = tpu.dynamic_gather %masked_cumsum3A_3608[%gather3A_3620] in [0] : vector<16xf32>, vector<16xi32> -> vector<16xf32>
      %select_n3A_3622 = arith.select %eq3A_3611, %gather3A_3621, %select_n3A_3566 : vector<16xi1>, vector<16xf32>
      %get3A_3623 = arith.constant 22 : i32
      %get3A_3624 = arith.index_cast %get3A_3623 : i32 to index
      %get3A_3625 = arith.constant 0 : index
      %get3A_3626 = tpu.vector_load %arg7[%get3A_3624, %get3A_3625] {strides = array<i32>} : memref<256x128xf32, #tpu.memory_space<vmem>>, vector<16xf32>,
      %get3A_3627 = arith.constant 54 : i32
      %get3A_3628 = arith.index_cast %get3A_3627 : i32 to index
      %get3A_3629 = arith.constant 0 : index
      %get3A_3630 = tpu.vector_load %arg7[%get3A_3628, %get3A_3629] {strides = array<i32>} : memref<256x128xf32, #tpu.memory_space<vmem>>, vector<16xf32>,
      %add3A_3631 = arith.addf %get3A_3626, %get3A_3630 : vector<16xf32>
      %get3A_3632 = arith.constant 86 : i32
      %get3A_3633 = arith.index_cast %get3A_3632 : i32 to index
      %get3A_3634 = arith.constant 0 : index
      %get3A_3635 = tpu.vector_load %arg7[%get3A_3633, %get3A_3634] {strides = array<i32>} : memref<256x128xf32, #tpu.memory_space<vmem>>, vector<16xf32>,
      %add3A_3636 = arith.addf %add3A_3631, %get3A_3635 : vector<16xf32>
      %get3A_3637 = arith.constant 118 : i32
      %get3A_3638 = arith.index_cast %get3A_3637 : i32 to index
      %get3A_3639 = arith.constant 0 : index
      %get3A_3640 = tpu.vector_load %arg7[%get3A_3638, %get3A_3639] {strides = array<i32>} : memref<256x128xf32, #tpu.memory_space<vmem>>, vector<16xf32>,
      %add3A_3641 = arith.addf %add3A_3636, %get3A_3640 : vector<16xf32>
      %get3A_3642 = arith.constant 150 : i32
      %get3A_3643 = arith.index_cast %get3A_3642 : i32 to index
      %get3A_3644 = arith.constant 0 : index
      %get3A_3645 = tpu.vector_load %arg7[%get3A_3643, %get3A_3644] {strides = array<i32>} : memref<256x128xf32, #tpu.memory_space<vmem>>, vector<16xf32>,
      %add3A_3646 = arith.addf %add3A_3641, %get3A_3645 : vector<16xf32>
      %get3A_3647 = arith.constant 182 : i32
      %get3A_3648 = arith.index_cast %get3A_3647 : i32 to index
      %get3A_3649 = arith.constant 0 : index
      %get3A_3650 = tpu.vector_load %arg7[%get3A_3648, %get3A_3649] {strides = array<i32>} : memref<256x128xf32, #tpu.memory_space<vmem>>, vector<16xf32>,
      %add3A_3651 = arith.addf %add3A_3646, %get3A_3650 : vector<16xf32>
      %get3A_3652 = arith.constant 214 : i32
      %get3A_3653 = arith.index_cast %get3A_3652 : i32 to index
      %get3A_3654 = arith.constant 0 : index
      %get3A_3655 = tpu.vector_load %arg7[%get3A_3653, %get3A_3654] {strides = array<i32>} : memref<256x128xf32, #tpu.memory_space<vmem>>, vector<16xf32>,
      %add3A_3656 = arith.addf %add3A_3651, %get3A_3655 : vector<16xf32>
      %get3A_3657 = arith.constant 246 : i32
      %get3A_3658 = arith.index_cast %get3A_3657 : i32 to index
      %get3A_3659 = arith.constant 0 : index
      %get3A_3660 = tpu.vector_load %arg7[%get3A_3658, %get3A_3659] {strides = array<i32>} : memref<256x128xf32, #tpu.memory_space<vmem>>, vector<16xf32>,
      %add3A_3661 = arith.addf %add3A_3656, %get3A_3660 : vector<16xf32>
      %broadcast_in_dim3A_3662 = arith.constant true
      %broadcast_in_dim3A_3663 = vector.broadcast %broadcast_in_dim3A_3662 : i1 to vector<16xi1>
      %masked_cumsum3A_3664 = tpu.scan <sum>, %add3A_3661 masked %broadcast_in_dim3A_3663 : vector<16xf32>, vector<16xi1> -> vector<16xf32>
      %eq3A_3665 = arith.constant 6 : i32
      %eq3A_3666 = vector.broadcast %eq3A_3665 : i32 to vector<16xi32>
      %eq3A_3667 = arith.cmpi eq, %iota3A, %eq3A_3666 : vector<16xi32>
      %lt3A_3668 = arith.constant 0 : i32
      %lt3A_3669 = vector.broadcast %lt3A_3668 : i32 to vector<16xi32>
      %lt3A_3670 = arith.cmpi slt, %get3A_3270, %lt3A_3669 : vector<16xi32>
      %add3A_3671 = arith.constant 16 : i32
      %add3A_3672 = vector.broadcast %add3A_3671 : i32 to vector<16xi32>
      %add3A_3673 = arith.addi %get3A_3270, %add3A_3672 : vector<16xi32>
      %select_n3A_3674 = arith.select %lt3A_3670, %add3A_3673, %get3A_3270 : vector<16xi1>, vector<16xi32>
      %broadcast_in_dim3A_3675 = vector.shape_cast %select_n3A_3674 : vector<16xi32> to vector<16x1xi32>
      %gather3A_3676 = vector.shape_cast %broadcast_in_dim3A_3675 : vector<16x1xi32> to vector<16xi32>
      %gather3A_3677 = tpu.dynamic_gather %masked_cumsum3A_3664[%gather3A_3676] in [0] : vector<16xf32>, vector<16xi32> -> vector<16xf32>
      %select_n3A_3678 = arith.select %eq3A_3667, %gather3A_3677, %select_n3A_3622 : vector<16xi1>, vector<16xf32>
      %get3A_3679 = arith.constant 23 : i32
      %get3A_3680 = arith.index_cast %get3A_3679 : i32 to index
      %get3A_3681 = arith.constant 0 : index
      %get3A_3682 = tpu.vector_load %arg7[%get3A_3680, %get3A_3681] {strides = array<i32>} : memref<256x128xf32, #tpu.memory_space<vmem>>, vector<16xf32>,
      %get3A_3683 = arith.constant 55 : i32
      %get3A_3684 = arith.index_cast %get3A_3683 : i32 to index
      %get3A_3685 = arith.constant 0 : index
      %get3A_3686 = tpu.vector_load %arg7[%get3A_3684, %get3A_3685] {strides = array<i32>} : memref<256x128xf32, #tpu.memory_space<vmem>>, vector<16xf32>,
      %add3A_3687 = arith.addf %get3A_3682, %get3A_3686 : vector<16xf32>
      %get3A_3688 = arith.constant 87 : i32
      %get3A_3689 = arith.index_cast %get3A_3688 : i32 to index
      %get3A_3690 = arith.constant 0 : index
      %get3A_3691 = tpu.vector_load %arg7[%get3A_3689, %get3A_3690] {strides = array<i32>} : memref<256x128xf32, #tpu.memory_space<vmem>>, vector<16xf32>,
      %add3A_3692 = arith.addf %add3A_3687, %get3A_3691 : vector<16xf32>
      %get3A_3693 = arith.constant 119 : i32
      %get3A_3694 = arith.index_cast %get3A_3693 : i32 to index
      %get3A_3695 = arith.constant 0 : index
      %get3A_3696 = tpu.vector_load %arg7[%get3A_3694, %get3A_3695] {strides = array<i32>} : memref<256x128xf32, #tpu.memory_space<vmem>>, vector<16xf32>,
      %add3A_3697 = arith.addf %add3A_3692, %get3A_3696 : vector<16xf32>
      %get3A_3698 = arith.constant 151 : i32
      %get3A_3699 = arith.index_cast %get3A_3698 : i32 to index
      %get3A_3700 = arith.constant 0 : index
      %get3A_3701 = tpu.vector_load %arg7[%get3A_3699, %get3A_3700] {strides = array<i32>} : memref<256x128xf32, #tpu.memory_space<vmem>>, vector<16xf32>,
      %add3A_3702 = arith.addf %add3A_3697, %get3A_3701 : vector<16xf32>
      %get3A_3703 = arith.constant 183 : i32
      %get3A_3704 = arith.index_cast %get3A_3703 : i32 to index
      %get3A_3705 = arith.constant 0 : index
      %get3A_3706 = tpu.vector_load %arg7[%get3A_3704, %get3A_3705] {strides = array<i32>} : memref<256x128xf32, #tpu.memory_space<vmem>>, vector<16xf32>,
      %add3A_3707 = arith.addf %add3A_3702, %get3A_3706 : vector<16xf32>
      %get3A_3708 = arith.constant 215 : i32
      %get3A_3709 = arith.index_cast %get3A_3708 : i32 to index
      %get3A_3710 = arith.constant 0 : index
      %get3A_3711 = tpu.vector_load %arg7[%get3A_3709, %get3A_3710] {strides = array<i32>} : memref<256x128xf32, #tpu.memory_space<vmem>>, vector<16xf32>,
      %add3A_3712 = arith.addf %add3A_3707, %get3A_3711 : vector<16xf32>
      %get3A_3713 = arith.constant 247 : i32
      %get3A_3714 = arith.index_cast %get3A_3713 : i32 to index
      %get3A_3715 = arith.constant 0 : index
      %get3A_3716 = tpu.vector_load %arg7[%get3A_3714, %get3A_3715] {strides = array<i32>} : memref<256x128xf32, #tpu.memory_space<vmem>>, vector<16xf32>,
      %add3A_3717 = arith.addf %add3A_3712, %get3A_3716 : vector<16xf32>
      %broadcast_in_dim3A_3718 = arith.constant true
      %broadcast_in_dim3A_3719 = vector.broadcast %broadcast_in_dim3A_3718 : i1 to vector<16xi1>
      %masked_cumsum3A_3720 = tpu.scan <sum>, %add3A_3717 masked %broadcast_in_dim3A_3719 : vector<16xf32>, vector<16xi1> -> vector<16xf32>
      %eq3A_3721 = arith.constant 7 : i32
      %eq3A_3722 = vector.broadcast %eq3A_3721 : i32 to vector<16xi32>
      %eq3A_3723 = arith.cmpi eq, %iota3A, %eq3A_3722 : vector<16xi32>
      %lt3A_3724 = arith.constant 0 : i32
      %lt3A_3725 = vector.broadcast %lt3A_3724 : i32 to vector<16xi32>
      %lt3A_3726 = arith.cmpi slt, %get3A_3270, %lt3A_3725 : vector<16xi32>
      %add3A_3727 = arith.constant 16 : i32
      %add3A_3728 = vector.broadcast %add3A_3727 : i32 to vector<16xi32>
      %add3A_3729 = arith.addi %get3A_3270, %add3A_3728 : vector<16xi32>
      %select_n3A_3730 = arith.select %lt3A_3726, %add3A_3729, %get3A_3270 : vector<16xi1>, vector<16xi32>
      %broadcast_in_dim3A_3731 = vector.shape_cast %select_n3A_3730 : vector<16xi32> to vector<16x1xi32>
      %gather3A_3732 = vector.shape_cast %broadcast_in_dim3A_3731 : vector<16x1xi32> to vector<16xi32>
      %gather3A_3733 = tpu.dynamic_gather %masked_cumsum3A_3720[%gather3A_3732] in [0] : vector<16xf32>, vector<16xi32> -> vector<16xf32>
      %select_n3A_3734 = arith.select %eq3A_3723, %gather3A_3733, %select_n3A_3678 : vector<16xi1>, vector<16xf32>
      %get3A_3735 = arith.constant 24 : i32
      %get3A_3736 = arith.index_cast %get3A_3735 : i32 to index
      %get3A_3737 = arith.constant 0 : index
      %get3A_3738 = tpu.vector_load %arg7[%get3A_3736, %get3A_3737] {strides = array<i32>} : memref<256x128xf32, #tpu.memory_space<vmem>>, vector<16xf32>,
      %get3A_3739 = arith.constant 56 : i32
      %get3A_3740 = arith.index_cast %get3A_3739 : i32 to index
      %get3A_3741 = arith.constant 0 : index
      %get3A_3742 = tpu.vector_load %arg7[%get3A_3740, %get3A_3741] {strides = array<i32>} : memref<256x128xf32, #tpu.memory_space<vmem>>, vector<16xf32>,
      %add3A_3743 = arith.addf %get3A_3738, %get3A_3742 : vector<16xf32>
      %get3A_3744 = arith.constant 88 : i32
      %get3A_3745 = arith.index_cast %get3A_3744 : i32 to index
      %get3A_3746 = arith.constant 0 : index
      %get3A_3747 = tpu.vector_load %arg7[%get3A_3745, %get3A_3746] {strides = array<i32>} : memref<256x128xf32, #tpu.memory_space<vmem>>, vector<16xf32>,
      %add3A_3748 = arith.addf %add3A_3743, %get3A_3747 : vector<16xf32>
      %get3A_3749 = arith.constant 120 : i32
      %get3A_3750 = arith.index_cast %get3A_3749 : i32 to index
      %get3A_3751 = arith.constant 0 : index
      %get3A_3752 = tpu.vector_load %arg7[%get3A_3750, %get3A_3751] {strides = array<i32>} : memref<256x128xf32, #tpu.memory_space<vmem>>, vector<16xf32>,
      %add3A_3753 = arith.addf %add3A_3748, %get3A_3752 : vector<16xf32>
      %get3A_3754 = arith.constant 152 : i32
      %get3A_3755 = arith.index_cast %get3A_3754 : i32 to index
      %get3A_3756 = arith.constant 0 : index
      %get3A_3757 = tpu.vector_load %arg7[%get3A_3755, %get3A_3756] {strides = array<i32>} : memref<256x128xf32, #tpu.memory_space<vmem>>, vector<16xf32>,
      %add3A_3758 = arith.addf %add3A_3753, %get3A_3757 : vector<16xf32>
      %get3A_3759 = arith.constant 184 : i32
      %get3A_3760 = arith.index_cast %get3A_3759 : i32 to index
      %get3A_3761 = arith.constant 0 : index
      %get3A_3762 = tpu.vector_load %arg7[%get3A_3760, %get3A_3761] {strides = array<i32>} : memref<256x128xf32, #tpu.memory_space<vmem>>, vector<16xf32>,
      %add3A_3763 = arith.addf %add3A_3758, %get3A_3762 : vector<16xf32>
      %get3A_3764 = arith.constant 216 : i32
      %get3A_3765 = arith.index_cast %get3A_3764 : i32 to index
      %get3A_3766 = arith.constant 0 : index
      %get3A_3767 = tpu.vector_load %arg7[%get3A_3765, %get3A_3766] {strides = array<i32>} : memref<256x128xf32, #tpu.memory_space<vmem>>, vector<16xf32>,
      %add3A_3768 = arith.addf %add3A_3763, %get3A_3767 : vector<16xf32>
      %get3A_3769 = arith.constant 248 : i32
      %get3A_3770 = arith.index_cast %get3A_3769 : i32 to index
      %get3A_3771 = arith.constant 0 : index
      %get3A_3772 = tpu.vector_load %arg7[%get3A_3770, %get3A_3771] {strides = array<i32>} : memref<256x128xf32, #tpu.memory_space<vmem>>, vector<16xf32>,
      %add3A_3773 = arith.addf %add3A_3768, %get3A_3772 : vector<16xf32>
      %broadcast_in_dim3A_3774 = arith.constant true
      %broadcast_in_dim3A_3775 = vector.broadcast %broadcast_in_dim3A_3774 : i1 to vector<16xi1>
      %masked_cumsum3A_3776 = tpu.scan <sum>, %add3A_3773 masked %broadcast_in_dim3A_3775 : vector<16xf32>, vector<16xi1> -> vector<16xf32>
      %eq3A_3777 = arith.constant 8 : i32
      %eq3A_3778 = vector.broadcast %eq3A_3777 : i32 to vector<16xi32>
      %eq3A_3779 = arith.cmpi eq, %iota3A, %eq3A_3778 : vector<16xi32>
      %lt3A_3780 = arith.constant 0 : i32
      %lt3A_3781 = vector.broadcast %lt3A_3780 : i32 to vector<16xi32>
      %lt3A_3782 = arith.cmpi slt, %get3A_3270, %lt3A_3781 : vector<16xi32>
      %add3A_3783 = arith.constant 16 : i32
      %add3A_3784 = vector.broadcast %add3A_3783 : i32 to vector<16xi32>
      %add3A_3785 = arith.addi %get3A_3270, %add3A_3784 : vector<16xi32>
      %select_n3A_3786 = arith.select %lt3A_3782, %add3A_3785, %get3A_3270 : vector<16xi1>, vector<16xi32>
      %broadcast_in_dim3A_3787 = vector.shape_cast %select_n3A_3786 : vector<16xi32> to vector<16x1xi32>
      %gather3A_3788 = vector.shape_cast %broadcast_in_dim3A_3787 : vector<16x1xi32> to vector<16xi32>
      %gather3A_3789 = tpu.dynamic_gather %masked_cumsum3A_3776[%gather3A_3788] in [0] : vector<16xf32>, vector<16xi32> -> vector<16xf32>
      %select_n3A_3790 = arith.select %eq3A_3779, %gather3A_3789, %select_n3A_3734 : vector<16xi1>, vector<16xf32>
      %get3A_3791 = arith.constant 25 : i32
      %get3A_3792 = arith.index_cast %get3A_3791 : i32 to index
      %get3A_3793 = arith.constant 0 : index
      %get3A_3794 = tpu.vector_load %arg7[%get3A_3792, %get3A_3793] {strides = array<i32>} : memref<256x128xf32, #tpu.memory_space<vmem>>, vector<16xf32>,
      %get3A_3795 = arith.constant 57 : i32
      %get3A_3796 = arith.index_cast %get3A_3795 : i32 to index
      %get3A_3797 = arith.constant 0 : index
      %get3A_3798 = tpu.vector_load %arg7[%get3A_3796, %get3A_3797] {strides = array<i32>} : memref<256x128xf32, #tpu.memory_space<vmem>>, vector<16xf32>,
      %add3A_3799 = arith.addf %get3A_3794, %get3A_3798 : vector<16xf32>
      %get3A_3800 = arith.constant 89 : i32
      %get3A_3801 = arith.index_cast %get3A_3800 : i32 to index
      %get3A_3802 = arith.constant 0 : index
      %get3A_3803 = tpu.vector_load %arg7[%get3A_3801, %get3A_3802] {strides = array<i32>} : memref<256x128xf32, #tpu.memory_space<vmem>>, vector<16xf32>,
      %add3A_3804 = arith.addf %add3A_3799, %get3A_3803 : vector<16xf32>
      %get3A_3805 = arith.constant 121 : i32
      %get3A_3806 = arith.index_cast %get3A_3805 : i32 to index
      %get3A_3807 = arith.constant 0 : index
      %get3A_3808 = tpu.vector_load %arg7[%get3A_3806, %get3A_3807] {strides = array<i32>} : memref<256x128xf32, #tpu.memory_space<vmem>>, vector<16xf32>,
      %add3A_3809 = arith.addf %add3A_3804, %get3A_3808 : vector<16xf32>
      %get3A_3810 = arith.constant 153 : i32
      %get3A_3811 = arith.index_cast %get3A_3810 : i32 to index
      %get3A_3812 = arith.constant 0 : index
      %get3A_3813 = tpu.vector_load %arg7[%get3A_3811, %get3A_3812] {strides = array<i32>} : memref<256x128xf32, #tpu.memory_space<vmem>>, vector<16xf32>,
      %add3A_3814 = arith.addf %add3A_3809, %get3A_3813 : vector<16xf32>
      %get3A_3815 = arith.constant 185 : i32
      %get3A_3816 = arith.index_cast %get3A_3815 : i32 to index
      %get3A_3817 = arith.constant 0 : index
      %get3A_3818 = tpu.vector_load %arg7[%get3A_3816, %get3A_3817] {strides = array<i32>} : memref<256x128xf32, #tpu.memory_space<vmem>>, vector<16xf32>,
      %add3A_3819 = arith.addf %add3A_3814, %get3A_3818 : vector<16xf32>
      %get3A_3820 = arith.constant 217 : i32
      %get3A_3821 = arith.index_cast %get3A_3820 : i32 to index
      %get3A_3822 = arith.constant 0 : index
      %get3A_3823 = tpu.vector_load %arg7[%get3A_3821, %get3A_3822] {strides = array<i32>} : memref<256x128xf32, #tpu.memory_space<vmem>>, vector<16xf32>,
      %add3A_3824 = arith.addf %add3A_3819, %get3A_3823 : vector<16xf32>
      %get3A_3825 = arith.constant 249 : i32
      %get3A_3826 = arith.index_cast %get3A_3825 : i32 to index
      %get3A_3827 = arith.constant 0 : index
      %get3A_3828 = tpu.vector_load %arg7[%get3A_3826, %get3A_3827] {strides = array<i32>} : memref<256x128xf32, #tpu.memory_space<vmem>>, vector<16xf32>,
      %add3A_3829 = arith.addf %add3A_3824, %get3A_3828 : vector<16xf32>
      %broadcast_in_dim3A_3830 = arith.constant true
      %broadcast_in_dim3A_3831 = vector.broadcast %broadcast_in_dim3A_3830 : i1 to vector<16xi1>
      %masked_cumsum3A_3832 = tpu.scan <sum>, %add3A_3829 masked %broadcast_in_dim3A_3831 : vector<16xf32>, vector<16xi1> -> vector<16xf32>
      %eq3A_3833 = arith.constant 9 : i32
      %eq3A_3834 = vector.broadcast %eq3A_3833 : i32 to vector<16xi32>
      %eq3A_3835 = arith.cmpi eq, %iota3A, %eq3A_3834 : vector<16xi32>
      %lt3A_3836 = arith.constant 0 : i32
      %lt3A_3837 = vector.broadcast %lt3A_3836 : i32 to vector<16xi32>
      %lt3A_3838 = arith.cmpi slt, %get3A_3270, %lt3A_3837 : vector<16xi32>
      %add3A_3839 = arith.constant 16 : i32
      %add3A_3840 = vector.broadcast %add3A_3839 : i32 to vector<16xi32>
      %add3A_3841 = arith.addi %get3A_3270, %add3A_3840 : vector<16xi32>
      %select_n3A_3842 = arith.select %lt3A_3838, %add3A_3841, %get3A_3270 : vector<16xi1>, vector<16xi32>
      %broadcast_in_dim3A_3843 = vector.shape_cast %select_n3A_3842 : vector<16xi32> to vector<16x1xi32>
      %gather3A_3844 = vector.shape_cast %broadcast_in_dim3A_3843 : vector<16x1xi32> to vector<16xi32>
      %gather3A_3845 = tpu.dynamic_gather %masked_cumsum3A_3832[%gather3A_3844] in [0] : vector<16xf32>, vector<16xi32> -> vector<16xf32>
      %select_n3A_3846 = arith.select %eq3A_3835, %gather3A_3845, %select_n3A_3790 : vector<16xi1>, vector<16xf32>
      %get3A_3847 = arith.constant 26 : i32
      %get3A_3848 = arith.index_cast %get3A_3847 : i32 to index
      %get3A_3849 = arith.constant 0 : index
      %get3A_3850 = tpu.vector_load %arg7[%get3A_3848, %get3A_3849] {strides = array<i32>} : memref<256x128xf32, #tpu.memory_space<vmem>>, vector<16xf32>,
      %get3A_3851 = arith.constant 58 : i32
      %get3A_3852 = arith.index_cast %get3A_3851 : i32 to index
      %get3A_3853 = arith.constant 0 : index
      %get3A_3854 = tpu.vector_load %arg7[%get3A_3852, %get3A_3853] {strides = array<i32>} : memref<256x128xf32, #tpu.memory_space<vmem>>, vector<16xf32>,
      %add3A_3855 = arith.addf %get3A_3850, %get3A_3854 : vector<16xf32>
      %get3A_3856 = arith.constant 90 : i32
      %get3A_3857 = arith.index_cast %get3A_3856 : i32 to index
      %get3A_3858 = arith.constant 0 : index
      %get3A_3859 = tpu.vector_load %arg7[%get3A_3857, %get3A_3858] {strides = array<i32>} : memref<256x128xf32, #tpu.memory_space<vmem>>, vector<16xf32>,
      %add3A_3860 = arith.addf %add3A_3855, %get3A_3859 : vector<16xf32>
      %get3A_3861 = arith.constant 122 : i32
      %get3A_3862 = arith.index_cast %get3A_3861 : i32 to index
      %get3A_3863 = arith.constant 0 : index
      %get3A_3864 = tpu.vector_load %arg7[%get3A_3862, %get3A_3863] {strides = array<i32>} : memref<256x128xf32, #tpu.memory_space<vmem>>, vector<16xf32>,
      %add3A_3865 = arith.addf %add3A_3860, %get3A_3864 : vector<16xf32>
      %get3A_3866 = arith.constant 154 : i32
      %get3A_3867 = arith.index_cast %get3A_3866 : i32 to index
      %get3A_3868 = arith.constant 0 : index
      %get3A_3869 = tpu.vector_load %arg7[%get3A_3867, %get3A_3868] {strides = array<i32>} : memref<256x128xf32, #tpu.memory_space<vmem>>, vector<16xf32>,
      %add3A_3870 = arith.addf %add3A_3865, %get3A_3869 : vector<16xf32>
      %get3A_3871 = arith.constant 186 : i32
      %get3A_3872 = arith.index_cast %get3A_3871 : i32 to index
      %get3A_3873 = arith.constant 0 : index
      %get3A_3874 = tpu.vector_load %arg7[%get3A_3872, %get3A_3873] {strides = array<i32>} : memref<256x128xf32, #tpu.memory_space<vmem>>, vector<16xf32>,
      %add3A_3875 = arith.addf %add3A_3870, %get3A_3874 : vector<16xf32>
      %get3A_3876 = arith.constant 218 : i32
      %get3A_3877 = arith.index_cast %get3A_3876 : i32 to index
      %get3A_3878 = arith.constant 0 : index
      %get3A_3879 = tpu.vector_load %arg7[%get3A_3877, %get3A_3878] {strides = array<i32>} : memref<256x128xf32, #tpu.memory_space<vmem>>, vector<16xf32>,
      %add3A_3880 = arith.addf %add3A_3875, %get3A_3879 : vector<16xf32>
      %get3A_3881 = arith.constant 250 : i32
      %get3A_3882 = arith.index_cast %get3A_3881 : i32 to index
      %get3A_3883 = arith.constant 0 : index
      %get3A_3884 = tpu.vector_load %arg7[%get3A_3882, %get3A_3883] {strides = array<i32>} : memref<256x128xf32, #tpu.memory_space<vmem>>, vector<16xf32>,
      %add3A_3885 = arith.addf %add3A_3880, %get3A_3884 : vector<16xf32>
      %broadcast_in_dim3A_3886 = arith.constant true
      %broadcast_in_dim3A_3887 = vector.broadcast %broadcast_in_dim3A_3886 : i1 to vector<16xi1>
      %masked_cumsum3A_3888 = tpu.scan <sum>, %add3A_3885 masked %broadcast_in_dim3A_3887 : vector<16xf32>, vector<16xi1> -> vector<16xf32>
      %eq3A_3889 = arith.constant 10 : i32
      %eq3A_3890 = vector.broadcast %eq3A_3889 : i32 to vector<16xi32>
      %eq3A_3891 = arith.cmpi eq, %iota3A, %eq3A_3890 : vector<16xi32>
      %lt3A_3892 = arith.constant 0 : i32
      %lt3A_3893 = vector.broadcast %lt3A_3892 : i32 to vector<16xi32>
      %lt3A_3894 = arith.cmpi slt, %get3A_3270, %lt3A_3893 : vector<16xi32>
      %add3A_3895 = arith.constant 16 : i32
      %add3A_3896 = vector.broadcast %add3A_3895 : i32 to vector<16xi32>
      %add3A_3897 = arith.addi %get3A_3270, %add3A_3896 : vector<16xi32>
      %select_n3A_3898 = arith.select %lt3A_3894, %add3A_3897, %get3A_3270 : vector<16xi1>, vector<16xi32>
      %broadcast_in_dim3A_3899 = vector.shape_cast %select_n3A_3898 : vector<16xi32> to vector<16x1xi32>
      %gather3A_3900 = vector.shape_cast %broadcast_in_dim3A_3899 : vector<16x1xi32> to vector<16xi32>
      %gather3A_3901 = tpu.dynamic_gather %masked_cumsum3A_3888[%gather3A_3900] in [0] : vector<16xf32>, vector<16xi32> -> vector<16xf32>
      %select_n3A_3902 = arith.select %eq3A_3891, %gather3A_3901, %select_n3A_3846 : vector<16xi1>, vector<16xf32>
      %get3A_3903 = arith.constant 27 : i32
      %get3A_3904 = arith.index_cast %get3A_3903 : i32 to index
      %get3A_3905 = arith.constant 0 : index
      %get3A_3906 = tpu.vector_load %arg7[%get3A_3904, %get3A_3905] {strides = array<i32>} : memref<256x128xf32, #tpu.memory_space<vmem>>, vector<16xf32>,
      %get3A_3907 = arith.constant 59 : i32
      %get3A_3908 = arith.index_cast %get3A_3907 : i32 to index
      %get3A_3909 = arith.constant 0 : index
      %get3A_3910 = tpu.vector_load %arg7[%get3A_3908, %get3A_3909] {strides = array<i32>} : memref<256x128xf32, #tpu.memory_space<vmem>>, vector<16xf32>,
      %add3A_3911 = arith.addf %get3A_3906, %get3A_3910 : vector<16xf32>
      %get3A_3912 = arith.constant 91 : i32
      %get3A_3913 = arith.index_cast %get3A_3912 : i32 to index
      %get3A_3914 = arith.constant 0 : index
      %get3A_3915 = tpu.vector_load %arg7[%get3A_3913, %get3A_3914] {strides = array<i32>} : memref<256x128xf32, #tpu.memory_space<vmem>>, vector<16xf32>,
      %add3A_3916 = arith.addf %add3A_3911, %get3A_3915 : vector<16xf32>
      %get3A_3917 = arith.constant 123 : i32
      %get3A_3918 = arith.index_cast %get3A_3917 : i32 to index
      %get3A_3919 = arith.constant 0 : index
      %get3A_3920 = tpu.vector_load %arg7[%get3A_3918, %get3A_3919] {strides = array<i32>} : memref<256x128xf32, #tpu.memory_space<vmem>>, vector<16xf32>,
      %add3A_3921 = arith.addf %add3A_3916, %get3A_3920 : vector<16xf32>
      %get3A_3922 = arith.constant 155 : i32
      %get3A_3923 = arith.index_cast %get3A_3922 : i32 to index
      %get3A_3924 = arith.constant 0 : index
      %get3A_3925 = tpu.vector_load %arg7[%get3A_3923, %get3A_3924] {strides = array<i32>} : memref<256x128xf32, #tpu.memory_space<vmem>>, vector<16xf32>,
      %add3A_3926 = arith.addf %add3A_3921, %get3A_3925 : vector<16xf32>
      %get3A_3927 = arith.constant 187 : i32
      %get3A_3928 = arith.index_cast %get3A_3927 : i32 to index
      %get3A_3929 = arith.constant 0 : index
      %get3A_3930 = tpu.vector_load %arg7[%get3A_3928, %get3A_3929] {strides = array<i32>} : memref<256x128xf32, #tpu.memory_space<vmem>>, vector<16xf32>,
      %add3A_3931 = arith.addf %add3A_3926, %get3A_3930 : vector<16xf32>
      %get3A_3932 = arith.constant 219 : i32
      %get3A_3933 = arith.index_cast %get3A_3932 : i32 to index
      %get3A_3934 = arith.constant 0 : index
      %get3A_3935 = tpu.vector_load %arg7[%get3A_3933, %get3A_3934] {strides = array<i32>} : memref<256x128xf32, #tpu.memory_space<vmem>>, vector<16xf32>,
      %add3A_3936 = arith.addf %add3A_3931, %get3A_3935 : vector<16xf32>
      %get3A_3937 = arith.constant 251 : i32
      %get3A_3938 = arith.index_cast %get3A_3937 : i32 to index
      %get3A_3939 = arith.constant 0 : index
      %get3A_3940 = tpu.vector_load %arg7[%get3A_3938, %get3A_3939] {strides = array<i32>} : memref<256x128xf32, #tpu.memory_space<vmem>>, vector<16xf32>,
      %add3A_3941 = arith.addf %add3A_3936, %get3A_3940 : vector<16xf32>
      %broadcast_in_dim3A_3942 = arith.constant true
      %broadcast_in_dim3A_3943 = vector.broadcast %broadcast_in_dim3A_3942 : i1 to vector<16xi1>
      %masked_cumsum3A_3944 = tpu.scan <sum>, %add3A_3941 masked %broadcast_in_dim3A_3943 : vector<16xf32>, vector<16xi1> -> vector<16xf32>
      %eq3A_3945 = arith.constant 11 : i32
      %eq3A_3946 = vector.broadcast %eq3A_3945 : i32 to vector<16xi32>
      %eq3A_3947 = arith.cmpi eq, %iota3A, %eq3A_3946 : vector<16xi32>
      %lt3A_3948 = arith.constant 0 : i32
      %lt3A_3949 = vector.broadcast %lt3A_3948 : i32 to vector<16xi32>
      %lt3A_3950 = arith.cmpi slt, %get3A_3270, %lt3A_3949 : vector<16xi32>
      %add3A_3951 = arith.constant 16 : i32
      %add3A_3952 = vector.broadcast %add3A_3951 : i32 to vector<16xi32>
      %add3A_3953 = arith.addi %get3A_3270, %add3A_3952 : vector<16xi32>
      %select_n3A_3954 = arith.select %lt3A_3950, %add3A_3953, %get3A_3270 : vector<16xi1>, vector<16xi32>
      %broadcast_in_dim3A_3955 = vector.shape_cast %select_n3A_3954 : vector<16xi32> to vector<16x1xi32>
      %gather3A_3956 = vector.shape_cast %broadcast_in_dim3A_3955 : vector<16x1xi32> to vector<16xi32>
      %gather3A_3957 = tpu.dynamic_gather %masked_cumsum3A_3944[%gather3A_3956] in [0] : vector<16xf32>, vector<16xi32> -> vector<16xf32>
      %select_n3A_3958 = arith.select %eq3A_3947, %gather3A_3957, %select_n3A_3902 : vector<16xi1>, vector<16xf32>
      %get3A_3959 = arith.constant 28 : i32
      %get3A_3960 = arith.index_cast %get3A_3959 : i32 to index
      %get3A_3961 = arith.constant 0 : index
      %get3A_3962 = tpu.vector_load %arg7[%get3A_3960, %get3A_3961] {strides = array<i32>} : memref<256x128xf32, #tpu.memory_space<vmem>>, vector<16xf32>,
      %get3A_3963 = arith.constant 60 : i32
      %get3A_3964 = arith.index_cast %get3A_3963 : i32 to index
      %get3A_3965 = arith.constant 0 : index
      %get3A_3966 = tpu.vector_load %arg7[%get3A_3964, %get3A_3965] {strides = array<i32>} : memref<256x128xf32, #tpu.memory_space<vmem>>, vector<16xf32>,
      %add3A_3967 = arith.addf %get3A_3962, %get3A_3966 : vector<16xf32>
      %get3A_3968 = arith.constant 92 : i32
      %get3A_3969 = arith.index_cast %get3A_3968 : i32 to index
      %get3A_3970 = arith.constant 0 : index
      %get3A_3971 = tpu.vector_load %arg7[%get3A_3969, %get3A_3970] {strides = array<i32>} : memref<256x128xf32, #tpu.memory_space<vmem>>, vector<16xf32>,
      %add3A_3972 = arith.addf %add3A_3967, %get3A_3971 : vector<16xf32>
      %get3A_3973 = arith.constant 124 : i32
      %get3A_3974 = arith.index_cast %get3A_3973 : i32 to index
      %get3A_3975 = arith.constant 0 : index
      %get3A_3976 = tpu.vector_load %arg7[%get3A_3974, %get3A_3975] {strides = array<i32>} : memref<256x128xf32, #tpu.memory_space<vmem>>, vector<16xf32>,
      %add3A_3977 = arith.addf %add3A_3972, %get3A_3976 : vector<16xf32>
      %get3A_3978 = arith.constant 156 : i32
      %get3A_3979 = arith.index_cast %get3A_3978 : i32 to index
      %get3A_3980 = arith.constant 0 : index
      %get3A_3981 = tpu.vector_load %arg7[%get3A_3979, %get3A_3980] {strides = array<i32>} : memref<256x128xf32, #tpu.memory_space<vmem>>, vector<16xf32>,
      %add3A_3982 = arith.addf %add3A_3977, %get3A_3981 : vector<16xf32>
      %get3A_3983 = arith.constant 188 : i32
      %get3A_3984 = arith.index_cast %get3A_3983 : i32 to index
      %get3A_3985 = arith.constant 0 : index
      %get3A_3986 = tpu.vector_load %arg7[%get3A_3984, %get3A_3985] {strides = array<i32>} : memref<256x128xf32, #tpu.memory_space<vmem>>, vector<16xf32>,
      %add3A_3987 = arith.addf %add3A_3982, %get3A_3986 : vector<16xf32>
      %get3A_3988 = arith.constant 220 : i32
      %get3A_3989 = arith.index_cast %get3A_3988 : i32 to index
      %get3A_3990 = arith.constant 0 : index
      %get3A_3991 = tpu.vector_load %arg7[%get3A_3989, %get3A_3990] {strides = array<i32>} : memref<256x128xf32, #tpu.memory_space<vmem>>, vector<16xf32>,
      %add3A_3992 = arith.addf %add3A_3987, %get3A_3991 : vector<16xf32>
      %get3A_3993 = arith.constant 252 : i32
      %get3A_3994 = arith.index_cast %get3A_3993 : i32 to index
      %get3A_3995 = arith.constant 0 : index
      %get3A_3996 = tpu.vector_load %arg7[%get3A_3994, %get3A_3995] {strides = array<i32>} : memref<256x128xf32, #tpu.memory_space<vmem>>, vector<16xf32>,
      %add3A_3997 = arith.addf %add3A_3992, %get3A_3996 : vector<16xf32>
      %broadcast_in_dim3A_3998 = arith.constant true
      %broadcast_in_dim3A_3999 = vector.broadcast %broadcast_in_dim3A_3998 : i1 to vector<16xi1>
      %masked_cumsum3A_4000 = tpu.scan <sum>, %add3A_3997 masked %broadcast_in_dim3A_3999 : vector<16xf32>, vector<16xi1> -> vector<16xf32>
      %eq3A_4001 = arith.constant 12 : i32
      %eq3A_4002 = vector.broadcast %eq3A_4001 : i32 to vector<16xi32>
      %eq3A_4003 = arith.cmpi eq, %iota3A, %eq3A_4002 : vector<16xi32>
      %lt3A_4004 = arith.constant 0 : i32
      %lt3A_4005 = vector.broadcast %lt3A_4004 : i32 to vector<16xi32>
      %lt3A_4006 = arith.cmpi slt, %get3A_3270, %lt3A_4005 : vector<16xi32>
      %add3A_4007 = arith.constant 16 : i32
      %add3A_4008 = vector.broadcast %add3A_4007 : i32 to vector<16xi32>
      %add3A_4009 = arith.addi %get3A_3270, %add3A_4008 : vector<16xi32>
      %select_n3A_4010 = arith.select %lt3A_4006, %add3A_4009, %get3A_3270 : vector<16xi1>, vector<16xi32>
      %broadcast_in_dim3A_4011 = vector.shape_cast %select_n3A_4010 : vector<16xi32> to vector<16x1xi32>
      %gather3A_4012 = vector.shape_cast %broadcast_in_dim3A_4011 : vector<16x1xi32> to vector<16xi32>
      %gather3A_4013 = tpu.dynamic_gather %masked_cumsum3A_4000[%gather3A_4012] in [0] : vector<16xf32>, vector<16xi32> -> vector<16xf32>
      %select_n3A_4014 = arith.select %eq3A_4003, %gather3A_4013, %select_n3A_3958 : vector<16xi1>, vector<16xf32>
      %get3A_4015 = arith.constant 29 : i32
      %get3A_4016 = arith.index_cast %get3A_4015 : i32 to index
      %get3A_4017 = arith.constant 0 : index
      %get3A_4018 = tpu.vector_load %arg7[%get3A_4016, %get3A_4017] {strides = array<i32>} : memref<256x128xf32, #tpu.memory_space<vmem>>, vector<16xf32>,
      %get3A_4019 = arith.constant 61 : i32
      %get3A_4020 = arith.index_cast %get3A_4019 : i32 to index
      %get3A_4021 = arith.constant 0 : index
      %get3A_4022 = tpu.vector_load %arg7[%get3A_4020, %get3A_4021] {strides = array<i32>} : memref<256x128xf32, #tpu.memory_space<vmem>>, vector<16xf32>,
      %add3A_4023 = arith.addf %get3A_4018, %get3A_4022 : vector<16xf32>
      %get3A_4024 = arith.constant 93 : i32
      %get3A_4025 = arith.index_cast %get3A_4024 : i32 to index
      %get3A_4026 = arith.constant 0 : index
      %get3A_4027 = tpu.vector_load %arg7[%get3A_4025, %get3A_4026] {strides = array<i32>} : memref<256x128xf32, #tpu.memory_space<vmem>>, vector<16xf32>,
      %add3A_4028 = arith.addf %add3A_4023, %get3A_4027 : vector<16xf32>
      %get3A_4029 = arith.constant 125 : i32
      %get3A_4030 = arith.index_cast %get3A_4029 : i32 to index
      %get3A_4031 = arith.constant 0 : index
      %get3A_4032 = tpu.vector_load %arg7[%get3A_4030, %get3A_4031] {strides = array<i32>} : memref<256x128xf32, #tpu.memory_space<vmem>>, vector<16xf32>,
      %add3A_4033 = arith.addf %add3A_4028, %get3A_4032 : vector<16xf32>
      %get3A_4034 = arith.constant 157 : i32
      %get3A_4035 = arith.index_cast %get3A_4034 : i32 to index
      %get3A_4036 = arith.constant 0 : index
      %get3A_4037 = tpu.vector_load %arg7[%get3A_4035, %get3A_4036] {strides = array<i32>} : memref<256x128xf32, #tpu.memory_space<vmem>>, vector<16xf32>,
      %add3A_4038 = arith.addf %add3A_4033, %get3A_4037 : vector<16xf32>
      %get3A_4039 = arith.constant 189 : i32
      %get3A_4040 = arith.index_cast %get3A_4039 : i32 to index
      %get3A_4041 = arith.constant 0 : index
      %get3A_4042 = tpu.vector_load %arg7[%get3A_4040, %get3A_4041] {strides = array<i32>} : memref<256x128xf32, #tpu.memory_space<vmem>>, vector<16xf32>,
      %add3A_4043 = arith.addf %add3A_4038, %get3A_4042 : vector<16xf32>
      %get3A_4044 = arith.constant 221 : i32
      %get3A_4045 = arith.index_cast %get3A_4044 : i32 to index
      %get3A_4046 = arith.constant 0 : index
      %get3A_4047 = tpu.vector_load %arg7[%get3A_4045, %get3A_4046] {strides = array<i32>} : memref<256x128xf32, #tpu.memory_space<vmem>>, vector<16xf32>,
      %add3A_4048 = arith.addf %add3A_4043, %get3A_4047 : vector<16xf32>
      %get3A_4049 = arith.constant 253 : i32
      %get3A_4050 = arith.index_cast %get3A_4049 : i32 to index
      %get3A_4051 = arith.constant 0 : index
      %get3A_4052 = tpu.vector_load %arg7[%get3A_4050, %get3A_4051] {strides = array<i32>} : memref<256x128xf32, #tpu.memory_space<vmem>>, vector<16xf32>,
      %add3A_4053 = arith.addf %add3A_4048, %get3A_4052 : vector<16xf32>
      %broadcast_in_dim3A_4054 = arith.constant true
      %broadcast_in_dim3A_4055 = vector.broadcast %broadcast_in_dim3A_4054 : i1 to vector<16xi1>
      %masked_cumsum3A_4056 = tpu.scan <sum>, %add3A_4053 masked %broadcast_in_dim3A_4055 : vector<16xf32>, vector<16xi1> -> vector<16xf32>
      %eq3A_4057 = arith.constant 13 : i32
      %eq3A_4058 = vector.broadcast %eq3A_4057 : i32 to vector<16xi32>
      %eq3A_4059 = arith.cmpi eq, %iota3A, %eq3A_4058 : vector<16xi32>
      %lt3A_4060 = arith.constant 0 : i32
      %lt3A_4061 = vector.broadcast %lt3A_4060 : i32 to vector<16xi32>
      %lt3A_4062 = arith.cmpi slt, %get3A_3270, %lt3A_4061 : vector<16xi32>
      %add3A_4063 = arith.constant 16 : i32
      %add3A_4064 = vector.broadcast %add3A_4063 : i32 to vector<16xi32>
      %add3A_4065 = arith.addi %get3A_3270, %add3A_4064 : vector<16xi32>
      %select_n3A_4066 = arith.select %lt3A_4062, %add3A_4065, %get3A_3270 : vector<16xi1>, vector<16xi32>
      %broadcast_in_dim3A_4067 = vector.shape_cast %select_n3A_4066 : vector<16xi32> to vector<16x1xi32>
      %gather3A_4068 = vector.shape_cast %broadcast_in_dim3A_4067 : vector<16x1xi32> to vector<16xi32>
      %gather3A_4069 = tpu.dynamic_gather %masked_cumsum3A_4056[%gather3A_4068] in [0] : vector<16xf32>, vector<16xi32> -> vector<16xf32>
      %select_n3A_4070 = arith.select %eq3A_4059, %gather3A_4069, %select_n3A_4014 : vector<16xi1>, vector<16xf32>
      %get3A_4071 = arith.constant 30 : i32
      %get3A_4072 = arith.index_cast %get3A_4071 : i32 to index
      %get3A_4073 = arith.constant 0 : index
      %get3A_4074 = tpu.vector_load %arg7[%get3A_4072, %get3A_4073] {strides = array<i32>} : memref<256x128xf32, #tpu.memory_space<vmem>>, vector<16xf32>,
      %get3A_4075 = arith.constant 62 : i32
      %get3A_4076 = arith.index_cast %get3A_4075 : i32 to index
      %get3A_4077 = arith.constant 0 : index
      %get3A_4078 = tpu.vector_load %arg7[%get3A_4076, %get3A_4077] {strides = array<i32>} : memref<256x128xf32, #tpu.memory_space<vmem>>, vector<16xf32>,
      %add3A_4079 = arith.addf %get3A_4074, %get3A_4078 : vector<16xf32>
      %get3A_4080 = arith.constant 94 : i32
      %get3A_4081 = arith.index_cast %get3A_4080 : i32 to index
      %get3A_4082 = arith.constant 0 : index
      %get3A_4083 = tpu.vector_load %arg7[%get3A_4081, %get3A_4082] {strides = array<i32>} : memref<256x128xf32, #tpu.memory_space<vmem>>, vector<16xf32>,
      %add3A_4084 = arith.addf %add3A_4079, %get3A_4083 : vector<16xf32>
      %get3A_4085 = arith.constant 126 : i32
      %get3A_4086 = arith.index_cast %get3A_4085 : i32 to index
      %get3A_4087 = arith.constant 0 : index
      %get3A_4088 = tpu.vector_load %arg7[%get3A_4086, %get3A_4087] {strides = array<i32>} : memref<256x128xf32, #tpu.memory_space<vmem>>, vector<16xf32>,
      %add3A_4089 = arith.addf %add3A_4084, %get3A_4088 : vector<16xf32>
      %get3A_4090 = arith.constant 158 : i32
      %get3A_4091 = arith.index_cast %get3A_4090 : i32 to index
      %get3A_4092 = arith.constant 0 : index
      %get3A_4093 = tpu.vector_load %arg7[%get3A_4091, %get3A_4092] {strides = array<i32>} : memref<256x128xf32, #tpu.memory_space<vmem>>, vector<16xf32>,
      %add3A_4094 = arith.addf %add3A_4089, %get3A_4093 : vector<16xf32>
      %get3A_4095 = arith.constant 190 : i32
      %get3A_4096 = arith.index_cast %get3A_4095 : i32 to index
      %get3A_4097 = arith.constant 0 : index
      %get3A_4098 = tpu.vector_load %arg7[%get3A_4096, %get3A_4097] {strides = array<i32>} : memref<256x128xf32, #tpu.memory_space<vmem>>, vector<16xf32>,
      %add3A_4099 = arith.addf %add3A_4094, %get3A_4098 : vector<16xf32>
      %get3A_4100 = arith.constant 222 : i32
      %get3A_4101 = arith.index_cast %get3A_4100 : i32 to index
      %get3A_4102 = arith.constant 0 : index
      %get3A_4103 = tpu.vector_load %arg7[%get3A_4101, %get3A_4102] {strides = array<i32>} : memref<256x128xf32, #tpu.memory_space<vmem>>, vector<16xf32>,
      %add3A_4104 = arith.addf %add3A_4099, %get3A_4103 : vector<16xf32>
      %get3A_4105 = arith.constant 254 : i32
      %get3A_4106 = arith.index_cast %get3A_4105 : i32 to index
      %get3A_4107 = arith.constant 0 : index
      %get3A_4108 = tpu.vector_load %arg7[%get3A_4106, %get3A_4107] {strides = array<i32>} : memref<256x128xf32, #tpu.memory_space<vmem>>, vector<16xf32>,
      %add3A_4109 = arith.addf %add3A_4104, %get3A_4108 : vector<16xf32>
      %broadcast_in_dim3A_4110 = arith.constant true
      %broadcast_in_dim3A_4111 = vector.broadcast %broadcast_in_dim3A_4110 : i1 to vector<16xi1>
      %masked_cumsum3A_4112 = tpu.scan <sum>, %add3A_4109 masked %broadcast_in_dim3A_4111 : vector<16xf32>, vector<16xi1> -> vector<16xf32>
      %eq3A_4113 = arith.constant 14 : i32
      %eq3A_4114 = vector.broadcast %eq3A_4113 : i32 to vector<16xi32>
      %eq3A_4115 = arith.cmpi eq, %iota3A, %eq3A_4114 : vector<16xi32>
      %lt3A_4116 = arith.constant 0 : i32
      %lt3A_4117 = vector.broadcast %lt3A_4116 : i32 to vector<16xi32>
      %lt3A_4118 = arith.cmpi slt, %get3A_3270, %lt3A_4117 : vector<16xi32>
      %add3A_4119 = arith.constant 16 : i32
      %add3A_4120 = vector.broadcast %add3A_4119 : i32 to vector<16xi32>
      %add3A_4121 = arith.addi %get3A_3270, %add3A_4120 : vector<16xi32>
      %select_n3A_4122 = arith.select %lt3A_4118, %add3A_4121, %get3A_3270 : vector<16xi1>, vector<16xi32>
      %broadcast_in_dim3A_4123 = vector.shape_cast %select_n3A_4122 : vector<16xi32> to vector<16x1xi32>
      %gather3A_4124 = vector.shape_cast %broadcast_in_dim3A_4123 : vector<16x1xi32> to vector<16xi32>
      %gather3A_4125 = tpu.dynamic_gather %masked_cumsum3A_4112[%gather3A_4124] in [0] : vector<16xf32>, vector<16xi32> -> vector<16xf32>
      %select_n3A_4126 = arith.select %eq3A_4115, %gather3A_4125, %select_n3A_4070 : vector<16xi1>, vector<16xf32>
      %get3A_4127 = arith.constant 31 : i32
      %get3A_4128 = arith.index_cast %get3A_4127 : i32 to index
      %get3A_4129 = arith.constant 0 : index
      %get3A_4130 = tpu.vector_load %arg7[%get3A_4128, %get3A_4129] {strides = array<i32>} : memref<256x128xf32, #tpu.memory_space<vmem>>, vector<16xf32>,
      %get3A_4131 = arith.constant 63 : i32
      %get3A_4132 = arith.index_cast %get3A_4131 : i32 to index
      %get3A_4133 = arith.constant 0 : index
      %get3A_4134 = tpu.vector_load %arg7[%get3A_4132, %get3A_4133] {strides = array<i32>} : memref<256x128xf32, #tpu.memory_space<vmem>>, vector<16xf32>,
      %add3A_4135 = arith.addf %get3A_4130, %get3A_4134 : vector<16xf32>
      %get3A_4136 = arith.constant 95 : i32
      %get3A_4137 = arith.index_cast %get3A_4136 : i32 to index
      %get3A_4138 = arith.constant 0 : index
      %get3A_4139 = tpu.vector_load %arg7[%get3A_4137, %get3A_4138] {strides = array<i32>} : memref<256x128xf32, #tpu.memory_space<vmem>>, vector<16xf32>,
      %add3A_4140 = arith.addf %add3A_4135, %get3A_4139 : vector<16xf32>
      %get3A_4141 = arith.constant 127 : i32
      %get3A_4142 = arith.index_cast %get3A_4141 : i32 to index
      %get3A_4143 = arith.constant 0 : index
      %get3A_4144 = tpu.vector_load %arg7[%get3A_4142, %get3A_4143] {strides = array<i32>} : memref<256x128xf32, #tpu.memory_space<vmem>>, vector<16xf32>,
      %add3A_4145 = arith.addf %add3A_4140, %get3A_4144 : vector<16xf32>
      %get3A_4146 = arith.constant 159 : i32
      %get3A_4147 = arith.index_cast %get3A_4146 : i32 to index
      %get3A_4148 = arith.constant 0 : index
      %get3A_4149 = tpu.vector_load %arg7[%get3A_4147, %get3A_4148] {strides = array<i32>} : memref<256x128xf32, #tpu.memory_space<vmem>>, vector<16xf32>,
      %add3A_4150 = arith.addf %add3A_4145, %get3A_4149 : vector<16xf32>
      %get3A_4151 = arith.constant 191 : i32
      %get3A_4152 = arith.index_cast %get3A_4151 : i32 to index
      %get3A_4153 = arith.constant 0 : index
      %get3A_4154 = tpu.vector_load %arg7[%get3A_4152, %get3A_4153] {strides = array<i32>} : memref<256x128xf32, #tpu.memory_space<vmem>>, vector<16xf32>,
      %add3A_4155 = arith.addf %add3A_4150, %get3A_4154 : vector<16xf32>
      %get3A_4156 = arith.constant 223 : i32
      %get3A_4157 = arith.index_cast %get3A_4156 : i32 to index
      %get3A_4158 = arith.constant 0 : index
      %get3A_4159 = tpu.vector_load %arg7[%get3A_4157, %get3A_4158] {strides = array<i32>} : memref<256x128xf32, #tpu.memory_space<vmem>>, vector<16xf32>,
      %add3A_4160 = arith.addf %add3A_4155, %get3A_4159 : vector<16xf32>
      %get3A_4161 = arith.constant 255 : i32
      %get3A_4162 = arith.index_cast %get3A_4161 : i32 to index
      %get3A_4163 = arith.constant 0 : index
      %get3A_4164 = tpu.vector_load %arg7[%get3A_4162, %get3A_4163] {strides = array<i32>} : memref<256x128xf32, #tpu.memory_space<vmem>>, vector<16xf32>,
      %add3A_4165 = arith.addf %add3A_4160, %get3A_4164 : vector<16xf32>
      %broadcast_in_dim3A_4166 = arith.constant true
      %broadcast_in_dim3A_4167 = vector.broadcast %broadcast_in_dim3A_4166 : i1 to vector<16xi1>
      %masked_cumsum3A_4168 = tpu.scan <sum>, %add3A_4165 masked %broadcast_in_dim3A_4167 : vector<16xf32>, vector<16xi1> -> vector<16xf32>
      %eq3A_4169 = arith.constant 15 : i32
      %eq3A_4170 = vector.broadcast %eq3A_4169 : i32 to vector<16xi32>
      %eq3A_4171 = arith.cmpi eq, %iota3A, %eq3A_4170 : vector<16xi32>
      %lt3A_4172 = arith.constant 0 : i32
      %lt3A_4173 = vector.broadcast %lt3A_4172 : i32 to vector<16xi32>
      %lt3A_4174 = arith.cmpi slt, %get3A_3270, %lt3A_4173 : vector<16xi32>
      %add3A_4175 = arith.constant 16 : i32
      %add3A_4176 = vector.broadcast %add3A_4175 : i32 to vector<16xi32>
      %add3A_4177 = arith.addi %get3A_3270, %add3A_4176 : vector<16xi32>
      %select_n3A_4178 = arith.select %lt3A_4174, %add3A_4177, %get3A_3270 : vector<16xi1>, vector<16xi32>
      %broadcast_in_dim3A_4179 = vector.shape_cast %select_n3A_4178 : vector<16xi32> to vector<16x1xi32>
      %gather3A_4180 = vector.shape_cast %broadcast_in_dim3A_4179 : vector<16x1xi32> to vector<16xi32>
      %gather3A_4181 = tpu.dynamic_gather %masked_cumsum3A_4168[%gather3A_4180] in [0] : vector<16xf32>, vector<16xi32> -> vector<16xf32>
      %select_n3A_4182 = arith.select %eq3A_4171, %gather3A_4181, %select_n3A_4126 : vector<16xi1>, vector<16xf32>
      %gt3A_4183 = arith.constant 0 : i32
      %gt3A_4184 = vector.broadcast %gt3A_4183 : i32 to vector<16xi32>
      %gt3A_4185 = arith.cmpi sgt, %get3A_3264, %gt3A_4184 : vector<16xi32>
      %sub3A_4186 = arith.constant 1.000000e+00 : f32
      %sub3A_4187 = vector.broadcast %sub3A_4186 : f32 to vector<16xf32>
      %sub3A_4188 = arith.subf %sub3A_4187, %select_n3A_4182 : vector<16xf32>
      %select_n3A_4189 = arith.select %gt3A_4185, %gather3A_3284, %sub3A_4188 : vector<16xi1>, vector<16xf32>
      %mul3A_4190 = arith.constant 32 : i32
      %mul3A_4191 = arith.muli %add3A_2321, %mul3A_4190 : i32
      %add3A_4192 = arith.constant 16 : i32
      %add3A_4193 = arith.addi %mul3A_4191, %add3A_4192 : i32
      %swap3A_4194 = arith.index_cast %add3A_4193 : i32 to index
      %swap3A_4195 = tpu.vector_load %arg10[%swap3A_4194] {strides = array<i32>} : memref<512xf32, #tpu.memory_space<vmem>>, vector<16xf32>,
      tpu.vector_store %arg10[%swap3A_4194], %select_n3A_4189 {strides = array<i32>} : memref<512xf32, #tpu.memory_space<vmem>>, vector<16xf32>,
    }
    %scan3A_109 = arith.constant 8 : i32
    "tpu.region"() ({
      %run_scoped3A = tpu.sem_alloc : memref<!tpu.dma_semaphore, #tpu.memory_space<semaphore_mem>>
      %dma_start3A_110 = tpu.memref_slice %arg5[%mul3A_2] : memref<16384xf32, #tpu.memory_space<hbm>> -> memref<512xf32, #tpu.memory_space<hbm>>
      %dma_start3A_111 = tpu.memref_slice %arg5[%mul3A_2] : memref<16384xf32, #tpu.memory_space<hbm>> -> memref<512xf32, #tpu.memory_space<hbm>>
      tpu.enqueue_dma source(%arg10 : memref<512xf32, #tpu.memory_space<vmem>>) target(%dma_start3A_111 : memref<512xf32, #tpu.memory_space<hbm>>) target_semaphore(%run_scoped3A : memref<!tpu.dma_semaphore, #tpu.memory_space<semaphore_mem>>)
      %dma_wait3A = tpu.memref_slice %arg5[%mul3A_2] : memref<16384xf32, #tpu.memory_space<hbm>> -> memref<512xf32, #tpu.memory_space<hbm>>
      %dma_wait3A_112 = tpu.memref_slice %arg5[%mul3A_2] : memref<16384xf32, #tpu.memory_space<hbm>> -> memref<512xf32, #tpu.memory_space<hbm>>
      tpu.wait_dma2 semaphore(%run_scoped3A : memref<!tpu.dma_semaphore, #tpu.memory_space<semaphore_mem>>) src(%arg10 : memref<512xf32, #tpu.memory_space<vmem>>) dst(%dma_wait3A_112 : memref<512xf32, #tpu.memory_space<hbm>>)
      tpu.yield
    }) : () -> ()
    return
  }
}

module attributes {stable_mosaic.version = 14 : i64} {
  func.func @_tc_loss_body(%arg0: memref<128x128xf32, #tpu.memory_space<vmem>>, %arg1: memref<1x1xf32, #tpu.memory_space<smem>>) attributes {dimension_semantics = [], scalar_prefetch = 0 : i64, scratch_operands = 0 : i64, tpu.core_type = #tpu.core_type<tc>} {
    %get3A = arith.constant 0 : index
    %get3A_0 = arith.constant 0 : index
    %get3A_1 = vector.load %arg0[%get3A, %get3A_0] : memref<128x128xf32, #tpu.memory_space<vmem>>, vector<128x128xf32>
    %add3A = arith.constant 9.99999993E-9 : f32
    %add3A_2 = vector.broadcast %add3A : f32 to vector<128x128xf32>
    %add3A_3 = arith.addf %get3A_1, %add3A_2 : vector<128x128xf32>
    %lt3A = arith.constant 0.000000e+00 : f32
    %lt3A_4 = vector.broadcast %lt3A : f32 to vector<128x128xf32>
    %lt3A_5 = arith.cmpf olt, %add3A_3, %lt3A_4 : vector<128x128xf32>
    %log3A = math.log %add3A_3 : vector<128x128xf32>
    %jit3A = arith.constant 0.000000e+00 : f32
    %broadcast_in_dim3A = vector.broadcast %jit3A : f32 to vector<128x128xf32>
    %select_n3A = arith.select %lt3A_5, %broadcast_in_dim3A, %log3A : vector<128x128xi1>, vector<128x128xf32>
    %reduce_sum3A = vector.shape_cast %select_n3A : vector<128x128xf32> to vector<1x128x128xf32>
    %reduce_sum3A_6 = arith.constant dense<0.000000e+00> : vector<1xf32>
    %reduce_sum3A_7 = vector.multi_reduction <add>, %reduce_sum3A, %reduce_sum3A_6 [1, 2] : vector<1x128x128xf32> to vector<1xf32>
    %reduce_sum3A_8 = vector.shape_cast %reduce_sum3A_7 : vector<1xf32> to vector<1x1x1xf32>
    %reduce_sum3A_9 = vector.extract %reduce_sum3A_8[0, 0, 0] : f32 from vector<1x1x1xf32>
    %neg3A = arith.constant 0.000000e+00 : f32
    %neg3A_10 = arith.subf %neg3A, %reduce_sum3A_9 : f32
    %swap3A = arith.constant 0 : index
    %swap3A_11 = arith.constant 0 : index
    %swap3A_12 = memref.load %arg1[%swap3A, %swap3A_11] : memref<1x1xf32, #tpu.memory_space<smem>>
    memref.store %neg3A_10, %arg1[%swap3A, %swap3A_11] : memref<1x1xf32, #tpu.memory_space<smem>>
    return
  }
}

</mosaic_0001>

<sc_bundles>
// kernel: kernel.4.cloned.1.call-start
scs
__scs_entry_jumppad:
0x0: {  	(pc) =	sbr.rel $0x88, $3  }
0x1: {  	(tag) =	ssettag $0x0;
	lr =	simm.s32 $0x1  }
0x2: {  	[smem:$0x3F9F] =	sst lr;
	_ =	strace $0xD0000000  }
0x3: {  	_ = 	snop  }
0x4: {  	_ = 	snop  }
0x5: {  	_ = 	snop  }
0x6: {  	_ = 	snop  }
0x7: {  	_ = 	snop  }
__scs_overlays_trampoline_lowered:
0x8: {  	[smem:$0x3FAE] =	sst s0  }
0x9: {  	[smem:$0x3FAF] =	sst s1  }
0xa: {  	[smem:$0x3FB0] =	sst s2  }
0xb: {  	[smem:$0x3FB1] =	sst s3  }
0xc: {  	[smem:$0x3FB2] =	sst s4  }
0xd: {  	[smem:$0x3FB3] =	sst s5  }
0xe: {  	[smem:$0x3FB4] =	sst s6  }
0xf: {  	[smem:$0x3FB5] =	sst s7  }
0x10: {  	[smem:$0x3FB6] =	sst s8  }
0x11: {  	[smem:$0x3FB7] =	sst s9;
	s0 =	simm.s32 @!p0 $0x0  }
0x12: {  	s1 =	sld [smem:$0x3F9D];
	s0 =	simm.s32 @p0 $0x1  }
0x13: {  	[smem:$0x3FB8] =	sst s0;
	s0 =	simm.s32 @!p1 $0x0  }
0x14: {  	s2 =	sld [smem:$0x3F9C];
	s0 =	simm.s32 @p1 $0x1  }
0x15: {  	[smem:$0x3FB9] =	sst s0;
	s0 =	simm.s32 @!p2 $0x0  }
0x16: {  	s3 =	sld [smem:$0x3FDB];
	s0 =	simm.s32 @p2 $0x1  }
0x17: {  	s4 =	simm.s32 $0x1BF5;
	[smem:$0x3FBB] =	sst s0  }
0x18: {  	s0 =	sld [smem:$0x3F9E];
	_ =	swait.ge [sflag:s4], $0x0  }
0x19: {  	s7 =	sld [smem:$0x3F9F]  }
0x1a: {  	s8 =	sadd.s32 $0xFFFFE003, lr  }
0x1b: {  	s9 =	sadd.s32 $0xFFFFFEF7, lr;
	s5 =	simm.s32 $0xFFFFFFFF;
	p2 =	slt.u32 s8, $0xFFFFF086  }
0x1c: {  	p1 =	slt.u32 s9, $0xF7A;
	s5 =	simm.s32 @!p2 $0x0  }
0x1d: {  	s5 =	simm.s32 @p1 $0x1;
	p0 =	seq.s32 s7, s2  }
0x1e: {  	s7 =	smul.u32 @!p0 $0xF7A, s2;
	p2 =	seq.s32 @!p0 s5, $0x0  }
0x1f: {  	s9 =	smul.u32 $0xF7A, s1;
	s8 =	simm.s32 @!p0 $0x1BF5;
	p2 =	por !p2, p0  }
0x20: {  	[sflag:s8] =	ssyncset.s32 @!p0 $0xFFFFF086;
	s6 =	sadd.s32 @!p0 s3, s7;
	s7 =	simm.s32 @!p0 $0x108  }
0x21: {  	s3 =	sadd.s32 s3, s9;
	s6 =	sadd.s32 @!p0 $0x88, s6;
	s7 =	simm.s32 @p2 $0x1082  }
0x22: {  	[simem:s7], [sflag:s8] =	dma.local @!p0 [hbm:s6], $0xF7A  }
0x23: {  	s9 =	sor.u32 $0xD0000000, s2;
	s6 =	simm.s32 $0x108;
	_ =	swait.ge @!p0 [sflag:s8], $0x0  }
0x24: {  	s3 =	sadd.s32 $0x88, s3;
	s6 =	simm.s32 @!p1 $0x1082;
	[sflag:s4] =	ssyncset.s32 $0xFFFFF086  }
0x25: {  	[simem:s6], [sflag:s4] =	dma.local [hbm:s3], $0xF7A  }
0x26: {  	[smem:$0x3F9F] =	sst s1;
	(tag) =	ssettag s2;
	_ =	strace s9  }
0x27: {  	s1 =	sld [smem:$0x3FAF]  }
0x28: {  	s2 =	sld [smem:$0x3FB0]  }
0x29: {  	s4 =	sld [smem:$0x3FB2]  }
0x2a: {  	p0 =	seq.s32 s5, $0x0;
	s5 =	sld [smem:$0x3FB3]  }
0x2b: {  	s6 =	sld [smem:$0x3FB4]  }
0x2c: {  	s7 =	sld [smem:$0x3FB5]  }
0x2d: {  	s3 =	simm.s32 $0x108;
	s8 =	sld [smem:$0x3FB6]  }
0x2e: {  	s3 =	simm.s32 @!p0 $0x1082;
	s9 =	sld [smem:$0x3FB7]  }
0x2f: {  	lr =	sadd.s32 s0, s3;
	s0 =	sld [smem:$0x3FAE]  }
0x30: {  	s3 =	sld [smem:$0x3FB1]  }
0x31: {  	[smem:$0x3FBA] =	sst s10  }
0x32: {  	s10 =	sld [smem:$0x3FB8];
	_ =	sdelay $0x3  }
0x33: {  	p0 =	seq.s32 s10, $0x1;
	s10 =	sld [smem:$0x3FBA];
	_ =	sdelay $0x3  }
0x34: {  	[smem:$0x3FBA] =	sst s10  }
0x35: {  	s10 =	sld [smem:$0x3FB9];
	_ =	sdelay $0x3  }
0x36: {  	p1 =	seq.s32 s10, $0x1;
	s10 =	sld [smem:$0x3FBA];
	_ =	sdelay $0x3  }
0x37: {  	[smem:$0x3FBA] =	sst s10  }
0x38: {  	s10 =	sld [smem:$0x3FBB]  }
0x39: {  	_ = 	snop;
	(pc) =	sbr.ind lr, $3  }
0x3a: {  	_ = 	snop  }
0x3b: {  	_ = 	snop  }
0x3c: {  	p2 =	seq.s32 s10, $0x1;
	s10 =	sld [smem:$0x3FBA]  }
0x3d: {  	_ =	shalt  }
0x3e: {  	_ =	shalt  }
0x3f: {  	_ =	shalt  }
0x40: {  	_ =	shalt  }
0x41: {  	_ =	shalt  }
0x42: {  	_ =	shalt  }
0x43: {  	_ =	shalt  }
0x44: {  	_ =	shalt  }
0x45: {  	_ =	shalt  }
0x46: {  	_ =	shalt  }
0x47: {  	_ =	shalt  }
0x48: {  	_ =	shalt  }
0x49: {  	_ =	shalt  }
0x4a: {  	_ =	shalt  }
0x4b: {  	_ =	shalt  }
0x4c: {  	_ =	shalt  }
0x4d: {  	_ =	shalt  }
0x4e: {  	_ =	shalt  }
0x4f: {  	_ =	shalt  }
0x50: {  	_ =	shalt  }
0x51: {  	_ =	shalt  }
0x52: {  	_ =	shalt  }
0x53: {  	_ =	shalt  }
0x54: {  	_ =	shalt  }
0x55: {  	_ =	shalt  }
0x56: {  	_ =	shalt  }
0x57: {  	_ =	shalt  }
0x58: {  	_ =	shalt  }
0x59: {  	_ =	shalt  }
0x5a: {  	_ =	shalt  }
0x5b: {  	_ =	shalt  }
0x5c: {  	_ =	shalt  }
0x5d: {  	_ =	shalt  }
0x5e: {  	_ =	shalt  }
0x5f: {  	_ =	shalt  }
0x60: {  	_ =	shalt  }
0x61: {  	_ =	shalt  }
0x62: {  	_ =	shalt  }
0x63: {  	_ =	shalt  }
0x64: {  	_ =	shalt  }
0x65: {  	_ =	shalt  }
0x66: {  	_ =	shalt  }
0x67: {  	_ =	shalt  }
0x68: {  	_ =	shalt  }
0x69: {  	_ =	shalt  }
0x6a: {  	_ =	shalt  }
0x6b: {  	_ =	shalt  }
0x6c: {  	_ =	shalt  }
0x6d: {  	_ =	shalt  }
0x6e: {  	_ =	shalt  }
0x6f: {  	_ =	shalt  }
0x70: {  	_ =	shalt  }
0x71: {  	_ =	shalt  }
0x72: {  	_ =	shalt  }
0x73: {  	_ =	shalt  }
0x74: {  	_ =	shalt  }
0x75: {  	_ =	shalt  }
0x76: {  	_ =	shalt  }
0x77: {  	_ =	shalt  }
0x78: {  	_ =	shalt  }
0x79: {  	_ =	shalt  }
0x7a: {  	_ =	shalt  }
0x7b: {  	_ =	shalt  }
0x7c: {  	_ =	shalt  }
0x7d: {  	_ =	shalt  }
0x7e: {  	_ =	shalt  }
0x7f: {  	_ =	shalt  }
0x80: {  	_ =	shalt  }
0x81: {  	_ =	shalt  }
0x82: {  	_ =	shalt  }
0x83: {  	_ =	shalt  }
0x84: {  	_ =	shalt  }
0x85: {  	_ =	shalt  }
0x86: {  	_ =	shalt  }
0x87: {  	_ =	shalt  }
.Lfunc_end0:
.L_simem_size_0:
called_computation_lowered:
.L_overlay_start_0:
0x88: {  	s2 =	sld [smem:$0x3FD9]  }
0x89: {  	s3 =	sld [smem:$0x3FFE];
	_ =	sdelay $0x1  }
0x8a: {  	s1 =	srdreg.scid  }
0x8b: {  	s0 =	sand.u32 $0x1, s1  }
0x8c: {  	s17 =	sshll.u32 s0, $0xA;
	s2 =	sadd.s32 s3, s2  }
0x8d: {  	s2 =	sadd.s32 s2, s17  }
0x8e: {  	[smem:$0x3FC6] =	sst s2  }
0x8f: {  	_ = 	snop  }
0x90: {  	s2 =	sld [smem:$0x3FC9];
	(tm) =	ssettm $0x1  }
0x91: {  	s18 =	sld [smem:$0x3FFB];
	_ =	sdelay $0x3  }
0x92: {  	_ =	strace s18  }
0x93: {  	s3 =	sld [smem:$0x3FFC];
	_ =	sdelay $0x3  }
0x94: {  	_ =	strace s3  }
0x95: {  	s3 =	sld [smem:$0x3FFD];
	_ =	sdelay $0x3  }
0x96: {  	_ =	strace s3  }
0x97: {  	_ =	strace $0x8FFFFFFF  }
0x98: {  	s19 =	sld [smem:$0x3FDB];
	_ =	sdelay $0x1  }
0x99: {  	s4 =	simm.s32 $_scs_section_size  }
0x9a: {  	s5 =	simm.s32 $_size__tile_overlayer_lowered;
	s6 =	simm.s32 $_tile_overlayer_lowered  }
0x9b: {  	s22 =	simm.s32 $0x1BFF;
	s21 =	sshll.u32 s6, $0x1;
	s3 =	sadd.s32 s4, s19  }
0x9c: {  	s7 =	simm.s32 $0x0;
	s20 =	sshll.u32 s5, $0x1;
	s5 =	sadd.s32 s21, s3  }
0x9d: {  	[timem:s7], [sflag:s22] =	dma.local [hbm:s5], s20  }
0x9e: {  	_ =	swait.ge [sflag:s22], s20  }
0x9f: {  	s4 =	ssub.s32 $0x0, s20;
	[sflag:s22] =	ssyncset.done $0x0  }
0xa0: {  	[sflag:s22] =	ssyncadd.s32 s4;
	_ =	sdelay $0x1  }
0xa1: {  	s23 =	simm.s32 $0x1B8B  }
0xa2: {  	_ =	swait.ge [sflag:s23], $0x1  }
0xa3: {  	[sflag:s23] =	ssyncset.done $0x0  }
0xa4: {  	s25 =	simm.s32 $0x1B8E;
	s24 =	sld [smem:$0x3FFE];
	[sflag:s23] =	ssyncadd.s32 $0xFFFFFFFF  }
0xa5: {  	s26 =	simm.s32 $execute0_lowered;
	[smem:$0x3FD2] =	sst s25  }
0xa6: {  	s5 =	sshll.u32 s26, $0x1;
	_ =	strace $0x80000046;
	[dreg:$0x1] =	wrdreg $0xFFFFFFFF  }
0xa7: {  	s28 =	simm.s32 $_size_execute0_lowered;
	s3 =	sadd.s32 s3, s5;
	[dreg:$0x0] =	wrdreg $0x0  }
0xa8: {  	s5 =	sshll.u32 s28, $0x1;
	[dreg:$0x2] =	wrdreg s3  }
0xa9: {  	[dreg:$0x3] =	wrdreg s5  }
0xaa: {  	[dreg:$0x4] =	wrdreg $0xC0  }
0xab: {  	_ =	task [dreg:s7], $0x5FFFF  }
0xac: {  	[dreg:$0x1] =	wrdreg $0xFFFFFFFF  }
0xad: {  	[dreg:$0x0] =	wrdreg $0x60  }
0xae: {  	[dreg:$0x2] =	wrdreg s2  }
0xaf: {  	[dreg:$0x3] =	wrdreg s24  }
0xb0: {  	[dreg:$0x4] =	wrdreg $0x9  }
0xb1: {  	_ =	task.clear_ibuf [dreg:s7], $0x5FFFF;
	_ =	strace $0x90000046  }
0xb2: {  	s29 =	simm.s32 $0x9;
	_ =	strace $0x80000048  }
0xb3: {  	_ =	swait.ge [sflag:s29], $0x1  }
0xb4: {  	[sflag:s29] =	ssyncadd.s32 $0xFFFFFFFF  }
0xb5: {  	_ =	strace $0x90000048  }
0xb6: {  	_ =	sfence  }
0xb7: {  	s30 =	sld [smem:$0x0];
	_ =	sdelay $0x2  }
0xb8: {  	s31 =	sshll.u32 s1, $0xD;
	s1 =	sshrl.u32 s1, $0x2  }
0xb9: {  	s3 =	sand.u32 $0x4000, s31;
	s1 =	sadd.s32 s1, s30  }
0xba: {  	s0 =	sor.u32 s3, s0;
	s1 =	sshll.u32 s1, $0x11  }
0xbb: {  	s0 =	sor.u32 s1, s0  }
0xbc: {  	s0 =	sadd.s32 $0x8F2B, s0  }
0xbd: {  	[sflag:s0] =	ssyncadd.remote.s32 $0x1  }
0xbe: {  	_ =	sfence.sel $0xFFFF  }
0xbf: {  	[dreg:$0x0] =	wrdreg $0xFFFFFFFF;
	(pc) =	sbr.abs _section_cstart, $3  }
0xc0: {  	[dreg:$0x1] =	wrdreg $0xFFFFFFFF  }
0xc1: {  	_ =	task.clear_ibuf [dreg:s7], $0x2FFFF;
	_ =	strace $0x9FFFFFFF  }
0xc2: {  	(tm) =	ssettm $0x7FFFFFFF  }
0xc3: {  	_ =	shalt  }
tec
execute0_lowered:
.L_overlay_start_1:
0x0: {  	(tag) =	ssettag $0x1  }
0x1: {  	s0 =	rddreg [dreg:$0x0]  }
0x2: {  	s1 =	rddreg [dreg:$0x1]  }
0x3: {  	s2 =	srdreg.scid;
	s16 =	stileid.u32  }
0x4: {  	s20 =	simm.s32 $0x9000;
	s21 =	simm.s32 $0xA000;
	s22 =	simm.s32 $0xB000  }
0x5: {  	s23 =	simm.s32 $0xC000;
	s15 =	sand.u32 $0x1, s2;
	s2 =	simm.s32 $0x0  }
0x6: {  	s24 =	simm.s32 $0xD000;
	s25 =	simm.s32 $0xE000;
	[smem:$0x7FF] =	sst s2  }
0x7: {  	s26 =	simm.s32 $0xF000;
	_ =	strace $0x80000047;
	[dreg:$0x3] =	wrdreg s20  }
0x8: {  	s28 =	simm.s32 $0x7000;
	s29 =	simm.s32 $0x1;
	[dreg:$0x4] =	wrdreg s21  }
0x9: {  	s30 =	simm.s32 $0x10400;
	s31 =	simm.s32 $0x0;
	[dreg:$0x5] =	wrdreg s22  }
0xa: {  	s3 =	sshll.u32 s16, $0xA;
	s18 =	sshll.u32 s16, $0x13;
	[dreg:$0x6] =	wrdreg s23  }
0xb: {  	s4 =	sshll.u32 s15, $0x9;
	s14 =	ssub.s32 $0x2, s15;
	[dreg:$0x7] =	wrdreg s24  }
0xc: {  	s19 =	sshll.u32 s15, $0x12;
	s3 =	sor.u32 s4, s3;
	[dreg:$0x8] =	wrdreg s25  }
0xd: {  	s6 =	sshrl.u32 s14, $0x1;
	s20 =	simm.s32 $0x8000;
	[dreg:$0x9] =	wrdreg s26  }
0xe: {  	s26 =	simm.s32 $0x6000;
	s5 =	sshrl.u32 s3, $0x3;
	s17 =	sshll.u32 s3, $0x9  }
0xf: {  	v0 =	vlaneseq.u32;
	vm0 =	vmmov $0x1;
	vm1 =	vmmov $0x3;
	s14 =	ssub.s32 s14, s6;
	s1 =	sadd.s32 s5, s1;
	s5 =	sadd.s32 s0, s17  }
0x10: {  	vm2 =	vmmov $0x7;
	vm3 =	vmmov $0xf;
	vm4 =	vmmov $0x1f;
	s14 =	smax.u32 s14, $0x1;
	s0 =	sadd.s32 s18, s0;
	s17 =	simm.s32 $0x2  }
0x11: {  	vm5 =	vmmov $0x3f;
	vm6 =	vmmov $0x7f;
	v0 =	vmul.u32 $0x80, v0;
	s3 =	sadd.s32 $0x1000, s1;
	s4 =	sadd.s32 $0x800, s1;
	s6 =	sadd.s32 $0x200, s5  }
0x12: {  	vm7 =	vmmov $0xff;
	vm8 =	vmmov $0x1ff;
	vm9 =	vmmov $0x3ff;
	s7 =	sadd.s32 $0x400, s5;
	s8 =	sadd.s32 $0x600, s5;
	s9 =	sadd.s32 $0x800, s5  }
0x13: {  	vm10 =	vmmov $0x7ff;
	vm11 =	vmmov $0xfff;
	[tilespmem:$0x1FFE0] =	vst v0;
	v8 =	vor.u32 $0x800, v0;
	s10 =	sadd.s32 $0xA00, s5;
	s11 =	sadd.s32 $0xC00, s5;
	s12 =	sadd.s32 $0xE00, s5  }
0x14: {  	vm12 =	vmmov $0x1fff;
	vm13 =	vmmov $0x3fff;
	vm14 =	vmmov $0x7fff;
	[tilespmem:$0x1FFF0] =	vst v8;
	s13 =	sadd.s32 $0x1800, s1;
	s15 =	sadd.s32 s19, s0;
	s19 =	simm.s32 $0x400  }
.LBB2_1:
0x15: {  	s0 =	simm.s32 $0x10000  }
0x16: {  	[tilespmem:s0], [sflag:$0x2] =	stream.linear.gather [hbm4b:s3+s2], $0x200, $0x38;
	[tilespmem:$0x10600] =	vst v63  }
0x17: {  	_ =	swait.ge [sflag:s17], $0x200  }
0x18: {  	[sflag:s17] =	ssyncset.done $0x0  }
0x19: {  	s18 =	simm.s32 $0x10200;
	[sflag:s17] =	ssyncadd.s32 $0xFFFFFE00  }
0x1a: {  	[tilespmem:s18], [sflag:$0x2] =	stream.linear.gather [hbm4b:s4+s2], $0x200, $0x38;
	[tilespmem:$0x10600] =	vst v63  }
0x1b: {  	_ =	swait.ge [sflag:s17], $0x200  }
0x1c: {  	[sflag:s17] =	ssyncset.done $0x0  }
0x1d: {  	[sflag:s17] =	ssyncadd.s32 $0xFFFFFE00  }
0x1e: {  	[tilespmem:s2], [sflag:$0x1] =	stream.strided.gather [hbm4b:s5+s19], $0x1000, s20, s19, $0x38;
	[tilespmem:$0x10600] =	vst v63  }
0x1f: {  	s21 =	simm.s32 $0x1000  }
0x20: {  	[tilespmem:s21], [sflag:$0x1] =	stream.strided.gather [hbm4b:s6+s19], $0x1000, s20, s19, $0x38;
	[tilespmem:$0x10600] =	vst v63  }
0x21: {  	s22 =	simm.s32 $0x2000  }
0x22: {  	[tilespmem:s22], [sflag:$0x1] =	stream.strided.gather [hbm4b:s7+s19], $0x1000, s20, s19, $0x38;
	[tilespmem:$0x10600] =	vst v63  }
0x23: {  	s23 =	simm.s32 $0x3000  }
0x24: {  	[tilespmem:s23], [sflag:$0x1] =	stream.strided.gather [hbm4b:s8+s19], $0x1000, s20, s19, $0x38;
	[tilespmem:$0x10600] =	vst v63  }
0x25: {  	s24 =	simm.s32 $0x4000  }
0x26: {  	[tilespmem:s24], [sflag:$0x1] =	stream.strided.gather [hbm4b:s9+s19], $0x1000, s20, s19, $0x38;
	[tilespmem:$0x10600] =	vst v63  }
0x27: {  	s25 =	simm.s32 $0x5000  }
0x28: {  	[tilespmem:s25], [sflag:$0x1] =	stream.strided.gather [hbm4b:s10+s19], $0x1000, s20, s19, $0x38;
	[tilespmem:$0x10600] =	vst v63  }
0x29: {  	s1 =	simm.s32 $0x10220  }
0x2a: {  	[tilespmem:s26], [sflag:$0x1] =	stream.strided.gather [hbm4b:s11+s19], $0x1000, s20, s19, $0x38;
	[tilespmem:$0x10600] =	vst v63  }
0x2b: {  	s16 =	simm.s32 $0x10420;
	s0 =	simm.s32 $0x10020;
	s18 =	simm.s32 $0x0  }
0x2c: {  	[tilespmem:s28], [sflag:$0x1] =	stream.strided.gather [hbm4b:s12+s19], $0x1000, s20, s19, $0x38;
	[tilespmem:$0x10600] =	vst v63  }
.LBB2_2:
0x2d: {  	_ =	swait.ge [sflag:s29], $0x1000  }
0x2e: {  	[sflag:s29] =	ssyncset.done $0x0  }
0x2f: {  	[sflag:s29] =	ssyncadd.s32 $0xFFFFF000  }
0x30: {  	_ =	swait.ge [sflag:s29], $0x1000  }
0x31: {  	[sflag:s29] =	ssyncset.done $0x0  }
0x32: {  	[sflag:s29] =	ssyncadd.s32 $0xFFFFF000  }
0x33: {  	_ =	swait.ge [sflag:s29], $0x1000  }
0x34: {  	[sflag:s29] =	ssyncset.done $0x0  }
0x35: {  	[sflag:s29] =	ssyncadd.s32 $0xFFFFF000  }
0x36: {  	_ =	swait.ge [sflag:s29], $0x1000  }
0x37: {  	[sflag:s29] =	ssyncset.done $0x0  }
0x38: {  	[sflag:s29] =	ssyncadd.s32 $0xFFFFF000  }
0x39: {  	_ =	swait.ge [sflag:s29], $0x1000  }
0x3a: {  	[sflag:s29] =	ssyncset.done $0x0  }
0x3b: {  	[sflag:s29] =	ssyncadd.s32 $0xFFFFF000  }
0x3c: {  	_ =	swait.ge [sflag:s29], $0x1000  }
0x3d: {  	[sflag:s29] =	ssyncset.done $0x0  }
0x3e: {  	[sflag:s29] =	ssyncadd.s32 $0xFFFFF000  }
0x3f: {  	_ =	swait.ge [sflag:s29], $0x1000  }
0x40: {  	[sflag:s29] =	ssyncset.done $0x0  }
0x41: {  	[sflag:s29] =	ssyncadd.s32 $0xFFFFF000  }
0x42: {  	_ =	swait.ge [sflag:s29], $0x1000  }
0x43: {  	s21 =	sadd.s32 s18, s15;
	[sflag:s29] =	ssyncset.done $0x0  }
0x44: {  	s22 =	sadd.s32 $0x4000, s21;
	[sflag:s29] =	ssyncadd.s32 $0xFFFFF000  }
0x45: {  	[tilespmem:s20], [sflag:$0x1] =	stream.strided.gather [hbm4b:s22+s19], $0x1000, s20, s19, $0x38;
	[tilespmem:$0x10600] =	vst v63  }
0x46: {  	s25 =	sadd.s32 $0x4200, s21;
	s23 =	rddreg [dreg:$0x3]  }
0x47: {  	[tilespmem:s23], [sflag:$0x1] =	stream.strided.gather [hbm4b:s25+s19], $0x1000, s20, s19, $0x38;
	[tilespmem:$0x10600] =	vst v63  }
0x48: {  	s24 =	rddreg [dreg:$0x4];
	s25 =	sadd.s32 $0x4400, s21  }
0x49: {  	[tilespmem:s24], [sflag:$0x1] =	stream.strided.gather [hbm4b:s25+s19], $0x1000, s20, s19, $0x38;
	[tilespmem:$0x10600] =	vst v63  }
0x4a: {  	s23 =	rddreg [dreg:$0x5];
	s25 =	sadd.s32 $0x4600, s21  }
0x4b: {  	[tilespmem:s23], [sflag:$0x1] =	stream.strided.gather [hbm4b:s25+s19], $0x1000, s20, s19, $0x38;
	[tilespmem:$0x10600] =	vst v63  }
0x4c: {  	s24 =	rddreg [dreg:$0x6];
	s25 =	sadd.s32 $0x4800, s21  }
0x4d: {  	[tilespmem:s24], [sflag:$0x1] =	stream.strided.gather [hbm4b:s25+s19], $0x1000, s20, s19, $0x38;
	[tilespmem:$0x10600] =	vst v63  }
0x4e: {  	s23 =	rddreg [dreg:$0x7];
	s25 =	sadd.s32 $0x4A00, s21  }
0x4f: {  	[tilespmem:s23], [sflag:$0x1] =	stream.strided.gather [hbm4b:s25+s19], $0x1000, s20, s19, $0x38;
	[tilespmem:$0x10600] =	vst v63  }
0x50: {  	s24 =	rddreg [dreg:$0x8];
	s23 =	sadd.s32 $0x4C00, s21  }
0x51: {  	[tilespmem:s24], [sflag:$0x1] =	stream.strided.gather [hbm4b:s23+s19], $0x1000, s20, s19, $0x38;
	[tilespmem:$0x10600] =	vst v63  }
0x52: {  	s25 =	rddreg [dreg:$0x9];
	s21 =	sadd.s32 $0x4E00, s21  }
0x53: {  	[tilespmem:s25], [sflag:$0x1] =	stream.strided.gather [hbm4b:s21+s19], $0x1000, s20, s19, $0x38;
	[tilespmem:$0x10600] =	vst v63  }
0x54: {  	v0 =	vld [tilespmem:s1+$0xFFFFFFE0]  }
0x55: {  	v3 =	vld [tilespmem:$0x0]  }
0x56: {  	v4 =	vld [tilespmem:$0x1000]  }
0x57: {  	v5 =	vld [tilespmem:$0x2000]  }
0x58: {  	v6 =	vld [tilespmem:$0x3000]  }
0x59: {  	v7 =	vld [tilespmem:$0x4000]  }
0x5a: {  	v8 =	vld [tilespmem:$0x5000]  }
0x5b: {  	v40 =	vld [tilespmem:$0x6000]  }
0x5c: {  	v58 =	vld [tilespmem:$0x7000]  }
0x5d: {  	v11 =	vld [tilespmem:$0x80]  }
0x5e: {  	v12 =	vld [tilespmem:$0x1080]  }
0x5f: {  	v13 =	vld [tilespmem:$0x2080]  }
0x60: {  	v14 =	vld [tilespmem:$0x3080]  }
0x61: {  	v15 =	vld [tilespmem:$0x4080]  }
0x62: {  	v16 =	vld [tilespmem:$0x5080]  }
0x63: {  	v17 =	vld [tilespmem:$0x6080]  }
0x64: {  	v49 =	vld [tilespmem:$0x7080]  }
0x65: {  	v19 =	vld [tilespmem:$0x100]  }
0x66: {  	v20 =	vld [tilespmem:$0x1100]  }
0x67: {  	v21 =	vld [tilespmem:$0x2100]  }
0x68: {  	v22 =	vld [tilespmem:$0x3100]  }
0x69: {  	v23 =	vld [tilespmem:$0x4100]  }
0x6a: {  	v24 =	vld [tilespmem:$0x5100]  }
0x6b: {  	v25 =	vld [tilespmem:$0x6100]  }
0x6c: {  	v26 =	vld [tilespmem:$0x7100]  }
0x6d: {  	v27 =	vld [tilespmem:$0x180]  }
0x6e: {  	v28 =	vld [tilespmem:$0x1180]  }
0x6f: {  	v29 =	vld [tilespmem:$0x2180]  }
0x70: {  	v30 =	vld [tilespmem:$0x3180]  }
0x71: {  	v31 =	vld [tilespmem:$0x4180]  }
0x72: {  	v32 =	vld [tilespmem:$0x5180]  }
0x73: {  	v33 =	vld [tilespmem:$0x6180]  }
0x74: {  	v34 =	vld [tilespmem:$0x7180]  }
0x75: {  	v35 =	vld [tilespmem:$0x200]  }
0x76: {  	v36 =	vld [tilespmem:$0x1200]  }
0x77: {  	v37 =	vld [tilespmem:$0x2200]  }
0x78: {  	v38 =	vld [tilespmem:$0x3200]  }
0x79: {  	v50 =	vld [tilespmem:$0x4200]  }
0x7a: {  	v59 =	vld [tilespmem:$0x5200]  }
0x7b: {  	v60 =	vld [tilespmem:$0x6200]  }
0x7c: {  	v61 =	vld [tilespmem:$0x7200]  }
0x7d: {  	v43 =	vld [tilespmem:$0x280]  }
0x7e: {  	v44 =	vld [tilespmem:$0x1280]  }
0x7f: {  	v45 =	vld [tilespmem:$0x2280]  }
0x80: {  	v46 =	vld [tilespmem:$0x3280]  }
0x81: {  	v47 =	vld [tilespmem:$0x4280]  }
0x82: {  	v48 =	vld [tilespmem:$0x5280]  }
0x83: {  	v62 =	vld [tilespmem:$0x6280]  }
0x84: {  	v63 =	vld [tilespmem:$0x7280]  }
0x85: {  	v51 =	vld [tilespmem:$0x300]  }
0x86: {  	v52 =	vld [tilespmem:$0x1300]  }
0x87: {  	v53 =	vld [tilespmem:$0x2300]  }
0x88: {  	v54 =	vld [tilespmem:$0x3300]  }
0x89: {  	v55 =	vld [tilespmem:$0x4300]  }
0x8a: {  	v56 =	vld [tilespmem:$0x5300]  }
0x8b: {  	v57 =	vld [tilespmem:$0x6300]  }
0x8c: {  	v18 =	vld [tilespmem:$0x6380]  }
0x8d: {  	v42 =	vld [tilespmem:$0x7380]  }
0x8e: {  	v39 =	vld [tilespmem:$0x400]  }
0x8f: {  	v10 =	vld [tilespmem:$0x1400]  }
0x90: {  	v41 =	vld [tilespmem:$0x2400]  }
0x91: {  	v1 =	vld [tilespmem:$0x3400]  }
0x92: {  	v9 =	vld [tilespmem:$0x4400]  }
0x93: {  	v2 =	vld [tilespmem:$0x480]  }
0x94: {  	[tilespmem:$0x1FD20] =	vst v58;
	v58 =	vld [tilespmem:$0x7300]  }
0x95: {  	[tilespmem:$0x1FD30] =	vst v59;
	v59 =	vld [tilespmem:$0x380]  }
0x96: {  	[tilespmem:$0x1FD40] =	vst v60;
	v60 =	vld [tilespmem:$0x1380]  }
0x97: {  	[tilespmem:$0x1FD60] =	vst v61;
	v61 =	vld [tilespmem:$0x2380]  }
0x98: {  	[tilespmem:$0x1FD50] =	vst v62;
	v62 =	vld [tilespmem:$0x3380]  }
0x99: {  	[tilespmem:$0x1FD70] =	vst v63;
	v63 =	vld [tilespmem:$0x4380]  }
0x9a: {  	[tilespmem:$0x1FDD0] =	vst v0;
	v0 =	vld [tilespmem:$0x5380]  }
0x9b: {  	[tilespmem:$0x1FD90] =	vst v9;
	v9 =	vld [tilespmem:$0x5400]  }
0x9c: {  	[tilespmem:$0x1FD80] =	vst v1;
	v1 =	vld [tilespmem:$0x1480]  }
0x9d: {  	v3 =	vadd.f32 v4, v3;
	v4 =	vld [tilespmem:$0x3480]  }
0x9e: {  	v11 =	vadd.f32 v12, v11;
	v12 =	vld [tilespmem:$0x4480]  }
0x9f: {  	v28 =	vadd.f32 v28, v27;
	v27 =	vld [tilespmem:$0x2580]  }
0xa0: {  	v36 =	vadd.f32 v36, v35;
	v35 =	vld [tilespmem:$0x600]  }
0xa1: {  	v10 =	vadd.f32 v10, v39;
	v39 =	vld [tilespmem:$0x7600]  }
0xa2: {  	v3 =	vadd.f32 v5, v3;
	v5 =	vadd.f32 v20, v19;
	v19 =	vld [tilespmem:$0x5480]  }
0xa3: {  	v20 =	vld [tilespmem:$0x6480]  }
0xa4: {  	v11 =	vadd.f32 v13, v11;
	v13 =	vadd.f32 v29, v28;
	v29 =	vld [tilespmem:$0x3580]  }
0xa5: {  	v3 =	vadd.f32 v6, v3;
	v6 =	vld [tilespmem:$0x7480]  }
0xa6: {  	v11 =	vadd.f32 v14, v11;
	v14 =	vld [tilespmem:$0x500]  }
0xa7: {  	v5 =	vadd.f32 v21, v5;
	v21 =	vld [tilespmem:$0x5500]  }
0xa8: {  	[tilespmem:$0x1FDA0] =	vst v9;
	v9 =	vld [tilespmem:$0x6400]  }
0xa9: {  	v3 =	vadd.f32 v7, v3;
	v7 =	vld [tilespmem:$0x1500]  }
0xaa: {  	v13 =	vadd.f32 v30, v13;
	v11 =	vadd.f32 v15, v11;
	v15 =	vld [tilespmem:$0x2500]  }
0xab: {  	v5 =	vadd.f32 v22, v5;
	v22 =	vld [tilespmem:$0x7500]  }
0xac: {  	v13 =	vadd.f32 v31, v13;
	v31 =	vld [tilespmem:$0x4580]  }
0xad: {  	v3 =	vadd.f32 v8, v3;
	v8 =	vld [tilespmem:$0x3500]  }
0xae: {  	v11 =	vadd.f32 v16, v11;
	v16 =	vld [tilespmem:$0x4500]  }
0xaf: {  	v13 =	vadd.f32 v32, v13;
	v32 =	vld [tilespmem:$0x1FD20]  }
0xb0: {  	v5 =	vadd.f32 v23, v5;
	v23 =	vld [tilespmem:$0x580]  }
0xb1: {  	[tilespmem:$0x1FDB0] =	vst v9;
	v9 =	vld [tilespmem:$0x7400]  }
0xb2: {  	v11 =	vadd.f32 v17, v11;
	v17 =	vld [tilespmem:$0x6500]  }
0xb3: {  	v3 =	vadd.f32 v40, v3;
	v13 =	vadd.f32 v33, v13;
	v33 =	vld [tilespmem:$0x6580]  }
0xb4: {  	v40 =	vadd.f32 v44, v43;
	v43 =	vadd.f32 v52, v51;
	v51 =	vld [tilespmem:$0x1FD70]  }
0xb5: {  	v52 =	vld [tilespmem:$0x680]  }
0xb6: {  	v5 =	vadd.f32 v24, v5;
	v44 =	vadd.f32 v60, v59;
	v59 =	vld [tilespmem:$0x4680]  }
0xb7: {  	v60 =	vld [tilespmem:$0x1FD90]  }
0xb8: {  	v24 =	vadd.f32 v37, v36;
	v5 =	vadd.f32 v25, v5;
	v25 =	vld [tilespmem:$0x1580]  }
0xb9: {  	v13 =	vadd.f32 v34, v13;
	v34 =	vld [tilespmem:$0x7580]  }
0xba: {  	v24 =	vadd.f32 v38, v24;
	v38 =	vld [tilespmem:$0x3600]  }
0xbb: {  	v11 =	vadd.f32 v49, v11;
	v49 =	vld [tilespmem:$0x1FD50]  }
0xbc: {  	v28 =	vadd.f32 v53, v43;
	v53 =	vld [tilespmem:$0x1680]  }
0xbd: {  	v30 =	vadd.f32 v61, v44;
	v61 =	vld [tilespmem:$0x5680]  }
0xbe: {  	v10 =	vadd.f32 v41, v10;
	v43 =	vld [tilespmem:$0x2700]  }
0xbf: {  	v7 =	vadd.f32 v7, v14;
	v3 =	vadd.f32 v32, v3;
	v32 =	vld [tilespmem:$0x5580]  }
0xc0: {  	v5 =	vadd.f32 v26, v5;
	v26 =	vadd.f32 v45, v40;
	v45 =	vld [tilespmem:$0x1FD30]  }
0xc1: {  	v7 =	vadd.f32 v15, v7;
	v24 =	vadd.f32 v50, v24;
	v50 =	vld [tilespmem:$0x1FD60]  }
0xc2: {  	v1 =	vadd.f32 v1, v2;
	v28 =	vadd.f32 v54, v28;
	v40 =	vld [tilespmem:$0x5600]  }
0xc3: {  	v30 =	vadd.f32 v62, v30;
	v62 =	vld [tilespmem:$0x1FDA0];
	v7 =	vadd.f32 v8, v7  }
0xc4: {  	[tilespmem:$0x1FDC0] =	vst v9;
	v9 =	vld [tilespmem:$0x2480];
	v26 =	vadd.f32 v46, v26;
	v28 =	vadd.f32 v55, v28  }
0xc5: {  	v46 =	vld [tilespmem:$0x1600];
	v30 =	vadd.f32 v63, v30;
	v54 =	vadd.f32 v25, v23  }
0xc6: {  	v55 =	vld [tilespmem:$0x2680];
	v7 =	vadd.f32 v16, v7;
	v2 =	vadd.f32 v53, v52  }
0xc7: {  	v63 =	vld [tilespmem:$0x700];
	v26 =	vadd.f32 v47, v26;
	v28 =	vadd.f32 v56, v28  }
0xc8: {  	v41 =	vld [tilespmem:$0x1FDC0];
	v0 =	vadd.f32 v0, v30;
	v24 =	vadd.f32 v45, v24  }
0xc9: {  	v16 =	vld [tilespmem:$0x7680];
	v7 =	vadd.f32 v21, v7;
	v26 =	vadd.f32 v48, v26  }
0xca: {  	v56 =	vld [tilespmem:$0x1FD80];
	v28 =	vadd.f32 v57, v28;
	v0 =	vadd.f32 v18, v0  }
0xcb: {  	v52 =	vld [tilespmem:$0x5700];
	v1 =	vadd.f32 v9, v1;
	v7 =	vadd.f32 v17, v7  }
0xcc: {  	v47 =	vld [tilespmem:$0x2600];
	v44 =	vadd.f32 v46, v35;
	v2 =	vadd.f32 v55, v2  }
0xcd: {  	v30 =	vld [tilespmem:$0x4600];
	v26 =	vadd.f32 v49, v26;
	v28 =	vadd.f32 v58, v28  }
0xce: {  	v48 =	vld [tilespmem:$0x1FD40];
	v0 =	vadd.f32 v42, v0;
	v58 =	vadd.f32 v27, v54  }
0xcf: {  	v45 =	vld [tilespmem:$0x2780];
	v1 =	vadd.f32 v4, v1;
	v10 =	vadd.f32 v56, v10  }
0xd0: {  	v57 =	vld [tilespmem:$0x3680];
	v7 =	vadd.f32 v22, v7;
	v4 =	vadd.f32 v29, v58  }
0xd1: {  	v42 =	vld [tilespmem:$0x1780];
	v47 =	vadd.f32 v47, v44;
	v26 =	vadd.f32 v51, v26  }
0xd2: {  	v1 =	vadd.f32 v12, v1;
	v29 =	vld [tilespmem:$0x1FDB0];
	v4 =	vadd.f32 v31, v4  }
0xd3: {  	v24 =	vadd.f32 v48, v24;
	v10 =	vadd.f32 v60, v10;
	v31 =	vld [tilespmem:$0x1700]  }
0xd4: {  	(xrf2) =	vadd.scan.msk.f32 $0xffff, v3;
	v3 =	vadd.f32 v38, v47;
	v4 =	vadd.f32 v32, v4;
	v32 =	vld [tilespmem:$0x780]  }
0xd5: {  	v18 =	vld [tilespmem:$0x6600];
	v2 =	vadd.f32 v57, v2;
	v1 =	vadd.f32 v19, v1  }
0xd6: {  	v46 =	vld [tilespmem:$0x3700];
	v24 =	vadd.f32 v50, v24;
	v10 =	vadd.f32 v62, v10  }
0xd7: {  	v49 =	vld [tilespmem:$0x4700];
	v3 =	vadd.f32 v30, v3;
	v2 =	vadd.f32 v59, v2  }
0xd8: {  	v48 =	vld [tilespmem:$0x3780];
	v1 =	vadd.f32 v20, v1;
	v19 =	vadd.f32 v31, v63  }
0xd9: {  	(xrf2) =	vadd.scan.msk.f32 $0xffff, v11;
	v54 =	vld [tilespmem:$0x5780];
	v10 =	vadd.f32 v29, v10;
	v17 =	vadd.f32 v42, v32  }
0xda: {  	(xrf2) =	vadd.scan.msk.f32 $0xffff, v5;
	v51 =	vld [tilespmem:$0x4780];
	v3 =	vadd.f32 v40, v3;
	v50 =	vadd.f32 v43, v19  }
0xdb: {  	(xrf2) =	vadd.scan.msk.f32 $0xffff, v13;
	v12 =	vld [tilespmem:$0x6680];
	v57 =	vadd.f32 v61, v2;
	v53 =	vadd.f32 v45, v17  }
0xdc: {  	v60 =	vld [tilespmem:$0x1FDD0];
	(xrf2) =	vadd.scan.msk.f32 $0xffff, v24;
	v1 =	vadd.f32 v6, v1;
	v5 =	vadd.f32 v46, v50  }
0xdd: {  	v55 =	vld [tilespmem:$0x6700];
	v4 =	vadd.f32 v33, v4;
	(xrf2) =	vadd.scan.msk.f32 $0xffff, v26;
	v15 =	vadd.f32 v48, v53  }
0xde: {  	v56 =	vld [tilespmem:$0x6780];
	v10 =	vadd.f32 v41, v10;
	(xrf2) =	vadd.scan.msk.f32 $0xffff, v28;
	v5 =	vadd.f32 v49, v5  }
0xdf: {  	v58 =	vld [tilespmem:$0x7700];
	v3 =	vadd.f32 v18, v3;
	(xrf2) =	vadd.scan.msk.f32 $0xffff, v0;
	v6 =	vadd.f32 v51, v15  }
0xe0: {  	v59 =	vld [tilespmem:$0x7780];
	v4 =	vadd.f32 v34, v4;
	(xrf2) =	vadd.scan.msk.f32 $0xffff, v10;
	v5 =	vadd.f32 v52, v5  }
0xe1: {  	v61 =	vshrl.u32 v60, $0x1B;
	v0 =	vadd.f32 v12, v57;
	(xrf2) =	vadd.scan.msk.f32 $0xffff, v1;
	v62 =	vadd.f32 v54, v6  }
0xe2: {  	v63, _, _ =	vpop (xrf2);
	v10 =	vand.u32 $0x10, v61;
	v3 =	vadd.f32 v39, v3;
	(xrf2) =	vadd.scan.msk.f32 $0xffff, v7;
	v5 =	vadd.f32 v55, v5  }
0xe3: {  	v12 =	vld [tilespmem:s0+$0xFFFFFFE0];
	v14 =	vadd.s32 v60, v10;
	v0 =	vadd.f32 v16, v0;
	v15, _, _ =	vpop (xrf2);
	(xrf2) =	vadd.scan.msk.f32 $0xffff, v4;
	v1 =	vadd.f32 v56, v62  }
0xe4: {  	v16 =	vperm.xlane v63, v14;
	v17 =	vperm.xlane v15, v14;
	v18, _, _ =	vpop (xrf2);
	(xrf2) =	vadd.scan.msk.f32 $0xffff, v3;
	v2 =	vadd.f32 v58, v5  }
0xe5: {  	v19 =	vperm.xlane v18, v14;
	v20, _, _ =	vpop (xrf2);
	(xrf2) =	vadd.scan.msk.f32 $0xffff, v0;
	v21 =	vadd.f32 v59, v1  }
0xe6: {  	v22 =	vsel vm0, v16, v17;
	v23 =	vperm.xlane v20, v14;
	v24, _, _ =	vpop (xrf2);
	(xrf2) =	vadd.scan.msk.f32 $0xffff, v2  }
0xe7: {  	v1 =	vsel vm1, v22, v19;
	v25 =	vperm.xlane v24, v14;
	v26, _, _ =	vpop (xrf2);
	(xrf2) =	vadd.scan.msk.f32 $0xffff, v21  }
0xe8: {  	v37 =	vld [tilespmem:$0x1FFE0];
	v27 =	vadd.s32 $0xFFFFFFFF, v12;
	v1 =	vsel vm2, v1, v23;
	v3 =	vperm.xlane v26, v14;
	v28, _, _ =	vpop (xrf2)  }
0xe9: {  	vm15 =	vgt.s32 v27, $0x0;
	v1 =	vsel vm3, v1, v25;
	v29 =	vperm.xlane v28, v14;
	v30, _, _ =	vpop (xrf2)  }
0xea: {  	v0 =	vnsel vm15, $0x0, v27;
	v1 =	vsel vm4, v1, v3;
	v31 =	vperm.xlane v30, v14;
	v32, _, _ =	vpop (xrf2)  }
0xeb: {  	v0 =	vshll.u32 v0, $0xC;
	v1 =	vsel vm5, v1, v29;
	v33 =	vperm.xlane v32, v14;
	v34, _, _ =	vpop (xrf2)  }
0xec: {  	v0 =	vadd.s32 v0, v60;
	v1 =	vsel vm6, v1, v31;
	v35 =	vperm.xlane v34, v14;
	v36, _, _ =	vpop (xrf2)  }
0xed: {  	v0 =	vadd.s32 v37, v0;
	v1 =	vsel vm7, v1, v33;
	v38 =	vperm.xlane v36, v14;
	v39, _, _ =	vpop (xrf2)  }
0xee: {  	v1 =	vsel vm8, v1, v35;
	v40 =	vperm.xlane v39, v14;
	v41, _, _ =	vpop (xrf2)  }
0xef: {  	v1 =	vsel vm9, v1, v38;
	v42 =	vperm.xlane v41, v14;
	v43, _, _ =	vpop (xrf2)  }
0xf0: {  	v1 =	vsel vm10, v1, v40;
	v44 =	vperm.xlane v43, v14;
	v45, _, _ =	vpop (xrf2)  }
0xf1: {  	v1 =	vsel vm11, v1, v42;
	v46 =	vperm.xlane v45, v14;
	v47, _, _ =	vpop (xrf2)  }
0xf2: {  	v0 =	vld.idx.msk [tilespmem:v0+s2+$0x0], $0xffff;
	v1 =	vsel vm12, v1, v44;
	v48 =	vperm.xlane v47, v14  }
0xf3: {  	v1 =	vsel vm13, v1, v46  }
0xf4: {  	v1 =	vsel vm14, v1, v48  }
0xf5: {  	v1 =	vsub.f32 $1.000000000e+00, v1  }
0xf6: {  	vm15 =	vgt.s32 v12, $0x0  }
0xf7: {  	v0 =	vsel vm15, v0, v1  }
0xf8: {  	v61 =	vld [tilespmem:$0x1FFF0];
	[tilespmem:s16+$0xFFFFFFE0] =	vst v0  }
0xf9: {  	v0 =	vld [tilespmem:$0x800]  }
0xfa: {  	v49 =	vld [tilespmem:$0x1800]  }
0xfb: {  	v50 =	vld [tilespmem:$0x2800]  }
0xfc: {  	v51 =	vld [tilespmem:$0x3800]  }
0xfd: {  	v52 =	vld [tilespmem:$0x4800]  }
0xfe: {  	v53 =	vld [tilespmem:$0x5800]  }
0xff: {  	v54 =	vld [tilespmem:$0x6800]  }
0x100: {  	v55 =	vld [tilespmem:s0+$0xFFFFFFF0]  }
0x101: {  	v56 =	vld [tilespmem:$0x7800]  }
0x102: {  	v57 =	vld [tilespmem:s1+$0xFFFFFFF0]  }
0x103: {  	v6 =	vld [tilespmem:$0x2880]  }
0x104: {  	v7 =	vld [tilespmem:$0x3880]  }
0x105: {  	v8 =	vld [tilespmem:$0x4880]  }
0x106: {  	v9 =	vld [tilespmem:$0x5880]  }
0x107: {  	v10 =	vld [tilespmem:$0x6880]  }
0x108: {  	v11 =	vld [tilespmem:$0x7880]  }
0x109: {  	v12 =	vld [tilespmem:$0x900]  }
0x10a: {  	v13 =	vld [tilespmem:$0x1900]  }
0x10b: {  	v14 =	vld [tilespmem:$0x2900]  }
0x10c: {  	v15 =	vld [tilespmem:$0x3900]  }
0x10d: {  	v16 =	vld [tilespmem:$0x4900]  }
0x10e: {  	v17 =	vld [tilespmem:$0x5900]  }
0x10f: {  	v18 =	vld [tilespmem:$0x6900]  }
0x110: {  	v19 =	vld [tilespmem:$0x7900]  }
0x111: {  	v20 =	vld [tilespmem:$0x980]  }
0x112: {  	v21 =	vld [tilespmem:$0x1980]  }
0x113: {  	v22 =	vld [tilespmem:$0x2980]  }
0x114: {  	v23 =	vld [tilespmem:$0x3980]  }
0x115: {  	v24 =	vld [tilespmem:$0x4980]  }
0x116: {  	v25 =	vld [tilespmem:$0x5980]  }
0x117: {  	v26 =	vld [tilespmem:$0x6980]  }
0x118: {  	v27 =	vld [tilespmem:$0x7980]  }
0x119: {  	v28 =	vld [tilespmem:$0xA00]  }
0x11a: {  	v29 =	vld [tilespmem:$0x1A00]  }
0x11b: {  	v30 =	vld [tilespmem:$0x2A00]  }
0x11c: {  	v31 =	vld [tilespmem:$0x3A00]  }
0x11d: {  	v32 =	vld [tilespmem:$0x4A00]  }
0x11e: {  	v33 =	vld [tilespmem:$0x5A00]  }
0x11f: {  	v34 =	vld [tilespmem:$0x6A00]  }
0x120: {  	v63 =	vld [tilespmem:$0x7A00]  }
0x121: {  	v36 =	vld [tilespmem:$0xA80]  }
0x122: {  	v37 =	vld [tilespmem:$0x1A80]  }
0x123: {  	v38 =	vld [tilespmem:$0x2A80]  }
0x124: {  	v39 =	vld [tilespmem:$0x3A80]  }
0x125: {  	v40 =	vld [tilespmem:$0x4A80]  }
0x126: {  	v41 =	vld [tilespmem:$0x5A80]  }
0x127: {  	v42 =	vld [tilespmem:$0x6A80]  }
0x128: {  	v43 =	vld [tilespmem:$0x7A80];
	v0 =	vadd.f32 v49, v0  }
0x129: {  	v44 =	vld [tilespmem:$0xB00]  }
0x12a: {  	v45 =	vld [tilespmem:$0x1B00];
	v0 =	vadd.f32 v50, v0  }
0x12b: {  	v46 =	vld [tilespmem:$0x2B00]  }
0x12c: {  	v47 =	vld [tilespmem:$0x3B00];
	v0 =	vadd.f32 v51, v0  }
0x12d: {  	v48 =	vld [tilespmem:$0x4B00]  }
0x12e: {  	v35 =	vld [tilespmem:$0x4C00];
	v0 =	vadd.f32 v52, v0  }
0x12f: {  	v4 =	vld [tilespmem:$0x5C00]  }
0x130: {  	v5 =	vld [tilespmem:$0x6C00];
	v0 =	vadd.f32 v53, v0  }
0x131: {  	v58 =	vadd.s32 $0xFFFFFFFF, v55;
	v49 =	vld [tilespmem:$0x5B00]  }
0x132: {  	[tilespmem:$0x1FE40] =	vst v55;
	v55 =	vld [tilespmem:$0x3B80];
	vm15 =	vgt.s32 v58, $0x0;
	v0 =	vadd.f32 v54, v0  }
0x133: {  	[tilespmem:$0x1FDE0] =	vst v63;
	v63 =	vld [tilespmem:$0x3C00];
	v59 =	vnsel vm15, $0x0, v58  }
0x134: {  	v50 =	vld [tilespmem:$0x6B00];
	v1 =	vshll.u32 v59, $0xC;
	v0 =	vadd.f32 v56, v0  }
0x135: {  	v58 =	vld [tilespmem:$0x6B80];
	v60 =	vadd.s32 v1, v57  }
0x136: {  	v59 =	vld [tilespmem:$0x7B80];
	(xrf2) =	vadd.scan.msk.f32 $0xffff, v0;
	v0 =	vadd.s32 v61, v60  }
0x137: {  	v1 =	vld [tilespmem:$0x1880]  }
0x138: {  	v51 =	vld [tilespmem:$0x7B00]  }
0x139: {  	[tilespmem:$0x1FE20] =	vst v57;
	v57 =	vld [tilespmem:$0x5B80]  }
0x13a: {  	v52 =	vld [tilespmem:$0xB80]  }
0x13b: {  	v0 =	vld.idx.msk [tilespmem:v0+s2+$0x0], $0xffff  }
0x13c: {  	v53 =	vld [tilespmem:$0x1B80]  }
0x13d: {  	v54 =	vld [tilespmem:$0x2B80]  }
0x13e: {  	v56 =	vld [tilespmem:$0x4B80]  }
0x13f: {  	[tilespmem:$0x1FDF0] =	vst v4;
	v60 =	vld [tilespmem:$0xC00]  }
0x140: {  	v61 =	vld [tilespmem:$0x1C00];
	[tilespmem:$0x1FE50] =	vst v0;
	v62, _, _ =	vpop (xrf2)  }
0x141: {  	v0 =	vld [tilespmem:$0x880];
	[tilespmem:$0x1FE30] =	vst v62  }
0x142: {  	v12 =	vadd.f32 v13, v12;
	v62 =	vld [tilespmem:$0x2C00];
	[tilespmem:$0x1FE00] =	vst v5  }
0x143: {  	v2 =	vld [tilespmem:$0x7C00]  }
0x144: {  	v12 =	vadd.f32 v14, v12;
	v3 =	vld [tilespmem:$0xC80]  }
0x145: {  	v4 =	vld [tilespmem:$0x2C80]  }
0x146: {  	v12 =	vadd.f32 v15, v12;
	v5 =	vld [tilespmem:$0x3C80]  }
0x147: {  	v13 =	vld [tilespmem:$0x5C80]  }
0x148: {  	v12 =	vadd.f32 v16, v12;
	v14 =	vld [tilespmem:$0x7C80]  }
0x149: {  	v15 =	vld [tilespmem:$0x1D00]  }
0x14a: {  	v12 =	vadd.f32 v17, v12;
	v16 =	vld [tilespmem:$0x3D00]  }
0x14b: {  	v17 =	vld [tilespmem:$0x5D00]  }
0x14c: {  	v29 =	vadd.f32 v29, v28;
	v12 =	vadd.f32 v18, v12;
	v18 =	vld [tilespmem:$0x7D00]  }
0x14d: {  	v36 =	vadd.f32 v37, v36;
	v37 =	vadd.f32 v45, v44;
	v44 =	vld [tilespmem:$0x4D80]  }
0x14e: {  	v45 =	vld [tilespmem:$0x5D80]  }
0x14f: {  	v12 =	vadd.f32 v19, v12;
	v19 =	vadd.f32 v30, v29;
	v30 =	vld [tilespmem:$0x7D80]  }
0x150: {  	v0 =	vadd.f32 v1, v0;
	v1 =	vld [tilespmem:$0x4C80]  }
0x151: {  	[tilespmem:$0x1FE10] =	vst v2;
	v2 =	vld [tilespmem:$0x1C80]  }
0x152: {  	v0 =	vadd.f32 v6, v0;
	v6 =	vadd.f32 v21, v20;
	v20 =	vld [tilespmem:$0x6C80]  }
0x153: {  	v21 =	vld [tilespmem:$0x1D80]  }
0x154: {  	v0 =	vadd.f32 v7, v0;
	v6 =	vadd.f32 v22, v6;
	v7 =	vld [tilespmem:$0xD00]  }
0x155: {  	v22 =	vadd.f32 v38, v36;
	v38 =	vadd.f32 v53, v52;
	v52 =	vld [tilespmem:$0x2E00]  }
0x156: {  	v53 =	vld [tilespmem:$0x3E00]  }
0x157: {  	v36 =	vld [tilespmem:$0x4E00]  }
0x158: {  	v0 =	vadd.f32 v8, v0;
	v8 =	vld [tilespmem:$0x2D00]  }
0x159: {  	v19 =	vadd.f32 v31, v19;
	v6 =	vadd.f32 v23, v6;
	v23 =	vld [tilespmem:$0x2D80]  }
0x15a: {  	v22 =	vadd.f32 v39, v22;
	v0 =	vadd.f32 v9, v0;
	v9 =	vld [tilespmem:$0x4D00]  }
0x15b: {  	v6 =	vadd.f32 v24, v6;
	v24 =	vadd.f32 v46, v37;
	v46 =	vld [tilespmem:$0x6D80]  }
0x15c: {  	v37 =	vld [tilespmem:$0x5E00]  }
0x15d: {  	v19 =	vadd.f32 v32, v19;
	v22 =	vadd.f32 v40, v22;
	v40 =	vld [tilespmem:$0x7E00]  }
0x15e: {  	v0 =	vadd.f32 v10, v0;
	v10 =	vld [tilespmem:$0x6D00]  }
0x15f: {  	v19 =	vadd.f32 v33, v19;
	v6 =	vadd.f32 v25, v6;
	v25 =	vld [tilespmem:$0x3D80]  }
0x160: {  	v24 =	vadd.f32 v47, v24;
	v47 =	vld [tilespmem:$0xE00]  }
0x161: {  	v19 =	vadd.f32 v34, v19;
	v22 =	vadd.f32 v41, v22;
	v41 =	vld [tilespmem:$0x1FE00]  }
0x162: {  	v2 =	vadd.f32 v2, v3;
	v0 =	vadd.f32 v11, v0;
	v11 =	vld [tilespmem:$0xD80]  }
0x163: {  	v7 =	vadd.f32 v15, v7;
	v24 =	vadd.f32 v48, v24;
	v48 =	vld [tilespmem:$0x1E00]  }
0x164: {  	v6 =	vadd.f32 v26, v6;
	v26 =	vadd.f32 v54, v38;
	v54 =	vld [tilespmem:$0x1FDE0]  }
0x165: {  	v2 =	vadd.f32 v4, v2;
	v7 =	vadd.f32 v8, v7;
	v38 =	vld [tilespmem:$0x6E00]  }
0x166: {  	v22 =	vadd.f32 v42, v22;
	v42 =	vld [tilespmem:$0x1F00];
	v26 =	vadd.f32 v55, v26  }
0x167: {  	v2 =	vadd.f32 v5, v2;
	v7 =	vadd.f32 v16, v7;
	v16 =	vld [tilespmem:$0x5E80]  }
0x168: {  	v55 =	vadd.f32 v61, v60;
	v61 =	vld [tilespmem:$0x3E80];
	v26 =	vadd.f32 v56, v26  }
0x169: {  	v1 =	vadd.f32 v1, v2;
	v22 =	vadd.f32 v43, v22;
	v43 =	vld [tilespmem:$0xF80]  }
0x16a: {  	v24 =	vadd.f32 v49, v24;
	v49 =	vld [tilespmem:$0x3F00];
	v26 =	vadd.f32 v57, v26  }
0x16b: {  	v6 =	vadd.f32 v27, v6;
	v56 =	vld [tilespmem:$0xE80];
	v39 =	vadd.f32 v62, v55  }
0x16c: {  	v62 =	vld [tilespmem:$0x4E80];
	v26 =	vadd.f32 v58, v26;
	v58 =	vadd.f32 v21, v11  }
0x16d: {  	v7 =	vadd.f32 v9, v7;
	v24 =	vadd.f32 v50, v24;
	v50 =	vld [tilespmem:$0x3F80]  }
0x16e: {  	v1 =	vadd.f32 v13, v1;
	v55 =	vld [tilespmem:$0x4F80];
	v4 =	vadd.f32 v23, v58  }
0x16f: {  	(xrf2) =	vadd.scan.msk.f32 $0xffff, v0;
	v19 =	vadd.f32 v54, v19;
	v47 =	vadd.f32 v48, v47;
	v48 =	vld [tilespmem:$0x2F80]  }
0x170: {  	(xrf2) =	vadd.scan.msk.f32 $0xffff, v12;
	v57 =	vld [tilespmem:$0x1E80];
	v60 =	vadd.f32 v63, v39;
	v63 =	vadd.f32 v25, v4  }
0x171: {  	(xrf2) =	vadd.scan.msk.f32 $0xffff, v6;
	v7 =	vadd.f32 v17, v7;
	v1 =	vadd.f32 v20, v1;
	v39 =	vld [tilespmem:$0xF00]  }
0x172: {  	v24 =	vadd.f32 v51, v24;
	(xrf2) =	vadd.scan.msk.f32 $0xffff, v19;
	v19 =	vld [tilespmem:$0x1FE20];
	v2 =	vadd.f32 v44, v63  }
0x173: {  	v7 =	vadd.f32 v10, v7;
	v26 =	vadd.f32 v59, v26;
	v59 =	vld [tilespmem:$0x2E80]  }
0x174: {  	v1 =	vadd.f32 v14, v1;
	v25 =	vld [tilespmem:$0x1FDF0];
	v2 =	vadd.f32 v45, v2  }
0x175: {  	v7 =	vadd.f32 v18, v7;
	v18 =	vadd.f32 v52, v47;
	v45 =	vld [tilespmem:$0x1F80]  }
0x176: {  	v3 =	vadd.f32 v57, v56;
	v2 =	vadd.f32 v46, v2;
	v46 =	vld [tilespmem:$0x2F00]  }
0x177: {  	v21 =	vadd.f32 v35, v60;
	v35 =	vld [tilespmem:$0x7E80];
	v53 =	vadd.f32 v53, v18  }
0x178: {  	v60 =	vld [tilespmem:$0x5F80];
	v13 =	vadd.f32 v42, v39;
	v51 =	vadd.f32 v59, v3  }
0x179: {  	v58 =	vadd.f32 v36, v53;
	v44 =	vld [tilespmem:$0x1FE10];
	v21 =	vadd.f32 v25, v21  }
0x17a: {  	v52 =	vld [tilespmem:$0x4F00];
	v0 =	vadd.f32 v61, v51;
	v10 =	vadd.f32 v45, v43  }
0x17b: {  	v56 =	vld [tilespmem:$0x5F00];
	v21 =	vadd.f32 v41, v21;
	v54 =	vadd.f32 v46, v13  }
0x17c: {  	v4 =	vld [tilespmem:$0x6E80];
	v0 =	vadd.f32 v62, v0;
	v57 =	vadd.f32 v48, v10  }
0x17d: {  	v63 =	vld [tilespmem:$0x7F00];
	v2 =	vadd.f32 v30, v2;
	v59 =	vadd.f32 v49, v54  }
0x17e: {  	(xrf2) =	vadd.scan.msk.f32 $0xffff, v22;
	v61 =	vld [tilespmem:$0x6F00];
	v21 =	vadd.f32 v44, v21;
	v8 =	vadd.f32 v50, v57  }
0x17f: {  	(xrf2) =	vadd.scan.msk.f32 $0xffff, v24;
	v62 =	vld [tilespmem:$0x6F80];
	v10 =	vadd.f32 v37, v58;
	v3 =	vadd.f32 v52, v59  }
0x180: {  	(xrf2) =	vadd.scan.msk.f32 $0xffff, v26;
	v25 =	vld [tilespmem:$0x1FE30];
	v0 =	vadd.f32 v16, v0;
	v8 =	vadd.f32 v55, v8  }
0x181: {  	v18 =	vld [tilespmem:$0x7F80];
	(xrf2) =	vadd.scan.msk.f32 $0xffff, v21;
	v10 =	vadd.f32 v38, v10;
	v3 =	vadd.f32 v56, v3  }
0x182: {  	v20 =	vshrl.u32 v19, $0x1B;
	v0 =	vadd.f32 v4, v0;
	(xrf2) =	vadd.scan.msk.f32 $0xffff, v1;
	v21 =	vadd.f32 v60, v8  }
0x183: {  	v22 =	vand.u32 $0x10, v20;
	(xrf2) =	vadd.scan.msk.f32 $0xffff, v7;
	v23 =	vadd.f32 v40, v10;
	v3 =	vadd.f32 v61, v3  }
0x184: {  	v24, _, _ =	vpop (xrf2);
	v4 =	vadd.s32 v19, v22;
	v0 =	vadd.f32 v35, v0;
	(xrf2) =	vadd.scan.msk.f32 $0xffff, v2;
	v1 =	vadd.f32 v62, v21  }
0x185: {  	v26, _, _ =	vpop (xrf2);
	v5 =	vperm.xlane v24, v4;
	v2 =	vperm.xlane v25, v4;
	(xrf2) =	vadd.scan.msk.f32 $0xffff, v23;
	v3 =	vadd.f32 v63, v3  }
0x186: {  	v28, _, _ =	vpop (xrf2);
	v27 =	vperm.xlane v26, v4;
	(xrf2) =	vadd.scan.msk.f32 $0xffff, v0;
	v29 =	vadd.f32 v18, v1  }
0x187: {  	v32, _, _ =	vpop (xrf2);
	v31 =	vperm.xlane v28, v4;
	v30 =	vsel vm0, v2, v5;
	(xrf2) =	vadd.scan.msk.f32 $0xffff, v3  }
0x188: {  	v34, _, _ =	vpop (xrf2);
	v33 =	vperm.xlane v32, v4;
	v1 =	vsel vm1, v30, v27;
	(xrf2) =	vadd.scan.msk.f32 $0xffff, v29  }
0x189: {  	v37, _, _ =	vpop (xrf2);
	v36 =	vperm.xlane v34, v4;
	v35 =	vsel vm2, v1, v31  }
0x18a: {  	v38, _, _ =	vpop (xrf2);
	v2 =	vperm.xlane v37, v4;
	v0 =	vsel vm3, v35, v33  }
0x18b: {  	v39 =	vperm.xlane v38, v4;
	v40, _, _ =	vpop (xrf2);
	v0 =	vsel vm4, v0, v36  }
0x18c: {  	v41 =	vperm.xlane v40, v4;
	v42, _, _ =	vpop (xrf2);
	v0 =	vsel vm5, v0, v2  }
0x18d: {  	v43 =	vperm.xlane v42, v4;
	v44, _, _ =	vpop (xrf2);
	v0 =	vsel vm6, v0, v39  }
0x18e: {  	v45 =	vperm.xlane v44, v4;
	v46, _, _ =	vpop (xrf2);
	v0 =	vsel vm7, v0, v41  }
0x18f: {  	v47 =	vperm.xlane v46, v4;
	v48, _, _ =	vpop (xrf2);
	v0 =	vsel vm8, v0, v43  }
0x190: {  	v49 =	vperm.xlane v48, v4;
	v50, _, _ =	vpop (xrf2);
	v0 =	vsel vm9, v0, v45  }
0x191: {  	v51 =	vperm.xlane v50, v4;
	v0 =	vsel vm10, v0, v47;
	v52, _, _ =	vpop (xrf2)  }
0x192: {  	v56 =	vld [tilespmem:$0x1FE40];
	v0 =	vsel vm11, v0, v49;
	v53 =	vperm.xlane v52, v4;
	v54, _, _ =	vpop (xrf2)  }
0x193: {  	v57 =	vld [tilespmem:$0x1FE50];
	v0 =	vsel vm12, v0, v51;
	v55 =	vperm.xlane v54, v4  }
0x194: {  	v0 =	vsel vm13, v0, v53  }
0x195: {  	v0 =	vsel vm14, v0, v55  }
0x196: {  	v0 =	vsub.f32 $1.000000000e+00, v0  }
0x197: {  	vm15 =	vgt.s32 v56, $0x0  }
0x198: {  	v0 =	vsel vm15, v57, v0  }
0x199: {  	[tilespmem:s16+$0xFFFFFFF0] =	vst v0  }
0x19a: {  	_ =	swait.ge [sflag:s29], $0x1000  }
0x19b: {  	[sflag:s29] =	ssyncset.done $0x0  }
0x19c: {  	[sflag:s29] =	ssyncadd.s32 $0xFFFFF000  }
0x19d: {  	_ =	swait.ge [sflag:s29], $0x1000  }
0x19e: {  	[sflag:s29] =	ssyncset.done $0x0  }
0x19f: {  	[sflag:s29] =	ssyncadd.s32 $0xFFFFF000  }
0x1a0: {  	_ =	swait.ge [sflag:s29], $0x1000  }
0x1a1: {  	[sflag:s29] =	ssyncset.done $0x0  }
0x1a2: {  	[sflag:s29] =	ssyncadd.s32 $0xFFFFF000  }
0x1a3: {  	_ =	swait.ge [sflag:s29], $0x1000  }
0x1a4: {  	[sflag:s29] =	ssyncset.done $0x0  }
0x1a5: {  	[sflag:s29] =	ssyncadd.s32 $0xFFFFF000  }
0x1a6: {  	_ =	swait.ge [sflag:s29], $0x1000  }
0x1a7: {  	[sflag:s29] =	ssyncset.done $0x0  }
0x1a8: {  	[sflag:s29] =	ssyncadd.s32 $0xFFFFF000  }
0x1a9: {  	_ =	swait.ge [sflag:s29], $0x1000  }
0x1aa: {  	[sflag:s29] =	ssyncset.done $0x0  }
0x1ab: {  	[sflag:s29] =	ssyncadd.s32 $0xFFFFF000  }
0x1ac: {  	_ =	swait.ge [sflag:s29], $0x1000  }
0x1ad: {  	[sflag:s29] =	ssyncset.done $0x0  }
0x1ae: {  	p0 =	seq.s32 s18, $0x38000;
	[sflag:s29] =	ssyncadd.s32 $0xFFFFF000  }
0x1af: {  	s23 =	simm.s32 @!p0 $0x400;
	_ =	swait.ge [sflag:s29], $0x1000  }
0x1b0: {  	s24 =	simm.s32 @!p0 $0x8000;
	s21 =	sadd.s32 @!p0 s18, s15;
	[sflag:s29] =	ssyncset.done $0x0  }
0x1b1: {  	s25 =	simm.s32 @!p0 $0x0;
	s22 =	sadd.s32 @!p0 $0x8000, s21;
	[sflag:s29] =	ssyncadd.s32 $0xFFFFF000  }
0x1b2: {  	[tilespmem:s25], [sflag:$0x1] =	stream.strided.gather @!p0 [hbm4b:s22+s23], $0x1000, s24, s23, $0x38;
	[tilespmem:$0x10600] =	vst v63  }
0x1b3: {  	s22 =	sadd.s32 @!p0 $0x8200, s21;
	s25 =	simm.s32 @!p0 $0x1000  }
0x1b4: {  	[tilespmem:s25], [sflag:$0x1] =	stream.strided.gather @!p0 [hbm4b:s22+s23], $0x1000, s24, s23, $0x38;
	[tilespmem:$0x10600] =	vst v63  }
0x1b5: {  	s22 =	sadd.s32 @!p0 $0x8400, s21;
	s25 =	simm.s32 @!p0 $0x2000  }
0x1b6: {  	[tilespmem:s25], [sflag:$0x1] =	stream.strided.gather @!p0 [hbm4b:s22+s23], $0x1000, s24, s23, $0x38;
	[tilespmem:$0x10600] =	vst v63  }
0x1b7: {  	s22 =	sadd.s32 @!p0 $0x8600, s21;
	s25 =	simm.s32 @!p0 $0x3000  }
0x1b8: {  	[tilespmem:s25], [sflag:$0x1] =	stream.strided.gather @!p0 [hbm4b:s22+s23], $0x1000, s24, s23, $0x38;
	[tilespmem:$0x10600] =	vst v63  }
0x1b9: {  	s22 =	sadd.s32 @!p0 $0x8800, s21;
	s25 =	simm.s32 @!p0 $0x4000  }
0x1ba: {  	[tilespmem:s25], [sflag:$0x1] =	stream.strided.gather @!p0 [hbm4b:s22+s23], $0x1000, s24, s23, $0x38;
	[tilespmem:$0x10600] =	vst v63  }
0x1bb: {  	s22 =	sadd.s32 @!p0 $0x8A00, s21;
	s25 =	simm.s32 @!p0 $0x5000  }
0x1bc: {  	[tilespmem:s25], [sflag:$0x1] =	stream.strided.gather @!p0 [hbm4b:s22+s23], $0x1000, s24, s23, $0x38;
	[tilespmem:$0x10600] =	vst v63  }
0x1bd: {  	s22 =	sadd.s32 @!p0 $0x8C00, s21;
	s25 =	simm.s32 @!p0 $0x6000  }
0x1be: {  	[tilespmem:s25], [sflag:$0x1] =	stream.strided.gather @!p0 [hbm4b:s22+s23], $0x1000, s24, s23, $0x38;
	[tilespmem:$0x10600] =	vst v63  }
0x1bf: {  	s21 =	sadd.s32 @!p0 $0x8E00, s21;
	s22 =	simm.s32 @!p0 $0x7000  }
0x1c0: {  	[tilespmem:s22], [sflag:$0x1] =	stream.strided.gather @!p0 [hbm4b:s21+s23], $0x1000, s24, s23, $0x38;
	[tilespmem:$0x10600] =	vst v63  }
0x1c1: {  	v58 =	vld [tilespmem:s1+$0x0]  }
0x1c2: {  	v0 =	vld [tilespmem:$0x8000]  }
0x1c3: {  	v1 =	vld [tilespmem:$0x9000]  }
0x1c4: {  	v3 =	vld [tilespmem:$0xA000]  }
0x1c5: {  	v4 =	vld [tilespmem:$0xB000]  }
0x1c6: {  	v5 =	vld [tilespmem:$0xC000]  }
0x1c7: {  	v7 =	vld [tilespmem:$0xD000]  }
0x1c8: {  	v38 =	vld [tilespmem:$0xE000]  }
0x1c9: {  	v59 =	vld [tilespmem:$0xF000]  }
0x1ca: {  	v9 =	vld [tilespmem:$0x8080]  }
0x1cb: {  	v10 =	vld [tilespmem:$0x9080]  }
0x1cc: {  	v11 =	vld [tilespmem:$0xA080]  }
0x1cd: {  	v12 =	vld [tilespmem:$0xB080]  }
0x1ce: {  	v13 =	vld [tilespmem:$0xC080]  }
0x1cf: {  	v14 =	vld [tilespmem:$0xD080]  }
0x1d0: {  	v15 =	vld [tilespmem:$0xE080]  }
0x1d1: {  	v47 =	vld [tilespmem:$0xF080]  }
0x1d2: {  	v17 =	vld [tilespmem:$0x8100]  }
0x1d3: {  	v18 =	vld [tilespmem:$0x9100]  }
0x1d4: {  	v19 =	vld [tilespmem:$0xA100]  }
0x1d5: {  	v20 =	vld [tilespmem:$0xB100]  }
0x1d6: {  	v21 =	vld [tilespmem:$0xC100]  }
0x1d7: {  	v22 =	vld [tilespmem:$0xD100]  }
0x1d8: {  	v23 =	vld [tilespmem:$0xE100]  }
0x1d9: {  	v24 =	vld [tilespmem:$0xF100]  }
0x1da: {  	v25 =	vld [tilespmem:$0x8180]  }
0x1db: {  	v26 =	vld [tilespmem:$0x9180]  }
0x1dc: {  	v27 =	vld [tilespmem:$0xA180]  }
0x1dd: {  	v28 =	vld [tilespmem:$0xB180]  }
0x1de: {  	v29 =	vld [tilespmem:$0xC180]  }
0x1df: {  	v30 =	vld [tilespmem:$0xD180]  }
0x1e0: {  	v31 =	vld [tilespmem:$0xE180]  }
0x1e1: {  	v32 =	vld [tilespmem:$0xF180]  }
0x1e2: {  	v33 =	vld [tilespmem:$0x8200]  }
0x1e3: {  	v34 =	vld [tilespmem:$0x9200]  }
0x1e4: {  	v35 =	vld [tilespmem:$0xA200]  }
0x1e5: {  	v36 =	vld [tilespmem:$0xB200]  }
0x1e6: {  	v48 =	vld [tilespmem:$0xC200]  }
0x1e7: {  	v60 =	vld [tilespmem:$0xD200]  }
0x1e8: {  	v61 =	vld [tilespmem:$0xE200]  }
0x1e9: {  	v62 =	vld [tilespmem:$0xF200]  }
0x1ea: {  	v41 =	vld [tilespmem:$0x8280]  }
0x1eb: {  	v42 =	vld [tilespmem:$0x9280]  }
0x1ec: {  	v43 =	vld [tilespmem:$0xA280]  }
0x1ed: {  	v44 =	vld [tilespmem:$0xB280]  }
0x1ee: {  	v45 =	vld [tilespmem:$0xC280]  }
0x1ef: {  	v46 =	vld [tilespmem:$0xD280]  }
0x1f0: {  	v63 =	vld [tilespmem:$0xE280]  }
0x1f1: {  	v6 =	vld [tilespmem:$0xF280]  }
0x1f2: {  	v49 =	vld [tilespmem:$0x8300]  }
0x1f3: {  	v50 =	vld [tilespmem:$0x9300]  }
0x1f4: {  	v51 =	vld [tilespmem:$0xA300]  }
0x1f5: {  	v52 =	vld [tilespmem:$0xB300]  }
0x1f6: {  	v53 =	vld [tilespmem:$0xC300]  }
0x1f7: {  	v54 =	vld [tilespmem:$0xD300]  }
0x1f8: {  	v55 =	vld [tilespmem:$0xE300]  }
0x1f9: {  	v56 =	vld [tilespmem:$0xF300]  }
0x1fa: {  	v57 =	vld [tilespmem:$0x8380]  }
0x1fb: {  	v40 =	vld [tilespmem:$0xF380]  }
0x1fc: {  	v37 =	vld [tilespmem:$0x8400]  }
0x1fd: {  	v16 =	vld [tilespmem:$0x9400]  }
0x1fe: {  	v39 =	vld [tilespmem:$0xA400]  }
0x1ff: {  	v8 =	vld [tilespmem:$0xB400]  }
0x200: {  	v2 =	vld [tilespmem:$0x9480]  }
0x201: {  	[tilespmem:$0x1FF10] =	vst v58;
	v58 =	vld [tilespmem:$0x9380]  }
0x202: {  	[tilespmem:$0x1FE60] =	vst v59;
	v59 =	vld [tilespmem:$0xA380]  }
0x203: {  	[tilespmem:$0x1FE70] =	vst v60;
	v60 =	vld [tilespmem:$0xB380]  }
0x204: {  	[tilespmem:$0x1FE80] =	vst v61;
	v61 =	vld [tilespmem:$0xC380]  }
0x205: {  	[tilespmem:$0x1FEA0] =	vst v62;
	v62 =	vld [tilespmem:$0xD380]  }
0x206: {  	[tilespmem:$0x1FE90] =	vst v63;
	v63 =	vld [tilespmem:$0xE380]  }
0x207: {  	[tilespmem:$0x1FEB0] =	vst v6;
	v6 =	vld [tilespmem:$0xC400]  }
0x208: {  	[tilespmem:$0x1FEC0] =	vst v8;
	v8 =	vld [tilespmem:$0xD400]  }
0x209: {  	v0 =	vadd.f32 v1, v0;
	v1 =	vld [tilespmem:$0xB480]  }
0x20a: {  	v9 =	vadd.f32 v10, v9;
	v10 =	vld [tilespmem:$0xC480]  }
0x20b: {  	v26 =	vadd.f32 v26, v25;
	v25 =	vld [tilespmem:$0xA580]  }
0x20c: {  	v41 =	vadd.f32 v42, v41;
	v42 =	vadd.f32 v50, v49;
	v49 =	vld [tilespmem:$0x9600]  }
0x20d: {  	v16 =	vadd.f32 v16, v37;
	v37 =	vld [tilespmem:$0xF600]  }
0x20e: {  	v50 =	vld [tilespmem:$0x1FE80]  }
0x20f: {  	v0 =	vadd.f32 v3, v0;
	v3 =	vadd.f32 v18, v17;
	v17 =	vld [tilespmem:$0xD480]  }
0x210: {  	v18 =	vld [tilespmem:$0xE480]  }
0x211: {  	v9 =	vadd.f32 v11, v9;
	v11 =	vadd.f32 v27, v26;
	v27 =	vld [tilespmem:$0xB580]  }
0x212: {  	v26 =	vadd.f32 v51, v42;
	v51 =	vld [tilespmem:$0x1FE90]  }
0x213: {  	v42 =	vld [tilespmem:$0xE600]  }
0x214: {  	v16 =	vadd.f32 v39, v16;
	v39 =	vld [tilespmem:$0x8700]  }
0x215: {  	v0 =	vadd.f32 v4, v0;
	v4 =	vld [tilespmem:$0xF480]  }
0x216: {  	v9 =	vadd.f32 v12, v9;
	v12 =	vld [tilespmem:$0x8500]  }
0x217: {  	v3 =	vadd.f32 v19, v3;
	v19 =	vld [tilespmem:$0xD500]  }
0x218: {  	v26 =	vadd.f32 v52, v26;
	v52 =	vld [tilespmem:$0x1FEA0]  }
0x219: {  	[tilespmem:$0x1FED0] =	vst v6;
	v6 =	vld [tilespmem:$0xE400]  }
0x21a: {  	[tilespmem:$0x1FEE0] =	vst v8;
	v8 =	vld [tilespmem:$0xF400]  }
0x21b: {  	v0 =	vadd.f32 v5, v0;
	v5 =	vld [tilespmem:$0x9500]  }
0x21c: {  	v11 =	vadd.f32 v28, v11;
	v9 =	vadd.f32 v13, v9;
	v13 =	vld [tilespmem:$0xA500]  }
0x21d: {  	v3 =	vadd.f32 v20, v3;
	v20 =	vld [tilespmem:$0xF500]  }
0x21e: {  	v11 =	vadd.f32 v29, v11;
	v29 =	vld [tilespmem:$0xC580]  }
0x21f: {  	v26 =	vadd.f32 v53, v26;
	v53 =	vld [tilespmem:$0x1FEB0]  }
0x220: {  	v0 =	vadd.f32 v7, v0;
	v7 =	vld [tilespmem:$0xB500]  }
0x221: {  	v9 =	vadd.f32 v14, v9;
	v14 =	vld [tilespmem:$0xC500]  }
0x222: {  	v11 =	vadd.f32 v30, v11;
	v30 =	vld [tilespmem:$0x1FE60]  }
0x223: {  	v3 =	vadd.f32 v21, v3;
	v21 =	vld [tilespmem:$0x8580]  }
0x224: {  	v26 =	vadd.f32 v54, v26;
	v54 =	vld [tilespmem:$0x8680]  }
0x225: {  	[tilespmem:$0x1FEF0] =	vst v6;
	v6 =	vld [tilespmem:$0x8480]  }
0x226: {  	[tilespmem:$0x1FF00] =	vst v8;
	v8 =	vld [tilespmem:$0xA480]  }
0x227: {  	v0 =	vadd.f32 v38, v0;
	v9 =	vadd.f32 v15, v9;
	v15 =	vld [tilespmem:$0xE500]  }
0x228: {  	v3 =	vadd.f32 v22, v3;
	v38 =	vadd.f32 v34, v33;
	v33 =	vld [tilespmem:$0x8600]  }
0x229: {  	v26 =	vadd.f32 v55, v26;
	v55 =	vld [tilespmem:$0x9680]  }
0x22a: {  	v11 =	vadd.f32 v31, v11;
	v3 =	vadd.f32 v23, v3;
	v23 =	vld [tilespmem:$0x9580]  }
0x22b: {  	v5 =	vadd.f32 v5, v12;
	v9 =	vadd.f32 v47, v9;
	v47 =	vld [tilespmem:$0xE580]  }
0x22c: {  	v11 =	vadd.f32 v32, v11;
	v22 =	vadd.f32 v35, v38;
	v32 =	vld [tilespmem:$0xF580]  }
0x22d: {  	v35 =	vld [tilespmem:$0xA600];
	v26 =	vadd.f32 v56, v26;
	v0 =	vadd.f32 v30, v0  }
0x22e: {  	v38 =	vld [tilespmem:$0xC600];
	v5 =	vadd.f32 v13, v5;
	v3 =	vadd.f32 v24, v3  }
0x22f: {  	v30 =	vld [tilespmem:$0xD580];
	v24 =	vadd.f32 v43, v41;
	v43 =	vadd.f32 v58, v57  }
0x230: {  	v22 =	vadd.f32 v36, v22;
	v36 =	vld [tilespmem:$0xB600];
	v2 =	vadd.f32 v2, v6  }
0x231: {  	v58 =	vld [tilespmem:$0x1FEC0];
	v5 =	vadd.f32 v7, v5;
	v6 =	vadd.f32 v55, v54  }
0x232: {  	v41 =	vld [tilespmem:$0xD600];
	v24 =	vadd.f32 v44, v24;
	v28 =	vadd.f32 v59, v43  }
0x233: {  	v57 =	vld [tilespmem:$0xA680];
	v22 =	vadd.f32 v48, v22;
	v2 =	vadd.f32 v8, v2  }
0x234: {  	v48 =	vld [tilespmem:$0x1FE70];
	v56 =	vadd.f32 v23, v21;
	v5 =	vadd.f32 v14, v5  }
0x235: {  	v55 =	vld [tilespmem:$0xC780];
	v24 =	vadd.f32 v45, v24;
	v28 =	vadd.f32 v60, v28  }
0x236: {  	v59 =	vld [tilespmem:$0xB680];
	v16 =	vadd.f32 v58, v16;
	v1 =	vadd.f32 v1, v2  }
0x237: {  	v43 =	vld [tilespmem:$0x9700];
	v60 =	vadd.f32 v25, v56;
	v5 =	vadd.f32 v19, v5  }
0x238: {  	v44 =	vld [tilespmem:$0x8780];
	v6 =	vadd.f32 v57, v6;
	v24 =	vadd.f32 v46, v24  }
0x239: {  	v45 =	vld [tilespmem:$0x1FF00];
	v28 =	vadd.f32 v61, v28;
	v22 =	vadd.f32 v48, v22  }
0x23a: {  	v25 =	vld [tilespmem:$0x1FEE0];
	v1 =	vadd.f32 v10, v1;
	v2 =	vadd.f32 v27, v60  }
0x23b: {  	v56 =	vld [tilespmem:$0xD700];
	v5 =	vadd.f32 v15, v5;
	v48 =	vadd.f32 v49, v33  }
0x23c: {  	v58 =	vld [tilespmem:$0xD780];
	v6 =	vadd.f32 v59, v6;
	v24 =	vadd.f32 v51, v24  }
0x23d: {  	v61 =	vld [tilespmem:$0xC680];
	v28 =	vadd.f32 v62, v28;
	v22 =	vadd.f32 v50, v22  }
0x23e: {  	v46 =	vld [tilespmem:$0x9780];
	v1 =	vadd.f32 v17, v1;
	v2 =	vadd.f32 v29, v2  }
0x23f: {  	v49 =	vld [tilespmem:$0xA780];
	v5 =	vadd.f32 v20, v5;
	v51 =	vadd.f32 v35, v48  }
0x240: {  	v62 =	vld [tilespmem:$0x1FED0];
	v17 =	vadd.f32 v43, v39;
	v2 =	vadd.f32 v30, v2  }
0x241: {  	v50 =	vld [tilespmem:$0xB700];
	v24 =	vadd.f32 v53, v24;
	v28 =	vadd.f32 v63, v28  }
0x242: {  	v22 =	vadd.f32 v52, v22;
	v2 =	vadd.f32 v47, v2;
	v47 =	vld [tilespmem:$0xA700]  }
0x243: {  	v63 =	vld [tilespmem:$0xD680];
	v1 =	vadd.f32 v18, v1;
	v15 =	vadd.f32 v46, v44  }
0x244: {  	(xrf2) =	vadd.scan.msk.f32 $0xffff, v0;
	v0 =	vadd.f32 v36, v51;
	v28 =	vadd.f32 v40, v28;
	v40 =	vld [tilespmem:$0x1FEF0]  }
0x245: {  	v52 =	vld [tilespmem:$0xB780];
	v6 =	vadd.f32 v61, v6;
	v16 =	vadd.f32 v62, v16  }
0x246: {  	(xrf2) =	vadd.scan.msk.f32 $0xffff, v9;
	v53 =	vld [tilespmem:$0xC700];
	v1 =	vadd.f32 v4, v1;
	v57 =	vadd.f32 v49, v15  }
0x247: {  	(xrf2) =	vadd.scan.msk.f32 $0xffff, v3;
	v10 =	vld [tilespmem:$0xE680];
	v16 =	vadd.f32 v25, v16;
	v54 =	vadd.f32 v47, v17  }
0x248: {  	(xrf2) =	vadd.scan.msk.f32 $0xffff, v11;
	v27 =	vld [tilespmem:$0xF680];
	v0 =	vadd.f32 v38, v0;
	v6 =	vadd.f32 v63, v6  }
0x249: {  	(xrf2) =	vadd.scan.msk.f32 $0xffff, v22;
	v63 =	vld [tilespmem:$0x1FF10];
	v16 =	vadd.f32 v40, v16;
	v3 =	vadd.f32 v50, v54  }
0x24a: {  	v59 =	vld [tilespmem:$0xE700];
	(xrf2) =	vadd.scan.msk.f32 $0xffff, v24;
	v0 =	vadd.f32 v41, v0;
	v13 =	vadd.f32 v52, v57  }
0x24b: {  	v60 =	vld [tilespmem:$0xE780];
	(xrf2) =	vadd.scan.msk.f32 $0xffff, v26;
	v16 =	vadd.f32 v45, v16;
	v3 =	vadd.f32 v53, v3  }
0x24c: {  	v61 =	vld [tilespmem:$0xF700];
	v2 =	vadd.f32 v32, v2;
	(xrf2) =	vadd.scan.msk.f32 $0xffff, v28;
	v4 =	vadd.f32 v55, v13  }
0x24d: {  	v62 =	vld [tilespmem:$0xF780];
	v0 =	vadd.f32 v42, v0;
	(xrf2) =	vadd.scan.msk.f32 $0xffff, v16;
	v3 =	vadd.f32 v56, v3  }
0x24e: {  	v17 =	vadd.f32 v10, v6;
	v4 =	vadd.f32 v58, v4;
	v16 =	vshrl.u32 v63, $0x1B;
	(xrf2) =	vadd.scan.msk.f32 $0xffff, v1  }
0x24f: {  	v18, _, _ =	vpop (xrf2);
	v0 =	vadd.f32 v37, v0;
	v19 =	vand.u32 $0x10, v16;
	(xrf2) =	vadd.scan.msk.f32 $0xffff, v5;
	v3 =	vadd.f32 v59, v3  }
0x250: {  	v20 =	vld [tilespmem:s0+$0x0];
	v22, _, _ =	vpop (xrf2);
	v1 =	vadd.f32 v27, v17;
	v23 =	vadd.f32 v60, v4;
	v21 =	vadd.s32 v63, v19;
	(xrf2) =	vadd.scan.msk.f32 $0xffff, v2  }
0x251: {  	v26, _, _ =	vpop (xrf2);
	v24 =	vperm.xlane v18, v21;
	v25 =	vperm.xlane v22, v21;
	(xrf2) =	vadd.scan.msk.f32 $0xffff, v0;
	v27 =	vadd.f32 v61, v3  }
0x252: {  	v29, _, _ =	vpop (xrf2);
	v28 =	vperm.xlane v26, v21;
	v30 =	vadd.f32 v62, v23;
	(xrf2) =	vadd.scan.msk.f32 $0xffff, v1  }
0x253: {  	v33, _, _ =	vpop (xrf2);
	v32 =	vperm.xlane v29, v21;
	v31 =	vsel vm0, v24, v25;
	(xrf2) =	vadd.scan.msk.f32 $0xffff, v27  }
0x254: {  	v35 =	vperm.xlane v33, v21;
	v36, _, _ =	vpop (xrf2);
	v34 =	vsel vm1, v31, v28;
	(xrf2) =	vadd.scan.msk.f32 $0xffff, v30  }
0x255: {  	v47 =	vld [tilespmem:$0x1FFE0];
	v37 =	vadd.s32 $0xFFFFFFFF, v20;
	v38, _, _ =	vpop (xrf2);
	v0 =	vsel vm2, v34, v32;
	v3 =	vperm.xlane v36, v21  }
0x256: {  	vm15 =	vgt.s32 v37, $0x0;
	v39 =	vperm.xlane v38, v21;
	v40, _, _ =	vpop (xrf2);
	v0 =	vsel vm3, v0, v35  }
0x257: {  	v1 =	vnsel vm15, $0x0, v37;
	v41 =	vperm.xlane v40, v21;
	v0 =	vsel vm4, v0, v3;
	v42, _, _ =	vpop (xrf2)  }
0x258: {  	v1 =	vshll.u32 v1, $0xC;
	v0 =	vsel vm5, v0, v39;
	v43 =	vperm.xlane v42, v21;
	v44, _, _ =	vpop (xrf2)  }
0x259: {  	v1 =	vadd.s32 v1, v63;
	v0 =	vsel vm6, v0, v41;
	v45 =	vperm.xlane v44, v21;
	v46, _, _ =	vpop (xrf2)  }
0x25a: {  	v1 =	vadd.s32 v47, v1;
	v0 =	vsel vm7, v0, v43;
	v48 =	vperm.xlane v46, v21;
	v49, _, _ =	vpop (xrf2)  }
0x25b: {  	v0 =	vsel vm8, v0, v45;
	v50 =	vperm.xlane v49, v21;
	v51, _, _ =	vpop (xrf2)  }
0x25c: {  	v0 =	vsel vm9, v0, v48;
	v52 =	vperm.xlane v51, v21;
	v53, _, _ =	vpop (xrf2)  }
0x25d: {  	v0 =	vsel vm10, v0, v50;
	v54 =	vperm.xlane v53, v21;
	v55, _, _ =	vpop (xrf2)  }
0x25e: {  	v0 =	vsel vm11, v0, v52;
	v56 =	vperm.xlane v55, v21;
	v57, _, _ =	vpop (xrf2)  }
0x25f: {  	v1 =	vld.idx.msk [tilespmem:v1+s20+$0x0], $0xffff;
	v0 =	vsel vm12, v0, v54;
	v58 =	vperm.xlane v57, v21  }
0x260: {  	v0 =	vsel vm13, v0, v56  }
0x261: {  	v0 =	vsel vm14, v0, v58  }
0x262: {  	v0 =	vsub.f32 $1.000000000e+00, v0  }
0x263: {  	vm15 =	vgt.s32 v20, $0x0  }
0x264: {  	v0 =	vsel vm15, v1, v0  }
0x265: {  	[tilespmem:s16+$0x0] =	vst v0  }
0x266: {  	v0 =	vld [tilespmem:s1+$0x10]  }
0x267: {  	v1 =	vld [tilespmem:$0x9800]  }
0x268: {  	v3 =	vld [tilespmem:$0xA800]  }
0x269: {  	v4 =	vld [tilespmem:$0xB800]  }
0x26a: {  	v5 =	vld [tilespmem:$0xC800]  }
0x26b: {  	v7 =	vld [tilespmem:$0xD800]  }
0x26c: {  	v38 =	vld [tilespmem:$0xE800]  }
0x26d: {  	v59 =	vld [tilespmem:$0xF800]  }
0x26e: {  	v9 =	vld [tilespmem:$0x8880]  }
0x26f: {  	v10 =	vld [tilespmem:$0x9880]  }
0x270: {  	v11 =	vld [tilespmem:$0xA880]  }
0x271: {  	v12 =	vld [tilespmem:$0xB880]  }
0x272: {  	v13 =	vld [tilespmem:$0xC880]  }
0x273: {  	v14 =	vld [tilespmem:$0xD880]  }
0x274: {  	v15 =	vld [tilespmem:$0xE880]  }
0x275: {  	v47 =	vld [tilespmem:$0xF880]  }
0x276: {  	v17 =	vld [tilespmem:$0x8900]  }
0x277: {  	v18 =	vld [tilespmem:$0x9900]  }
0x278: {  	v19 =	vld [tilespmem:$0xA900]  }
0x279: {  	v20 =	vld [tilespmem:$0xB900]  }
0x27a: {  	v21 =	vld [tilespmem:$0xC900]  }
0x27b: {  	v22 =	vld [tilespmem:$0xD900]  }
0x27c: {  	v23 =	vld [tilespmem:$0xE900]  }
0x27d: {  	v24 =	vld [tilespmem:$0xF900]  }
0x27e: {  	v25 =	vld [tilespmem:$0x8980]  }
0x27f: {  	v26 =	vld [tilespmem:$0x9980]  }
0x280: {  	v27 =	vld [tilespmem:$0xA980]  }
0x281: {  	v28 =	vld [tilespmem:$0xB980]  }
0x282: {  	v29 =	vld [tilespmem:$0xC980]  }
0x283: {  	v30 =	vld [tilespmem:$0xD980]  }
0x284: {  	v31 =	vld [tilespmem:$0xE980]  }
0x285: {  	v32 =	vld [tilespmem:$0xF980]  }
0x286: {  	v33 =	vld [tilespmem:$0x8A00]  }
0x287: {  	v34 =	vld [tilespmem:$0x9A00]  }
0x288: {  	v35 =	vld [tilespmem:$0xAA00]  }
0x289: {  	v36 =	vld [tilespmem:$0xBA00]  }
0x28a: {  	v48 =	vld [tilespmem:$0xCA00]  }
0x28b: {  	v60 =	vld [tilespmem:$0xDA00]  }
0x28c: {  	v61 =	vld [tilespmem:$0xEA00]  }
0x28d: {  	v62 =	vld [tilespmem:$0xFA00]  }
0x28e: {  	v41 =	vld [tilespmem:$0x8A80]  }
0x28f: {  	v42 =	vld [tilespmem:$0x9A80]  }
0x290: {  	v43 =	vld [tilespmem:$0xAA80]  }
0x291: {  	v44 =	vld [tilespmem:$0xBA80]  }
0x292: {  	v45 =	vld [tilespmem:$0xCA80]  }
0x293: {  	v46 =	vld [tilespmem:$0xDA80]  }
0x294: {  	v63 =	vld [tilespmem:$0xEA80]  }
0x295: {  	v6 =	vld [tilespmem:$0xFA80]  }
0x296: {  	v49 =	vld [tilespmem:$0x8B00]  }
0x297: {  	v50 =	vld [tilespmem:$0x9B00]  }
0x298: {  	v51 =	vld [tilespmem:$0xAB00]  }
0x299: {  	v52 =	vld [tilespmem:$0xBB00]  }
0x29a: {  	v53 =	vld [tilespmem:$0xCB00]  }
0x29b: {  	v54 =	vld [tilespmem:$0xDB00]  }
0x29c: {  	v55 =	vld [tilespmem:$0xEB00]  }
0x29d: {  	v56 =	vld [tilespmem:$0xFB00]  }
0x29e: {  	v57 =	vld [tilespmem:$0x8B80]  }
0x29f: {  	v58 =	vld [tilespmem:$0x9B80]  }
0x2a0: {  	v40 =	vld [tilespmem:$0xFB80]  }
0x2a1: {  	v37 =	vld [tilespmem:$0x8C00]  }
0x2a2: {  	v16 =	vld [tilespmem:$0x9C00]  }
0x2a3: {  	v39 =	vld [tilespmem:$0xAC00]  }
0x2a4: {  	v8 =	vld [tilespmem:$0xBC00]  }
0x2a5: {  	v2 =	vld [tilespmem:$0x9C80]  }
0x2a6: {  	[tilespmem:$0x1FFD0] =	vst v0;
	v0 =	vld [tilespmem:$0x8800]  }
0x2a7: {  	[tilespmem:$0x1FF20] =	vst v59;
	v59 =	vld [tilespmem:$0xAB80]  }
0x2a8: {  	[tilespmem:$0x1FF30] =	vst v60;
	v60 =	vld [tilespmem:$0xBB80]  }
0x2a9: {  	[tilespmem:$0x1FF40] =	vst v61;
	v61 =	vld [tilespmem:$0xCB80]  }
0x2aa: {  	[tilespmem:$0x1FF60] =	vst v62;
	v62 =	vld [tilespmem:$0xDB80]  }
0x2ab: {  	[tilespmem:$0x1FF50] =	vst v63;
	v63 =	vld [tilespmem:$0xEB80]  }
0x2ac: {  	[tilespmem:$0x1FF70] =	vst v6;
	v6 =	vld [tilespmem:$0xCC00]  }
0x2ad: {  	[tilespmem:$0x1FF80] =	vst v8;
	v8 =	vld [tilespmem:$0xDC00]  }
0x2ae: {  	v9 =	vadd.f32 v10, v9;
	v10 =	vld [tilespmem:$0xCC80]  }
0x2af: {  	v26 =	vadd.f32 v26, v25;
	v25 =	vld [tilespmem:$0xAD80]  }
0x2b0: {  	v41 =	vadd.f32 v42, v41;
	v42 =	vadd.f32 v50, v49;
	v50 =	vld [tilespmem:$0xCD80]  }
0x2b1: {  	v16 =	vadd.f32 v16, v37;
	v37 =	vld [tilespmem:$0xFE00]  }
0x2b2: {  	v49 =	vadd.f32 v58, v57;
	v57 =	vld [tilespmem:$0x1FF50]  }
0x2b3: {  	v58 =	vld [tilespmem:$0x1FF60];
	v9 =	vadd.f32 v11, v9  }
0x2b4: {  	v11 =	vadd.f32 v27, v26;
	v26 =	vadd.f32 v51, v42;
	v42 =	vld [tilespmem:$0xEE00]  }
0x2b5: {  	v16 =	vadd.f32 v39, v16;
	v39 =	vld [tilespmem:$0x1FF80]  }
0x2b6: {  	v9 =	vadd.f32 v12, v9;
	v12 =	vld [tilespmem:$0x8D00]  }
0x2b7: {  	v26 =	vadd.f32 v52, v26;
	v52 =	vld [tilespmem:$0x1FF30]  }
0x2b8: {  	[tilespmem:$0x1FF90] =	vst v6;
	v6 =	vld [tilespmem:$0xEC00]  }
0x2b9: {  	[tilespmem:$0x1FFA0] =	vst v8;
	v8 =	vld [tilespmem:$0xFC00]  }
0x2ba: {  	v0 =	vadd.f32 v1, v0;
	v1 =	vld [tilespmem:$0xBC80]  }
0x2bb: {  	v11 =	vadd.f32 v28, v11;
	v28 =	vadd.f32 v59, v49;
	v59 =	vld [tilespmem:$0x1FF70]  }
0x2bc: {  	v49 =	vld [tilespmem:$0xFE80]  }
0x2bd: {  	v9 =	vadd.f32 v13, v9;
	v13 =	vld [tilespmem:$0xAD00]  }
0x2be: {  	v26 =	vadd.f32 v53, v26;
	v53 =	vld [tilespmem:$0x1FF40]  }
0x2bf: {  	v0 =	vadd.f32 v3, v0;
	v3 =	vadd.f32 v18, v17;
	v17 =	vld [tilespmem:$0xDC80]  }
0x2c0: {  	v18 =	vld [tilespmem:$0xEC80]  }
0x2c1: {  	v11 =	vadd.f32 v29, v11;
	v28 =	vadd.f32 v60, v28;
	v60 =	vld [tilespmem:$0x8E80]  }
0x2c2: {  	v9 =	vadd.f32 v14, v9;
	v14 =	vld [tilespmem:$0xCD00]  }
0x2c3: {  	v11 =	vadd.f32 v30, v11;
	v30 =	vld [tilespmem:$0x1FF20]  }
0x2c4: {  	v0 =	vadd.f32 v4, v0;
	v4 =	vld [tilespmem:$0xFC80]  }
0x2c5: {  	v3 =	vadd.f32 v19, v3;
	v19 =	vld [tilespmem:$0xDD00]  }
0x2c6: {  	v28 =	vadd.f32 v61, v28;
	v61 =	vld [tilespmem:$0x9E80]  }
0x2c7: {  	[tilespmem:$0x1FFB0] =	vst v6;
	v6 =	vld [tilespmem:$0x8C80]  }
0x2c8: {  	[tilespmem:$0x1FFC0] =	vst v8;
	v8 =	vld [tilespmem:$0xAC80]  }
0x2c9: {  	v26 =	vadd.f32 v54, v26;
	v9 =	vadd.f32 v15, v9;
	v15 =	vld [tilespmem:$0xED00]  }
0x2ca: {  	v11 =	vadd.f32 v31, v11;
	v31 =	vld [tilespmem:$0xED80]  }
0x2cb: {  	v26 =	vadd.f32 v55, v26;
	v55 =	vld [tilespmem:$0x9F80]  }
0x2cc: {  	v0 =	vadd.f32 v5, v0;
	v5 =	vld [tilespmem:$0x9D00]  }
0x2cd: {  	v3 =	vadd.f32 v20, v3;
	v20 =	vld [tilespmem:$0xFD00]  }
0x2ce: {  	v51 =	vld [tilespmem:$0x1FFB0]  }
0x2cf: {  	v16 =	vadd.f32 v39, v16;
	v28 =	vadd.f32 v62, v28;
	v54 =	vld [tilespmem:$0x1FFC0]  }
0x2d0: {  	v9 =	vadd.f32 v47, v9;
	v11 =	vadd.f32 v32, v11;
	v47 =	vld [tilespmem:$0xBD80]  }
0x2d1: {  	v32 =	vld [tilespmem:$0xFD80];
	v0 =	vadd.f32 v7, v0;
	v3 =	vadd.f32 v21, v3  }
0x2d2: {  	v26 =	vadd.f32 v56, v26;
	v56 =	vld [tilespmem:$0xAF00];
	v28 =	vadd.f32 v63, v28  }
0x2d3: {  	v7 =	vld [tilespmem:$0xBD00];
	v0 =	vadd.f32 v38, v0;
	v3 =	vadd.f32 v22, v3  }
0x2d4: {  	v63 =	vld [tilespmem:$0xAE80];
	v38 =	vadd.f32 v34, v33;
	v28 =	vadd.f32 v40, v28  }
0x2d5: {  	v21 =	vld [tilespmem:$0x8D80];
	v2 =	vadd.f32 v2, v6;
	v6 =	vadd.f32 v61, v60  }
0x2d6: {  	v33 =	vld [tilespmem:$0x8E00];
	v5 =	vadd.f32 v5, v12;
	v0 =	vadd.f32 v30, v0  }
0x2d7: {  	v40 =	vld [tilespmem:$0xBE80];
	v3 =	vadd.f32 v23, v3;
	v22 =	vadd.f32 v35, v38  }
0x2d8: {  	v34 =	vld [tilespmem:$0x9E00];
	v2 =	vadd.f32 v8, v2;
	v5 =	vadd.f32 v13, v5  }
0x2d9: {  	v23 =	vld [tilespmem:$0x9D80];
	v6 =	vadd.f32 v63, v6;
	v3 =	vadd.f32 v24, v3  }
0x2da: {  	v61 =	vld [tilespmem:$0xBF80];
	v24 =	vadd.f32 v43, v41;
	v22 =	vadd.f32 v36, v22  }
0x2db: {  	v30 =	vld [tilespmem:$0xDD80];
	v1 =	vadd.f32 v1, v2;
	v5 =	vadd.f32 v7, v5  }
0x2dc: {  	v35 =	vld [tilespmem:$0xAE00];
	v6 =	vadd.f32 v40, v6;
	v24 =	vadd.f32 v44, v24  }
0x2dd: {  	v38 =	vld [tilespmem:$0xCE00];
	v22 =	vadd.f32 v48, v22;
	v1 =	vadd.f32 v10, v1  }
0x2de: {  	v63 =	vld [tilespmem:$0xCF00];
	v62 =	vadd.f32 v23, v21;
	v5 =	vadd.f32 v14, v5  }
0x2df: {  	v44 =	vld [tilespmem:$0xCE80];
	v24 =	vadd.f32 v45, v24;
	v22 =	vadd.f32 v52, v22  }
0x2e0: {  	v36 =	vld [tilespmem:$0xBE00];
	v1 =	vadd.f32 v17, v1;
	v43 =	vadd.f32 v25, v62  }
0x2e1: {  	v48 =	vld [tilespmem:$0x1FFA0];
	v5 =	vadd.f32 v19, v5;
	v24 =	vadd.f32 v46, v24  }
0x2e2: {  	v45 =	vld [tilespmem:$0x1FF90];
	v22 =	vadd.f32 v53, v22;
	v1 =	vadd.f32 v18, v1  }
0x2e3: {  	v52 =	vld [tilespmem:$0x9F00];
	v2 =	vadd.f32 v47, v43;
	v5 =	vadd.f32 v15, v5  }
0x2e4: {  	v53 =	vld [tilespmem:$0x8F80];
	v6 =	vadd.f32 v44, v6;
	v24 =	vadd.f32 v57, v24  }
0x2e5: {  	v22 =	vadd.f32 v58, v22;
	v2 =	vadd.f32 v50, v2;
	v50 =	vld [tilespmem:$0x8F00]  }
0x2e6: {  	v46 =	vld [tilespmem:$0xDE80];
	v1 =	vadd.f32 v4, v1;
	v57 =	vadd.f32 v34, v33  }
0x2e7: {  	v41 =	vld [tilespmem:$0xDE00];
	(xrf2) =	vadd.scan.msk.f32 $0xffff, v0;
	v16 =	vadd.f32 v45, v16;
	v5 =	vadd.f32 v20, v5  }
0x2e8: {  	(xrf2) =	vadd.scan.msk.f32 $0xffff, v9;
	v58 =	vld [tilespmem:$0xAF80];
	v24 =	vadd.f32 v59, v24;
	v60 =	vadd.f32 v35, v57  }
0x2e9: {  	(xrf2) =	vadd.scan.msk.f32 $0xffff, v3;
	v59 =	vld [tilespmem:$0xBF00];
	v16 =	vadd.f32 v48, v16;
	v2 =	vadd.f32 v30, v2  }
0x2ea: {  	(xrf2) =	vadd.scan.msk.f32 $0xffff, v11;
	v21 =	vld [tilespmem:$0xDF80];
	v62 =	vadd.f32 v55, v53;
	v17 =	vadd.f32 v52, v50  }
0x2eb: {  	v18 =	vld [tilespmem:$0xCF80];
	(xrf2) =	vadd.scan.msk.f32 $0xffff, v22;
	v6 =	vadd.f32 v46, v6;
	v0 =	vadd.f32 v36, v60  }
0x2ec: {  	v47 =	vld [tilespmem:$0xEE80];
	(xrf2) =	vadd.scan.msk.f32 $0xffff, v24;
	v16 =	vadd.f32 v51, v16;
	v17 =	vadd.f32 v56, v17  }
0x2ed: {  	v20 =	vld [tilespmem:$0xDF00];
	v2 =	vadd.f32 v31, v2;
	v9 =	vadd.f32 v58, v62;
	(xrf2) =	vadd.scan.msk.f32 $0xffff, v26  }
0x2ee: {  	v0 =	vadd.f32 v38, v0;
	(xrf2) =	vadd.scan.msk.f32 $0xffff, v28;
	v28 =	vld [tilespmem:$0x1FFD0];
	v3 =	vadd.f32 v59, v17  }
0x2ef: {  	v23 =	vld [tilespmem:$0xEF00];
	v16 =	vadd.f32 v54, v16;
	v22 =	vadd.f32 v61, v9  }
0x2f0: {  	v24 =	vld [tilespmem:$0xEF80];
	v0 =	vadd.f32 v41, v0;
	v3 =	vadd.f32 v63, v3  }
0x2f1: {  	v25 =	vld [tilespmem:$0xFF00];
	v27 =	vadd.f32 v47, v6;
	v4 =	vadd.f32 v18, v22  }
0x2f2: {  	v26 =	vld [tilespmem:$0xFF80];
	(xrf2) =	vadd.scan.msk.f32 $0xffff, v16;
	v0 =	vadd.f32 v42, v0;
	v3 =	vadd.f32 v20, v3  }
0x2f3: {  	v2 =	vadd.f32 v32, v2;
	(xrf2) =	vadd.scan.msk.f32 $0xffff, v1;
	v29 =	vshrl.u32 v28, $0x1B;
	v4 =	vadd.f32 v21, v4  }
0x2f4: {  	v30, _, _ =	vpop (xrf2);
	(xrf2) =	vadd.scan.msk.f32 $0xffff, v5;
	v0 =	vadd.f32 v37, v0;
	v31 =	vand.u32 $0x10, v29;
	v3 =	vadd.f32 v23, v3  }
0x2f5: {  	v33 =	vld [tilespmem:s0+$0x10];
	v32, _, _ =	vpop (xrf2);
	v1 =	vadd.f32 v49, v27;
	(xrf2) =	vadd.scan.msk.f32 $0xffff, v2;
	v5 =	vadd.s32 v28, v31;
	v4 =	vadd.f32 v24, v4  }
0x2f6: {  	v34, _, _ =	vpop (xrf2);
	(xrf2) =	vadd.scan.msk.f32 $0xffff, v0;
	v35 =	vperm.xlane v30, v5;
	v6 =	vperm.xlane v32, v5;
	v3 =	vadd.f32 v25, v3  }
0x2f7: {  	v36, _, _ =	vpop (xrf2);
	v39 =	vperm.xlane v34, v5;
	(xrf2) =	vadd.scan.msk.f32 $0xffff, v1;
	v37 =	vadd.f32 v26, v4  }
0x2f8: {  	v41, _, _ =	vpop (xrf2);
	v40 =	vperm.xlane v36, v5;
	v0 =	vsel vm0, v35, v6;
	(xrf2) =	vadd.scan.msk.f32 $0xffff, v3  }
0x2f9: {  	v42 =	vperm.xlane v41, v5;
	v43, _, _ =	vpop (xrf2);
	v0 =	vsel vm1, v0, v39;
	(xrf2) =	vadd.scan.msk.f32 $0xffff, v37  }
0x2fa: {  	v45 =	vadd.s32 $0xFFFFFFFF, v33;
	v38 =	vld [tilespmem:$0x1FFF0];
	v44, _, _ =	vpop (xrf2);
	v4 =	vperm.xlane v43, v5;
	v0 =	vsel vm2, v0, v40  }
0x2fb: {  	vm15 =	vgt.s32 v45, $0x0;
	v46, _, _ =	vpop (xrf2);
	v1 =	vperm.xlane v44, v5;
	v0 =	vsel vm3, v0, v42  }
0x2fc: {  	v7 =	vnsel vm15, $0x0, v45;
	v48 =	vperm.xlane v46, v5;
	v47, _, _ =	vpop (xrf2);
	v0 =	vsel vm4, v0, v4  }
0x2fd: {  	v7 =	vshll.u32 v7, $0xC;
	v49, _, _ =	vpop (xrf2);
	v50 =	vperm.xlane v47, v5;
	v0 =	vsel vm5, v0, v1  }
0x2fe: {  	v7 =	vadd.s32 v7, v28;
	v51, _, _ =	vpop (xrf2);
	v52 =	vperm.xlane v49, v5;
	v0 =	vsel vm6, v0, v48  }
0x2ff: {  	v7 =	vadd.s32 v38, v7;
	v53, _, _ =	vpop (xrf2);
	v54 =	vperm.xlane v51, v5;
	v0 =	vsel vm7, v0, v50  }
0x300: {  	v56 =	vperm.xlane v53, v5;
	v55, _, _ =	vpop (xrf2);
	v0 =	vsel vm8, v0, v52  }
0x301: {  	v57, _, _ =	vpop (xrf2);
	v0 =	vsel vm9, v0, v54;
	v58 =	vperm.xlane v55, v5  }
0x302: {  	v0 =	vsel vm10, v0, v56;
	v60 =	vperm.xlane v57, v5;
	v59, _, _ =	vpop (xrf2)  }
0x303: {  	v0 =	vsel vm11, v0, v58;
	v61 =	vperm.xlane v59, v5;
	v62, _, _ =	vpop (xrf2)  }
0x304: {  	s18 =	sadd.s32 $0x8000, s18;
	v63 =	vld.idx.msk [tilespmem:v7+s20+$0x0], $0xffff;
	v0 =	vsel vm12, v0, v60;
	v3 =	vperm.xlane v62, v5  }
0x305: {  	p0 =	sne.s32 s18, $0x40000;
	v0 =	vsel vm13, v0, v61  }
.Ltmp0:
0x306: {  	v0 =	vsel vm14, v0, v3;
	(pc) =	sbr.rel @p0 .LBB2_2-.Ltmp0, $4  }
0x307: {  	v0 =	vsub.f32 $1.000000000e+00, v0  }
0x308: {  	vm15 =	vgt.s32 v33, $0x0  }
0x309: {  	v0 =	vsel vm15, v63, v0  }
0x30a: {  	s1 =	sadd.s32 $0x40, s1;
	s0 =	sadd.s32 $0x40, s0;
	[tilespmem:s16+$0x10] =	vst v0;
	s16 =	sadd.s32 $0x40, s16  }
0x30b: {  	s31 =	sadd.s32 $0x1, s31  }
0x30c: {  	p0 =	sne.s32 s31, s14  }
.Ltmp1:
0x30d: {  	_ = 	snop;
	(pc) =	sbr.rel @p0 .LBB2_1-.Ltmp1, $4  }
0x30e: {  	[hbm4b:s13+s2] =	stream.linear.scatter [tilespmem:s30], [sflag:$0x2], $0x200, $0x38;
	[tilespmem:$0x10600] =	vst v63  }
0x30f: {  	_ =	swait.ge [sflag:s17], $0x200  }
0x310: {  	[sflag:s17] =	ssyncset.done $0x0  }
0x311: {  	[sflag:s17] =	ssyncadd.s32 $0xFFFFFE00  }
0x312: {  	_ =	sfence.sel $0x180000  }
0x313: {  	[bflag:$0x0] =	sbarrier.arrive $0xFFFF  }
0x314: {  	_ =	strace $0x90000047  }
0x315: {  	s0 =	stileid.u32;
	[bflag:$0x2] =	sbarrier.arrive $0xFFFF  }
0x316: {  	p0 =	sne.s32 s0, $0x0;
	s0 =	rddreg [dreg:$0x2]  }
0x317: {  	s0 =	sadd.s32 @!p0 $0x100000, s0  }
0x318: {  	[sflag:s0] =	ssyncadd.tile.s32 @!p0 $0x1;
	_ =	shalt  }
.Lfunc_end2:
_tile_overlayer_lowered:
.L_overlay_start_2:
0x319: {  	(tag) =	ssettag $0x2  }
0x31a: {  	s0 =	rddreg [dreg:$0x0];
	s2 =	stileid.u32  }
0x31b: {  	s1 =	rddreg [dreg:$0x1];
	p0 =	sne.s32 s2, $0x0  }
0x31c: {  	s3 =	rddreg [dreg:$0x2];
	[bflag:$0x3] =	sbarrier.arrive $0xFFFF;
	s2 =	simm.s32 @!p0 $0x1C02  }
0x31d: {  	[timem:s3], [sflag:s2] =	dma.local @!p0 [hbm:s0], s1  }
0x31e: {  	s0 =	simm.s32 @!p0 $0x2  }
0x31f: {  	_ =	swait.ge @!p0 [sflag:s0], s1  }
0x320: {  	s1 =	ssub.s32 @!p0 $0x0, s1;
	[sflag:s0] =	ssyncset.done @!p0 $0x0  }
0x321: {  	[sflag:s0] =	ssyncadd.s32 @!p0 s1  }
0x322: {  	[bflag:$0x3] =	sbarrier.arrive $0xFFFF  }
0x323: {  	_ =	shalt  }

</sc_bundles>
